<compile_context>
chip_gen: v7x
topology: tpu7x:2x2x1
jax: 0.10.2.dev20260603
libtpu: 0.0.44.dev20260713+nightly
codegen_flags: <defaults>
</compile_context>

<pallas_src>
import jax
import jax.numpy as jnp
from jax import lax
from jax.experimental import pallas as pl
from jax.experimental.pallas import tpu as pltpu
from jax.experimental.pallas import tpu_sc as plsc

B = 8
C = 256
NUM_ANCHORS = 9
DISC = 28
N_SPARSE = 2048
LEVEL_HW = [(64, 64), (32, 32), (16, 16), (8, 8), (4, 4)]
HWS = [h * w for (h, w) in LEVEL_HW]

NUM_WORKERS = 32
TPW = N_SPARSE // NUM_WORKERS


N_PAD = N_SPARSE + NUM_WORKERS * 5


CH = 16
NCH = TPW // CH


def _gather_body(f0, f1, f2, f3, f4, sb_hbm, sl_hbm, so_hbm, out_hbm,
                 *scr):
    feats = [f0, f1, f2, f3, f4]
    sb_v, sl_v, so_v, sidx_v, didx_v = scr[0:5]
    gc = [list(scr[5 + 4 * l:5 + 4 * l + 4]) for l in range(5)]
    sem_g = [list(scr[25 + 4 * l:25 + 4 * l + 4]) for l in range(5)]
    sem_s = scr[45]
    wid = lax.axis_index("s") * 2 + lax.axis_index("c")
    base = wid * TPW
    pltpu.sync_copy(sb_hbm.at[pl.ds(base, TPW)], sb_v)
    pltpu.sync_copy(sl_hbm.at[pl.ds(base, TPW)], sl_v)
    pltpu.sync_copy(so_hbm.at[pl.ds(base, TPW)], so_v)
    lanes = lax.iota(jnp.int32, 16)
    for lvl in range(5):
        for q in range(NCH):
            sidx_v[lvl, pl.ds(q * 16, 16)] = lanes
            didx_v[lvl, pl.ds(q * 16, 16)] = (
                lanes * 0 + N_SPARSE + wid * 5 + lvl)
    cnt = [jnp.int32(0)] * 5
    for q in range(NCH):
        sl16 = pl.ds(q * 16, 16)
        bv = sb_v[sl16]
        lv = sl_v[sl16]
        ov = so_v[sl16]
        hw = jnp.where(
            lv == 0, HWS[0],
            jnp.where(lv == 1, HWS[1],
                      jnp.where(lv == 2, HWS[2],
                                jnp.where(lv == 3, HWS[3], HWS[4]))))
        row = bv * hw + jnp.bitwise_and(ov, hw - 1)
        dst = base + q * 16 + lanes
        for lvl in range(5):
            m = lv == lvl
            mi = m.astype(jnp.int32)
            p = plsc.cumsum(mi) - 1 + cnt[lvl]
            l16 = lanes * 0 + lvl
            plsc.store_scatter(sidx_v, [l16, p], row, mask=m)
            plsc.store_scatter(didx_v, [l16, p], dst, mask=m)
            cnt[lvl] = cnt[lvl] + jnp.sum(mi)
    for lvl in range(5):
        for k in range(NCH):
            @pl.when(cnt[lvl] > k * CH)
            def _(lvl=lvl, k=k):
                pltpu.async_copy(
                    feats[lvl].at[sidx_v.at[lvl, pl.ds(k * CH, CH)]],
                    gc[lvl][k], sem_g[lvl][k])
    for lvl in range(5):
        for k in range(NCH):
            @pl.when(cnt[lvl] > k * CH)
            def _(lvl=lvl, k=k):
                pltpu.make_async_copy(
                    feats[lvl].at[sidx_v.at[lvl, pl.ds(k * CH, CH)]],
                    gc[lvl][k], sem_g[lvl][k]).wait()
                pltpu.async_copy(
                    gc[lvl][k],
                    out_hbm.at[didx_v.at[lvl, pl.ds(k * CH, CH)]], sem_s)
    for lvl in range(5):
        for k in range(NCH):
            @pl.when(cnt[lvl] > k * CH)
            def _(lvl=lvl, k=k):
                pltpu.make_async_copy(
                    gc[lvl][k],
                    out_hbm.at[didx_v.at[lvl, pl.ds(k * CH, CH)]],
                    sem_s).wait()


def _gather(f0, f1, f2, f3, f4, sb, sl, so):
    mesh = plsc.VectorSubcoreMesh(core_axis_name="c", subcore_axis_name="s")
    return pl.kernel(
        _gather_body,
        out_type=jax.ShapeDtypeStruct((N_PAD, C), jnp.float32),
        mesh=mesh,
        compiler_params=pltpu.CompilerParams(needs_layout_passes=False),
        scratch_types=(
            [pltpu.VMEM((TPW,), jnp.int32)] * 3
            + [pltpu.VMEM((5, TPW), jnp.int32)] * 2
            + [pltpu.VMEM((CH, C), jnp.float32)] * 20
            + [pltpu.SemaphoreType.DMA] * 21
        ),
    )(f0, f1, f2, f3, f4, sb, sl, so)


TOK_TILE = 1024
D2 = DISC * DISC


def _head_body(anchr_ref, g_ref, w1_ref, b1_ref, wpt_ref, bp_ref, out_ref):
    xt = lax.dot_general(w1_ref[...], g_ref[...], (((0,), (1,)), ((), ())),
                         preferred_element_type=jnp.float32)
    xt = jnp.maximum(xt + b1_ref[:, 0:1], 0.0)
    arow = anchr_ref[0:1, :]
    oht = (lax.broadcasted_iota(jnp.int32, (NUM_ANCHORS, 1), 0)
           == arow).astype(jnp.float32)
    acc = lax.dot_general(bp_ref[...], oht, (((0,), (0,)), ((), ())),
                          preferred_element_type=jnp.float32)
    for a in range(NUM_ANCHORS):
        xm = jnp.where(arow == a, xt, 0.0)
        acc = acc + lax.dot_general(
            wpt_ref[a], xm, (((1,), (0,)), ((), ())),
            preferred_element_type=jnp.float32)
    out_ref[...] = acc


def _head(anchors_row, g, W1, b1_col, WpT, bp):
    grid = (N_SPARSE // TOK_TILE,)
    return pl.pallas_call(
        _head_body,
        grid=grid,
        in_specs=[
            pl.BlockSpec((8, TOK_TILE), lambda i: (0, i)),
            pl.BlockSpec((TOK_TILE, C), lambda i: (i, 0)),
            pl.BlockSpec((C, C), lambda i: (0, 0)),
            pl.BlockSpec((C, 8), lambda i: (0, 0)),
            pl.BlockSpec((NUM_ANCHORS, D2, C), lambda i: (0, 0, 0)),
            pl.BlockSpec((NUM_ANCHORS, D2), lambda i: (0, 0)),
        ],
        out_specs=pl.BlockSpec((D2, TOK_TILE), lambda i: (0, i)),
        out_shape=jax.ShapeDtypeStruct((D2, N_SPARSE), jnp.float32),
    )(anchors_row, g, W1, b1_col, WpT, bp)


def kernel(feat0, feat1, feat2, feat3, feat4,
           sparse_batch, sparse_layers, sparse_off, sparse_anchor_idx,
           W1, b1, Wp, bp):
    f = [jnp.transpose(x, (0, 2, 3, 1)).reshape(-1, C)
         for x in (feat0, feat1, feat2, feat3, feat4)]
    g = _gather(f[0], f[1], f[2], f[3], f[4],
                sparse_batch, sparse_layers, sparse_off)
    out_t = _head(jnp.tile(sparse_anchor_idx.reshape(1, N_SPARSE), (8, 1)),
                  g, W1, jnp.tile(b1.reshape(C, 1), (1, 8)),
                  jnp.transpose(Wp, (0, 2, 1)), bp)
    return out_t.T.reshape(N_SPARSE, DISC, DISC)

# --- scband reference (transcript-rebuilt; emitter-appended) ---
"""Pipeline reference for scband-sparse-mask-head-37005438222838 (READ-ONLY COPY).

The authoritative reference and input builder live on the scoring server;
editing this copy changes nothing except your own understanding.
"""

import jax, jax.numpy as jnp
import numpy as np

B = 8
C = 256
NUM_ANCHORS = 9
DISC = 28
N_SPARSE = 2048
LEVEL_HW = [(64, 64), (32, 32), (16, 16), (8, 8), (4, 4)]


def setup_inputs(seed: int = 0) -> dict:
    key = jax.random.key(seed)
    ks = jax.random.split(key, 16)
    inp = {}
    for l, (h, w) in enumerate(LEVEL_HW):
        inp[f"feat{l}"] = jax.random.normal(ks[l], (B, C, h, w), dtype=jnp.float32)
    inp["sparse_batch"] = jax.random.randint(ks[5], (N_SPARSE,), 0, B, dtype=jnp.int32)
    inp["sparse_layers"] = jax.random.randint(ks[6], (N_SPARSE,), 0, len(LEVEL_HW), dtype=jnp.int32)
    inp["sparse_off"] = jax.random.randint(ks[7], (N_SPARSE,), 0, 4096, dtype=jnp.int32)
    inp["sparse_anchor_idx"] = jax.random.randint(ks[8], (N_SPARSE,), 0, NUM_ANCHORS, dtype=jnp.int32)
    # learned params: feature-extractor FC and per-anchor mask predictor
    inp["W1"] = jax.random.normal(ks[9], (C, C), dtype=jnp.float32) * (1.0 / np.sqrt(C))
    inp["b1"] = jnp.zeros((C,), dtype=jnp.float32)
    inp["Wp"] = jax.random.normal(ks[10], (NUM_ANCHORS, C, DISC * DISC), dtype=jnp.float32) * (1.0 / np.sqrt(C))
    inp["bp"] = jnp.zeros((NUM_ANCHORS, DISC * DISC), dtype=jnp.float32)
    return inp


def reference(feat0, feat1, feat2, feat3, feat4,
              sparse_batch, sparse_layers, sparse_off, sparse_anchor_idx,
              W1, b1, Wp, bp):
    feats = [feat0, feat1, feat2, feat3, feat4]
    # flatten each pyramid level spatially and concatenate: [B, S_total, C]
    flat = jnp.concatenate(
        [f.reshape(f.shape[0], f.shape[1], -1) for f in feats], axis=2)
    flat = jnp.transpose(flat, (0, 2, 1))  # [B, S_total, C]
    level_sizes = jnp.array([h * w for (h, w) in LEVEL_HW], dtype=jnp.int32)
    level_base = jnp.concatenate(
        [jnp.zeros((1,), dtype=jnp.int32), jnp.cumsum(level_sizes)[:-1]])
    # clamp raw offsets into the valid range of the selected level
    off = sparse_off % level_sizes[sparse_layers]
    gidx = level_base[sparse_layers] + off  # global flattened spatial index
    # sparse gather of per-location feature vectors: [N, C]
    g = flat[sparse_batch, gidx]
    # feature extractor (FC + ReLU)
    x = jax.nn.relu(g @ W1 + b1)
    # per-anchor mask predictor: compute all anchors then select by anchor idx
    out_all = jnp.einsum('nc,acd->nad', x, Wp) + bp[None, :, :]  # [N, A, D]
    out = jnp.take_along_axis(
        out_all, sparse_anchor_idx[:, None, None].astype(jnp.int32), axis=1)[:, 0, :]
    logits = out.reshape(-1, DISC, DISC)
    return logits

if __name__ == "__main__":
    import jax
    _d = setup_inputs()
    print(jax.jit(kernel)(*tuple(_d.values())))

</pallas_src>

<mosaic_0001>
#map = affine_map<(d0, d1) -> (0, 0)>
#map1 = affine_map<(d0, d1) -> (0)>
module attributes {stable_mosaic.version = 14 : i64} {
  func.func @_gather_body(%arg0: i32, %arg1: i32, %arg2: memref<32768x256xf32, #tpu.memory_space<hbm>>, %arg3: memref<8192x256xf32, #tpu.memory_space<hbm>>, %arg4: memref<2048x256xf32, #tpu.memory_space<hbm>>, %arg5: memref<512x256xf32, #tpu.memory_space<hbm>>, %arg6: memref<128x256xf32, #tpu.memory_space<hbm>>, %arg7: memref<2048xi32, #tpu.memory_space<hbm>>, %arg8: memref<2048xi32, #tpu.memory_space<hbm>>, %arg9: memref<2048xi32, #tpu.memory_space<hbm>>, %arg10: memref<2208x256xf32, #tpu.memory_space<hbm>>, %arg11: memref<64xi32, #tpu.memory_space<vmem>>, %arg12: memref<64xi32, #tpu.memory_space<vmem>>, %arg13: memref<64xi32, #tpu.memory_space<vmem>>, %arg14: memref<5x64xi32, #tpu.memory_space<vmem>>, %arg15: memref<5x64xi32, #tpu.memory_space<vmem>>, %arg16: memref<16x256xf32, #tpu.memory_space<vmem>>, %arg17: memref<16x256xf32, #tpu.memory_space<vmem>>, %arg18: memref<16x256xf32, #tpu.memory_space<vmem>>, %arg19: memref<16x256xf32, #tpu.memory_space<vmem>>, %arg20: memref<16x256xf32, #tpu.memory_space<vmem>>, %arg21: memref<16x256xf32, #tpu.memory_space<vmem>>, %arg22: memref<16x256xf32, #tpu.memory_space<vmem>>, %arg23: memref<16x256xf32, #tpu.memory_space<vmem>>, %arg24: memref<16x256xf32, #tpu.memory_space<vmem>>, %arg25: memref<16x256xf32, #tpu.memory_space<vmem>>, %arg26: memref<16x256xf32, #tpu.memory_space<vmem>>, %arg27: memref<16x256xf32, #tpu.memory_space<vmem>>, %arg28: memref<16x256xf32, #tpu.memory_space<vmem>>, %arg29: memref<16x256xf32, #tpu.memory_space<vmem>>, %arg30: memref<16x256xf32, #tpu.memory_space<vmem>>, %arg31: memref<16x256xf32, #tpu.memory_space<vmem>>, %arg32: memref<16x256xf32, #tpu.memory_space<vmem>>, %arg33: memref<16x256xf32, #tpu.memory_space<vmem>>, %arg34: memref<16x256xf32, #tpu.memory_space<vmem>>, %arg35: memref<16x256xf32, #tpu.memory_space<vmem>>, %arg36: memref<!tpu.dma_semaphore, #tpu.memory_space<semaphore_mem>>, %arg37: memref<!tpu.dma_semaphore, #tpu.memory_space<semaphore_mem>>, %arg38: memref<!tpu.dma_semaphore, #tpu.memory_space<semaphore_mem>>, %arg39: memref<!tpu.dma_semaphore, #tpu.memory_space<semaphore_mem>>, %arg40: memref<!tpu.dma_semaphore, #tpu.memory_space<semaphore_mem>>, %arg41: memref<!tpu.dma_semaphore, #tpu.memory_space<semaphore_mem>>, %arg42: memref<!tpu.dma_semaphore, #tpu.memory_space<semaphore_mem>>, %arg43: memref<!tpu.dma_semaphore, #tpu.memory_space<semaphore_mem>>, %arg44: memref<!tpu.dma_semaphore, #tpu.memory_space<semaphore_mem>>, %arg45: memref<!tpu.dma_semaphore, #tpu.memory_space<semaphore_mem>>, %arg46: memref<!tpu.dma_semaphore, #tpu.memory_space<semaphore_mem>>, %arg47: memref<!tpu.dma_semaphore, #tpu.memory_space<semaphore_mem>>, %arg48: memref<!tpu.dma_semaphore, #tpu.memory_space<semaphore_mem>>, %arg49: memref<!tpu.dma_semaphore, #tpu.memory_space<semaphore_mem>>, %arg50: memref<!tpu.dma_semaphore, #tpu.memory_space<semaphore_mem>>, %arg51: memref<!tpu.dma_semaphore, #tpu.memory_space<semaphore_mem>>, %arg52: memref<!tpu.dma_semaphore, #tpu.memory_space<semaphore_mem>>, %arg53: memref<!tpu.dma_semaphore, #tpu.memory_space<semaphore_mem>>, %arg54: memref<!tpu.dma_semaphore, #tpu.memory_space<semaphore_mem>>, %arg55: memref<!tpu.dma_semaphore, #tpu.memory_space<semaphore_mem>>, %arg56: memref<!tpu.dma_semaphore, #tpu.memory_space<semaphore_mem>>) attributes {dimension_semantics = [#tpu.dimension_semantics<core_parallel>, #tpu.dimension_semantics<subcore_parallel>], iteration_bounds = array<i64: 2, 16>, scalar_prefetch = 0 : i64, scratch_operands = 46 : i64, tpu.core_type = #tpu.core_type<sc_vector_subcore>, window_params = [{transform_indices = #map}, {transform_indices = #map}, {transform_indices = #map}, {transform_indices = #map}, {transform_indices = #map}, {transform_indices = #map1}, {transform_indices = #map1}, {transform_indices = #map1}, {transform_indices = #map}]} {
    %mul3A = arith.constant 2 : i32
    %mul3A_0 = arith.muli %arg1, %mul3A : i32
    %add3A = arith.addi %mul3A_0, %arg0 : i32
    %mul3A_1 = arith.constant 64 : i32
    %mul3A_2 = arith.muli %add3A, %mul3A_1 : i32
    "tpu.region"() ({
      %run_scoped3A = tpu.sem_alloc : memref<!tpu.dma_semaphore, #tpu.memory_space<semaphore_mem>>
      %dma_start3A = tpu.memref_slice %arg7[%mul3A_2] : memref<2048xi32, #tpu.memory_space<hbm>> -> memref<64xi32, #tpu.memory_space<hbm>>
      %dma_start3A_1348 = tpu.memref_slice %arg7[%mul3A_2] : memref<2048xi32, #tpu.memory_space<hbm>> -> memref<64xi32, #tpu.memory_space<hbm>>
      tpu.enqueue_dma source(%dma_start3A_1348 : memref<64xi32, #tpu.memory_space<hbm>>) target(%arg11 : memref<64xi32, #tpu.memory_space<vmem>>) target_semaphore(%run_scoped3A : memref<!tpu.dma_semaphore, #tpu.memory_space<semaphore_mem>>)
      %dma_wait3A = tpu.memref_slice %arg7[%mul3A_2] : memref<2048xi32, #tpu.memory_space<hbm>> -> memref<64xi32, #tpu.memory_space<hbm>>
      %dma_wait3A_1349 = tpu.memref_slice %arg7[%mul3A_2] : memref<2048xi32, #tpu.memory_space<hbm>> -> memref<64xi32, #tpu.memory_space<hbm>>
      tpu.wait_dma2 semaphore(%run_scoped3A : memref<!tpu.dma_semaphore, #tpu.memory_space<semaphore_mem>>) src(%dma_wait3A_1349 : memref<64xi32, #tpu.memory_space<hbm>>) dst(%arg11 : memref<64xi32, #tpu.memory_space<vmem>>)
      tpu.yield
    }) : () -> ()
    "tpu.region"() ({
      %run_scoped3A = tpu.sem_alloc : memref<!tpu.dma_semaphore, #tpu.memory_space<semaphore_mem>>
      %dma_start3A = tpu.memref_slice %arg8[%mul3A_2] : memref<2048xi32, #tpu.memory_space<hbm>> -> memref<64xi32, #tpu.memory_space<hbm>>
      %dma_start3A_1348 = tpu.memref_slice %arg8[%mul3A_2] : memref<2048xi32, #tpu.memory_space<hbm>> -> memref<64xi32, #tpu.memory_space<hbm>>
      tpu.enqueue_dma source(%dma_start3A_1348 : memref<64xi32, #tpu.memory_space<hbm>>) target(%arg12 : memref<64xi32, #tpu.memory_space<vmem>>) target_semaphore(%run_scoped3A : memref<!tpu.dma_semaphore, #tpu.memory_space<semaphore_mem>>)
      %dma_wait3A = tpu.memref_slice %arg8[%mul3A_2] : memref<2048xi32, #tpu.memory_space<hbm>> -> memref<64xi32, #tpu.memory_space<hbm>>
      %dma_wait3A_1349 = tpu.memref_slice %arg8[%mul3A_2] : memref<2048xi32, #tpu.memory_space<hbm>> -> memref<64xi32, #tpu.memory_space<hbm>>
      tpu.wait_dma2 semaphore(%run_scoped3A : memref<!tpu.dma_semaphore, #tpu.memory_space<semaphore_mem>>) src(%dma_wait3A_1349 : memref<64xi32, #tpu.memory_space<hbm>>) dst(%arg12 : memref<64xi32, #tpu.memory_space<vmem>>)
      tpu.yield
    }) : () -> ()
    "tpu.region"() ({
      %run_scoped3A = tpu.sem_alloc : memref<!tpu.dma_semaphore, #tpu.memory_space<semaphore_mem>>
      %dma_start3A = tpu.memref_slice %arg9[%mul3A_2] : memref<2048xi32, #tpu.memory_space<hbm>> -> memref<64xi32, #tpu.memory_space<hbm>>
      %dma_start3A_1348 = tpu.memref_slice %arg9[%mul3A_2] : memref<2048xi32, #tpu.memory_space<hbm>> -> memref<64xi32, #tpu.memory_space<hbm>>
      tpu.enqueue_dma source(%dma_start3A_1348 : memref<64xi32, #tpu.memory_space<hbm>>) target(%arg13 : memref<64xi32, #tpu.memory_space<vmem>>) target_semaphore(%run_scoped3A : memref<!tpu.dma_semaphore, #tpu.memory_space<semaphore_mem>>)
      %dma_wait3A = tpu.memref_slice %arg9[%mul3A_2] : memref<2048xi32, #tpu.memory_space<hbm>> -> memref<64xi32, #tpu.memory_space<hbm>>
      %dma_wait3A_1349 = tpu.memref_slice %arg9[%mul3A_2] : memref<2048xi32, #tpu.memory_space<hbm>> -> memref<64xi32, #tpu.memory_space<hbm>>
      tpu.wait_dma2 semaphore(%run_scoped3A : memref<!tpu.dma_semaphore, #tpu.memory_space<semaphore_mem>>) src(%dma_wait3A_1349 : memref<64xi32, #tpu.memory_space<hbm>>) dst(%arg13 : memref<64xi32, #tpu.memory_space<vmem>>)
      tpu.yield
    }) : () -> ()
    %iota3A = tpu.iota {dimensions = array<i32: 0>} : vector<16xi32>
    %swap3A = arith.constant 0 : i32
    %swap3A_3 = arith.index_cast %swap3A : i32 to index
    %swap3A_4 = arith.constant 0 : index
    %swap3A_5 = tpu.vector_load %arg14[%swap3A_3, %swap3A_4] {strides = array<i32>} : memref<5x64xi32, #tpu.memory_space<vmem>>, vector<16xi32>,
    tpu.vector_store %arg14[%swap3A_3, %swap3A_4], %iota3A {strides = array<i32>} : memref<5x64xi32, #tpu.memory_space<vmem>>, vector<16xi32>,
    %mul3A_6 = arith.constant 0 : i32
    %mul3A_7 = vector.broadcast %mul3A_6 : i32 to vector<16xi32>
    %mul3A_8 = arith.muli %iota3A, %mul3A_7 : vector<16xi32>
    %add3A_9 = arith.constant 2048 : i32
    %add3A_10 = vector.broadcast %add3A_9 : i32 to vector<16xi32>
    %add3A_11 = arith.addi %mul3A_8, %add3A_10 : vector<16xi32>
    %mul3A_12 = arith.constant 5 : i32
    %mul3A_13 = arith.muli %add3A, %mul3A_12 : i32
    %add3A_14 = vector.broadcast %mul3A_13 : i32 to vector<16xi32>
    %add3A_15 = arith.addi %add3A_11, %add3A_14 : vector<16xi32>
    %add3A_16 = arith.constant 0 : i32
    %add3A_17 = vector.broadcast %add3A_16 : i32 to vector<16xi32>
    %add3A_18 = arith.addi %add3A_15, %add3A_17 : vector<16xi32>
    %swap3A_19 = arith.constant 0 : i32
    %swap3A_20 = arith.index_cast %swap3A_19 : i32 to index
    %swap3A_21 = arith.constant 0 : index
    %swap3A_22 = tpu.vector_load %arg15[%swap3A_20, %swap3A_21] {strides = array<i32>} : memref<5x64xi32, #tpu.memory_space<vmem>>, vector<16xi32>,
    tpu.vector_store %arg15[%swap3A_20, %swap3A_21], %add3A_18 {strides = array<i32>} : memref<5x64xi32, #tpu.memory_space<vmem>>, vector<16xi32>,
    %swap3A_23 = arith.constant 0 : i32
    %swap3A_24 = arith.index_cast %swap3A_23 : i32 to index
    %swap3A_25 = arith.constant 16 : index
    %swap3A_26 = tpu.vector_load %arg14[%swap3A_24, %swap3A_25] {strides = array<i32>} : memref<5x64xi32, #tpu.memory_space<vmem>>, vector<16xi32>,
    tpu.vector_store %arg14[%swap3A_24, %swap3A_25], %iota3A {strides = array<i32>} : memref<5x64xi32, #tpu.memory_space<vmem>>, vector<16xi32>,
    %mul3A_27 = arith.constant 0 : i32
    %mul3A_28 = vector.broadcast %mul3A_27 : i32 to vector<16xi32>
    %mul3A_29 = arith.muli %iota3A, %mul3A_28 : vector<16xi32>
    %add3A_30 = arith.constant 2048 : i32
    %add3A_31 = vector.broadcast %add3A_30 : i32 to vector<16xi32>
    %add3A_32 = arith.addi %mul3A_29, %add3A_31 : vector<16xi32>
    %mul3A_33 = arith.constant 5 : i32
    %mul3A_34 = arith.muli %add3A, %mul3A_33 : i32
    %add3A_35 = vector.broadcast %mul3A_34 : i32 to vector<16xi32>
    %add3A_36 = arith.addi %add3A_32, %add3A_35 : vector<16xi32>
    %add3A_37 = arith.constant 0 : i32
    %add3A_38 = vector.broadcast %add3A_37 : i32 to vector<16xi32>
    %add3A_39 = arith.addi %add3A_36, %add3A_38 : vector<16xi32>
    %swap3A_40 = arith.constant 0 : i32
    %swap3A_41 = arith.index_cast %swap3A_40 : i32 to index
    %swap3A_42 = arith.constant 16 : index
    %swap3A_43 = tpu.vector_load %arg15[%swap3A_41, %swap3A_42] {strides = array<i32>} : memref<5x64xi32, #tpu.memory_space<vmem>>, vector<16xi32>,
    tpu.vector_store %arg15[%swap3A_41, %swap3A_42], %add3A_39 {strides = array<i32>} : memref<5x64xi32, #tpu.memory_space<vmem>>, vector<16xi32>,
    %swap3A_44 = arith.constant 0 : i32
    %swap3A_45 = arith.index_cast %swap3A_44 : i32 to index
    %swap3A_46 = arith.constant 32 : index
    %swap3A_47 = tpu.vector_load %arg14[%swap3A_45, %swap3A_46] {strides = array<i32>} : memref<5x64xi32, #tpu.memory_space<vmem>>, vector<16xi32>,
    tpu.vector_store %arg14[%swap3A_45, %swap3A_46], %iota3A {strides = array<i32>} : memref<5x64xi32, #tpu.memory_space<vmem>>, vector<16xi32>,
    %mul3A_48 = arith.constant 0 : i32
    %mul3A_49 = vector.broadcast %mul3A_48 : i32 to vector<16xi32>
    %mul3A_50 = arith.muli %iota3A, %mul3A_49 : vector<16xi32>
    %add3A_51 = arith.constant 2048 : i32
    %add3A_52 = vector.broadcast %add3A_51 : i32 to vector<16xi32>
    %add3A_53 = arith.addi %mul3A_50, %add3A_52 : vector<16xi32>
    %mul3A_54 = arith.constant 5 : i32
    %mul3A_55 = arith.muli %add3A, %mul3A_54 : i32
    %add3A_56 = vector.broadcast %mul3A_55 : i32 to vector<16xi32>
    %add3A_57 = arith.addi %add3A_53, %add3A_56 : vector<16xi32>
    %add3A_58 = arith.constant 0 : i32
    %add3A_59 = vector.broadcast %add3A_58 : i32 to vector<16xi32>
    %add3A_60 = arith.addi %add3A_57, %add3A_59 : vector<16xi32>
    %swap3A_61 = arith.constant 0 : i32
    %swap3A_62 = arith.index_cast %swap3A_61 : i32 to index
    %swap3A_63 = arith.constant 32 : index
    %swap3A_64 = tpu.vector_load %arg15[%swap3A_62, %swap3A_63] {strides = array<i32>} : memref<5x64xi32, #tpu.memory_space<vmem>>, vector<16xi32>,
    tpu.vector_store %arg15[%swap3A_62, %swap3A_63], %add3A_60 {strides = array<i32>} : memref<5x64xi32, #tpu.memory_space<vmem>>, vector<16xi32>,
    %swap3A_65 = arith.constant 0 : i32
    %swap3A_66 = arith.index_cast %swap3A_65 : i32 to index
    %swap3A_67 = arith.constant 48 : index
    %swap3A_68 = tpu.vector_load %arg14[%swap3A_66, %swap3A_67] {strides = array<i32>} : memref<5x64xi32, #tpu.memory_space<vmem>>, vector<16xi32>,
    tpu.vector_store %arg14[%swap3A_66, %swap3A_67], %iota3A {strides = array<i32>} : memref<5x64xi32, #tpu.memory_space<vmem>>, vector<16xi32>,
    %mul3A_69 = arith.constant 0 : i32
    %mul3A_70 = vector.broadcast %mul3A_69 : i32 to vector<16xi32>
    %mul3A_71 = arith.muli %iota3A, %mul3A_70 : vector<16xi32>
    %add3A_72 = arith.constant 2048 : i32
    %add3A_73 = vector.broadcast %add3A_72 : i32 to vector<16xi32>
    %add3A_74 = arith.addi %mul3A_71, %add3A_73 : vector<16xi32>
    %mul3A_75 = arith.constant 5 : i32
    %mul3A_76 = arith.muli %add3A, %mul3A_75 : i32
    %add3A_77 = vector.broadcast %mul3A_76 : i32 to vector<16xi32>
    %add3A_78 = arith.addi %add3A_74, %add3A_77 : vector<16xi32>
    %add3A_79 = arith.constant 0 : i32
    %add3A_80 = vector.broadcast %add3A_79 : i32 to vector<16xi32>
    %add3A_81 = arith.addi %add3A_78, %add3A_80 : vector<16xi32>
    %swap3A_82 = arith.constant 0 : i32
    %swap3A_83 = arith.index_cast %swap3A_82 : i32 to index
    %swap3A_84 = arith.constant 48 : index
    %swap3A_85 = tpu.vector_load %arg15[%swap3A_83, %swap3A_84] {strides = array<i32>} : memref<5x64xi32, #tpu.memory_space<vmem>>, vector<16xi32>,
    tpu.vector_store %arg15[%swap3A_83, %swap3A_84], %add3A_81 {strides = array<i32>} : memref<5x64xi32, #tpu.memory_space<vmem>>, vector<16xi32>,
    %swap3A_86 = arith.constant 1 : i32
    %swap3A_87 = arith.index_cast %swap3A_86 : i32 to index
    %swap3A_88 = arith.constant 0 : index
    %swap3A_89 = tpu.vector_load %arg14[%swap3A_87, %swap3A_88] {strides = array<i32>} : memref<5x64xi32, #tpu.memory_space<vmem>>, vector<16xi32>,
    tpu.vector_store %arg14[%swap3A_87, %swap3A_88], %iota3A {strides = array<i32>} : memref<5x64xi32, #tpu.memory_space<vmem>>, vector<16xi32>,
    %mul3A_90 = arith.constant 0 : i32
    %mul3A_91 = vector.broadcast %mul3A_90 : i32 to vector<16xi32>
    %mul3A_92 = arith.muli %iota3A, %mul3A_91 : vector<16xi32>
    %add3A_93 = arith.constant 2048 : i32
    %add3A_94 = vector.broadcast %add3A_93 : i32 to vector<16xi32>
    %add3A_95 = arith.addi %mul3A_92, %add3A_94 : vector<16xi32>
    %mul3A_96 = arith.constant 5 : i32
    %mul3A_97 = arith.muli %add3A, %mul3A_96 : i32
    %add3A_98 = vector.broadcast %mul3A_97 : i32 to vector<16xi32>
    %add3A_99 = arith.addi %add3A_95, %add3A_98 : vector<16xi32>
    %add3A_100 = arith.constant 1 : i32
    %add3A_101 = vector.broadcast %add3A_100 : i32 to vector<16xi32>
    %add3A_102 = arith.addi %add3A_99, %add3A_101 : vector<16xi32>
    %swap3A_103 = arith.constant 1 : i32
    %swap3A_104 = arith.index_cast %swap3A_103 : i32 to index
    %swap3A_105 = arith.constant 0 : index
    %swap3A_106 = tpu.vector_load %arg15[%swap3A_104, %swap3A_105] {strides = array<i32>} : memref<5x64xi32, #tpu.memory_space<vmem>>, vector<16xi32>,
    tpu.vector_store %arg15[%swap3A_104, %swap3A_105], %add3A_102 {strides = array<i32>} : memref<5x64xi32, #tpu.memory_space<vmem>>, vector<16xi32>,
    %swap3A_107 = arith.constant 1 : i32
    %swap3A_108 = arith.index_cast %swap3A_107 : i32 to index
    %swap3A_109 = arith.constant 16 : index
    %swap3A_110 = tpu.vector_load %arg14[%swap3A_108, %swap3A_109] {strides = array<i32>} : memref<5x64xi32, #tpu.memory_space<vmem>>, vector<16xi32>,
    tpu.vector_store %arg14[%swap3A_108, %swap3A_109], %iota3A {strides = array<i32>} : memref<5x64xi32, #tpu.memory_space<vmem>>, vector<16xi32>,
    %mul3A_111 = arith.constant 0 : i32
    %mul3A_112 = vector.broadcast %mul3A_111 : i32 to vector<16xi32>
    %mul3A_113 = arith.muli %iota3A, %mul3A_112 : vector<16xi32>
    %add3A_114 = arith.constant 2048 : i32
    %add3A_115 = vector.broadcast %add3A_114 : i32 to vector<16xi32>
    %add3A_116 = arith.addi %mul3A_113, %add3A_115 : vector<16xi32>
    %mul3A_117 = arith.constant 5 : i32
    %mul3A_118 = arith.muli %add3A, %mul3A_117 : i32
    %add3A_119 = vector.broadcast %mul3A_118 : i32 to vector<16xi32>
    %add3A_120 = arith.addi %add3A_116, %add3A_119 : vector<16xi32>
    %add3A_121 = arith.constant 1 : i32
    %add3A_122 = vector.broadcast %add3A_121 : i32 to vector<16xi32>
    %add3A_123 = arith.addi %add3A_120, %add3A_122 : vector<16xi32>
    %swap3A_124 = arith.constant 1 : i32
    %swap3A_125 = arith.index_cast %swap3A_124 : i32 to index
    %swap3A_126 = arith.constant 16 : index
    %swap3A_127 = tpu.vector_load %arg15[%swap3A_125, %swap3A_126] {strides = array<i32>} : memref<5x64xi32, #tpu.memory_space<vmem>>, vector<16xi32>,
    tpu.vector_store %arg15[%swap3A_125, %swap3A_126], %add3A_123 {strides = array<i32>} : memref<5x64xi32, #tpu.memory_space<vmem>>, vector<16xi32>,
    %swap3A_128 = arith.constant 1 : i32
    %swap3A_129 = arith.index_cast %swap3A_128 : i32 to index
    %swap3A_130 = arith.constant 32 : index
    %swap3A_131 = tpu.vector_load %arg14[%swap3A_129, %swap3A_130] {strides = array<i32>} : memref<5x64xi32, #tpu.memory_space<vmem>>, vector<16xi32>,
    tpu.vector_store %arg14[%swap3A_129, %swap3A_130], %iota3A {strides = array<i32>} : memref<5x64xi32, #tpu.memory_space<vmem>>, vector<16xi32>,
    %mul3A_132 = arith.constant 0 : i32
    %mul3A_133 = vector.broadcast %mul3A_132 : i32 to vector<16xi32>
    %mul3A_134 = arith.muli %iota3A, %mul3A_133 : vector<16xi32>
    %add3A_135 = arith.constant 2048 : i32
    %add3A_136 = vector.broadcast %add3A_135 : i32 to vector<16xi32>
    %add3A_137 = arith.addi %mul3A_134, %add3A_136 : vector<16xi32>
    %mul3A_138 = arith.constant 5 : i32
    %mul3A_139 = arith.muli %add3A, %mul3A_138 : i32
    %add3A_140 = vector.broadcast %mul3A_139 : i32 to vector<16xi32>
    %add3A_141 = arith.addi %add3A_137, %add3A_140 : vector<16xi32>
    %add3A_142 = arith.constant 1 : i32
    %add3A_143 = vector.broadcast %add3A_142 : i32 to vector<16xi32>
    %add3A_144 = arith.addi %add3A_141, %add3A_143 : vector<16xi32>
    %swap3A_145 = arith.constant 1 : i32
    %swap3A_146 = arith.index_cast %swap3A_145 : i32 to index
    %swap3A_147 = arith.constant 32 : index
    %swap3A_148 = tpu.vector_load %arg15[%swap3A_146, %swap3A_147] {strides = array<i32>} : memref<5x64xi32, #tpu.memory_space<vmem>>, vector<16xi32>,
    tpu.vector_store %arg15[%swap3A_146, %swap3A_147], %add3A_144 {strides = array<i32>} : memref<5x64xi32, #tpu.memory_space<vmem>>, vector<16xi32>,
    %swap3A_149 = arith.constant 1 : i32
    %swap3A_150 = arith.index_cast %swap3A_149 : i32 to index
    %swap3A_151 = arith.constant 48 : index
    %swap3A_152 = tpu.vector_load %arg14[%swap3A_150, %swap3A_151] {strides = array<i32>} : memref<5x64xi32, #tpu.memory_space<vmem>>, vector<16xi32>,
    tpu.vector_store %arg14[%swap3A_150, %swap3A_151], %iota3A {strides = array<i32>} : memref<5x64xi32, #tpu.memory_space<vmem>>, vector<16xi32>,
    %mul3A_153 = arith.constant 0 : i32
    %mul3A_154 = vector.broadcast %mul3A_153 : i32 to vector<16xi32>
    %mul3A_155 = arith.muli %iota3A, %mul3A_154 : vector<16xi32>
    %add3A_156 = arith.constant 2048 : i32
    %add3A_157 = vector.broadcast %add3A_156 : i32 to vector<16xi32>
    %add3A_158 = arith.addi %mul3A_155, %add3A_157 : vector<16xi32>
    %mul3A_159 = arith.constant 5 : i32
    %mul3A_160 = arith.muli %add3A, %mul3A_159 : i32
    %add3A_161 = vector.broadcast %mul3A_160 : i32 to vector<16xi32>
    %add3A_162 = arith.addi %add3A_158, %add3A_161 : vector<16xi32>
    %add3A_163 = arith.constant 1 : i32
    %add3A_164 = vector.broadcast %add3A_163 : i32 to vector<16xi32>
    %add3A_165 = arith.addi %add3A_162, %add3A_164 : vector<16xi32>
    %swap3A_166 = arith.constant 1 : i32
    %swap3A_167 = arith.index_cast %swap3A_166 : i32 to index
    %swap3A_168 = arith.constant 48 : index
    %swap3A_169 = tpu.vector_load %arg15[%swap3A_167, %swap3A_168] {strides = array<i32>} : memref<5x64xi32, #tpu.memory_space<vmem>>, vector<16xi32>,
    tpu.vector_store %arg15[%swap3A_167, %swap3A_168], %add3A_165 {strides = array<i32>} : memref<5x64xi32, #tpu.memory_space<vmem>>, vector<16xi32>,
    %swap3A_170 = arith.constant 2 : i32
    %swap3A_171 = arith.index_cast %swap3A_170 : i32 to index
    %swap3A_172 = arith.constant 0 : index
    %swap3A_173 = tpu.vector_load %arg14[%swap3A_171, %swap3A_172] {strides = array<i32>} : memref<5x64xi32, #tpu.memory_space<vmem>>, vector<16xi32>,
    tpu.vector_store %arg14[%swap3A_171, %swap3A_172], %iota3A {strides = array<i32>} : memref<5x64xi32, #tpu.memory_space<vmem>>, vector<16xi32>,
    %mul3A_174 = arith.constant 0 : i32
    %mul3A_175 = vector.broadcast %mul3A_174 : i32 to vector<16xi32>
    %mul3A_176 = arith.muli %iota3A, %mul3A_175 : vector<16xi32>
    %add3A_177 = arith.constant 2048 : i32
    %add3A_178 = vector.broadcast %add3A_177 : i32 to vector<16xi32>
    %add3A_179 = arith.addi %mul3A_176, %add3A_178 : vector<16xi32>
    %mul3A_180 = arith.constant 5 : i32
    %mul3A_181 = arith.muli %add3A, %mul3A_180 : i32
    %add3A_182 = vector.broadcast %mul3A_181 : i32 to vector<16xi32>
    %add3A_183 = arith.addi %add3A_179, %add3A_182 : vector<16xi32>
    %add3A_184 = arith.constant 2 : i32
    %add3A_185 = vector.broadcast %add3A_184 : i32 to vector<16xi32>
    %add3A_186 = arith.addi %add3A_183, %add3A_185 : vector<16xi32>
    %swap3A_187 = arith.constant 2 : i32
    %swap3A_188 = arith.index_cast %swap3A_187 : i32 to index
    %swap3A_189 = arith.constant 0 : index
    %swap3A_190 = tpu.vector_load %arg15[%swap3A_188, %swap3A_189] {strides = array<i32>} : memref<5x64xi32, #tpu.memory_space<vmem>>, vector<16xi32>,
    tpu.vector_store %arg15[%swap3A_188, %swap3A_189], %add3A_186 {strides = array<i32>} : memref<5x64xi32, #tpu.memory_space<vmem>>, vector<16xi32>,
    %swap3A_191 = arith.constant 2 : i32
    %swap3A_192 = arith.index_cast %swap3A_191 : i32 to index
    %swap3A_193 = arith.constant 16 : index
    %swap3A_194 = tpu.vector_load %arg14[%swap3A_192, %swap3A_193] {strides = array<i32>} : memref<5x64xi32, #tpu.memory_space<vmem>>, vector<16xi32>,
    tpu.vector_store %arg14[%swap3A_192, %swap3A_193], %iota3A {strides = array<i32>} : memref<5x64xi32, #tpu.memory_space<vmem>>, vector<16xi32>,
    %mul3A_195 = arith.constant 0 : i32
    %mul3A_196 = vector.broadcast %mul3A_195 : i32 to vector<16xi32>
    %mul3A_197 = arith.muli %iota3A, %mul3A_196 : vector<16xi32>
    %add3A_198 = arith.constant 2048 : i32
    %add3A_199 = vector.broadcast %add3A_198 : i32 to vector<16xi32>
    %add3A_200 = arith.addi %mul3A_197, %add3A_199 : vector<16xi32>
    %mul3A_201 = arith.constant 5 : i32
    %mul3A_202 = arith.muli %add3A, %mul3A_201 : i32
    %add3A_203 = vector.broadcast %mul3A_202 : i32 to vector<16xi32>
    %add3A_204 = arith.addi %add3A_200, %add3A_203 : vector<16xi32>
    %add3A_205 = arith.constant 2 : i32
    %add3A_206 = vector.broadcast %add3A_205 : i32 to vector<16xi32>
    %add3A_207 = arith.addi %add3A_204, %add3A_206 : vector<16xi32>
    %swap3A_208 = arith.constant 2 : i32
    %swap3A_209 = arith.index_cast %swap3A_208 : i32 to index
    %swap3A_210 = arith.constant 16 : index
    %swap3A_211 = tpu.vector_load %arg15[%swap3A_209, %swap3A_210] {strides = array<i32>} : memref<5x64xi32, #tpu.memory_space<vmem>>, vector<16xi32>,
    tpu.vector_store %arg15[%swap3A_209, %swap3A_210], %add3A_207 {strides = array<i32>} : memref<5x64xi32, #tpu.memory_space<vmem>>, vector<16xi32>,
    %swap3A_212 = arith.constant 2 : i32
    %swap3A_213 = arith.index_cast %swap3A_212 : i32 to index
    %swap3A_214 = arith.constant 32 : index
    %swap3A_215 = tpu.vector_load %arg14[%swap3A_213, %swap3A_214] {strides = array<i32>} : memref<5x64xi32, #tpu.memory_space<vmem>>, vector<16xi32>,
    tpu.vector_store %arg14[%swap3A_213, %swap3A_214], %iota3A {strides = array<i32>} : memref<5x64xi32, #tpu.memory_space<vmem>>, vector<16xi32>,
    %mul3A_216 = arith.constant 0 : i32
    %mul3A_217 = vector.broadcast %mul3A_216 : i32 to vector<16xi32>
    %mul3A_218 = arith.muli %iota3A, %mul3A_217 : vector<16xi32>
    %add3A_219 = arith.constant 2048 : i32
    %add3A_220 = vector.broadcast %add3A_219 : i32 to vector<16xi32>
    %add3A_221 = arith.addi %mul3A_218, %add3A_220 : vector<16xi32>
    %mul3A_222 = arith.constant 5 : i32
    %mul3A_223 = arith.muli %add3A, %mul3A_222 : i32
    %add3A_224 = vector.broadcast %mul3A_223 : i32 to vector<16xi32>
    %add3A_225 = arith.addi %add3A_221, %add3A_224 : vector<16xi32>
    %add3A_226 = arith.constant 2 : i32
    %add3A_227 = vector.broadcast %add3A_226 : i32 to vector<16xi32>
    %add3A_228 = arith.addi %add3A_225, %add3A_227 : vector<16xi32>
    %swap3A_229 = arith.constant 2 : i32
    %swap3A_230 = arith.index_cast %swap3A_229 : i32 to index
    %swap3A_231 = arith.constant 32 : index
    %swap3A_232 = tpu.vector_load %arg15[%swap3A_230, %swap3A_231] {strides = array<i32>} : memref<5x64xi32, #tpu.memory_space<vmem>>, vector<16xi32>,
    tpu.vector_store %arg15[%swap3A_230, %swap3A_231], %add3A_228 {strides = array<i32>} : memref<5x64xi32, #tpu.memory_space<vmem>>, vector<16xi32>,
    %swap3A_233 = arith.constant 2 : i32
    %swap3A_234 = arith.index_cast %swap3A_233 : i32 to index
    %swap3A_235 = arith.constant 48 : index
    %swap3A_236 = tpu.vector_load %arg14[%swap3A_234, %swap3A_235] {strides = array<i32>} : memref<5x64xi32, #tpu.memory_space<vmem>>, vector<16xi32>,
    tpu.vector_store %arg14[%swap3A_234, %swap3A_235], %iota3A {strides = array<i32>} : memref<5x64xi32, #tpu.memory_space<vmem>>, vector<16xi32>,
    %mul3A_237 = arith.constant 0 : i32
    %mul3A_238 = vector.broadcast %mul3A_237 : i32 to vector<16xi32>
    %mul3A_239 = arith.muli %iota3A, %mul3A_238 : vector<16xi32>
    %add3A_240 = arith.constant 2048 : i32
    %add3A_241 = vector.broadcast %add3A_240 : i32 to vector<16xi32>
    %add3A_242 = arith.addi %mul3A_239, %add3A_241 : vector<16xi32>
    %mul3A_243 = arith.constant 5 : i32
    %mul3A_244 = arith.muli %add3A, %mul3A_243 : i32
    %add3A_245 = vector.broadcast %mul3A_244 : i32 to vector<16xi32>
    %add3A_246 = arith.addi %add3A_242, %add3A_245 : vector<16xi32>
    %add3A_247 = arith.constant 2 : i32
    %add3A_248 = vector.broadcast %add3A_247 : i32 to vector<16xi32>
    %add3A_249 = arith.addi %add3A_246, %add3A_248 : vector<16xi32>
    %swap3A_250 = arith.constant 2 : i32
    %swap3A_251 = arith.index_cast %swap3A_250 : i32 to index
    %swap3A_252 = arith.constant 48 : index
    %swap3A_253 = tpu.vector_load %arg15[%swap3A_251, %swap3A_252] {strides = array<i32>} : memref<5x64xi32, #tpu.memory_space<vmem>>, vector<16xi32>,
    tpu.vector_store %arg15[%swap3A_251, %swap3A_252], %add3A_249 {strides = array<i32>} : memref<5x64xi32, #tpu.memory_space<vmem>>, vector<16xi32>,
    %swap3A_254 = arith.constant 3 : i32
    %swap3A_255 = arith.index_cast %swap3A_254 : i32 to index
    %swap3A_256 = arith.constant 0 : index
    %swap3A_257 = tpu.vector_load %arg14[%swap3A_255, %swap3A_256] {strides = array<i32>} : memref<5x64xi32, #tpu.memory_space<vmem>>, vector<16xi32>,
    tpu.vector_store %arg14[%swap3A_255, %swap3A_256], %iota3A {strides = array<i32>} : memref<5x64xi32, #tpu.memory_space<vmem>>, vector<16xi32>,
    %mul3A_258 = arith.constant 0 : i32
    %mul3A_259 = vector.broadcast %mul3A_258 : i32 to vector<16xi32>
    %mul3A_260 = arith.muli %iota3A, %mul3A_259 : vector<16xi32>
    %add3A_261 = arith.constant 2048 : i32
    %add3A_262 = vector.broadcast %add3A_261 : i32 to vector<16xi32>
    %add3A_263 = arith.addi %mul3A_260, %add3A_262 : vector<16xi32>
    %mul3A_264 = arith.constant 5 : i32
    %mul3A_265 = arith.muli %add3A, %mul3A_264 : i32
    %add3A_266 = vector.broadcast %mul3A_265 : i32 to vector<16xi32>
    %add3A_267 = arith.addi %add3A_263, %add3A_266 : vector<16xi32>
    %add3A_268 = arith.constant 3 : i32
    %add3A_269 = vector.broadcast %add3A_268 : i32 to vector<16xi32>
    %add3A_270 = arith.addi %add3A_267, %add3A_269 : vector<16xi32>
    %swap3A_271 = arith.constant 3 : i32
    %swap3A_272 = arith.index_cast %swap3A_271 : i32 to index
    %swap3A_273 = arith.constant 0 : index
    %swap3A_274 = tpu.vector_load %arg15[%swap3A_272, %swap3A_273] {strides = array<i32>} : memref<5x64xi32, #tpu.memory_space<vmem>>, vector<16xi32>,
    tpu.vector_store %arg15[%swap3A_272, %swap3A_273], %add3A_270 {strides = array<i32>} : memref<5x64xi32, #tpu.memory_space<vmem>>, vector<16xi32>,
    %swap3A_275 = arith.constant 3 : i32
    %swap3A_276 = arith.index_cast %swap3A_275 : i32 to index
    %swap3A_277 = arith.constant 16 : index
    %swap3A_278 = tpu.vector_load %arg14[%swap3A_276, %swap3A_277] {strides = array<i32>} : memref<5x64xi32, #tpu.memory_space<vmem>>, vector<16xi32>,
    tpu.vector_store %arg14[%swap3A_276, %swap3A_277], %iota3A {strides = array<i32>} : memref<5x64xi32, #tpu.memory_space<vmem>>, vector<16xi32>,
    %mul3A_279 = arith.constant 0 : i32
    %mul3A_280 = vector.broadcast %mul3A_279 : i32 to vector<16xi32>
    %mul3A_281 = arith.muli %iota3A, %mul3A_280 : vector<16xi32>
    %add3A_282 = arith.constant 2048 : i32
    %add3A_283 = vector.broadcast %add3A_282 : i32 to vector<16xi32>
    %add3A_284 = arith.addi %mul3A_281, %add3A_283 : vector<16xi32>
    %mul3A_285 = arith.constant 5 : i32
    %mul3A_286 = arith.muli %add3A, %mul3A_285 : i32
    %add3A_287 = vector.broadcast %mul3A_286 : i32 to vector<16xi32>
    %add3A_288 = arith.addi %add3A_284, %add3A_287 : vector<16xi32>
    %add3A_289 = arith.constant 3 : i32
    %add3A_290 = vector.broadcast %add3A_289 : i32 to vector<16xi32>
    %add3A_291 = arith.addi %add3A_288, %add3A_290 : vector<16xi32>
    %swap3A_292 = arith.constant 3 : i32
    %swap3A_293 = arith.index_cast %swap3A_292 : i32 to index
    %swap3A_294 = arith.constant 16 : index
    %swap3A_295 = tpu.vector_load %arg15[%swap3A_293, %swap3A_294] {strides = array<i32>} : memref<5x64xi32, #tpu.memory_space<vmem>>, vector<16xi32>,
    tpu.vector_store %arg15[%swap3A_293, %swap3A_294], %add3A_291 {strides = array<i32>} : memref<5x64xi32, #tpu.memory_space<vmem>>, vector<16xi32>,
    %swap3A_296 = arith.constant 3 : i32
    %swap3A_297 = arith.index_cast %swap3A_296 : i32 to index
    %swap3A_298 = arith.constant 32 : index
    %swap3A_299 = tpu.vector_load %arg14[%swap3A_297, %swap3A_298] {strides = array<i32>} : memref<5x64xi32, #tpu.memory_space<vmem>>, vector<16xi32>,
    tpu.vector_store %arg14[%swap3A_297, %swap3A_298], %iota3A {strides = array<i32>} : memref<5x64xi32, #tpu.memory_space<vmem>>, vector<16xi32>,
    %mul3A_300 = arith.constant 0 : i32
    %mul3A_301 = vector.broadcast %mul3A_300 : i32 to vector<16xi32>
    %mul3A_302 = arith.muli %iota3A, %mul3A_301 : vector<16xi32>
    %add3A_303 = arith.constant 2048 : i32
    %add3A_304 = vector.broadcast %add3A_303 : i32 to vector<16xi32>
    %add3A_305 = arith.addi %mul3A_302, %add3A_304 : vector<16xi32>
    %mul3A_306 = arith.constant 5 : i32
    %mul3A_307 = arith.muli %add3A, %mul3A_306 : i32
    %add3A_308 = vector.broadcast %mul3A_307 : i32 to vector<16xi32>
    %add3A_309 = arith.addi %add3A_305, %add3A_308 : vector<16xi32>
    %add3A_310 = arith.constant 3 : i32
    %add3A_311 = vector.broadcast %add3A_310 : i32 to vector<16xi32>
    %add3A_312 = arith.addi %add3A_309, %add3A_311 : vector<16xi32>
    %swap3A_313 = arith.constant 3 : i32
    %swap3A_314 = arith.index_cast %swap3A_313 : i32 to index
    %swap3A_315 = arith.constant 32 : index
    %swap3A_316 = tpu.vector_load %arg15[%swap3A_314, %swap3A_315] {strides = array<i32>} : memref<5x64xi32, #tpu.memory_space<vmem>>, vector<16xi32>,
    tpu.vector_store %arg15[%swap3A_314, %swap3A_315], %add3A_312 {strides = array<i32>} : memref<5x64xi32, #tpu.memory_space<vmem>>, vector<16xi32>,
    %swap3A_317 = arith.constant 3 : i32
    %swap3A_318 = arith.index_cast %swap3A_317 : i32 to index
    %swap3A_319 = arith.constant 48 : index
    %swap3A_320 = tpu.vector_load %arg14[%swap3A_318, %swap3A_319] {strides = array<i32>} : memref<5x64xi32, #tpu.memory_space<vmem>>, vector<16xi32>,
    tpu.vector_store %arg14[%swap3A_318, %swap3A_319], %iota3A {strides = array<i32>} : memref<5x64xi32, #tpu.memory_space<vmem>>, vector<16xi32>,
    %mul3A_321 = arith.constant 0 : i32
    %mul3A_322 = vector.broadcast %mul3A_321 : i32 to vector<16xi32>
    %mul3A_323 = arith.muli %iota3A, %mul3A_322 : vector<16xi32>
    %add3A_324 = arith.constant 2048 : i32
    %add3A_325 = vector.broadcast %add3A_324 : i32 to vector<16xi32>
    %add3A_326 = arith.addi %mul3A_323, %add3A_325 : vector<16xi32>
    %mul3A_327 = arith.constant 5 : i32
    %mul3A_328 = arith.muli %add3A, %mul3A_327 : i32
    %add3A_329 = vector.broadcast %mul3A_328 : i32 to vector<16xi32>
    %add3A_330 = arith.addi %add3A_326, %add3A_329 : vector<16xi32>
    %add3A_331 = arith.constant 3 : i32
    %add3A_332 = vector.broadcast %add3A_331 : i32 to vector<16xi32>
    %add3A_333 = arith.addi %add3A_330, %add3A_332 : vector<16xi32>
    %swap3A_334 = arith.constant 3 : i32
    %swap3A_335 = arith.index_cast %swap3A_334 : i32 to index
    %swap3A_336 = arith.constant 48 : index
    %swap3A_337 = tpu.vector_load %arg15[%swap3A_335, %swap3A_336] {strides = array<i32>} : memref<5x64xi32, #tpu.memory_space<vmem>>, vector<16xi32>,
    tpu.vector_store %arg15[%swap3A_335, %swap3A_336], %add3A_333 {strides = array<i32>} : memref<5x64xi32, #tpu.memory_space<vmem>>, vector<16xi32>,
    %swap3A_338 = arith.constant 4 : i32
    %swap3A_339 = arith.index_cast %swap3A_338 : i32 to index
    %swap3A_340 = arith.constant 0 : index
    %swap3A_341 = tpu.vector_load %arg14[%swap3A_339, %swap3A_340] {strides = array<i32>} : memref<5x64xi32, #tpu.memory_space<vmem>>, vector<16xi32>,
    tpu.vector_store %arg14[%swap3A_339, %swap3A_340], %iota3A {strides = array<i32>} : memref<5x64xi32, #tpu.memory_space<vmem>>, vector<16xi32>,
    %mul3A_342 = arith.constant 0 : i32
    %mul3A_343 = vector.broadcast %mul3A_342 : i32 to vector<16xi32>
    %mul3A_344 = arith.muli %iota3A, %mul3A_343 : vector<16xi32>
    %add3A_345 = arith.constant 2048 : i32
    %add3A_346 = vector.broadcast %add3A_345 : i32 to vector<16xi32>
    %add3A_347 = arith.addi %mul3A_344, %add3A_346 : vector<16xi32>
    %mul3A_348 = arith.constant 5 : i32
    %mul3A_349 = arith.muli %add3A, %mul3A_348 : i32
    %add3A_350 = vector.broadcast %mul3A_349 : i32 to vector<16xi32>
    %add3A_351 = arith.addi %add3A_347, %add3A_350 : vector<16xi32>
    %add3A_352 = arith.constant 4 : i32
    %add3A_353 = vector.broadcast %add3A_352 : i32 to vector<16xi32>
    %add3A_354 = arith.addi %add3A_351, %add3A_353 : vector<16xi32>
    %swap3A_355 = arith.constant 4 : i32
    %swap3A_356 = arith.index_cast %swap3A_355 : i32 to index
    %swap3A_357 = arith.constant 0 : index
    %swap3A_358 = tpu.vector_load %arg15[%swap3A_356, %swap3A_357] {strides = array<i32>} : memref<5x64xi32, #tpu.memory_space<vmem>>, vector<16xi32>,
    tpu.vector_store %arg15[%swap3A_356, %swap3A_357], %add3A_354 {strides = array<i32>} : memref<5x64xi32, #tpu.memory_space<vmem>>, vector<16xi32>,
    %swap3A_359 = arith.constant 4 : i32
    %swap3A_360 = arith.index_cast %swap3A_359 : i32 to index
    %swap3A_361 = arith.constant 16 : index
    %swap3A_362 = tpu.vector_load %arg14[%swap3A_360, %swap3A_361] {strides = array<i32>} : memref<5x64xi32, #tpu.memory_space<vmem>>, vector<16xi32>,
    tpu.vector_store %arg14[%swap3A_360, %swap3A_361], %iota3A {strides = array<i32>} : memref<5x64xi32, #tpu.memory_space<vmem>>, vector<16xi32>,
    %mul3A_363 = arith.constant 0 : i32
    %mul3A_364 = vector.broadcast %mul3A_363 : i32 to vector<16xi32>
    %mul3A_365 = arith.muli %iota3A, %mul3A_364 : vector<16xi32>
    %add3A_366 = arith.constant 2048 : i32
    %add3A_367 = vector.broadcast %add3A_366 : i32 to vector<16xi32>
    %add3A_368 = arith.addi %mul3A_365, %add3A_367 : vector<16xi32>
    %mul3A_369 = arith.constant 5 : i32
    %mul3A_370 = arith.muli %add3A, %mul3A_369 : i32
    %add3A_371 = vector.broadcast %mul3A_370 : i32 to vector<16xi32>
    %add3A_372 = arith.addi %add3A_368, %add3A_371 : vector<16xi32>
    %add3A_373 = arith.constant 4 : i32
    %add3A_374 = vector.broadcast %add3A_373 : i32 to vector<16xi32>
    %add3A_375 = arith.addi %add3A_372, %add3A_374 : vector<16xi32>
    %swap3A_376 = arith.constant 4 : i32
    %swap3A_377 = arith.index_cast %swap3A_376 : i32 to index
    %swap3A_378 = arith.constant 16 : index
    %swap3A_379 = tpu.vector_load %arg15[%swap3A_377, %swap3A_378] {strides = array<i32>} : memref<5x64xi32, #tpu.memory_space<vmem>>, vector<16xi32>,
    tpu.vector_store %arg15[%swap3A_377, %swap3A_378], %add3A_375 {strides = array<i32>} : memref<5x64xi32, #tpu.memory_space<vmem>>, vector<16xi32>,
    %swap3A_380 = arith.constant 4 : i32
    %swap3A_381 = arith.index_cast %swap3A_380 : i32 to index
    %swap3A_382 = arith.constant 32 : index
    %swap3A_383 = tpu.vector_load %arg14[%swap3A_381, %swap3A_382] {strides = array<i32>} : memref<5x64xi32, #tpu.memory_space<vmem>>, vector<16xi32>,
    tpu.vector_store %arg14[%swap3A_381, %swap3A_382], %iota3A {strides = array<i32>} : memref<5x64xi32, #tpu.memory_space<vmem>>, vector<16xi32>,
    %mul3A_384 = arith.constant 0 : i32
    %mul3A_385 = vector.broadcast %mul3A_384 : i32 to vector<16xi32>
    %mul3A_386 = arith.muli %iota3A, %mul3A_385 : vector<16xi32>
    %add3A_387 = arith.constant 2048 : i32
    %add3A_388 = vector.broadcast %add3A_387 : i32 to vector<16xi32>
    %add3A_389 = arith.addi %mul3A_386, %add3A_388 : vector<16xi32>
    %mul3A_390 = arith.constant 5 : i32
    %mul3A_391 = arith.muli %add3A, %mul3A_390 : i32
    %add3A_392 = vector.broadcast %mul3A_391 : i32 to vector<16xi32>
    %add3A_393 = arith.addi %add3A_389, %add3A_392 : vector<16xi32>
    %add3A_394 = arith.constant 4 : i32
    %add3A_395 = vector.broadcast %add3A_394 : i32 to vector<16xi32>
    %add3A_396 = arith.addi %add3A_393, %add3A_395 : vector<16xi32>
    %swap3A_397 = arith.constant 4 : i32
    %swap3A_398 = arith.index_cast %swap3A_397 : i32 to index
    %swap3A_399 = arith.constant 32 : index
    %swap3A_400 = tpu.vector_load %arg15[%swap3A_398, %swap3A_399] {strides = array<i32>} : memref<5x64xi32, #tpu.memory_space<vmem>>, vector<16xi32>,
    tpu.vector_store %arg15[%swap3A_398, %swap3A_399], %add3A_396 {strides = array<i32>} : memref<5x64xi32, #tpu.memory_space<vmem>>, vector<16xi32>,
    %swap3A_401 = arith.constant 4 : i32
    %swap3A_402 = arith.index_cast %swap3A_401 : i32 to index
    %swap3A_403 = arith.constant 48 : index
    %swap3A_404 = tpu.vector_load %arg14[%swap3A_402, %swap3A_403] {strides = array<i32>} : memref<5x64xi32, #tpu.memory_space<vmem>>, vector<16xi32>,
    tpu.vector_store %arg14[%swap3A_402, %swap3A_403], %iota3A {strides = array<i32>} : memref<5x64xi32, #tpu.memory_space<vmem>>, vector<16xi32>,
    %mul3A_405 = arith.constant 0 : i32
    %mul3A_406 = vector.broadcast %mul3A_405 : i32 to vector<16xi32>
    %mul3A_407 = arith.muli %iota3A, %mul3A_406 : vector<16xi32>
    %add3A_408 = arith.constant 2048 : i32
    %add3A_409 = vector.broadcast %add3A_408 : i32 to vector<16xi32>
    %add3A_410 = arith.addi %mul3A_407, %add3A_409 : vector<16xi32>
    %mul3A_411 = arith.constant 5 : i32
    %mul3A_412 = arith.muli %add3A, %mul3A_411 : i32
    %add3A_413 = vector.broadcast %mul3A_412 : i32 to vector<16xi32>
    %add3A_414 = arith.addi %add3A_410, %add3A_413 : vector<16xi32>
    %add3A_415 = arith.constant 4 : i32
    %add3A_416 = vector.broadcast %add3A_415 : i32 to vector<16xi32>
    %add3A_417 = arith.addi %add3A_414, %add3A_416 : vector<16xi32>
    %swap3A_418 = arith.constant 4 : i32
    %swap3A_419 = arith.index_cast %swap3A_418 : i32 to index
    %swap3A_420 = arith.constant 48 : index
    %swap3A_421 = tpu.vector_load %arg15[%swap3A_419, %swap3A_420] {strides = array<i32>} : memref<5x64xi32, #tpu.memory_space<vmem>>, vector<16xi32>,
    tpu.vector_store %arg15[%swap3A_419, %swap3A_420], %add3A_417 {strides = array<i32>} : memref<5x64xi32, #tpu.memory_space<vmem>>, vector<16xi32>,
    %get3A = arith.constant 0 : index
    %get3A_422 = tpu.vector_load %arg11[%get3A] {strides = array<i32>} : memref<64xi32, #tpu.memory_space<vmem>>, vector<16xi32>,
    %get3A_423 = arith.constant 0 : index
    %get3A_424 = tpu.vector_load %arg12[%get3A_423] {strides = array<i32>} : memref<64xi32, #tpu.memory_space<vmem>>, vector<16xi32>,
    %get3A_425 = arith.constant 0 : index
    %get3A_426 = tpu.vector_load %arg13[%get3A_425] {strides = array<i32>} : memref<64xi32, #tpu.memory_space<vmem>>, vector<16xi32>,
    %eq3A = arith.constant 0 : i32
    %eq3A_427 = vector.broadcast %eq3A : i32 to vector<16xi32>
    %eq3A_428 = arith.cmpi eq, %get3A_424, %eq3A_427 : vector<16xi32>
    %eq3A_429 = arith.constant 1 : i32
    %eq3A_430 = vector.broadcast %eq3A_429 : i32 to vector<16xi32>
    %eq3A_431 = arith.cmpi eq, %get3A_424, %eq3A_430 : vector<16xi32>
    %eq3A_432 = arith.constant 2 : i32
    %eq3A_433 = vector.broadcast %eq3A_432 : i32 to vector<16xi32>
    %eq3A_434 = arith.cmpi eq, %get3A_424, %eq3A_433 : vector<16xi32>
    %eq3A_435 = arith.constant 3 : i32
    %eq3A_436 = vector.broadcast %eq3A_435 : i32 to vector<16xi32>
    %eq3A_437 = arith.cmpi eq, %get3A_424, %eq3A_436 : vector<16xi32>
    %jit3A = arith.constant 64 : i32
    %jit3A_438 = arith.constant 16 : i32
    %broadcast_in_dim3A = vector.broadcast %jit3A : i32 to vector<16xi32>
    %broadcast_in_dim3A_439 = vector.broadcast %jit3A_438 : i32 to vector<16xi32>
    %select_n3A = arith.select %eq3A_437, %broadcast_in_dim3A, %broadcast_in_dim3A_439 : vector<16xi1>, vector<16xi32>
    %jit3A_440 = arith.constant 256 : i32
    %broadcast_in_dim3A_441 = vector.broadcast %jit3A_440 : i32 to vector<16xi32>
    %select_n3A_442 = arith.select %eq3A_434, %broadcast_in_dim3A_441, %select_n3A : vector<16xi1>, vector<16xi32>
    %jit3A_443 = arith.constant 1024 : i32
    %broadcast_in_dim3A_444 = vector.broadcast %jit3A_443 : i32 to vector<16xi32>
    %select_n3A_445 = arith.select %eq3A_431, %broadcast_in_dim3A_444, %select_n3A_442 : vector<16xi1>, vector<16xi32>
    %jit3A_446 = arith.constant 4096 : i32
    %broadcast_in_dim3A_447 = vector.broadcast %jit3A_446 : i32 to vector<16xi32>
    %select_n3A_448 = arith.select %eq3A_428, %broadcast_in_dim3A_447, %select_n3A_445 : vector<16xi1>, vector<16xi32>
    %mul3A_449 = arith.muli %get3A_422, %select_n3A_448 : vector<16xi32>
    %sub3A = arith.constant 1 : i32
    %sub3A_450 = vector.broadcast %sub3A : i32 to vector<16xi32>
    %sub3A_451 = arith.subi %select_n3A_448, %sub3A_450 : vector<16xi32>
    %and3A = arith.andi %get3A_426, %sub3A_451 : vector<16xi32>
    %add3A_452 = arith.addi %mul3A_449, %and3A : vector<16xi32>
    %add3A_453 = arith.constant 0 : i32
    %add3A_454 = arith.addi %mul3A_2, %add3A_453 : i32
    %add3A_455 = vector.broadcast %add3A_454 : i32 to vector<16xi32>
    %add3A_456 = arith.addi %add3A_455, %iota3A : vector<16xi32>
    %eq3A_457 = arith.constant 0 : i32
    %eq3A_458 = vector.broadcast %eq3A_457 : i32 to vector<16xi32>
    %eq3A_459 = arith.cmpi eq, %get3A_424, %eq3A_458 : vector<16xi32>
    %convert_element_type3A = arith.extui %eq3A_459 : vector<16xi1> to vector<16xi32>
    %broadcast_in_dim3A_460 = arith.constant true
    %broadcast_in_dim3A_461 = vector.broadcast %broadcast_in_dim3A_460 : i1 to vector<16xi1>
    %masked_cumsum3A = tpu.scan <sum>, %convert_element_type3A masked %broadcast_in_dim3A_461 : vector<16xi32>, vector<16xi1> -> vector<16xi32>
    %sub3A_462 = arith.constant 1 : i32
    %sub3A_463 = vector.broadcast %sub3A_462 : i32 to vector<16xi32>
    %sub3A_464 = arith.subi %masked_cumsum3A, %sub3A_463 : vector<16xi32>
    %add3A_465 = arith.constant 0 : i32
    %add3A_466 = vector.broadcast %add3A_465 : i32 to vector<16xi32>
    %add3A_467 = arith.addi %sub3A_464, %add3A_466 : vector<16xi32>
    %mul3A_468 = arith.constant 0 : i32
    %mul3A_469 = vector.broadcast %mul3A_468 : i32 to vector<16xi32>
    %mul3A_470 = arith.muli %iota3A, %mul3A_469 : vector<16xi32>
    %add3A_471 = arith.constant 0 : i32
    %add3A_472 = vector.broadcast %add3A_471 : i32 to vector<16xi32>
    %add3A_473 = arith.addi %mul3A_470, %add3A_472 : vector<16xi32>
    tpu.vector_store_idx %arg14[%add3A_473, %add3A_467], %add3A_452 masked %eq3A_459 : memref<5x64xi32, #tpu.memory_space<vmem>>[vector<16xi32>, vector<16xi32>], vector<16xi32>, vector<16xi1>
    tpu.vector_store_idx %arg15[%add3A_473, %add3A_467], %add3A_456 masked %eq3A_459 : memref<5x64xi32, #tpu.memory_space<vmem>>[vector<16xi32>, vector<16xi32>], vector<16xi32>, vector<16xi1>
    %reduce_sum3A = arith.constant true
    %reduce_sum3A_474 = vector.broadcast %reduce_sum3A : i1 to vector<16xi1>
    %reduce_sum3A_475 = tpu.scan <sum>, %convert_element_type3A masked %reduce_sum3A_474 : vector<16xi32>, vector<16xi1> -> vector<16xi32>
    %reduce_sum3A_476 = vector.extract %reduce_sum3A_475[15] : i32 from vector<16xi32>
    %add3A_477 = arith.constant 0 : i32
    %add3A_478 = arith.addi %add3A_477, %reduce_sum3A_476 : i32
    %eq3A_479 = arith.constant 1 : i32
    %eq3A_480 = vector.broadcast %eq3A_479 : i32 to vector<16xi32>
    %eq3A_481 = arith.cmpi eq, %get3A_424, %eq3A_480 : vector<16xi32>
    %convert_element_type3A_482 = arith.extui %eq3A_481 : vector<16xi1> to vector<16xi32>
    %broadcast_in_dim3A_483 = arith.constant true
    %broadcast_in_dim3A_484 = vector.broadcast %broadcast_in_dim3A_483 : i1 to vector<16xi1>
    %masked_cumsum3A_485 = tpu.scan <sum>, %convert_element_type3A_482 masked %broadcast_in_dim3A_484 : vector<16xi32>, vector<16xi1> -> vector<16xi32>
    %sub3A_486 = arith.constant 1 : i32
    %sub3A_487 = vector.broadcast %sub3A_486 : i32 to vector<16xi32>
    %sub3A_488 = arith.subi %masked_cumsum3A_485, %sub3A_487 : vector<16xi32>
    %add3A_489 = arith.constant 0 : i32
    %add3A_490 = vector.broadcast %add3A_489 : i32 to vector<16xi32>
    %add3A_491 = arith.addi %sub3A_488, %add3A_490 : vector<16xi32>
    %mul3A_492 = arith.constant 0 : i32
    %mul3A_493 = vector.broadcast %mul3A_492 : i32 to vector<16xi32>
    %mul3A_494 = arith.muli %iota3A, %mul3A_493 : vector<16xi32>
    %add3A_495 = arith.constant 1 : i32
    %add3A_496 = vector.broadcast %add3A_495 : i32 to vector<16xi32>
    %add3A_497 = arith.addi %mul3A_494, %add3A_496 : vector<16xi32>
    tpu.vector_store_idx %arg14[%add3A_497, %add3A_491], %add3A_452 masked %eq3A_481 : memref<5x64xi32, #tpu.memory_space<vmem>>[vector<16xi32>, vector<16xi32>], vector<16xi32>, vector<16xi1>
    tpu.vector_store_idx %arg15[%add3A_497, %add3A_491], %add3A_456 masked %eq3A_481 : memref<5x64xi32, #tpu.memory_space<vmem>>[vector<16xi32>, vector<16xi32>], vector<16xi32>, vector<16xi1>
    %reduce_sum3A_498 = arith.constant true
    %reduce_sum3A_499 = vector.broadcast %reduce_sum3A_498 : i1 to vector<16xi1>
    %reduce_sum3A_500 = tpu.scan <sum>, %convert_element_type3A_482 masked %reduce_sum3A_499 : vector<16xi32>, vector<16xi1> -> vector<16xi32>
    %reduce_sum3A_501 = vector.extract %reduce_sum3A_500[15] : i32 from vector<16xi32>
    %add3A_502 = arith.constant 0 : i32
    %add3A_503 = arith.addi %add3A_502, %reduce_sum3A_501 : i32
    %eq3A_504 = arith.constant 2 : i32
    %eq3A_505 = vector.broadcast %eq3A_504 : i32 to vector<16xi32>
    %eq3A_506 = arith.cmpi eq, %get3A_424, %eq3A_505 : vector<16xi32>
    %convert_element_type3A_507 = arith.extui %eq3A_506 : vector<16xi1> to vector<16xi32>
    %broadcast_in_dim3A_508 = arith.constant true
    %broadcast_in_dim3A_509 = vector.broadcast %broadcast_in_dim3A_508 : i1 to vector<16xi1>
    %masked_cumsum3A_510 = tpu.scan <sum>, %convert_element_type3A_507 masked %broadcast_in_dim3A_509 : vector<16xi32>, vector<16xi1> -> vector<16xi32>
    %sub3A_511 = arith.constant 1 : i32
    %sub3A_512 = vector.broadcast %sub3A_511 : i32 to vector<16xi32>
    %sub3A_513 = arith.subi %masked_cumsum3A_510, %sub3A_512 : vector<16xi32>
    %add3A_514 = arith.constant 0 : i32
    %add3A_515 = vector.broadcast %add3A_514 : i32 to vector<16xi32>
    %add3A_516 = arith.addi %sub3A_513, %add3A_515 : vector<16xi32>
    %mul3A_517 = arith.constant 0 : i32
    %mul3A_518 = vector.broadcast %mul3A_517 : i32 to vector<16xi32>
    %mul3A_519 = arith.muli %iota3A, %mul3A_518 : vector<16xi32>
    %add3A_520 = arith.constant 2 : i32
    %add3A_521 = vector.broadcast %add3A_520 : i32 to vector<16xi32>
    %add3A_522 = arith.addi %mul3A_519, %add3A_521 : vector<16xi32>
    tpu.vector_store_idx %arg14[%add3A_522, %add3A_516], %add3A_452 masked %eq3A_506 : memref<5x64xi32, #tpu.memory_space<vmem>>[vector<16xi32>, vector<16xi32>], vector<16xi32>, vector<16xi1>
    tpu.vector_store_idx %arg15[%add3A_522, %add3A_516], %add3A_456 masked %eq3A_506 : memref<5x64xi32, #tpu.memory_space<vmem>>[vector<16xi32>, vector<16xi32>], vector<16xi32>, vector<16xi1>
    %reduce_sum3A_523 = arith.constant true
    %reduce_sum3A_524 = vector.broadcast %reduce_sum3A_523 : i1 to vector<16xi1>
    %reduce_sum3A_525 = tpu.scan <sum>, %convert_element_type3A_507 masked %reduce_sum3A_524 : vector<16xi32>, vector<16xi1> -> vector<16xi32>
    %reduce_sum3A_526 = vector.extract %reduce_sum3A_525[15] : i32 from vector<16xi32>
    %add3A_527 = arith.constant 0 : i32
    %add3A_528 = arith.addi %add3A_527, %reduce_sum3A_526 : i32
    %eq3A_529 = arith.constant 3 : i32
    %eq3A_530 = vector.broadcast %eq3A_529 : i32 to vector<16xi32>
    %eq3A_531 = arith.cmpi eq, %get3A_424, %eq3A_530 : vector<16xi32>
    %convert_element_type3A_532 = arith.extui %eq3A_531 : vector<16xi1> to vector<16xi32>
    %broadcast_in_dim3A_533 = arith.constant true
    %broadcast_in_dim3A_534 = vector.broadcast %broadcast_in_dim3A_533 : i1 to vector<16xi1>
    %masked_cumsum3A_535 = tpu.scan <sum>, %convert_element_type3A_532 masked %broadcast_in_dim3A_534 : vector<16xi32>, vector<16xi1> -> vector<16xi32>
    %sub3A_536 = arith.constant 1 : i32
    %sub3A_537 = vector.broadcast %sub3A_536 : i32 to vector<16xi32>
    %sub3A_538 = arith.subi %masked_cumsum3A_535, %sub3A_537 : vector<16xi32>
    %add3A_539 = arith.constant 0 : i32
    %add3A_540 = vector.broadcast %add3A_539 : i32 to vector<16xi32>
    %add3A_541 = arith.addi %sub3A_538, %add3A_540 : vector<16xi32>
    %mul3A_542 = arith.constant 0 : i32
    %mul3A_543 = vector.broadcast %mul3A_542 : i32 to vector<16xi32>
    %mul3A_544 = arith.muli %iota3A, %mul3A_543 : vector<16xi32>
    %add3A_545 = arith.constant 3 : i32
    %add3A_546 = vector.broadcast %add3A_545 : i32 to vector<16xi32>
    %add3A_547 = arith.addi %mul3A_544, %add3A_546 : vector<16xi32>
    tpu.vector_store_idx %arg14[%add3A_547, %add3A_541], %add3A_452 masked %eq3A_531 : memref<5x64xi32, #tpu.memory_space<vmem>>[vector<16xi32>, vector<16xi32>], vector<16xi32>, vector<16xi1>
    tpu.vector_store_idx %arg15[%add3A_547, %add3A_541], %add3A_456 masked %eq3A_531 : memref<5x64xi32, #tpu.memory_space<vmem>>[vector<16xi32>, vector<16xi32>], vector<16xi32>, vector<16xi1>
    %reduce_sum3A_548 = arith.constant true
    %reduce_sum3A_549 = vector.broadcast %reduce_sum3A_548 : i1 to vector<16xi1>
    %reduce_sum3A_550 = tpu.scan <sum>, %convert_element_type3A_532 masked %reduce_sum3A_549 : vector<16xi32>, vector<16xi1> -> vector<16xi32>
    %reduce_sum3A_551 = vector.extract %reduce_sum3A_550[15] : i32 from vector<16xi32>
    %add3A_552 = arith.constant 0 : i32
    %add3A_553 = arith.addi %add3A_552, %reduce_sum3A_551 : i32
    %eq3A_554 = arith.constant 4 : i32
    %eq3A_555 = vector.broadcast %eq3A_554 : i32 to vector<16xi32>
    %eq3A_556 = arith.cmpi eq, %get3A_424, %eq3A_555 : vector<16xi32>
    %convert_element_type3A_557 = arith.extui %eq3A_556 : vector<16xi1> to vector<16xi32>
    %broadcast_in_dim3A_558 = arith.constant true
    %broadcast_in_dim3A_559 = vector.broadcast %broadcast_in_dim3A_558 : i1 to vector<16xi1>
    %masked_cumsum3A_560 = tpu.scan <sum>, %convert_element_type3A_557 masked %broadcast_in_dim3A_559 : vector<16xi32>, vector<16xi1> -> vector<16xi32>
    %sub3A_561 = arith.constant 1 : i32
    %sub3A_562 = vector.broadcast %sub3A_561 : i32 to vector<16xi32>
    %sub3A_563 = arith.subi %masked_cumsum3A_560, %sub3A_562 : vector<16xi32>
    %add3A_564 = arith.constant 0 : i32
    %add3A_565 = vector.broadcast %add3A_564 : i32 to vector<16xi32>
    %add3A_566 = arith.addi %sub3A_563, %add3A_565 : vector<16xi32>
    %mul3A_567 = arith.constant 0 : i32
    %mul3A_568 = vector.broadcast %mul3A_567 : i32 to vector<16xi32>
    %mul3A_569 = arith.muli %iota3A, %mul3A_568 : vector<16xi32>
    %add3A_570 = arith.constant 4 : i32
    %add3A_571 = vector.broadcast %add3A_570 : i32 to vector<16xi32>
    %add3A_572 = arith.addi %mul3A_569, %add3A_571 : vector<16xi32>
    tpu.vector_store_idx %arg14[%add3A_572, %add3A_566], %add3A_452 masked %eq3A_556 : memref<5x64xi32, #tpu.memory_space<vmem>>[vector<16xi32>, vector<16xi32>], vector<16xi32>, vector<16xi1>
    tpu.vector_store_idx %arg15[%add3A_572, %add3A_566], %add3A_456 masked %eq3A_556 : memref<5x64xi32, #tpu.memory_space<vmem>>[vector<16xi32>, vector<16xi32>], vector<16xi32>, vector<16xi1>
    %reduce_sum3A_573 = arith.constant true
    %reduce_sum3A_574 = vector.broadcast %reduce_sum3A_573 : i1 to vector<16xi1>
    %reduce_sum3A_575 = tpu.scan <sum>, %convert_element_type3A_557 masked %reduce_sum3A_574 : vector<16xi32>, vector<16xi1> -> vector<16xi32>
    %reduce_sum3A_576 = vector.extract %reduce_sum3A_575[15] : i32 from vector<16xi32>
    %add3A_577 = arith.constant 0 : i32
    %add3A_578 = arith.addi %add3A_577, %reduce_sum3A_576 : i32
    %get3A_579 = arith.constant 16 : index
    %get3A_580 = tpu.vector_load %arg11[%get3A_579] {strides = array<i32>} : memref<64xi32, #tpu.memory_space<vmem>>, vector<16xi32>,
    %get3A_581 = arith.constant 16 : index
    %get3A_582 = tpu.vector_load %arg12[%get3A_581] {strides = array<i32>} : memref<64xi32, #tpu.memory_space<vmem>>, vector<16xi32>,
    %get3A_583 = arith.constant 16 : index
    %get3A_584 = tpu.vector_load %arg13[%get3A_583] {strides = array<i32>} : memref<64xi32, #tpu.memory_space<vmem>>, vector<16xi32>,
    %eq3A_585 = arith.constant 0 : i32
    %eq3A_586 = vector.broadcast %eq3A_585 : i32 to vector<16xi32>
    %eq3A_587 = arith.cmpi eq, %get3A_582, %eq3A_586 : vector<16xi32>
    %eq3A_588 = arith.constant 1 : i32
    %eq3A_589 = vector.broadcast %eq3A_588 : i32 to vector<16xi32>
    %eq3A_590 = arith.cmpi eq, %get3A_582, %eq3A_589 : vector<16xi32>
    %eq3A_591 = arith.constant 2 : i32
    %eq3A_592 = vector.broadcast %eq3A_591 : i32 to vector<16xi32>
    %eq3A_593 = arith.cmpi eq, %get3A_582, %eq3A_592 : vector<16xi32>
    %eq3A_594 = arith.constant 3 : i32
    %eq3A_595 = vector.broadcast %eq3A_594 : i32 to vector<16xi32>
    %eq3A_596 = arith.cmpi eq, %get3A_582, %eq3A_595 : vector<16xi32>
    %jit3A_597 = arith.constant 64 : i32
    %jit3A_598 = arith.constant 16 : i32
    %broadcast_in_dim3A_599 = vector.broadcast %jit3A_597 : i32 to vector<16xi32>
    %broadcast_in_dim3A_600 = vector.broadcast %jit3A_598 : i32 to vector<16xi32>
    %select_n3A_601 = arith.select %eq3A_596, %broadcast_in_dim3A_599, %broadcast_in_dim3A_600 : vector<16xi1>, vector<16xi32>
    %jit3A_602 = arith.constant 256 : i32
    %broadcast_in_dim3A_603 = vector.broadcast %jit3A_602 : i32 to vector<16xi32>
    %select_n3A_604 = arith.select %eq3A_593, %broadcast_in_dim3A_603, %select_n3A_601 : vector<16xi1>, vector<16xi32>
    %jit3A_605 = arith.constant 1024 : i32
    %broadcast_in_dim3A_606 = vector.broadcast %jit3A_605 : i32 to vector<16xi32>
    %select_n3A_607 = arith.select %eq3A_590, %broadcast_in_dim3A_606, %select_n3A_604 : vector<16xi1>, vector<16xi32>
    %jit3A_608 = arith.constant 4096 : i32
    %broadcast_in_dim3A_609 = vector.broadcast %jit3A_608 : i32 to vector<16xi32>
    %select_n3A_610 = arith.select %eq3A_587, %broadcast_in_dim3A_609, %select_n3A_607 : vector<16xi1>, vector<16xi32>
    %mul3A_611 = arith.muli %get3A_580, %select_n3A_610 : vector<16xi32>
    %sub3A_612 = arith.constant 1 : i32
    %sub3A_613 = vector.broadcast %sub3A_612 : i32 to vector<16xi32>
    %sub3A_614 = arith.subi %select_n3A_610, %sub3A_613 : vector<16xi32>
    %and3A_615 = arith.andi %get3A_584, %sub3A_614 : vector<16xi32>
    %add3A_616 = arith.addi %mul3A_611, %and3A_615 : vector<16xi32>
    %add3A_617 = arith.constant 16 : i32
    %add3A_618 = arith.addi %mul3A_2, %add3A_617 : i32
    %add3A_619 = vector.broadcast %add3A_618 : i32 to vector<16xi32>
    %add3A_620 = arith.addi %add3A_619, %iota3A : vector<16xi32>
    %eq3A_621 = arith.constant 0 : i32
    %eq3A_622 = vector.broadcast %eq3A_621 : i32 to vector<16xi32>
    %eq3A_623 = arith.cmpi eq, %get3A_582, %eq3A_622 : vector<16xi32>
    %convert_element_type3A_624 = arith.extui %eq3A_623 : vector<16xi1> to vector<16xi32>
    %broadcast_in_dim3A_625 = arith.constant true
    %broadcast_in_dim3A_626 = vector.broadcast %broadcast_in_dim3A_625 : i1 to vector<16xi1>
    %masked_cumsum3A_627 = tpu.scan <sum>, %convert_element_type3A_624 masked %broadcast_in_dim3A_626 : vector<16xi32>, vector<16xi1> -> vector<16xi32>
    %sub3A_628 = arith.constant 1 : i32
    %sub3A_629 = vector.broadcast %sub3A_628 : i32 to vector<16xi32>
    %sub3A_630 = arith.subi %masked_cumsum3A_627, %sub3A_629 : vector<16xi32>
    %add3A_631 = vector.broadcast %add3A_478 : i32 to vector<16xi32>
    %add3A_632 = arith.addi %sub3A_630, %add3A_631 : vector<16xi32>
    %mul3A_633 = arith.constant 0 : i32
    %mul3A_634 = vector.broadcast %mul3A_633 : i32 to vector<16xi32>
    %mul3A_635 = arith.muli %iota3A, %mul3A_634 : vector<16xi32>
    %add3A_636 = arith.constant 0 : i32
    %add3A_637 = vector.broadcast %add3A_636 : i32 to vector<16xi32>
    %add3A_638 = arith.addi %mul3A_635, %add3A_637 : vector<16xi32>
    tpu.vector_store_idx %arg14[%add3A_638, %add3A_632], %add3A_616 masked %eq3A_623 : memref<5x64xi32, #tpu.memory_space<vmem>>[vector<16xi32>, vector<16xi32>], vector<16xi32>, vector<16xi1>
    tpu.vector_store_idx %arg15[%add3A_638, %add3A_632], %add3A_620 masked %eq3A_623 : memref<5x64xi32, #tpu.memory_space<vmem>>[vector<16xi32>, vector<16xi32>], vector<16xi32>, vector<16xi1>
    %reduce_sum3A_639 = arith.constant true
    %reduce_sum3A_640 = vector.broadcast %reduce_sum3A_639 : i1 to vector<16xi1>
    %reduce_sum3A_641 = tpu.scan <sum>, %convert_element_type3A_624 masked %reduce_sum3A_640 : vector<16xi32>, vector<16xi1> -> vector<16xi32>
    %reduce_sum3A_642 = vector.extract %reduce_sum3A_641[15] : i32 from vector<16xi32>
    %add3A_643 = arith.addi %add3A_478, %reduce_sum3A_642 : i32
    %eq3A_644 = arith.constant 1 : i32
    %eq3A_645 = vector.broadcast %eq3A_644 : i32 to vector<16xi32>
    %eq3A_646 = arith.cmpi eq, %get3A_582, %eq3A_645 : vector<16xi32>
    %convert_element_type3A_647 = arith.extui %eq3A_646 : vector<16xi1> to vector<16xi32>
    %broadcast_in_dim3A_648 = arith.constant true
    %broadcast_in_dim3A_649 = vector.broadcast %broadcast_in_dim3A_648 : i1 to vector<16xi1>
    %masked_cumsum3A_650 = tpu.scan <sum>, %convert_element_type3A_647 masked %broadcast_in_dim3A_649 : vector<16xi32>, vector<16xi1> -> vector<16xi32>
    %sub3A_651 = arith.constant 1 : i32
    %sub3A_652 = vector.broadcast %sub3A_651 : i32 to vector<16xi32>
    %sub3A_653 = arith.subi %masked_cumsum3A_650, %sub3A_652 : vector<16xi32>
    %add3A_654 = vector.broadcast %add3A_503 : i32 to vector<16xi32>
    %add3A_655 = arith.addi %sub3A_653, %add3A_654 : vector<16xi32>
    %mul3A_656 = arith.constant 0 : i32
    %mul3A_657 = vector.broadcast %mul3A_656 : i32 to vector<16xi32>
    %mul3A_658 = arith.muli %iota3A, %mul3A_657 : vector<16xi32>
    %add3A_659 = arith.constant 1 : i32
    %add3A_660 = vector.broadcast %add3A_659 : i32 to vector<16xi32>
    %add3A_661 = arith.addi %mul3A_658, %add3A_660 : vector<16xi32>
    tpu.vector_store_idx %arg14[%add3A_661, %add3A_655], %add3A_616 masked %eq3A_646 : memref<5x64xi32, #tpu.memory_space<vmem>>[vector<16xi32>, vector<16xi32>], vector<16xi32>, vector<16xi1>
    tpu.vector_store_idx %arg15[%add3A_661, %add3A_655], %add3A_620 masked %eq3A_646 : memref<5x64xi32, #tpu.memory_space<vmem>>[vector<16xi32>, vector<16xi32>], vector<16xi32>, vector<16xi1>
    %reduce_sum3A_662 = arith.constant true
    %reduce_sum3A_663 = vector.broadcast %reduce_sum3A_662 : i1 to vector<16xi1>
    %reduce_sum3A_664 = tpu.scan <sum>, %convert_element_type3A_647 masked %reduce_sum3A_663 : vector<16xi32>, vector<16xi1> -> vector<16xi32>
    %reduce_sum3A_665 = vector.extract %reduce_sum3A_664[15] : i32 from vector<16xi32>
    %add3A_666 = arith.addi %add3A_503, %reduce_sum3A_665 : i32
    %eq3A_667 = arith.constant 2 : i32
    %eq3A_668 = vector.broadcast %eq3A_667 : i32 to vector<16xi32>
    %eq3A_669 = arith.cmpi eq, %get3A_582, %eq3A_668 : vector<16xi32>
    %convert_element_type3A_670 = arith.extui %eq3A_669 : vector<16xi1> to vector<16xi32>
    %broadcast_in_dim3A_671 = arith.constant true
    %broadcast_in_dim3A_672 = vector.broadcast %broadcast_in_dim3A_671 : i1 to vector<16xi1>
    %masked_cumsum3A_673 = tpu.scan <sum>, %convert_element_type3A_670 masked %broadcast_in_dim3A_672 : vector<16xi32>, vector<16xi1> -> vector<16xi32>
    %sub3A_674 = arith.constant 1 : i32
    %sub3A_675 = vector.broadcast %sub3A_674 : i32 to vector<16xi32>
    %sub3A_676 = arith.subi %masked_cumsum3A_673, %sub3A_675 : vector<16xi32>
    %add3A_677 = vector.broadcast %add3A_528 : i32 to vector<16xi32>
    %add3A_678 = arith.addi %sub3A_676, %add3A_677 : vector<16xi32>
    %mul3A_679 = arith.constant 0 : i32
    %mul3A_680 = vector.broadcast %mul3A_679 : i32 to vector<16xi32>
    %mul3A_681 = arith.muli %iota3A, %mul3A_680 : vector<16xi32>
    %add3A_682 = arith.constant 2 : i32
    %add3A_683 = vector.broadcast %add3A_682 : i32 to vector<16xi32>
    %add3A_684 = arith.addi %mul3A_681, %add3A_683 : vector<16xi32>
    tpu.vector_store_idx %arg14[%add3A_684, %add3A_678], %add3A_616 masked %eq3A_669 : memref<5x64xi32, #tpu.memory_space<vmem>>[vector<16xi32>, vector<16xi32>], vector<16xi32>, vector<16xi1>
    tpu.vector_store_idx %arg15[%add3A_684, %add3A_678], %add3A_620 masked %eq3A_669 : memref<5x64xi32, #tpu.memory_space<vmem>>[vector<16xi32>, vector<16xi32>], vector<16xi32>, vector<16xi1>
    %reduce_sum3A_685 = arith.constant true
    %reduce_sum3A_686 = vector.broadcast %reduce_sum3A_685 : i1 to vector<16xi1>
    %reduce_sum3A_687 = tpu.scan <sum>, %convert_element_type3A_670 masked %reduce_sum3A_686 : vector<16xi32>, vector<16xi1> -> vector<16xi32>
    %reduce_sum3A_688 = vector.extract %reduce_sum3A_687[15] : i32 from vector<16xi32>
    %add3A_689 = arith.addi %add3A_528, %reduce_sum3A_688 : i32
    %eq3A_690 = arith.constant 3 : i32
    %eq3A_691 = vector.broadcast %eq3A_690 : i32 to vector<16xi32>
    %eq3A_692 = arith.cmpi eq, %get3A_582, %eq3A_691 : vector<16xi32>
    %convert_element_type3A_693 = arith.extui %eq3A_692 : vector<16xi1> to vector<16xi32>
    %broadcast_in_dim3A_694 = arith.constant true
    %broadcast_in_dim3A_695 = vector.broadcast %broadcast_in_dim3A_694 : i1 to vector<16xi1>
    %masked_cumsum3A_696 = tpu.scan <sum>, %convert_element_type3A_693 masked %broadcast_in_dim3A_695 : vector<16xi32>, vector<16xi1> -> vector<16xi32>
    %sub3A_697 = arith.constant 1 : i32
    %sub3A_698 = vector.broadcast %sub3A_697 : i32 to vector<16xi32>
    %sub3A_699 = arith.subi %masked_cumsum3A_696, %sub3A_698 : vector<16xi32>
    %add3A_700 = vector.broadcast %add3A_553 : i32 to vector<16xi32>
    %add3A_701 = arith.addi %sub3A_699, %add3A_700 : vector<16xi32>
    %mul3A_702 = arith.constant 0 : i32
    %mul3A_703 = vector.broadcast %mul3A_702 : i32 to vector<16xi32>
    %mul3A_704 = arith.muli %iota3A, %mul3A_703 : vector<16xi32>
    %add3A_705 = arith.constant 3 : i32
    %add3A_706 = vector.broadcast %add3A_705 : i32 to vector<16xi32>
    %add3A_707 = arith.addi %mul3A_704, %add3A_706 : vector<16xi32>
    tpu.vector_store_idx %arg14[%add3A_707, %add3A_701], %add3A_616 masked %eq3A_692 : memref<5x64xi32, #tpu.memory_space<vmem>>[vector<16xi32>, vector<16xi32>], vector<16xi32>, vector<16xi1>
    tpu.vector_store_idx %arg15[%add3A_707, %add3A_701], %add3A_620 masked %eq3A_692 : memref<5x64xi32, #tpu.memory_space<vmem>>[vector<16xi32>, vector<16xi32>], vector<16xi32>, vector<16xi1>
    %reduce_sum3A_708 = arith.constant true
    %reduce_sum3A_709 = vector.broadcast %reduce_sum3A_708 : i1 to vector<16xi1>
    %reduce_sum3A_710 = tpu.scan <sum>, %convert_element_type3A_693 masked %reduce_sum3A_709 : vector<16xi32>, vector<16xi1> -> vector<16xi32>
    %reduce_sum3A_711 = vector.extract %reduce_sum3A_710[15] : i32 from vector<16xi32>
    %add3A_712 = arith.addi %add3A_553, %reduce_sum3A_711 : i32
    %eq3A_713 = arith.constant 4 : i32
    %eq3A_714 = vector.broadcast %eq3A_713 : i32 to vector<16xi32>
    %eq3A_715 = arith.cmpi eq, %get3A_582, %eq3A_714 : vector<16xi32>
    %convert_element_type3A_716 = arith.extui %eq3A_715 : vector<16xi1> to vector<16xi32>
    %broadcast_in_dim3A_717 = arith.constant true
    %broadcast_in_dim3A_718 = vector.broadcast %broadcast_in_dim3A_717 : i1 to vector<16xi1>
    %masked_cumsum3A_719 = tpu.scan <sum>, %convert_element_type3A_716 masked %broadcast_in_dim3A_718 : vector<16xi32>, vector<16xi1> -> vector<16xi32>
    %sub3A_720 = arith.constant 1 : i32
    %sub3A_721 = vector.broadcast %sub3A_720 : i32 to vector<16xi32>
    %sub3A_722 = arith.subi %masked_cumsum3A_719, %sub3A_721 : vector<16xi32>
    %add3A_723 = vector.broadcast %add3A_578 : i32 to vector<16xi32>
    %add3A_724 = arith.addi %sub3A_722, %add3A_723 : vector<16xi32>
    %mul3A_725 = arith.constant 0 : i32
    %mul3A_726 = vector.broadcast %mul3A_725 : i32 to vector<16xi32>
    %mul3A_727 = arith.muli %iota3A, %mul3A_726 : vector<16xi32>
    %add3A_728 = arith.constant 4 : i32
    %add3A_729 = vector.broadcast %add3A_728 : i32 to vector<16xi32>
    %add3A_730 = arith.addi %mul3A_727, %add3A_729 : vector<16xi32>
    tpu.vector_store_idx %arg14[%add3A_730, %add3A_724], %add3A_616 masked %eq3A_715 : memref<5x64xi32, #tpu.memory_space<vmem>>[vector<16xi32>, vector<16xi32>], vector<16xi32>, vector<16xi1>
    tpu.vector_store_idx %arg15[%add3A_730, %add3A_724], %add3A_620 masked %eq3A_715 : memref<5x64xi32, #tpu.memory_space<vmem>>[vector<16xi32>, vector<16xi32>], vector<16xi32>, vector<16xi1>
    %reduce_sum3A_731 = arith.constant true
    %reduce_sum3A_732 = vector.broadcast %reduce_sum3A_731 : i1 to vector<16xi1>
    %reduce_sum3A_733 = tpu.scan <sum>, %convert_element_type3A_716 masked %reduce_sum3A_732 : vector<16xi32>, vector<16xi1> -> vector<16xi32>
    %reduce_sum3A_734 = vector.extract %reduce_sum3A_733[15] : i32 from vector<16xi32>
    %add3A_735 = arith.addi %add3A_578, %reduce_sum3A_734 : i32
    %get3A_736 = arith.constant 32 : index
    %get3A_737 = tpu.vector_load %arg11[%get3A_736] {strides = array<i32>} : memref<64xi32, #tpu.memory_space<vmem>>, vector<16xi32>,
    %get3A_738 = arith.constant 32 : index
    %get3A_739 = tpu.vector_load %arg12[%get3A_738] {strides = array<i32>} : memref<64xi32, #tpu.memory_space<vmem>>, vector<16xi32>,
    %get3A_740 = arith.constant 32 : index
    %get3A_741 = tpu.vector_load %arg13[%get3A_740] {strides = array<i32>} : memref<64xi32, #tpu.memory_space<vmem>>, vector<16xi32>,
    %eq3A_742 = arith.constant 0 : i32
    %eq3A_743 = vector.broadcast %eq3A_742 : i32 to vector<16xi32>
    %eq3A_744 = arith.cmpi eq, %get3A_739, %eq3A_743 : vector<16xi32>
    %eq3A_745 = arith.constant 1 : i32
    %eq3A_746 = vector.broadcast %eq3A_745 : i32 to vector<16xi32>
    %eq3A_747 = arith.cmpi eq, %get3A_739, %eq3A_746 : vector<16xi32>
    %eq3A_748 = arith.constant 2 : i32
    %eq3A_749 = vector.broadcast %eq3A_748 : i32 to vector<16xi32>
    %eq3A_750 = arith.cmpi eq, %get3A_739, %eq3A_749 : vector<16xi32>
    %eq3A_751 = arith.constant 3 : i32
    %eq3A_752 = vector.broadcast %eq3A_751 : i32 to vector<16xi32>
    %eq3A_753 = arith.cmpi eq, %get3A_739, %eq3A_752 : vector<16xi32>
    %jit3A_754 = arith.constant 64 : i32
    %jit3A_755 = arith.constant 16 : i32
    %broadcast_in_dim3A_756 = vector.broadcast %jit3A_754 : i32 to vector<16xi32>
    %broadcast_in_dim3A_757 = vector.broadcast %jit3A_755 : i32 to vector<16xi32>
    %select_n3A_758 = arith.select %eq3A_753, %broadcast_in_dim3A_756, %broadcast_in_dim3A_757 : vector<16xi1>, vector<16xi32>
    %jit3A_759 = arith.constant 256 : i32
    %broadcast_in_dim3A_760 = vector.broadcast %jit3A_759 : i32 to vector<16xi32>
    %select_n3A_761 = arith.select %eq3A_750, %broadcast_in_dim3A_760, %select_n3A_758 : vector<16xi1>, vector<16xi32>
    %jit3A_762 = arith.constant 1024 : i32
    %broadcast_in_dim3A_763 = vector.broadcast %jit3A_762 : i32 to vector<16xi32>
    %select_n3A_764 = arith.select %eq3A_747, %broadcast_in_dim3A_763, %select_n3A_761 : vector<16xi1>, vector<16xi32>
    %jit3A_765 = arith.constant 4096 : i32
    %broadcast_in_dim3A_766 = vector.broadcast %jit3A_765 : i32 to vector<16xi32>
    %select_n3A_767 = arith.select %eq3A_744, %broadcast_in_dim3A_766, %select_n3A_764 : vector<16xi1>, vector<16xi32>
    %mul3A_768 = arith.muli %get3A_737, %select_n3A_767 : vector<16xi32>
    %sub3A_769 = arith.constant 1 : i32
    %sub3A_770 = vector.broadcast %sub3A_769 : i32 to vector<16xi32>
    %sub3A_771 = arith.subi %select_n3A_767, %sub3A_770 : vector<16xi32>
    %and3A_772 = arith.andi %get3A_741, %sub3A_771 : vector<16xi32>
    %add3A_773 = arith.addi %mul3A_768, %and3A_772 : vector<16xi32>
    %add3A_774 = arith.constant 32 : i32
    %add3A_775 = arith.addi %mul3A_2, %add3A_774 : i32
    %add3A_776 = vector.broadcast %add3A_775 : i32 to vector<16xi32>
    %add3A_777 = arith.addi %add3A_776, %iota3A : vector<16xi32>
    %eq3A_778 = arith.constant 0 : i32
    %eq3A_779 = vector.broadcast %eq3A_778 : i32 to vector<16xi32>
    %eq3A_780 = arith.cmpi eq, %get3A_739, %eq3A_779 : vector<16xi32>
    %convert_element_type3A_781 = arith.extui %eq3A_780 : vector<16xi1> to vector<16xi32>
    %broadcast_in_dim3A_782 = arith.constant true
    %broadcast_in_dim3A_783 = vector.broadcast %broadcast_in_dim3A_782 : i1 to vector<16xi1>
    %masked_cumsum3A_784 = tpu.scan <sum>, %convert_element_type3A_781 masked %broadcast_in_dim3A_783 : vector<16xi32>, vector<16xi1> -> vector<16xi32>
    %sub3A_785 = arith.constant 1 : i32
    %sub3A_786 = vector.broadcast %sub3A_785 : i32 to vector<16xi32>
    %sub3A_787 = arith.subi %masked_cumsum3A_784, %sub3A_786 : vector<16xi32>
    %add3A_788 = vector.broadcast %add3A_643 : i32 to vector<16xi32>
    %add3A_789 = arith.addi %sub3A_787, %add3A_788 : vector<16xi32>
    %mul3A_790 = arith.constant 0 : i32
    %mul3A_791 = vector.broadcast %mul3A_790 : i32 to vector<16xi32>
    %mul3A_792 = arith.muli %iota3A, %mul3A_791 : vector<16xi32>
    %add3A_793 = arith.constant 0 : i32
    %add3A_794 = vector.broadcast %add3A_793 : i32 to vector<16xi32>
    %add3A_795 = arith.addi %mul3A_792, %add3A_794 : vector<16xi32>
    tpu.vector_store_idx %arg14[%add3A_795, %add3A_789], %add3A_773 masked %eq3A_780 : memref<5x64xi32, #tpu.memory_space<vmem>>[vector<16xi32>, vector<16xi32>], vector<16xi32>, vector<16xi1>
    tpu.vector_store_idx %arg15[%add3A_795, %add3A_789], %add3A_777 masked %eq3A_780 : memref<5x64xi32, #tpu.memory_space<vmem>>[vector<16xi32>, vector<16xi32>], vector<16xi32>, vector<16xi1>
    %reduce_sum3A_796 = arith.constant true
    %reduce_sum3A_797 = vector.broadcast %reduce_sum3A_796 : i1 to vector<16xi1>
    %reduce_sum3A_798 = tpu.scan <sum>, %convert_element_type3A_781 masked %reduce_sum3A_797 : vector<16xi32>, vector<16xi1> -> vector<16xi32>
    %reduce_sum3A_799 = vector.extract %reduce_sum3A_798[15] : i32 from vector<16xi32>
    %add3A_800 = arith.addi %add3A_643, %reduce_sum3A_799 : i32
    %eq3A_801 = arith.constant 1 : i32
    %eq3A_802 = vector.broadcast %eq3A_801 : i32 to vector<16xi32>
    %eq3A_803 = arith.cmpi eq, %get3A_739, %eq3A_802 : vector<16xi32>
    %convert_element_type3A_804 = arith.extui %eq3A_803 : vector<16xi1> to vector<16xi32>
    %broadcast_in_dim3A_805 = arith.constant true
    %broadcast_in_dim3A_806 = vector.broadcast %broadcast_in_dim3A_805 : i1 to vector<16xi1>
    %masked_cumsum3A_807 = tpu.scan <sum>, %convert_element_type3A_804 masked %broadcast_in_dim3A_806 : vector<16xi32>, vector<16xi1> -> vector<16xi32>
    %sub3A_808 = arith.constant 1 : i32
    %sub3A_809 = vector.broadcast %sub3A_808 : i32 to vector<16xi32>
    %sub3A_810 = arith.subi %masked_cumsum3A_807, %sub3A_809 : vector<16xi32>
    %add3A_811 = vector.broadcast %add3A_666 : i32 to vector<16xi32>
    %add3A_812 = arith.addi %sub3A_810, %add3A_811 : vector<16xi32>
    %mul3A_813 = arith.constant 0 : i32
    %mul3A_814 = vector.broadcast %mul3A_813 : i32 to vector<16xi32>
    %mul3A_815 = arith.muli %iota3A, %mul3A_814 : vector<16xi32>
    %add3A_816 = arith.constant 1 : i32
    %add3A_817 = vector.broadcast %add3A_816 : i32 to vector<16xi32>
    %add3A_818 = arith.addi %mul3A_815, %add3A_817 : vector<16xi32>
    tpu.vector_store_idx %arg14[%add3A_818, %add3A_812], %add3A_773 masked %eq3A_803 : memref<5x64xi32, #tpu.memory_space<vmem>>[vector<16xi32>, vector<16xi32>], vector<16xi32>, vector<16xi1>
    tpu.vector_store_idx %arg15[%add3A_818, %add3A_812], %add3A_777 masked %eq3A_803 : memref<5x64xi32, #tpu.memory_space<vmem>>[vector<16xi32>, vector<16xi32>], vector<16xi32>, vector<16xi1>
    %reduce_sum3A_819 = arith.constant true
    %reduce_sum3A_820 = vector.broadcast %reduce_sum3A_819 : i1 to vector<16xi1>
    %reduce_sum3A_821 = tpu.scan <sum>, %convert_element_type3A_804 masked %reduce_sum3A_820 : vector<16xi32>, vector<16xi1> -> vector<16xi32>
    %reduce_sum3A_822 = vector.extract %reduce_sum3A_821[15] : i32 from vector<16xi32>
    %add3A_823 = arith.addi %add3A_666, %reduce_sum3A_822 : i32
    %eq3A_824 = arith.constant 2 : i32
    %eq3A_825 = vector.broadcast %eq3A_824 : i32 to vector<16xi32>
    %eq3A_826 = arith.cmpi eq, %get3A_739, %eq3A_825 : vector<16xi32>
    %convert_element_type3A_827 = arith.extui %eq3A_826 : vector<16xi1> to vector<16xi32>
    %broadcast_in_dim3A_828 = arith.constant true
    %broadcast_in_dim3A_829 = vector.broadcast %broadcast_in_dim3A_828 : i1 to vector<16xi1>
    %masked_cumsum3A_830 = tpu.scan <sum>, %convert_element_type3A_827 masked %broadcast_in_dim3A_829 : vector<16xi32>, vector<16xi1> -> vector<16xi32>
    %sub3A_831 = arith.constant 1 : i32
    %sub3A_832 = vector.broadcast %sub3A_831 : i32 to vector<16xi32>
    %sub3A_833 = arith.subi %masked_cumsum3A_830, %sub3A_832 : vector<16xi32>
    %add3A_834 = vector.broadcast %add3A_689 : i32 to vector<16xi32>
    %add3A_835 = arith.addi %sub3A_833, %add3A_834 : vector<16xi32>
    %mul3A_836 = arith.constant 0 : i32
    %mul3A_837 = vector.broadcast %mul3A_836 : i32 to vector<16xi32>
    %mul3A_838 = arith.muli %iota3A, %mul3A_837 : vector<16xi32>
    %add3A_839 = arith.constant 2 : i32
    %add3A_840 = vector.broadcast %add3A_839 : i32 to vector<16xi32>
    %add3A_841 = arith.addi %mul3A_838, %add3A_840 : vector<16xi32>
    tpu.vector_store_idx %arg14[%add3A_841, %add3A_835], %add3A_773 masked %eq3A_826 : memref<5x64xi32, #tpu.memory_space<vmem>>[vector<16xi32>, vector<16xi32>], vector<16xi32>, vector<16xi1>
    tpu.vector_store_idx %arg15[%add3A_841, %add3A_835], %add3A_777 masked %eq3A_826 : memref<5x64xi32, #tpu.memory_space<vmem>>[vector<16xi32>, vector<16xi32>], vector<16xi32>, vector<16xi1>
    %reduce_sum3A_842 = arith.constant true
    %reduce_sum3A_843 = vector.broadcast %reduce_sum3A_842 : i1 to vector<16xi1>
    %reduce_sum3A_844 = tpu.scan <sum>, %convert_element_type3A_827 masked %reduce_sum3A_843 : vector<16xi32>, vector<16xi1> -> vector<16xi32>
    %reduce_sum3A_845 = vector.extract %reduce_sum3A_844[15] : i32 from vector<16xi32>
    %add3A_846 = arith.addi %add3A_689, %reduce_sum3A_845 : i32
    %eq3A_847 = arith.constant 3 : i32
    %eq3A_848 = vector.broadcast %eq3A_847 : i32 to vector<16xi32>
    %eq3A_849 = arith.cmpi eq, %get3A_739, %eq3A_848 : vector<16xi32>
    %convert_element_type3A_850 = arith.extui %eq3A_849 : vector<16xi1> to vector<16xi32>
    %broadcast_in_dim3A_851 = arith.constant true
    %broadcast_in_dim3A_852 = vector.broadcast %broadcast_in_dim3A_851 : i1 to vector<16xi1>
    %masked_cumsum3A_853 = tpu.scan <sum>, %convert_element_type3A_850 masked %broadcast_in_dim3A_852 : vector<16xi32>, vector<16xi1> -> vector<16xi32>
    %sub3A_854 = arith.constant 1 : i32
    %sub3A_855 = vector.broadcast %sub3A_854 : i32 to vector<16xi32>
    %sub3A_856 = arith.subi %masked_cumsum3A_853, %sub3A_855 : vector<16xi32>
    %add3A_857 = vector.broadcast %add3A_712 : i32 to vector<16xi32>
    %add3A_858 = arith.addi %sub3A_856, %add3A_857 : vector<16xi32>
    %mul3A_859 = arith.constant 0 : i32
    %mul3A_860 = vector.broadcast %mul3A_859 : i32 to vector<16xi32>
    %mul3A_861 = arith.muli %iota3A, %mul3A_860 : vector<16xi32>
    %add3A_862 = arith.constant 3 : i32
    %add3A_863 = vector.broadcast %add3A_862 : i32 to vector<16xi32>
    %add3A_864 = arith.addi %mul3A_861, %add3A_863 : vector<16xi32>
    tpu.vector_store_idx %arg14[%add3A_864, %add3A_858], %add3A_773 masked %eq3A_849 : memref<5x64xi32, #tpu.memory_space<vmem>>[vector<16xi32>, vector<16xi32>], vector<16xi32>, vector<16xi1>
    tpu.vector_store_idx %arg15[%add3A_864, %add3A_858], %add3A_777 masked %eq3A_849 : memref<5x64xi32, #tpu.memory_space<vmem>>[vector<16xi32>, vector<16xi32>], vector<16xi32>, vector<16xi1>
    %reduce_sum3A_865 = arith.constant true
    %reduce_sum3A_866 = vector.broadcast %reduce_sum3A_865 : i1 to vector<16xi1>
    %reduce_sum3A_867 = tpu.scan <sum>, %convert_element_type3A_850 masked %reduce_sum3A_866 : vector<16xi32>, vector<16xi1> -> vector<16xi32>
    %reduce_sum3A_868 = vector.extract %reduce_sum3A_867[15] : i32 from vector<16xi32>
    %add3A_869 = arith.addi %add3A_712, %reduce_sum3A_868 : i32
    %eq3A_870 = arith.constant 4 : i32
    %eq3A_871 = vector.broadcast %eq3A_870 : i32 to vector<16xi32>
    %eq3A_872 = arith.cmpi eq, %get3A_739, %eq3A_871 : vector<16xi32>
    %convert_element_type3A_873 = arith.extui %eq3A_872 : vector<16xi1> to vector<16xi32>
    %broadcast_in_dim3A_874 = arith.constant true
    %broadcast_in_dim3A_875 = vector.broadcast %broadcast_in_dim3A_874 : i1 to vector<16xi1>
    %masked_cumsum3A_876 = tpu.scan <sum>, %convert_element_type3A_873 masked %broadcast_in_dim3A_875 : vector<16xi32>, vector<16xi1> -> vector<16xi32>
    %sub3A_877 = arith.constant 1 : i32
    %sub3A_878 = vector.broadcast %sub3A_877 : i32 to vector<16xi32>
    %sub3A_879 = arith.subi %masked_cumsum3A_876, %sub3A_878 : vector<16xi32>
    %add3A_880 = vector.broadcast %add3A_735 : i32 to vector<16xi32>
    %add3A_881 = arith.addi %sub3A_879, %add3A_880 : vector<16xi32>
    %mul3A_882 = arith.constant 0 : i32
    %mul3A_883 = vector.broadcast %mul3A_882 : i32 to vector<16xi32>
    %mul3A_884 = arith.muli %iota3A, %mul3A_883 : vector<16xi32>
    %add3A_885 = arith.constant 4 : i32
    %add3A_886 = vector.broadcast %add3A_885 : i32 to vector<16xi32>
    %add3A_887 = arith.addi %mul3A_884, %add3A_886 : vector<16xi32>
    tpu.vector_store_idx %arg14[%add3A_887, %add3A_881], %add3A_773 masked %eq3A_872 : memref<5x64xi32, #tpu.memory_space<vmem>>[vector<16xi32>, vector<16xi32>], vector<16xi32>, vector<16xi1>
    tpu.vector_store_idx %arg15[%add3A_887, %add3A_881], %add3A_777 masked %eq3A_872 : memref<5x64xi32, #tpu.memory_space<vmem>>[vector<16xi32>, vector<16xi32>], vector<16xi32>, vector<16xi1>
    %reduce_sum3A_888 = arith.constant true
    %reduce_sum3A_889 = vector.broadcast %reduce_sum3A_888 : i1 to vector<16xi1>
    %reduce_sum3A_890 = tpu.scan <sum>, %convert_element_type3A_873 masked %reduce_sum3A_889 : vector<16xi32>, vector<16xi1> -> vector<16xi32>
    %reduce_sum3A_891 = vector.extract %reduce_sum3A_890[15] : i32 from vector<16xi32>
    %add3A_892 = arith.addi %add3A_735, %reduce_sum3A_891 : i32
    %get3A_893 = arith.constant 48 : index
    %get3A_894 = tpu.vector_load %arg11[%get3A_893] {strides = array<i32>} : memref<64xi32, #tpu.memory_space<vmem>>, vector<16xi32>,
    %get3A_895 = arith.constant 48 : index
    %get3A_896 = tpu.vector_load %arg12[%get3A_895] {strides = array<i32>} : memref<64xi32, #tpu.memory_space<vmem>>, vector<16xi32>,
    %get3A_897 = arith.constant 48 : index
    %get3A_898 = tpu.vector_load %arg13[%get3A_897] {strides = array<i32>} : memref<64xi32, #tpu.memory_space<vmem>>, vector<16xi32>,
    %eq3A_899 = arith.constant 0 : i32
    %eq3A_900 = vector.broadcast %eq3A_899 : i32 to vector<16xi32>
    %eq3A_901 = arith.cmpi eq, %get3A_896, %eq3A_900 : vector<16xi32>
    %eq3A_902 = arith.constant 1 : i32
    %eq3A_903 = vector.broadcast %eq3A_902 : i32 to vector<16xi32>
    %eq3A_904 = arith.cmpi eq, %get3A_896, %eq3A_903 : vector<16xi32>
    %eq3A_905 = arith.constant 2 : i32
    %eq3A_906 = vector.broadcast %eq3A_905 : i32 to vector<16xi32>
    %eq3A_907 = arith.cmpi eq, %get3A_896, %eq3A_906 : vector<16xi32>
    %eq3A_908 = arith.constant 3 : i32
    %eq3A_909 = vector.broadcast %eq3A_908 : i32 to vector<16xi32>
    %eq3A_910 = arith.cmpi eq, %get3A_896, %eq3A_909 : vector<16xi32>
    %jit3A_911 = arith.constant 64 : i32
    %jit3A_912 = arith.constant 16 : i32
    %broadcast_in_dim3A_913 = vector.broadcast %jit3A_911 : i32 to vector<16xi32>
    %broadcast_in_dim3A_914 = vector.broadcast %jit3A_912 : i32 to vector<16xi32>
    %select_n3A_915 = arith.select %eq3A_910, %broadcast_in_dim3A_913, %broadcast_in_dim3A_914 : vector<16xi1>, vector<16xi32>
    %jit3A_916 = arith.constant 256 : i32
    %broadcast_in_dim3A_917 = vector.broadcast %jit3A_916 : i32 to vector<16xi32>
    %select_n3A_918 = arith.select %eq3A_907, %broadcast_in_dim3A_917, %select_n3A_915 : vector<16xi1>, vector<16xi32>
    %jit3A_919 = arith.constant 1024 : i32
    %broadcast_in_dim3A_920 = vector.broadcast %jit3A_919 : i32 to vector<16xi32>
    %select_n3A_921 = arith.select %eq3A_904, %broadcast_in_dim3A_920, %select_n3A_918 : vector<16xi1>, vector<16xi32>
    %jit3A_922 = arith.constant 4096 : i32
    %broadcast_in_dim3A_923 = vector.broadcast %jit3A_922 : i32 to vector<16xi32>
    %select_n3A_924 = arith.select %eq3A_901, %broadcast_in_dim3A_923, %select_n3A_921 : vector<16xi1>, vector<16xi32>
    %mul3A_925 = arith.muli %get3A_894, %select_n3A_924 : vector<16xi32>
    %sub3A_926 = arith.constant 1 : i32
    %sub3A_927 = vector.broadcast %sub3A_926 : i32 to vector<16xi32>
    %sub3A_928 = arith.subi %select_n3A_924, %sub3A_927 : vector<16xi32>
    %and3A_929 = arith.andi %get3A_898, %sub3A_928 : vector<16xi32>
    %add3A_930 = arith.addi %mul3A_925, %and3A_929 : vector<16xi32>
    %add3A_931 = arith.constant 48 : i32
    %add3A_932 = arith.addi %mul3A_2, %add3A_931 : i32
    %add3A_933 = vector.broadcast %add3A_932 : i32 to vector<16xi32>
    %add3A_934 = arith.addi %add3A_933, %iota3A : vector<16xi32>
    %eq3A_935 = arith.constant 0 : i32
    %eq3A_936 = vector.broadcast %eq3A_935 : i32 to vector<16xi32>
    %eq3A_937 = arith.cmpi eq, %get3A_896, %eq3A_936 : vector<16xi32>
    %convert_element_type3A_938 = arith.extui %eq3A_937 : vector<16xi1> to vector<16xi32>
    %broadcast_in_dim3A_939 = arith.constant true
    %broadcast_in_dim3A_940 = vector.broadcast %broadcast_in_dim3A_939 : i1 to vector<16xi1>
    %masked_cumsum3A_941 = tpu.scan <sum>, %convert_element_type3A_938 masked %broadcast_in_dim3A_940 : vector<16xi32>, vector<16xi1> -> vector<16xi32>
    %sub3A_942 = arith.constant 1 : i32
    %sub3A_943 = vector.broadcast %sub3A_942 : i32 to vector<16xi32>
    %sub3A_944 = arith.subi %masked_cumsum3A_941, %sub3A_943 : vector<16xi32>
    %add3A_945 = vector.broadcast %add3A_800 : i32 to vector<16xi32>
    %add3A_946 = arith.addi %sub3A_944, %add3A_945 : vector<16xi32>
    %mul3A_947 = arith.constant 0 : i32
    %mul3A_948 = vector.broadcast %mul3A_947 : i32 to vector<16xi32>
    %mul3A_949 = arith.muli %iota3A, %mul3A_948 : vector<16xi32>
    %add3A_950 = arith.constant 0 : i32
    %add3A_951 = vector.broadcast %add3A_950 : i32 to vector<16xi32>
    %add3A_952 = arith.addi %mul3A_949, %add3A_951 : vector<16xi32>
    tpu.vector_store_idx %arg14[%add3A_952, %add3A_946], %add3A_930 masked %eq3A_937 : memref<5x64xi32, #tpu.memory_space<vmem>>[vector<16xi32>, vector<16xi32>], vector<16xi32>, vector<16xi1>
    tpu.vector_store_idx %arg15[%add3A_952, %add3A_946], %add3A_934 masked %eq3A_937 : memref<5x64xi32, #tpu.memory_space<vmem>>[vector<16xi32>, vector<16xi32>], vector<16xi32>, vector<16xi1>
    %reduce_sum3A_953 = arith.constant true
    %reduce_sum3A_954 = vector.broadcast %reduce_sum3A_953 : i1 to vector<16xi1>
    %reduce_sum3A_955 = tpu.scan <sum>, %convert_element_type3A_938 masked %reduce_sum3A_954 : vector<16xi32>, vector<16xi1> -> vector<16xi32>
    %reduce_sum3A_956 = vector.extract %reduce_sum3A_955[15] : i32 from vector<16xi32>
    %add3A_957 = arith.addi %add3A_800, %reduce_sum3A_956 : i32
    %eq3A_958 = arith.constant 1 : i32
    %eq3A_959 = vector.broadcast %eq3A_958 : i32 to vector<16xi32>
    %eq3A_960 = arith.cmpi eq, %get3A_896, %eq3A_959 : vector<16xi32>
    %convert_element_type3A_961 = arith.extui %eq3A_960 : vector<16xi1> to vector<16xi32>
    %broadcast_in_dim3A_962 = arith.constant true
    %broadcast_in_dim3A_963 = vector.broadcast %broadcast_in_dim3A_962 : i1 to vector<16xi1>
    %masked_cumsum3A_964 = tpu.scan <sum>, %convert_element_type3A_961 masked %broadcast_in_dim3A_963 : vector<16xi32>, vector<16xi1> -> vector<16xi32>
    %sub3A_965 = arith.constant 1 : i32
    %sub3A_966 = vector.broadcast %sub3A_965 : i32 to vector<16xi32>
    %sub3A_967 = arith.subi %masked_cumsum3A_964, %sub3A_966 : vector<16xi32>
    %add3A_968 = vector.broadcast %add3A_823 : i32 to vector<16xi32>
    %add3A_969 = arith.addi %sub3A_967, %add3A_968 : vector<16xi32>
    %mul3A_970 = arith.constant 0 : i32
    %mul3A_971 = vector.broadcast %mul3A_970 : i32 to vector<16xi32>
    %mul3A_972 = arith.muli %iota3A, %mul3A_971 : vector<16xi32>
    %add3A_973 = arith.constant 1 : i32
    %add3A_974 = vector.broadcast %add3A_973 : i32 to vector<16xi32>
    %add3A_975 = arith.addi %mul3A_972, %add3A_974 : vector<16xi32>
    tpu.vector_store_idx %arg14[%add3A_975, %add3A_969], %add3A_930 masked %eq3A_960 : memref<5x64xi32, #tpu.memory_space<vmem>>[vector<16xi32>, vector<16xi32>], vector<16xi32>, vector<16xi1>
    tpu.vector_store_idx %arg15[%add3A_975, %add3A_969], %add3A_934 masked %eq3A_960 : memref<5x64xi32, #tpu.memory_space<vmem>>[vector<16xi32>, vector<16xi32>], vector<16xi32>, vector<16xi1>
    %reduce_sum3A_976 = arith.constant true
    %reduce_sum3A_977 = vector.broadcast %reduce_sum3A_976 : i1 to vector<16xi1>
    %reduce_sum3A_978 = tpu.scan <sum>, %convert_element_type3A_961 masked %reduce_sum3A_977 : vector<16xi32>, vector<16xi1> -> vector<16xi32>
    %reduce_sum3A_979 = vector.extract %reduce_sum3A_978[15] : i32 from vector<16xi32>
    %add3A_980 = arith.addi %add3A_823, %reduce_sum3A_979 : i32
    %eq3A_981 = arith.constant 2 : i32
    %eq3A_982 = vector.broadcast %eq3A_981 : i32 to vector<16xi32>
    %eq3A_983 = arith.cmpi eq, %get3A_896, %eq3A_982 : vector<16xi32>
    %convert_element_type3A_984 = arith.extui %eq3A_983 : vector<16xi1> to vector<16xi32>
    %broadcast_in_dim3A_985 = arith.constant true
    %broadcast_in_dim3A_986 = vector.broadcast %broadcast_in_dim3A_985 : i1 to vector<16xi1>
    %masked_cumsum3A_987 = tpu.scan <sum>, %convert_element_type3A_984 masked %broadcast_in_dim3A_986 : vector<16xi32>, vector<16xi1> -> vector<16xi32>
    %sub3A_988 = arith.constant 1 : i32
    %sub3A_989 = vector.broadcast %sub3A_988 : i32 to vector<16xi32>
    %sub3A_990 = arith.subi %masked_cumsum3A_987, %sub3A_989 : vector<16xi32>
    %add3A_991 = vector.broadcast %add3A_846 : i32 to vector<16xi32>
    %add3A_992 = arith.addi %sub3A_990, %add3A_991 : vector<16xi32>
    %mul3A_993 = arith.constant 0 : i32
    %mul3A_994 = vector.broadcast %mul3A_993 : i32 to vector<16xi32>
    %mul3A_995 = arith.muli %iota3A, %mul3A_994 : vector<16xi32>
    %add3A_996 = arith.constant 2 : i32
    %add3A_997 = vector.broadcast %add3A_996 : i32 to vector<16xi32>
    %add3A_998 = arith.addi %mul3A_995, %add3A_997 : vector<16xi32>
    tpu.vector_store_idx %arg14[%add3A_998, %add3A_992], %add3A_930 masked %eq3A_983 : memref<5x64xi32, #tpu.memory_space<vmem>>[vector<16xi32>, vector<16xi32>], vector<16xi32>, vector<16xi1>
    tpu.vector_store_idx %arg15[%add3A_998, %add3A_992], %add3A_934 masked %eq3A_983 : memref<5x64xi32, #tpu.memory_space<vmem>>[vector<16xi32>, vector<16xi32>], vector<16xi32>, vector<16xi1>
    %reduce_sum3A_999 = arith.constant true
    %reduce_sum3A_1000 = vector.broadcast %reduce_sum3A_999 : i1 to vector<16xi1>
    %reduce_sum3A_1001 = tpu.scan <sum>, %convert_element_type3A_984 masked %reduce_sum3A_1000 : vector<16xi32>, vector<16xi1> -> vector<16xi32>
    %reduce_sum3A_1002 = vector.extract %reduce_sum3A_1001[15] : i32 from vector<16xi32>
    %add3A_1003 = arith.addi %add3A_846, %reduce_sum3A_1002 : i32
    %eq3A_1004 = arith.constant 3 : i32
    %eq3A_1005 = vector.broadcast %eq3A_1004 : i32 to vector<16xi32>
    %eq3A_1006 = arith.cmpi eq, %get3A_896, %eq3A_1005 : vector<16xi32>
    %convert_element_type3A_1007 = arith.extui %eq3A_1006 : vector<16xi1> to vector<16xi32>
    %broadcast_in_dim3A_1008 = arith.constant true
    %broadcast_in_dim3A_1009 = vector.broadcast %broadcast_in_dim3A_1008 : i1 to vector<16xi1>
    %masked_cumsum3A_1010 = tpu.scan <sum>, %convert_element_type3A_1007 masked %broadcast_in_dim3A_1009 : vector<16xi32>, vector<16xi1> -> vector<16xi32>
    %sub3A_1011 = arith.constant 1 : i32
    %sub3A_1012 = vector.broadcast %sub3A_1011 : i32 to vector<16xi32>
    %sub3A_1013 = arith.subi %masked_cumsum3A_1010, %sub3A_1012 : vector<16xi32>
    %add3A_1014 = vector.broadcast %add3A_869 : i32 to vector<16xi32>
    %add3A_1015 = arith.addi %sub3A_1013, %add3A_1014 : vector<16xi32>
    %mul3A_1016 = arith.constant 0 : i32
    %mul3A_1017 = vector.broadcast %mul3A_1016 : i32 to vector<16xi32>
    %mul3A_1018 = arith.muli %iota3A, %mul3A_1017 : vector<16xi32>
    %add3A_1019 = arith.constant 3 : i32
    %add3A_1020 = vector.broadcast %add3A_1019 : i32 to vector<16xi32>
    %add3A_1021 = arith.addi %mul3A_1018, %add3A_1020 : vector<16xi32>
    tpu.vector_store_idx %arg14[%add3A_1021, %add3A_1015], %add3A_930 masked %eq3A_1006 : memref<5x64xi32, #tpu.memory_space<vmem>>[vector<16xi32>, vector<16xi32>], vector<16xi32>, vector<16xi1>
    tpu.vector_store_idx %arg15[%add3A_1021, %add3A_1015], %add3A_934 masked %eq3A_1006 : memref<5x64xi32, #tpu.memory_space<vmem>>[vector<16xi32>, vector<16xi32>], vector<16xi32>, vector<16xi1>
    %reduce_sum3A_1022 = arith.constant true
    %reduce_sum3A_1023 = vector.broadcast %reduce_sum3A_1022 : i1 to vector<16xi1>
    %reduce_sum3A_1024 = tpu.scan <sum>, %convert_element_type3A_1007 masked %reduce_sum3A_1023 : vector<16xi32>, vector<16xi1> -> vector<16xi32>
    %reduce_sum3A_1025 = vector.extract %reduce_sum3A_1024[15] : i32 from vector<16xi32>
    %add3A_1026 = arith.addi %add3A_869, %reduce_sum3A_1025 : i32
    %eq3A_1027 = arith.constant 4 : i32
    %eq3A_1028 = vector.broadcast %eq3A_1027 : i32 to vector<16xi32>
    %eq3A_1029 = arith.cmpi eq, %get3A_896, %eq3A_1028 : vector<16xi32>
    %convert_element_type3A_1030 = arith.extui %eq3A_1029 : vector<16xi1> to vector<16xi32>
    %broadcast_in_dim3A_1031 = arith.constant true
    %broadcast_in_dim3A_1032 = vector.broadcast %broadcast_in_dim3A_1031 : i1 to vector<16xi1>
    %masked_cumsum3A_1033 = tpu.scan <sum>, %convert_element_type3A_1030 masked %broadcast_in_dim3A_1032 : vector<16xi32>, vector<16xi1> -> vector<16xi32>
    %sub3A_1034 = arith.constant 1 : i32
    %sub3A_1035 = vector.broadcast %sub3A_1034 : i32 to vector<16xi32>
    %sub3A_1036 = arith.subi %masked_cumsum3A_1033, %sub3A_1035 : vector<16xi32>
    %add3A_1037 = vector.broadcast %add3A_892 : i32 to vector<16xi32>
    %add3A_1038 = arith.addi %sub3A_1036, %add3A_1037 : vector<16xi32>
    %mul3A_1039 = arith.constant 0 : i32
    %mul3A_1040 = vector.broadcast %mul3A_1039 : i32 to vector<16xi32>
    %mul3A_1041 = arith.muli %iota3A, %mul3A_1040 : vector<16xi32>
    %add3A_1042 = arith.constant 4 : i32
    %add3A_1043 = vector.broadcast %add3A_1042 : i32 to vector<16xi32>
    %add3A_1044 = arith.addi %mul3A_1041, %add3A_1043 : vector<16xi32>
    tpu.vector_store_idx %arg14[%add3A_1044, %add3A_1038], %add3A_930 masked %eq3A_1029 : memref<5x64xi32, #tpu.memory_space<vmem>>[vector<16xi32>, vector<16xi32>], vector<16xi32>, vector<16xi1>
    tpu.vector_store_idx %arg15[%add3A_1044, %add3A_1038], %add3A_934 masked %eq3A_1029 : memref<5x64xi32, #tpu.memory_space<vmem>>[vector<16xi32>, vector<16xi32>], vector<16xi32>, vector<16xi1>
    %reduce_sum3A_1045 = arith.constant true
    %reduce_sum3A_1046 = vector.broadcast %reduce_sum3A_1045 : i1 to vector<16xi1>
    %reduce_sum3A_1047 = tpu.scan <sum>, %convert_element_type3A_1030 masked %reduce_sum3A_1046 : vector<16xi32>, vector<16xi1> -> vector<16xi32>
    %reduce_sum3A_1048 = vector.extract %reduce_sum3A_1047[15] : i32 from vector<16xi32>
    %add3A_1049 = arith.addi %add3A_892, %reduce_sum3A_1048 : i32
    %gt3A = arith.constant 0 : i32
    %gt3A_1050 = arith.cmpi sgt, %add3A_957, %gt3A : i32
    %convert_element_type3A_1051 = arith.extui %gt3A_1050 : i1 to i32
    %cond3A = arith.constant 0 : i32
    %cond3A_1052 = arith.cmpi ne, %convert_element_type3A_1051, %cond3A : i32
    scf.if %cond3A_1052 {
      %dma_start3A = arith.constant 0 : i32
      %dma_start3A_1348 = arith.constant 0 : i32
      %dma_start3A_1349 = tpu.memref_slice %arg14[%dma_start3A, %dma_start3A_1348] : memref<5x64xi32, #tpu.memory_space<vmem>> -> memref<1x16xi32, #tpu.memory_space<vmem>>
      %dma_start3A_1350 = tpu.memref_squeeze %dma_start3A_1349 : memref<1x16xi32, #tpu.memory_space<vmem>> -> memref<16xi32, #tpu.memory_space<vmem>>
      %dma_start3A_1351 = arith.constant 0 : i32
      %dma_start3A_1352 = arith.constant 0 : i32
      %dma_start3A_1353 = tpu.memref_slice %arg2[%dma_start3A_1351, %dma_start3A_1352] : memref<32768x256xf32, #tpu.memory_space<hbm>> -> memref<32768x256xf32, #tpu.memory_space<hbm>>
      tpu.enqueue_indirect_dma source(%dma_start3A_1353 : memref<32768x256xf32, #tpu.memory_space<hbm>>) target(%arg16 : memref<16x256xf32, #tpu.memory_space<vmem>>) offsets(%dma_start3A_1350 : memref<16xi32, #tpu.memory_space<vmem>>) semaphore(%arg36 : memref<!tpu.dma_semaphore, #tpu.memory_space<semaphore_mem>>)
    } else {
    }
    %gt3A_1053 = arith.constant 16 : i32
    %gt3A_1054 = arith.cmpi sgt, %add3A_957, %gt3A_1053 : i32
    %convert_element_type3A_1055 = arith.extui %gt3A_1054 : i1 to i32
    %cond3A_1056 = arith.constant 0 : i32
    %cond3A_1057 = arith.cmpi ne, %convert_element_type3A_1055, %cond3A_1056 : i32
    scf.if %cond3A_1057 {
      %dma_start3A = arith.constant 0 : i32
      %dma_start3A_1348 = arith.constant 16 : i32
      %dma_start3A_1349 = tpu.memref_slice %arg14[%dma_start3A, %dma_start3A_1348] : memref<5x64xi32, #tpu.memory_space<vmem>> -> memref<1x16xi32, #tpu.memory_space<vmem>>
      %dma_start3A_1350 = tpu.memref_squeeze %dma_start3A_1349 : memref<1x16xi32, #tpu.memory_space<vmem>> -> memref<16xi32, #tpu.memory_space<vmem>>
      %dma_start3A_1351 = arith.constant 0 : i32
      %dma_start3A_1352 = arith.constant 0 : i32
      %dma_start3A_1353 = tpu.memref_slice %arg2[%dma_start3A_1351, %dma_start3A_1352] : memref<32768x256xf32, #tpu.memory_space<hbm>> -> memref<32768x256xf32, #tpu.memory_space<hbm>>
      tpu.enqueue_indirect_dma source(%dma_start3A_1353 : memref<32768x256xf32, #tpu.memory_space<hbm>>) target(%arg17 : memref<16x256xf32, #tpu.memory_space<vmem>>) offsets(%dma_start3A_1350 : memref<16xi32, #tpu.memory_space<vmem>>) semaphore(%arg37 : memref<!tpu.dma_semaphore, #tpu.memory_space<semaphore_mem>>)
    } else {
    }
    %gt3A_1058 = arith.constant 32 : i32
    %gt3A_1059 = arith.cmpi sgt, %add3A_957, %gt3A_1058 : i32
    %convert_element_type3A_1060 = arith.extui %gt3A_1059 : i1 to i32
    %cond3A_1061 = arith.constant 0 : i32
    %cond3A_1062 = arith.cmpi ne, %convert_element_type3A_1060, %cond3A_1061 : i32
    scf.if %cond3A_1062 {
      %dma_start3A = arith.constant 0 : i32
      %dma_start3A_1348 = arith.constant 32 : i32
      %dma_start3A_1349 = tpu.memref_slice %arg14[%dma_start3A, %dma_start3A_1348] : memref<5x64xi32, #tpu.memory_space<vmem>> -> memref<1x16xi32, #tpu.memory_space<vmem>>
      %dma_start3A_1350 = tpu.memref_squeeze %dma_start3A_1349 : memref<1x16xi32, #tpu.memory_space<vmem>> -> memref<16xi32, #tpu.memory_space<vmem>>
      %dma_start3A_1351 = arith.constant 0 : i32
      %dma_start3A_1352 = arith.constant 0 : i32
      %dma_start3A_1353 = tpu.memref_slice %arg2[%dma_start3A_1351, %dma_start3A_1352] : memref<32768x256xf32, #tpu.memory_space<hbm>> -> memref<32768x256xf32, #tpu.memory_space<hbm>>
      tpu.enqueue_indirect_dma source(%dma_start3A_1353 : memref<32768x256xf32, #tpu.memory_space<hbm>>) target(%arg18 : memref<16x256xf32, #tpu.memory_space<vmem>>) offsets(%dma_start3A_1350 : memref<16xi32, #tpu.memory_space<vmem>>) semaphore(%arg38 : memref<!tpu.dma_semaphore, #tpu.memory_space<semaphore_mem>>)
    } else {
    }
    %gt3A_1063 = arith.constant 48 : i32
    %gt3A_1064 = arith.cmpi sgt, %add3A_957, %gt3A_1063 : i32
    %convert_element_type3A_1065 = arith.extui %gt3A_1064 : i1 to i32
    %cond3A_1066 = arith.constant 0 : i32
    %cond3A_1067 = arith.cmpi ne, %convert_element_type3A_1065, %cond3A_1066 : i32
    scf.if %cond3A_1067 {
      %dma_start3A = arith.constant 0 : i32
      %dma_start3A_1348 = arith.constant 48 : i32
      %dma_start3A_1349 = tpu.memref_slice %arg14[%dma_start3A, %dma_start3A_1348] : memref<5x64xi32, #tpu.memory_space<vmem>> -> memref<1x16xi32, #tpu.memory_space<vmem>>
      %dma_start3A_1350 = tpu.memref_squeeze %dma_start3A_1349 : memref<1x16xi32, #tpu.memory_space<vmem>> -> memref<16xi32, #tpu.memory_space<vmem>>
      %dma_start3A_1351 = arith.constant 0 : i32
      %dma_start3A_1352 = arith.constant 0 : i32
      %dma_start3A_1353 = tpu.memref_slice %arg2[%dma_start3A_1351, %dma_start3A_1352] : memref<32768x256xf32, #tpu.memory_space<hbm>> -> memref<32768x256xf32, #tpu.memory_space<hbm>>
      tpu.enqueue_indirect_dma source(%dma_start3A_1353 : memref<32768x256xf32, #tpu.memory_space<hbm>>) target(%arg19 : memref<16x256xf32, #tpu.memory_space<vmem>>) offsets(%dma_start3A_1350 : memref<16xi32, #tpu.memory_space<vmem>>) semaphore(%arg39 : memref<!tpu.dma_semaphore, #tpu.memory_space<semaphore_mem>>)
    } else {
    }
    %gt3A_1068 = arith.constant 0 : i32
    %gt3A_1069 = arith.cmpi sgt, %add3A_980, %gt3A_1068 : i32
    %convert_element_type3A_1070 = arith.extui %gt3A_1069 : i1 to i32
    %cond3A_1071 = arith.constant 0 : i32
    %cond3A_1072 = arith.cmpi ne, %convert_element_type3A_1070, %cond3A_1071 : i32
    scf.if %cond3A_1072 {
      %dma_start3A = arith.constant 1 : i32
      %dma_start3A_1348 = arith.constant 0 : i32
      %dma_start3A_1349 = tpu.memref_slice %arg14[%dma_start3A, %dma_start3A_1348] : memref<5x64xi32, #tpu.memory_space<vmem>> -> memref<1x16xi32, #tpu.memory_space<vmem>>
      %dma_start3A_1350 = tpu.memref_squeeze %dma_start3A_1349 : memref<1x16xi32, #tpu.memory_space<vmem>> -> memref<16xi32, #tpu.memory_space<vmem>>
      %dma_start3A_1351 = arith.constant 0 : i32
      %dma_start3A_1352 = arith.constant 0 : i32
      %dma_start3A_1353 = tpu.memref_slice %arg3[%dma_start3A_1351, %dma_start3A_1352] : memref<8192x256xf32, #tpu.memory_space<hbm>> -> memref<8192x256xf32, #tpu.memory_space<hbm>>
      tpu.enqueue_indirect_dma source(%dma_start3A_1353 : memref<8192x256xf32, #tpu.memory_space<hbm>>) target(%arg20 : memref<16x256xf32, #tpu.memory_space<vmem>>) offsets(%dma_start3A_1350 : memref<16xi32, #tpu.memory_space<vmem>>) semaphore(%arg40 : memref<!tpu.dma_semaphore, #tpu.memory_space<semaphore_mem>>)
    } else {
    }
    %gt3A_1073 = arith.constant 16 : i32
    %gt3A_1074 = arith.cmpi sgt, %add3A_980, %gt3A_1073 : i32
    %convert_element_type3A_1075 = arith.extui %gt3A_1074 : i1 to i32
    %cond3A_1076 = arith.constant 0 : i32
    %cond3A_1077 = arith.cmpi ne, %convert_element_type3A_1075, %cond3A_1076 : i32
    scf.if %cond3A_1077 {
      %dma_start3A = arith.constant 1 : i32
      %dma_start3A_1348 = arith.constant 16 : i32
      %dma_start3A_1349 = tpu.memref_slice %arg14[%dma_start3A, %dma_start3A_1348] : memref<5x64xi32, #tpu.memory_space<vmem>> -> memref<1x16xi32, #tpu.memory_space<vmem>>
      %dma_start3A_1350 = tpu.memref_squeeze %dma_start3A_1349 : memref<1x16xi32, #tpu.memory_space<vmem>> -> memref<16xi32, #tpu.memory_space<vmem>>
      %dma_start3A_1351 = arith.constant 0 : i32
      %dma_start3A_1352 = arith.constant 0 : i32
      %dma_start3A_1353 = tpu.memref_slice %arg3[%dma_start3A_1351, %dma_start3A_1352] : memref<8192x256xf32, #tpu.memory_space<hbm>> -> memref<8192x256xf32, #tpu.memory_space<hbm>>
      tpu.enqueue_indirect_dma source(%dma_start3A_1353 : memref<8192x256xf32, #tpu.memory_space<hbm>>) target(%arg21 : memref<16x256xf32, #tpu.memory_space<vmem>>) offsets(%dma_start3A_1350 : memref<16xi32, #tpu.memory_space<vmem>>) semaphore(%arg41 : memref<!tpu.dma_semaphore, #tpu.memory_space<semaphore_mem>>)
    } else {
    }
    %gt3A_1078 = arith.constant 32 : i32
    %gt3A_1079 = arith.cmpi sgt, %add3A_980, %gt3A_1078 : i32
    %convert_element_type3A_1080 = arith.extui %gt3A_1079 : i1 to i32
    %cond3A_1081 = arith.constant 0 : i32
    %cond3A_1082 = arith.cmpi ne, %convert_element_type3A_1080, %cond3A_1081 : i32
    scf.if %cond3A_1082 {
      %dma_start3A = arith.constant 1 : i32
      %dma_start3A_1348 = arith.constant 32 : i32
      %dma_start3A_1349 = tpu.memref_slice %arg14[%dma_start3A, %dma_start3A_1348] : memref<5x64xi32, #tpu.memory_space<vmem>> -> memref<1x16xi32, #tpu.memory_space<vmem>>
      %dma_start3A_1350 = tpu.memref_squeeze %dma_start3A_1349 : memref<1x16xi32, #tpu.memory_space<vmem>> -> memref<16xi32, #tpu.memory_space<vmem>>
      %dma_start3A_1351 = arith.constant 0 : i32
      %dma_start3A_1352 = arith.constant 0 : i32
      %dma_start3A_1353 = tpu.memref_slice %arg3[%dma_start3A_1351, %dma_start3A_1352] : memref<8192x256xf32, #tpu.memory_space<hbm>> -> memref<8192x256xf32, #tpu.memory_space<hbm>>
      tpu.enqueue_indirect_dma source(%dma_start3A_1353 : memref<8192x256xf32, #tpu.memory_space<hbm>>) target(%arg22 : memref<16x256xf32, #tpu.memory_space<vmem>>) offsets(%dma_start3A_1350 : memref<16xi32, #tpu.memory_space<vmem>>) semaphore(%arg42 : memref<!tpu.dma_semaphore, #tpu.memory_space<semaphore_mem>>)
    } else {
    }
    %gt3A_1083 = arith.constant 48 : i32
    %gt3A_1084 = arith.cmpi sgt, %add3A_980, %gt3A_1083 : i32
    %convert_element_type3A_1085 = arith.extui %gt3A_1084 : i1 to i32
    %cond3A_1086 = arith.constant 0 : i32
    %cond3A_1087 = arith.cmpi ne, %convert_element_type3A_1085, %cond3A_1086 : i32
    scf.if %cond3A_1087 {
      %dma_start3A = arith.constant 1 : i32
      %dma_start3A_1348 = arith.constant 48 : i32
      %dma_start3A_1349 = tpu.memref_slice %arg14[%dma_start3A, %dma_start3A_1348] : memref<5x64xi32, #tpu.memory_space<vmem>> -> memref<1x16xi32, #tpu.memory_space<vmem>>
      %dma_start3A_1350 = tpu.memref_squeeze %dma_start3A_1349 : memref<1x16xi32, #tpu.memory_space<vmem>> -> memref<16xi32, #tpu.memory_space<vmem>>
      %dma_start3A_1351 = arith.constant 0 : i32
      %dma_start3A_1352 = arith.constant 0 : i32
      %dma_start3A_1353 = tpu.memref_slice %arg3[%dma_start3A_1351, %dma_start3A_1352] : memref<8192x256xf32, #tpu.memory_space<hbm>> -> memref<8192x256xf32, #tpu.memory_space<hbm>>
      tpu.enqueue_indirect_dma source(%dma_start3A_1353 : memref<8192x256xf32, #tpu.memory_space<hbm>>) target(%arg23 : memref<16x256xf32, #tpu.memory_space<vmem>>) offsets(%dma_start3A_1350 : memref<16xi32, #tpu.memory_space<vmem>>) semaphore(%arg43 : memref<!tpu.dma_semaphore, #tpu.memory_space<semaphore_mem>>)
    } else {
    }
    %gt3A_1088 = arith.constant 0 : i32
    %gt3A_1089 = arith.cmpi sgt, %add3A_1003, %gt3A_1088 : i32
    %convert_element_type3A_1090 = arith.extui %gt3A_1089 : i1 to i32
    %cond3A_1091 = arith.constant 0 : i32
    %cond3A_1092 = arith.cmpi ne, %convert_element_type3A_1090, %cond3A_1091 : i32
    scf.if %cond3A_1092 {
      %dma_start3A = arith.constant 2 : i32
      %dma_start3A_1348 = arith.constant 0 : i32
      %dma_start3A_1349 = tpu.memref_slice %arg14[%dma_start3A, %dma_start3A_1348] : memref<5x64xi32, #tpu.memory_space<vmem>> -> memref<1x16xi32, #tpu.memory_space<vmem>>
      %dma_start3A_1350 = tpu.memref_squeeze %dma_start3A_1349 : memref<1x16xi32, #tpu.memory_space<vmem>> -> memref<16xi32, #tpu.memory_space<vmem>>
      %dma_start3A_1351 = arith.constant 0 : i32
      %dma_start3A_1352 = arith.constant 0 : i32
      %dma_start3A_1353 = tpu.memref_slice %arg4[%dma_start3A_1351, %dma_start3A_1352] : memref<2048x256xf32, #tpu.memory_space<hbm>> -> memref<2048x256xf32, #tpu.memory_space<hbm>>
      tpu.enqueue_indirect_dma source(%dma_start3A_1353 : memref<2048x256xf32, #tpu.memory_space<hbm>>) target(%arg24 : memref<16x256xf32, #tpu.memory_space<vmem>>) offsets(%dma_start3A_1350 : memref<16xi32, #tpu.memory_space<vmem>>) semaphore(%arg44 : memref<!tpu.dma_semaphore, #tpu.memory_space<semaphore_mem>>)
    } else {
    }
    %gt3A_1093 = arith.constant 16 : i32
    %gt3A_1094 = arith.cmpi sgt, %add3A_1003, %gt3A_1093 : i32
    %convert_element_type3A_1095 = arith.extui %gt3A_1094 : i1 to i32
    %cond3A_1096 = arith.constant 0 : i32
    %cond3A_1097 = arith.cmpi ne, %convert_element_type3A_1095, %cond3A_1096 : i32
    scf.if %cond3A_1097 {
      %dma_start3A = arith.constant 2 : i32
      %dma_start3A_1348 = arith.constant 16 : i32
      %dma_start3A_1349 = tpu.memref_slice %arg14[%dma_start3A, %dma_start3A_1348] : memref<5x64xi32, #tpu.memory_space<vmem>> -> memref<1x16xi32, #tpu.memory_space<vmem>>
      %dma_start3A_1350 = tpu.memref_squeeze %dma_start3A_1349 : memref<1x16xi32, #tpu.memory_space<vmem>> -> memref<16xi32, #tpu.memory_space<vmem>>
      %dma_start3A_1351 = arith.constant 0 : i32
      %dma_start3A_1352 = arith.constant 0 : i32
      %dma_start3A_1353 = tpu.memref_slice %arg4[%dma_start3A_1351, %dma_start3A_1352] : memref<2048x256xf32, #tpu.memory_space<hbm>> -> memref<2048x256xf32, #tpu.memory_space<hbm>>
      tpu.enqueue_indirect_dma source(%dma_start3A_1353 : memref<2048x256xf32, #tpu.memory_space<hbm>>) target(%arg25 : memref<16x256xf32, #tpu.memory_space<vmem>>) offsets(%dma_start3A_1350 : memref<16xi32, #tpu.memory_space<vmem>>) semaphore(%arg45 : memref<!tpu.dma_semaphore, #tpu.memory_space<semaphore_mem>>)
    } else {
    }
    %gt3A_1098 = arith.constant 32 : i32
    %gt3A_1099 = arith.cmpi sgt, %add3A_1003, %gt3A_1098 : i32
    %convert_element_type3A_1100 = arith.extui %gt3A_1099 : i1 to i32
    %cond3A_1101 = arith.constant 0 : i32
    %cond3A_1102 = arith.cmpi ne, %convert_element_type3A_1100, %cond3A_1101 : i32
    scf.if %cond3A_1102 {
      %dma_start3A = arith.constant 2 : i32
      %dma_start3A_1348 = arith.constant 32 : i32
      %dma_start3A_1349 = tpu.memref_slice %arg14[%dma_start3A, %dma_start3A_1348] : memref<5x64xi32, #tpu.memory_space<vmem>> -> memref<1x16xi32, #tpu.memory_space<vmem>>
      %dma_start3A_1350 = tpu.memref_squeeze %dma_start3A_1349 : memref<1x16xi32, #tpu.memory_space<vmem>> -> memref<16xi32, #tpu.memory_space<vmem>>
      %dma_start3A_1351 = arith.constant 0 : i32
      %dma_start3A_1352 = arith.constant 0 : i32
      %dma_start3A_1353 = tpu.memref_slice %arg4[%dma_start3A_1351, %dma_start3A_1352] : memref<2048x256xf32, #tpu.memory_space<hbm>> -> memref<2048x256xf32, #tpu.memory_space<hbm>>
      tpu.enqueue_indirect_dma source(%dma_start3A_1353 : memref<2048x256xf32, #tpu.memory_space<hbm>>) target(%arg26 : memref<16x256xf32, #tpu.memory_space<vmem>>) offsets(%dma_start3A_1350 : memref<16xi32, #tpu.memory_space<vmem>>) semaphore(%arg46 : memref<!tpu.dma_semaphore, #tpu.memory_space<semaphore_mem>>)
    } else {
    }
    %gt3A_1103 = arith.constant 48 : i32
    %gt3A_1104 = arith.cmpi sgt, %add3A_1003, %gt3A_1103 : i32
    %convert_element_type3A_1105 = arith.extui %gt3A_1104 : i1 to i32
    %cond3A_1106 = arith.constant 0 : i32
    %cond3A_1107 = arith.cmpi ne, %convert_element_type3A_1105, %cond3A_1106 : i32
    scf.if %cond3A_1107 {
      %dma_start3A = arith.constant 2 : i32
      %dma_start3A_1348 = arith.constant 48 : i32
      %dma_start3A_1349 = tpu.memref_slice %arg14[%dma_start3A, %dma_start3A_1348] : memref<5x64xi32, #tpu.memory_space<vmem>> -> memref<1x16xi32, #tpu.memory_space<vmem>>
      %dma_start3A_1350 = tpu.memref_squeeze %dma_start3A_1349 : memref<1x16xi32, #tpu.memory_space<vmem>> -> memref<16xi32, #tpu.memory_space<vmem>>
      %dma_start3A_1351 = arith.constant 0 : i32
      %dma_start3A_1352 = arith.constant 0 : i32
      %dma_start3A_1353 = tpu.memref_slice %arg4[%dma_start3A_1351, %dma_start3A_1352] : memref<2048x256xf32, #tpu.memory_space<hbm>> -> memref<2048x256xf32, #tpu.memory_space<hbm>>
      tpu.enqueue_indirect_dma source(%dma_start3A_1353 : memref<2048x256xf32, #tpu.memory_space<hbm>>) target(%arg27 : memref<16x256xf32, #tpu.memory_space<vmem>>) offsets(%dma_start3A_1350 : memref<16xi32, #tpu.memory_space<vmem>>) semaphore(%arg47 : memref<!tpu.dma_semaphore, #tpu.memory_space<semaphore_mem>>)
    } else {
    }
    %gt3A_1108 = arith.constant 0 : i32
    %gt3A_1109 = arith.cmpi sgt, %add3A_1026, %gt3A_1108 : i32
    %convert_element_type3A_1110 = arith.extui %gt3A_1109 : i1 to i32
    %cond3A_1111 = arith.constant 0 : i32
    %cond3A_1112 = arith.cmpi ne, %convert_element_type3A_1110, %cond3A_1111 : i32
    scf.if %cond3A_1112 {
      %dma_start3A = arith.constant 3 : i32
      %dma_start3A_1348 = arith.constant 0 : i32
      %dma_start3A_1349 = tpu.memref_slice %arg14[%dma_start3A, %dma_start3A_1348] : memref<5x64xi32, #tpu.memory_space<vmem>> -> memref<1x16xi32, #tpu.memory_space<vmem>>
      %dma_start3A_1350 = tpu.memref_squeeze %dma_start3A_1349 : memref<1x16xi32, #tpu.memory_space<vmem>> -> memref<16xi32, #tpu.memory_space<vmem>>
      %dma_start3A_1351 = arith.constant 0 : i32
      %dma_start3A_1352 = arith.constant 0 : i32
      %dma_start3A_1353 = tpu.memref_slice %arg5[%dma_start3A_1351, %dma_start3A_1352] : memref<512x256xf32, #tpu.memory_space<hbm>> -> memref<512x256xf32, #tpu.memory_space<hbm>>
      tpu.enqueue_indirect_dma source(%dma_start3A_1353 : memref<512x256xf32, #tpu.memory_space<hbm>>) target(%arg28 : memref<16x256xf32, #tpu.memory_space<vmem>>) offsets(%dma_start3A_1350 : memref<16xi32, #tpu.memory_space<vmem>>) semaphore(%arg48 : memref<!tpu.dma_semaphore, #tpu.memory_space<semaphore_mem>>)
    } else {
    }
    %gt3A_1113 = arith.constant 16 : i32
    %gt3A_1114 = arith.cmpi sgt, %add3A_1026, %gt3A_1113 : i32
    %convert_element_type3A_1115 = arith.extui %gt3A_1114 : i1 to i32
    %cond3A_1116 = arith.constant 0 : i32
    %cond3A_1117 = arith.cmpi ne, %convert_element_type3A_1115, %cond3A_1116 : i32
    scf.if %cond3A_1117 {
      %dma_start3A = arith.constant 3 : i32
      %dma_start3A_1348 = arith.constant 16 : i32
      %dma_start3A_1349 = tpu.memref_slice %arg14[%dma_start3A, %dma_start3A_1348] : memref<5x64xi32, #tpu.memory_space<vmem>> -> memref<1x16xi32, #tpu.memory_space<vmem>>
      %dma_start3A_1350 = tpu.memref_squeeze %dma_start3A_1349 : memref<1x16xi32, #tpu.memory_space<vmem>> -> memref<16xi32, #tpu.memory_space<vmem>>
      %dma_start3A_1351 = arith.constant 0 : i32
      %dma_start3A_1352 = arith.constant 0 : i32
      %dma_start3A_1353 = tpu.memref_slice %arg5[%dma_start3A_1351, %dma_start3A_1352] : memref<512x256xf32, #tpu.memory_space<hbm>> -> memref<512x256xf32, #tpu.memory_space<hbm>>
      tpu.enqueue_indirect_dma source(%dma_start3A_1353 : memref<512x256xf32, #tpu.memory_space<hbm>>) target(%arg29 : memref<16x256xf32, #tpu.memory_space<vmem>>) offsets(%dma_start3A_1350 : memref<16xi32, #tpu.memory_space<vmem>>) semaphore(%arg49 : memref<!tpu.dma_semaphore, #tpu.memory_space<semaphore_mem>>)
    } else {
    }
    %gt3A_1118 = arith.constant 32 : i32
    %gt3A_1119 = arith.cmpi sgt, %add3A_1026, %gt3A_1118 : i32
    %convert_element_type3A_1120 = arith.extui %gt3A_1119 : i1 to i32
    %cond3A_1121 = arith.constant 0 : i32
    %cond3A_1122 = arith.cmpi ne, %convert_element_type3A_1120, %cond3A_1121 : i32
    scf.if %cond3A_1122 {
      %dma_start3A = arith.constant 3 : i32
      %dma_start3A_1348 = arith.constant 32 : i32
      %dma_start3A_1349 = tpu.memref_slice %arg14[%dma_start3A, %dma_start3A_1348] : memref<5x64xi32, #tpu.memory_space<vmem>> -> memref<1x16xi32, #tpu.memory_space<vmem>>
      %dma_start3A_1350 = tpu.memref_squeeze %dma_start3A_1349 : memref<1x16xi32, #tpu.memory_space<vmem>> -> memref<16xi32, #tpu.memory_space<vmem>>
      %dma_start3A_1351 = arith.constant 0 : i32
      %dma_start3A_1352 = arith.constant 0 : i32
      %dma_start3A_1353 = tpu.memref_slice %arg5[%dma_start3A_1351, %dma_start3A_1352] : memref<512x256xf32, #tpu.memory_space<hbm>> -> memref<512x256xf32, #tpu.memory_space<hbm>>
      tpu.enqueue_indirect_dma source(%dma_start3A_1353 : memref<512x256xf32, #tpu.memory_space<hbm>>) target(%arg30 : memref<16x256xf32, #tpu.memory_space<vmem>>) offsets(%dma_start3A_1350 : memref<16xi32, #tpu.memory_space<vmem>>) semaphore(%arg50 : memref<!tpu.dma_semaphore, #tpu.memory_space<semaphore_mem>>)
    } else {
    }
    %gt3A_1123 = arith.constant 48 : i32
    %gt3A_1124 = arith.cmpi sgt, %add3A_1026, %gt3A_1123 : i32
    %convert_element_type3A_1125 = arith.extui %gt3A_1124 : i1 to i32
    %cond3A_1126 = arith.constant 0 : i32
    %cond3A_1127 = arith.cmpi ne, %convert_element_type3A_1125, %cond3A_1126 : i32
    scf.if %cond3A_1127 {
      %dma_start3A = arith.constant 3 : i32
      %dma_start3A_1348 = arith.constant 48 : i32
      %dma_start3A_1349 = tpu.memref_slice %arg14[%dma_start3A, %dma_start3A_1348] : memref<5x64xi32, #tpu.memory_space<vmem>> -> memref<1x16xi32, #tpu.memory_space<vmem>>
      %dma_start3A_1350 = tpu.memref_squeeze %dma_start3A_1349 : memref<1x16xi32, #tpu.memory_space<vmem>> -> memref<16xi32, #tpu.memory_space<vmem>>
      %dma_start3A_1351 = arith.constant 0 : i32
      %dma_start3A_1352 = arith.constant 0 : i32
      %dma_start3A_1353 = tpu.memref_slice %arg5[%dma_start3A_1351, %dma_start3A_1352] : memref<512x256xf32, #tpu.memory_space<hbm>> -> memref<512x256xf32, #tpu.memory_space<hbm>>
      tpu.enqueue_indirect_dma source(%dma_start3A_1353 : memref<512x256xf32, #tpu.memory_space<hbm>>) target(%arg31 : memref<16x256xf32, #tpu.memory_space<vmem>>) offsets(%dma_start3A_1350 : memref<16xi32, #tpu.memory_space<vmem>>) semaphore(%arg51 : memref<!tpu.dma_semaphore, #tpu.memory_space<semaphore_mem>>)
    } else {
    }
    %gt3A_1128 = arith.constant 0 : i32
    %gt3A_1129 = arith.cmpi sgt, %add3A_1049, %gt3A_1128 : i32
    %convert_element_type3A_1130 = arith.extui %gt3A_1129 : i1 to i32
    %cond3A_1131 = arith.constant 0 : i32
    %cond3A_1132 = arith.cmpi ne, %convert_element_type3A_1130, %cond3A_1131 : i32
    scf.if %cond3A_1132 {
      %dma_start3A = arith.constant 4 : i32
      %dma_start3A_1348 = arith.constant 0 : i32
      %dma_start3A_1349 = tpu.memref_slice %arg14[%dma_start3A, %dma_start3A_1348] : memref<5x64xi32, #tpu.memory_space<vmem>> -> memref<1x16xi32, #tpu.memory_space<vmem>>
      %dma_start3A_1350 = tpu.memref_squeeze %dma_start3A_1349 : memref<1x16xi32, #tpu.memory_space<vmem>> -> memref<16xi32, #tpu.memory_space<vmem>>
      %dma_start3A_1351 = arith.constant 0 : i32
      %dma_start3A_1352 = arith.constant 0 : i32
      %dma_start3A_1353 = tpu.memref_slice %arg6[%dma_start3A_1351, %dma_start3A_1352] : memref<128x256xf32, #tpu.memory_space<hbm>> -> memref<128x256xf32, #tpu.memory_space<hbm>>
      tpu.enqueue_indirect_dma source(%dma_start3A_1353 : memref<128x256xf32, #tpu.memory_space<hbm>>) target(%arg32 : memref<16x256xf32, #tpu.memory_space<vmem>>) offsets(%dma_start3A_1350 : memref<16xi32, #tpu.memory_space<vmem>>) semaphore(%arg52 : memref<!tpu.dma_semaphore, #tpu.memory_space<semaphore_mem>>)
    } else {
    }
    %gt3A_1133 = arith.constant 16 : i32
    %gt3A_1134 = arith.cmpi sgt, %add3A_1049, %gt3A_1133 : i32
    %convert_element_type3A_1135 = arith.extui %gt3A_1134 : i1 to i32
    %cond3A_1136 = arith.constant 0 : i32
    %cond3A_1137 = arith.cmpi ne, %convert_element_type3A_1135, %cond3A_1136 : i32
    scf.if %cond3A_1137 {
      %dma_start3A = arith.constant 4 : i32
      %dma_start3A_1348 = arith.constant 16 : i32
      %dma_start3A_1349 = tpu.memref_slice %arg14[%dma_start3A, %dma_start3A_1348] : memref<5x64xi32, #tpu.memory_space<vmem>> -> memref<1x16xi32, #tpu.memory_space<vmem>>
      %dma_start3A_1350 = tpu.memref_squeeze %dma_start3A_1349 : memref<1x16xi32, #tpu.memory_space<vmem>> -> memref<16xi32, #tpu.memory_space<vmem>>
      %dma_start3A_1351 = arith.constant 0 : i32
      %dma_start3A_1352 = arith.constant 0 : i32
      %dma_start3A_1353 = tpu.memref_slice %arg6[%dma_start3A_1351, %dma_start3A_1352] : memref<128x256xf32, #tpu.memory_space<hbm>> -> memref<128x256xf32, #tpu.memory_space<hbm>>
      tpu.enqueue_indirect_dma source(%dma_start3A_1353 : memref<128x256xf32, #tpu.memory_space<hbm>>) target(%arg33 : memref<16x256xf32, #tpu.memory_space<vmem>>) offsets(%dma_start3A_1350 : memref<16xi32, #tpu.memory_space<vmem>>) semaphore(%arg53 : memref<!tpu.dma_semaphore, #tpu.memory_space<semaphore_mem>>)
    } else {
    }
    %gt3A_1138 = arith.constant 32 : i32
    %gt3A_1139 = arith.cmpi sgt, %add3A_1049, %gt3A_1138 : i32
    %convert_element_type3A_1140 = arith.extui %gt3A_1139 : i1 to i32
    %cond3A_1141 = arith.constant 0 : i32
    %cond3A_1142 = arith.cmpi ne, %convert_element_type3A_1140, %cond3A_1141 : i32
    scf.if %cond3A_1142 {
      %dma_start3A = arith.constant 4 : i32
      %dma_start3A_1348 = arith.constant 32 : i32
      %dma_start3A_1349 = tpu.memref_slice %arg14[%dma_start3A, %dma_start3A_1348] : memref<5x64xi32, #tpu.memory_space<vmem>> -> memref<1x16xi32, #tpu.memory_space<vmem>>
      %dma_start3A_1350 = tpu.memref_squeeze %dma_start3A_1349 : memref<1x16xi32, #tpu.memory_space<vmem>> -> memref<16xi32, #tpu.memory_space<vmem>>
      %dma_start3A_1351 = arith.constant 0 : i32
      %dma_start3A_1352 = arith.constant 0 : i32
      %dma_start3A_1353 = tpu.memref_slice %arg6[%dma_start3A_1351, %dma_start3A_1352] : memref<128x256xf32, #tpu.memory_space<hbm>> -> memref<128x256xf32, #tpu.memory_space<hbm>>
      tpu.enqueue_indirect_dma source(%dma_start3A_1353 : memref<128x256xf32, #tpu.memory_space<hbm>>) target(%arg34 : memref<16x256xf32, #tpu.memory_space<vmem>>) offsets(%dma_start3A_1350 : memref<16xi32, #tpu.memory_space<vmem>>) semaphore(%arg54 : memref<!tpu.dma_semaphore, #tpu.memory_space<semaphore_mem>>)
    } else {
    }
    %gt3A_1143 = arith.constant 48 : i32
    %gt3A_1144 = arith.cmpi sgt, %add3A_1049, %gt3A_1143 : i32
    %convert_element_type3A_1145 = arith.extui %gt3A_1144 : i1 to i32
    %cond3A_1146 = arith.constant 0 : i32
    %cond3A_1147 = arith.cmpi ne, %convert_element_type3A_1145, %cond3A_1146 : i32
    scf.if %cond3A_1147 {
      %dma_start3A = arith.constant 4 : i32
      %dma_start3A_1348 = arith.constant 48 : i32
      %dma_start3A_1349 = tpu.memref_slice %arg14[%dma_start3A, %dma_start3A_1348] : memref<5x64xi32, #tpu.memory_space<vmem>> -> memref<1x16xi32, #tpu.memory_space<vmem>>
      %dma_start3A_1350 = tpu.memref_squeeze %dma_start3A_1349 : memref<1x16xi32, #tpu.memory_space<vmem>> -> memref<16xi32, #tpu.memory_space<vmem>>
      %dma_start3A_1351 = arith.constant 0 : i32
      %dma_start3A_1352 = arith.constant 0 : i32
      %dma_start3A_1353 = tpu.memref_slice %arg6[%dma_start3A_1351, %dma_start3A_1352] : memref<128x256xf32, #tpu.memory_space<hbm>> -> memref<128x256xf32, #tpu.memory_space<hbm>>
      tpu.enqueue_indirect_dma source(%dma_start3A_1353 : memref<128x256xf32, #tpu.memory_space<hbm>>) target(%arg35 : memref<16x256xf32, #tpu.memory_space<vmem>>) offsets(%dma_start3A_1350 : memref<16xi32, #tpu.memory_space<vmem>>) semaphore(%arg55 : memref<!tpu.dma_semaphore, #tpu.memory_space<semaphore_mem>>)
    } else {
    }
    %gt3A_1148 = arith.constant 0 : i32
    %gt3A_1149 = arith.cmpi sgt, %add3A_957, %gt3A_1148 : i32
    %convert_element_type3A_1150 = arith.extui %gt3A_1149 : i1 to i32
    %cond3A_1151 = arith.constant 0 : i32
    %cond3A_1152 = arith.cmpi ne, %convert_element_type3A_1150, %cond3A_1151 : i32
    scf.if %cond3A_1152 {
      %dma_wait3A = arith.constant 0 : i32
      %dma_wait3A_1348 = arith.constant 0 : i32
      %dma_wait3A_1349 = tpu.memref_slice %arg14[%dma_wait3A, %dma_wait3A_1348] : memref<5x64xi32, #tpu.memory_space<vmem>> -> memref<1x16xi32, #tpu.memory_space<vmem>>
      %dma_wait3A_1350 = tpu.memref_squeeze %dma_wait3A_1349 : memref<1x16xi32, #tpu.memory_space<vmem>> -> memref<16xi32, #tpu.memory_space<vmem>>
      %dma_wait3A_1351 = arith.constant 0 : i32
      %dma_wait3A_1352 = arith.constant 0 : i32
      %dma_wait3A_1353 = tpu.memref_slice %arg2[%dma_wait3A_1351, %dma_wait3A_1352] : memref<32768x256xf32, #tpu.memory_space<hbm>> -> memref<32768x256xf32, #tpu.memory_space<hbm>>
      tpu.wait_indirect_dma semaphore(%arg36 : memref<!tpu.dma_semaphore, #tpu.memory_space<semaphore_mem>>) src(%dma_wait3A_1353 : memref<32768x256xf32, #tpu.memory_space<hbm>>) dst(%arg16 : memref<16x256xf32, #tpu.memory_space<vmem>>)
      %dma_start3A = arith.constant 0 : i32
      %dma_start3A_1354 = arith.constant 0 : i32
      %dma_start3A_1355 = tpu.memref_slice %arg15[%dma_start3A, %dma_start3A_1354] : memref<5x64xi32, #tpu.memory_space<vmem>> -> memref<1x16xi32, #tpu.memory_space<vmem>>
      %dma_start3A_1356 = tpu.memref_squeeze %dma_start3A_1355 : memref<1x16xi32, #tpu.memory_space<vmem>> -> memref<16xi32, #tpu.memory_space<vmem>>
      %dma_start3A_1357 = arith.constant 0 : i32
      %dma_start3A_1358 = arith.constant 0 : i32
      %dma_start3A_1359 = tpu.memref_slice %arg10[%dma_start3A_1357, %dma_start3A_1358] : memref<2208x256xf32, #tpu.memory_space<hbm>> -> memref<2208x256xf32, #tpu.memory_space<hbm>>
      tpu.enqueue_indirect_dma source(%arg16 : memref<16x256xf32, #tpu.memory_space<vmem>>) target(%dma_start3A_1359 : memref<2208x256xf32, #tpu.memory_space<hbm>>) offsets(%dma_start3A_1356 : memref<16xi32, #tpu.memory_space<vmem>>) semaphore(%arg56 : memref<!tpu.dma_semaphore, #tpu.memory_space<semaphore_mem>>)
    } else {
    }
    %gt3A_1153 = arith.constant 16 : i32
    %gt3A_1154 = arith.cmpi sgt, %add3A_957, %gt3A_1153 : i32
    %convert_element_type3A_1155 = arith.extui %gt3A_1154 : i1 to i32
    %cond3A_1156 = arith.constant 0 : i32
    %cond3A_1157 = arith.cmpi ne, %convert_element_type3A_1155, %cond3A_1156 : i32
    scf.if %cond3A_1157 {
      %dma_wait3A = arith.constant 0 : i32
      %dma_wait3A_1348 = arith.constant 16 : i32
      %dma_wait3A_1349 = tpu.memref_slice %arg14[%dma_wait3A, %dma_wait3A_1348] : memref<5x64xi32, #tpu.memory_space<vmem>> -> memref<1x16xi32, #tpu.memory_space<vmem>>
      %dma_wait3A_1350 = tpu.memref_squeeze %dma_wait3A_1349 : memref<1x16xi32, #tpu.memory_space<vmem>> -> memref<16xi32, #tpu.memory_space<vmem>>
      %dma_wait3A_1351 = arith.constant 0 : i32
      %dma_wait3A_1352 = arith.constant 0 : i32
      %dma_wait3A_1353 = tpu.memref_slice %arg2[%dma_wait3A_1351, %dma_wait3A_1352] : memref<32768x256xf32, #tpu.memory_space<hbm>> -> memref<32768x256xf32, #tpu.memory_space<hbm>>
      tpu.wait_indirect_dma semaphore(%arg37 : memref<!tpu.dma_semaphore, #tpu.memory_space<semaphore_mem>>) src(%dma_wait3A_1353 : memref<32768x256xf32, #tpu.memory_space<hbm>>) dst(%arg17 : memref<16x256xf32, #tpu.memory_space<vmem>>)
      %dma_start3A = arith.constant 0 : i32
      %dma_start3A_1354 = arith.constant 16 : i32
      %dma_start3A_1355 = tpu.memref_slice %arg15[%dma_start3A, %dma_start3A_1354] : memref<5x64xi32, #tpu.memory_space<vmem>> -> memref<1x16xi32, #tpu.memory_space<vmem>>
      %dma_start3A_1356 = tpu.memref_squeeze %dma_start3A_1355 : memref<1x16xi32, #tpu.memory_space<vmem>> -> memref<16xi32, #tpu.memory_space<vmem>>
      %dma_start3A_1357 = arith.constant 0 : i32
      %dma_start3A_1358 = arith.constant 0 : i32
      %dma_start3A_1359 = tpu.memref_slice %arg10[%dma_start3A_1357, %dma_start3A_1358] : memref<2208x256xf32, #tpu.memory_space<hbm>> -> memref<2208x256xf32, #tpu.memory_space<hbm>>
      tpu.enqueue_indirect_dma source(%arg17 : memref<16x256xf32, #tpu.memory_space<vmem>>) target(%dma_start3A_1359 : memref<2208x256xf32, #tpu.memory_space<hbm>>) offsets(%dma_start3A_1356 : memref<16xi32, #tpu.memory_space<vmem>>) semaphore(%arg56 : memref<!tpu.dma_semaphore, #tpu.memory_space<semaphore_mem>>)
    } else {
    }
    %gt3A_1158 = arith.constant 32 : i32
    %gt3A_1159 = arith.cmpi sgt, %add3A_957, %gt3A_1158 : i32
    %convert_element_type3A_1160 = arith.extui %gt3A_1159 : i1 to i32
    %cond3A_1161 = arith.constant 0 : i32
    %cond3A_1162 = arith.cmpi ne, %convert_element_type3A_1160, %cond3A_1161 : i32
    scf.if %cond3A_1162 {
      %dma_wait3A = arith.constant 0 : i32
      %dma_wait3A_1348 = arith.constant 32 : i32
      %dma_wait3A_1349 = tpu.memref_slice %arg14[%dma_wait3A, %dma_wait3A_1348] : memref<5x64xi32, #tpu.memory_space<vmem>> -> memref<1x16xi32, #tpu.memory_space<vmem>>
      %dma_wait3A_1350 = tpu.memref_squeeze %dma_wait3A_1349 : memref<1x16xi32, #tpu.memory_space<vmem>> -> memref<16xi32, #tpu.memory_space<vmem>>
      %dma_wait3A_1351 = arith.constant 0 : i32
      %dma_wait3A_1352 = arith.constant 0 : i32
      %dma_wait3A_1353 = tpu.memref_slice %arg2[%dma_wait3A_1351, %dma_wait3A_1352] : memref<32768x256xf32, #tpu.memory_space<hbm>> -> memref<32768x256xf32, #tpu.memory_space<hbm>>
      tpu.wait_indirect_dma semaphore(%arg38 : memref<!tpu.dma_semaphore, #tpu.memory_space<semaphore_mem>>) src(%dma_wait3A_1353 : memref<32768x256xf32, #tpu.memory_space<hbm>>) dst(%arg18 : memref<16x256xf32, #tpu.memory_space<vmem>>)
      %dma_start3A = arith.constant 0 : i32
      %dma_start3A_1354 = arith.constant 32 : i32
      %dma_start3A_1355 = tpu.memref_slice %arg15[%dma_start3A, %dma_start3A_1354] : memref<5x64xi32, #tpu.memory_space<vmem>> -> memref<1x16xi32, #tpu.memory_space<vmem>>
      %dma_start3A_1356 = tpu.memref_squeeze %dma_start3A_1355 : memref<1x16xi32, #tpu.memory_space<vmem>> -> memref<16xi32, #tpu.memory_space<vmem>>
      %dma_start3A_1357 = arith.constant 0 : i32
      %dma_start3A_1358 = arith.constant 0 : i32
      %dma_start3A_1359 = tpu.memref_slice %arg10[%dma_start3A_1357, %dma_start3A_1358] : memref<2208x256xf32, #tpu.memory_space<hbm>> -> memref<2208x256xf32, #tpu.memory_space<hbm>>
      tpu.enqueue_indirect_dma source(%arg18 : memref<16x256xf32, #tpu.memory_space<vmem>>) target(%dma_start3A_1359 : memref<2208x256xf32, #tpu.memory_space<hbm>>) offsets(%dma_start3A_1356 : memref<16xi32, #tpu.memory_space<vmem>>) semaphore(%arg56 : memref<!tpu.dma_semaphore, #tpu.memory_space<semaphore_mem>>)
    } else {
    }
    %gt3A_1163 = arith.constant 48 : i32
    %gt3A_1164 = arith.cmpi sgt, %add3A_957, %gt3A_1163 : i32
    %convert_element_type3A_1165 = arith.extui %gt3A_1164 : i1 to i32
    %cond3A_1166 = arith.constant 0 : i32
    %cond3A_1167 = arith.cmpi ne, %convert_element_type3A_1165, %cond3A_1166 : i32
    scf.if %cond3A_1167 {
      %dma_wait3A = arith.constant 0 : i32
      %dma_wait3A_1348 = arith.constant 48 : i32
      %dma_wait3A_1349 = tpu.memref_slice %arg14[%dma_wait3A, %dma_wait3A_1348] : memref<5x64xi32, #tpu.memory_space<vmem>> -> memref<1x16xi32, #tpu.memory_space<vmem>>
      %dma_wait3A_1350 = tpu.memref_squeeze %dma_wait3A_1349 : memref<1x16xi32, #tpu.memory_space<vmem>> -> memref<16xi32, #tpu.memory_space<vmem>>
      %dma_wait3A_1351 = arith.constant 0 : i32
      %dma_wait3A_1352 = arith.constant 0 : i32
      %dma_wait3A_1353 = tpu.memref_slice %arg2[%dma_wait3A_1351, %dma_wait3A_1352] : memref<32768x256xf32, #tpu.memory_space<hbm>> -> memref<32768x256xf32, #tpu.memory_space<hbm>>
      tpu.wait_indirect_dma semaphore(%arg39 : memref<!tpu.dma_semaphore, #tpu.memory_space<semaphore_mem>>) src(%dma_wait3A_1353 : memref<32768x256xf32, #tpu.memory_space<hbm>>) dst(%arg19 : memref<16x256xf32, #tpu.memory_space<vmem>>)
      %dma_start3A = arith.constant 0 : i32
      %dma_start3A_1354 = arith.constant 48 : i32
      %dma_start3A_1355 = tpu.memref_slice %arg15[%dma_start3A, %dma_start3A_1354] : memref<5x64xi32, #tpu.memory_space<vmem>> -> memref<1x16xi32, #tpu.memory_space<vmem>>
      %dma_start3A_1356 = tpu.memref_squeeze %dma_start3A_1355 : memref<1x16xi32, #tpu.memory_space<vmem>> -> memref<16xi32, #tpu.memory_space<vmem>>
      %dma_start3A_1357 = arith.constant 0 : i32
      %dma_start3A_1358 = arith.constant 0 : i32
      %dma_start3A_1359 = tpu.memref_slice %arg10[%dma_start3A_1357, %dma_start3A_1358] : memref<2208x256xf32, #tpu.memory_space<hbm>> -> memref<2208x256xf32, #tpu.memory_space<hbm>>
      tpu.enqueue_indirect_dma source(%arg19 : memref<16x256xf32, #tpu.memory_space<vmem>>) target(%dma_start3A_1359 : memref<2208x256xf32, #tpu.memory_space<hbm>>) offsets(%dma_start3A_1356 : memref<16xi32, #tpu.memory_space<vmem>>) semaphore(%arg56 : memref<!tpu.dma_semaphore, #tpu.memory_space<semaphore_mem>>)
    } else {
    }
    %gt3A_1168 = arith.constant 0 : i32
    %gt3A_1169 = arith.cmpi sgt, %add3A_980, %gt3A_1168 : i32
    %convert_element_type3A_1170 = arith.extui %gt3A_1169 : i1 to i32
    %cond3A_1171 = arith.constant 0 : i32
    %cond3A_1172 = arith.cmpi ne, %convert_element_type3A_1170, %cond3A_1171 : i32
    scf.if %cond3A_1172 {
      %dma_wait3A = arith.constant 1 : i32
      %dma_wait3A_1348 = arith.constant 0 : i32
      %dma_wait3A_1349 = tpu.memref_slice %arg14[%dma_wait3A, %dma_wait3A_1348] : memref<5x64xi32, #tpu.memory_space<vmem>> -> memref<1x16xi32, #tpu.memory_space<vmem>>
      %dma_wait3A_1350 = tpu.memref_squeeze %dma_wait3A_1349 : memref<1x16xi32, #tpu.memory_space<vmem>> -> memref<16xi32, #tpu.memory_space<vmem>>
      %dma_wait3A_1351 = arith.constant 0 : i32
      %dma_wait3A_1352 = arith.constant 0 : i32
      %dma_wait3A_1353 = tpu.memref_slice %arg3[%dma_wait3A_1351, %dma_wait3A_1352] : memref<8192x256xf32, #tpu.memory_space<hbm>> -> memref<8192x256xf32, #tpu.memory_space<hbm>>
      tpu.wait_indirect_dma semaphore(%arg40 : memref<!tpu.dma_semaphore, #tpu.memory_space<semaphore_mem>>) src(%dma_wait3A_1353 : memref<8192x256xf32, #tpu.memory_space<hbm>>) dst(%arg20 : memref<16x256xf32, #tpu.memory_space<vmem>>)
      %dma_start3A = arith.constant 1 : i32
      %dma_start3A_1354 = arith.constant 0 : i32
      %dma_start3A_1355 = tpu.memref_slice %arg15[%dma_start3A, %dma_start3A_1354] : memref<5x64xi32, #tpu.memory_space<vmem>> -> memref<1x16xi32, #tpu.memory_space<vmem>>
      %dma_start3A_1356 = tpu.memref_squeeze %dma_start3A_1355 : memref<1x16xi32, #tpu.memory_space<vmem>> -> memref<16xi32, #tpu.memory_space<vmem>>
      %dma_start3A_1357 = arith.constant 0 : i32
      %dma_start3A_1358 = arith.constant 0 : i32
      %dma_start3A_1359 = tpu.memref_slice %arg10[%dma_start3A_1357, %dma_start3A_1358] : memref<2208x256xf32, #tpu.memory_space<hbm>> -> memref<2208x256xf32, #tpu.memory_space<hbm>>
      tpu.enqueue_indirect_dma source(%arg20 : memref<16x256xf32, #tpu.memory_space<vmem>>) target(%dma_start3A_1359 : memref<2208x256xf32, #tpu.memory_space<hbm>>) offsets(%dma_start3A_1356 : memref<16xi32, #tpu.memory_space<vmem>>) semaphore(%arg56 : memref<!tpu.dma_semaphore, #tpu.memory_space<semaphore_mem>>)
    } else {
    }
    %gt3A_1173 = arith.constant 16 : i32
    %gt3A_1174 = arith.cmpi sgt, %add3A_980, %gt3A_1173 : i32
    %convert_element_type3A_1175 = arith.extui %gt3A_1174 : i1 to i32
    %cond3A_1176 = arith.constant 0 : i32
    %cond3A_1177 = arith.cmpi ne, %convert_element_type3A_1175, %cond3A_1176 : i32
    scf.if %cond3A_1177 {
      %dma_wait3A = arith.constant 1 : i32
      %dma_wait3A_1348 = arith.constant 16 : i32
      %dma_wait3A_1349 = tpu.memref_slice %arg14[%dma_wait3A, %dma_wait3A_1348] : memref<5x64xi32, #tpu.memory_space<vmem>> -> memref<1x16xi32, #tpu.memory_space<vmem>>
      %dma_wait3A_1350 = tpu.memref_squeeze %dma_wait3A_1349 : memref<1x16xi32, #tpu.memory_space<vmem>> -> memref<16xi32, #tpu.memory_space<vmem>>
      %dma_wait3A_1351 = arith.constant 0 : i32
      %dma_wait3A_1352 = arith.constant 0 : i32
      %dma_wait3A_1353 = tpu.memref_slice %arg3[%dma_wait3A_1351, %dma_wait3A_1352] : memref<8192x256xf32, #tpu.memory_space<hbm>> -> memref<8192x256xf32, #tpu.memory_space<hbm>>
      tpu.wait_indirect_dma semaphore(%arg41 : memref<!tpu.dma_semaphore, #tpu.memory_space<semaphore_mem>>) src(%dma_wait3A_1353 : memref<8192x256xf32, #tpu.memory_space<hbm>>) dst(%arg21 : memref<16x256xf32, #tpu.memory_space<vmem>>)
      %dma_start3A = arith.constant 1 : i32
      %dma_start3A_1354 = arith.constant 16 : i32
      %dma_start3A_1355 = tpu.memref_slice %arg15[%dma_start3A, %dma_start3A_1354] : memref<5x64xi32, #tpu.memory_space<vmem>> -> memref<1x16xi32, #tpu.memory_space<vmem>>
      %dma_start3A_1356 = tpu.memref_squeeze %dma_start3A_1355 : memref<1x16xi32, #tpu.memory_space<vmem>> -> memref<16xi32, #tpu.memory_space<vmem>>
      %dma_start3A_1357 = arith.constant 0 : i32
      %dma_start3A_1358 = arith.constant 0 : i32
      %dma_start3A_1359 = tpu.memref_slice %arg10[%dma_start3A_1357, %dma_start3A_1358] : memref<2208x256xf32, #tpu.memory_space<hbm>> -> memref<2208x256xf32, #tpu.memory_space<hbm>>
      tpu.enqueue_indirect_dma source(%arg21 : memref<16x256xf32, #tpu.memory_space<vmem>>) target(%dma_start3A_1359 : memref<2208x256xf32, #tpu.memory_space<hbm>>) offsets(%dma_start3A_1356 : memref<16xi32, #tpu.memory_space<vmem>>) semaphore(%arg56 : memref<!tpu.dma_semaphore, #tpu.memory_space<semaphore_mem>>)
    } else {
    }
    %gt3A_1178 = arith.constant 32 : i32
    %gt3A_1179 = arith.cmpi sgt, %add3A_980, %gt3A_1178 : i32
    %convert_element_type3A_1180 = arith.extui %gt3A_1179 : i1 to i32
    %cond3A_1181 = arith.constant 0 : i32
    %cond3A_1182 = arith.cmpi ne, %convert_element_type3A_1180, %cond3A_1181 : i32
    scf.if %cond3A_1182 {
      %dma_wait3A = arith.constant 1 : i32
      %dma_wait3A_1348 = arith.constant 32 : i32
      %dma_wait3A_1349 = tpu.memref_slice %arg14[%dma_wait3A, %dma_wait3A_1348] : memref<5x64xi32, #tpu.memory_space<vmem>> -> memref<1x16xi32, #tpu.memory_space<vmem>>
      %dma_wait3A_1350 = tpu.memref_squeeze %dma_wait3A_1349 : memref<1x16xi32, #tpu.memory_space<vmem>> -> memref<16xi32, #tpu.memory_space<vmem>>
      %dma_wait3A_1351 = arith.constant 0 : i32
      %dma_wait3A_1352 = arith.constant 0 : i32
      %dma_wait3A_1353 = tpu.memref_slice %arg3[%dma_wait3A_1351, %dma_wait3A_1352] : memref<8192x256xf32, #tpu.memory_space<hbm>> -> memref<8192x256xf32, #tpu.memory_space<hbm>>
      tpu.wait_indirect_dma semaphore(%arg42 : memref<!tpu.dma_semaphore, #tpu.memory_space<semaphore_mem>>) src(%dma_wait3A_1353 : memref<8192x256xf32, #tpu.memory_space<hbm>>) dst(%arg22 : memref<16x256xf32, #tpu.memory_space<vmem>>)
      %dma_start3A = arith.constant 1 : i32
      %dma_start3A_1354 = arith.constant 32 : i32
      %dma_start3A_1355 = tpu.memref_slice %arg15[%dma_start3A, %dma_start3A_1354] : memref<5x64xi32, #tpu.memory_space<vmem>> -> memref<1x16xi32, #tpu.memory_space<vmem>>
      %dma_start3A_1356 = tpu.memref_squeeze %dma_start3A_1355 : memref<1x16xi32, #tpu.memory_space<vmem>> -> memref<16xi32, #tpu.memory_space<vmem>>
      %dma_start3A_1357 = arith.constant 0 : i32
      %dma_start3A_1358 = arith.constant 0 : i32
      %dma_start3A_1359 = tpu.memref_slice %arg10[%dma_start3A_1357, %dma_start3A_1358] : memref<2208x256xf32, #tpu.memory_space<hbm>> -> memref<2208x256xf32, #tpu.memory_space<hbm>>
      tpu.enqueue_indirect_dma source(%arg22 : memref<16x256xf32, #tpu.memory_space<vmem>>) target(%dma_start3A_1359 : memref<2208x256xf32, #tpu.memory_space<hbm>>) offsets(%dma_start3A_1356 : memref<16xi32, #tpu.memory_space<vmem>>) semaphore(%arg56 : memref<!tpu.dma_semaphore, #tpu.memory_space<semaphore_mem>>)
    } else {
    }
    %gt3A_1183 = arith.constant 48 : i32
    %gt3A_1184 = arith.cmpi sgt, %add3A_980, %gt3A_1183 : i32
    %convert_element_type3A_1185 = arith.extui %gt3A_1184 : i1 to i32
    %cond3A_1186 = arith.constant 0 : i32
    %cond3A_1187 = arith.cmpi ne, %convert_element_type3A_1185, %cond3A_1186 : i32
    scf.if %cond3A_1187 {
      %dma_wait3A = arith.constant 1 : i32
      %dma_wait3A_1348 = arith.constant 48 : i32
      %dma_wait3A_1349 = tpu.memref_slice %arg14[%dma_wait3A, %dma_wait3A_1348] : memref<5x64xi32, #tpu.memory_space<vmem>> -> memref<1x16xi32, #tpu.memory_space<vmem>>
      %dma_wait3A_1350 = tpu.memref_squeeze %dma_wait3A_1349 : memref<1x16xi32, #tpu.memory_space<vmem>> -> memref<16xi32, #tpu.memory_space<vmem>>
      %dma_wait3A_1351 = arith.constant 0 : i32
      %dma_wait3A_1352 = arith.constant 0 : i32
      %dma_wait3A_1353 = tpu.memref_slice %arg3[%dma_wait3A_1351, %dma_wait3A_1352] : memref<8192x256xf32, #tpu.memory_space<hbm>> -> memref<8192x256xf32, #tpu.memory_space<hbm>>
      tpu.wait_indirect_dma semaphore(%arg43 : memref<!tpu.dma_semaphore, #tpu.memory_space<semaphore_mem>>) src(%dma_wait3A_1353 : memref<8192x256xf32, #tpu.memory_space<hbm>>) dst(%arg23 : memref<16x256xf32, #tpu.memory_space<vmem>>)
      %dma_start3A = arith.constant 1 : i32
      %dma_start3A_1354 = arith.constant 48 : i32
      %dma_start3A_1355 = tpu.memref_slice %arg15[%dma_start3A, %dma_start3A_1354] : memref<5x64xi32, #tpu.memory_space<vmem>> -> memref<1x16xi32, #tpu.memory_space<vmem>>
      %dma_start3A_1356 = tpu.memref_squeeze %dma_start3A_1355 : memref<1x16xi32, #tpu.memory_space<vmem>> -> memref<16xi32, #tpu.memory_space<vmem>>
      %dma_start3A_1357 = arith.constant 0 : i32
      %dma_start3A_1358 = arith.constant 0 : i32
      %dma_start3A_1359 = tpu.memref_slice %arg10[%dma_start3A_1357, %dma_start3A_1358] : memref<2208x256xf32, #tpu.memory_space<hbm>> -> memref<2208x256xf32, #tpu.memory_space<hbm>>
      tpu.enqueue_indirect_dma source(%arg23 : memref<16x256xf32, #tpu.memory_space<vmem>>) target(%dma_start3A_1359 : memref<2208x256xf32, #tpu.memory_space<hbm>>) offsets(%dma_start3A_1356 : memref<16xi32, #tpu.memory_space<vmem>>) semaphore(%arg56 : memref<!tpu.dma_semaphore, #tpu.memory_space<semaphore_mem>>)
    } else {
    }
    %gt3A_1188 = arith.constant 0 : i32
    %gt3A_1189 = arith.cmpi sgt, %add3A_1003, %gt3A_1188 : i32
    %convert_element_type3A_1190 = arith.extui %gt3A_1189 : i1 to i32
    %cond3A_1191 = arith.constant 0 : i32
    %cond3A_1192 = arith.cmpi ne, %convert_element_type3A_1190, %cond3A_1191 : i32
    scf.if %cond3A_1192 {
      %dma_wait3A = arith.constant 2 : i32
      %dma_wait3A_1348 = arith.constant 0 : i32
      %dma_wait3A_1349 = tpu.memref_slice %arg14[%dma_wait3A, %dma_wait3A_1348] : memref<5x64xi32, #tpu.memory_space<vmem>> -> memref<1x16xi32, #tpu.memory_space<vmem>>
      %dma_wait3A_1350 = tpu.memref_squeeze %dma_wait3A_1349 : memref<1x16xi32, #tpu.memory_space<vmem>> -> memref<16xi32, #tpu.memory_space<vmem>>
      %dma_wait3A_1351 = arith.constant 0 : i32
      %dma_wait3A_1352 = arith.constant 0 : i32
      %dma_wait3A_1353 = tpu.memref_slice %arg4[%dma_wait3A_1351, %dma_wait3A_1352] : memref<2048x256xf32, #tpu.memory_space<hbm>> -> memref<2048x256xf32, #tpu.memory_space<hbm>>
      tpu.wait_indirect_dma semaphore(%arg44 : memref<!tpu.dma_semaphore, #tpu.memory_space<semaphore_mem>>) src(%dma_wait3A_1353 : memref<2048x256xf32, #tpu.memory_space<hbm>>) dst(%arg24 : memref<16x256xf32, #tpu.memory_space<vmem>>)
      %dma_start3A = arith.constant 2 : i32
      %dma_start3A_1354 = arith.constant 0 : i32
      %dma_start3A_1355 = tpu.memref_slice %arg15[%dma_start3A, %dma_start3A_1354] : memref<5x64xi32, #tpu.memory_space<vmem>> -> memref<1x16xi32, #tpu.memory_space<vmem>>
      %dma_start3A_1356 = tpu.memref_squeeze %dma_start3A_1355 : memref<1x16xi32, #tpu.memory_space<vmem>> -> memref<16xi32, #tpu.memory_space<vmem>>
      %dma_start3A_1357 = arith.constant 0 : i32
      %dma_start3A_1358 = arith.constant 0 : i32
      %dma_start3A_1359 = tpu.memref_slice %arg10[%dma_start3A_1357, %dma_start3A_1358] : memref<2208x256xf32, #tpu.memory_space<hbm>> -> memref<2208x256xf32, #tpu.memory_space<hbm>>
      tpu.enqueue_indirect_dma source(%arg24 : memref<16x256xf32, #tpu.memory_space<vmem>>) target(%dma_start3A_1359 : memref<2208x256xf32, #tpu.memory_space<hbm>>) offsets(%dma_start3A_1356 : memref<16xi32, #tpu.memory_space<vmem>>) semaphore(%arg56 : memref<!tpu.dma_semaphore, #tpu.memory_space<semaphore_mem>>)
    } else {
    }
    %gt3A_1193 = arith.constant 16 : i32
    %gt3A_1194 = arith.cmpi sgt, %add3A_1003, %gt3A_1193 : i32
    %convert_element_type3A_1195 = arith.extui %gt3A_1194 : i1 to i32
    %cond3A_1196 = arith.constant 0 : i32
    %cond3A_1197 = arith.cmpi ne, %convert_element_type3A_1195, %cond3A_1196 : i32
    scf.if %cond3A_1197 {
      %dma_wait3A = arith.constant 2 : i32
      %dma_wait3A_1348 = arith.constant 16 : i32
      %dma_wait3A_1349 = tpu.memref_slice %arg14[%dma_wait3A, %dma_wait3A_1348] : memref<5x64xi32, #tpu.memory_space<vmem>> -> memref<1x16xi32, #tpu.memory_space<vmem>>
      %dma_wait3A_1350 = tpu.memref_squeeze %dma_wait3A_1349 : memref<1x16xi32, #tpu.memory_space<vmem>> -> memref<16xi32, #tpu.memory_space<vmem>>
      %dma_wait3A_1351 = arith.constant 0 : i32
      %dma_wait3A_1352 = arith.constant 0 : i32
      %dma_wait3A_1353 = tpu.memref_slice %arg4[%dma_wait3A_1351, %dma_wait3A_1352] : memref<2048x256xf32, #tpu.memory_space<hbm>> -> memref<2048x256xf32, #tpu.memory_space<hbm>>
      tpu.wait_indirect_dma semaphore(%arg45 : memref<!tpu.dma_semaphore, #tpu.memory_space<semaphore_mem>>) src(%dma_wait3A_1353 : memref<2048x256xf32, #tpu.memory_space<hbm>>) dst(%arg25 : memref<16x256xf32, #tpu.memory_space<vmem>>)
      %dma_start3A = arith.constant 2 : i32
      %dma_start3A_1354 = arith.constant 16 : i32
      %dma_start3A_1355 = tpu.memref_slice %arg15[%dma_start3A, %dma_start3A_1354] : memref<5x64xi32, #tpu.memory_space<vmem>> -> memref<1x16xi32, #tpu.memory_space<vmem>>
      %dma_start3A_1356 = tpu.memref_squeeze %dma_start3A_1355 : memref<1x16xi32, #tpu.memory_space<vmem>> -> memref<16xi32, #tpu.memory_space<vmem>>
      %dma_start3A_1357 = arith.constant 0 : i32
      %dma_start3A_1358 = arith.constant 0 : i32
      %dma_start3A_1359 = tpu.memref_slice %arg10[%dma_start3A_1357, %dma_start3A_1358] : memref<2208x256xf32, #tpu.memory_space<hbm>> -> memref<2208x256xf32, #tpu.memory_space<hbm>>
      tpu.enqueue_indirect_dma source(%arg25 : memref<16x256xf32, #tpu.memory_space<vmem>>) target(%dma_start3A_1359 : memref<2208x256xf32, #tpu.memory_space<hbm>>) offsets(%dma_start3A_1356 : memref<16xi32, #tpu.memory_space<vmem>>) semaphore(%arg56 : memref<!tpu.dma_semaphore, #tpu.memory_space<semaphore_mem>>)
    } else {
    }
    %gt3A_1198 = arith.constant 32 : i32
    %gt3A_1199 = arith.cmpi sgt, %add3A_1003, %gt3A_1198 : i32
    %convert_element_type3A_1200 = arith.extui %gt3A_1199 : i1 to i32
    %cond3A_1201 = arith.constant 0 : i32
    %cond3A_1202 = arith.cmpi ne, %convert_element_type3A_1200, %cond3A_1201 : i32
    scf.if %cond3A_1202 {
      %dma_wait3A = arith.constant 2 : i32
      %dma_wait3A_1348 = arith.constant 32 : i32
      %dma_wait3A_1349 = tpu.memref_slice %arg14[%dma_wait3A, %dma_wait3A_1348] : memref<5x64xi32, #tpu.memory_space<vmem>> -> memref<1x16xi32, #tpu.memory_space<vmem>>
      %dma_wait3A_1350 = tpu.memref_squeeze %dma_wait3A_1349 : memref<1x16xi32, #tpu.memory_space<vmem>> -> memref<16xi32, #tpu.memory_space<vmem>>
      %dma_wait3A_1351 = arith.constant 0 : i32
      %dma_wait3A_1352 = arith.constant 0 : i32
      %dma_wait3A_1353 = tpu.memref_slice %arg4[%dma_wait3A_1351, %dma_wait3A_1352] : memref<2048x256xf32, #tpu.memory_space<hbm>> -> memref<2048x256xf32, #tpu.memory_space<hbm>>
      tpu.wait_indirect_dma semaphore(%arg46 : memref<!tpu.dma_semaphore, #tpu.memory_space<semaphore_mem>>) src(%dma_wait3A_1353 : memref<2048x256xf32, #tpu.memory_space<hbm>>) dst(%arg26 : memref<16x256xf32, #tpu.memory_space<vmem>>)
      %dma_start3A = arith.constant 2 : i32
      %dma_start3A_1354 = arith.constant 32 : i32
      %dma_start3A_1355 = tpu.memref_slice %arg15[%dma_start3A, %dma_start3A_1354] : memref<5x64xi32, #tpu.memory_space<vmem>> -> memref<1x16xi32, #tpu.memory_space<vmem>>
      %dma_start3A_1356 = tpu.memref_squeeze %dma_start3A_1355 : memref<1x16xi32, #tpu.memory_space<vmem>> -> memref<16xi32, #tpu.memory_space<vmem>>
      %dma_start3A_1357 = arith.constant 0 : i32
      %dma_start3A_1358 = arith.constant 0 : i32
      %dma_start3A_1359 = tpu.memref_slice %arg10[%dma_start3A_1357, %dma_start3A_1358] : memref<2208x256xf32, #tpu.memory_space<hbm>> -> memref<2208x256xf32, #tpu.memory_space<hbm>>
      tpu.enqueue_indirect_dma source(%arg26 : memref<16x256xf32, #tpu.memory_space<vmem>>) target(%dma_start3A_1359 : memref<2208x256xf32, #tpu.memory_space<hbm>>) offsets(%dma_start3A_1356 : memref<16xi32, #tpu.memory_space<vmem>>) semaphore(%arg56 : memref<!tpu.dma_semaphore, #tpu.memory_space<semaphore_mem>>)
    } else {
    }
    %gt3A_1203 = arith.constant 48 : i32
    %gt3A_1204 = arith.cmpi sgt, %add3A_1003, %gt3A_1203 : i32
    %convert_element_type3A_1205 = arith.extui %gt3A_1204 : i1 to i32
    %cond3A_1206 = arith.constant 0 : i32
    %cond3A_1207 = arith.cmpi ne, %convert_element_type3A_1205, %cond3A_1206 : i32
    scf.if %cond3A_1207 {
      %dma_wait3A = arith.constant 2 : i32
      %dma_wait3A_1348 = arith.constant 48 : i32
      %dma_wait3A_1349 = tpu.memref_slice %arg14[%dma_wait3A, %dma_wait3A_1348] : memref<5x64xi32, #tpu.memory_space<vmem>> -> memref<1x16xi32, #tpu.memory_space<vmem>>
      %dma_wait3A_1350 = tpu.memref_squeeze %dma_wait3A_1349 : memref<1x16xi32, #tpu.memory_space<vmem>> -> memref<16xi32, #tpu.memory_space<vmem>>
      %dma_wait3A_1351 = arith.constant 0 : i32
      %dma_wait3A_1352 = arith.constant 0 : i32
      %dma_wait3A_1353 = tpu.memref_slice %arg4[%dma_wait3A_1351, %dma_wait3A_1352] : memref<2048x256xf32, #tpu.memory_space<hbm>> -> memref<2048x256xf32, #tpu.memory_space<hbm>>
      tpu.wait_indirect_dma semaphore(%arg47 : memref<!tpu.dma_semaphore, #tpu.memory_space<semaphore_mem>>) src(%dma_wait3A_1353 : memref<2048x256xf32, #tpu.memory_space<hbm>>) dst(%arg27 : memref<16x256xf32, #tpu.memory_space<vmem>>)
      %dma_start3A = arith.constant 2 : i32
      %dma_start3A_1354 = arith.constant 48 : i32
      %dma_start3A_1355 = tpu.memref_slice %arg15[%dma_start3A, %dma_start3A_1354] : memref<5x64xi32, #tpu.memory_space<vmem>> -> memref<1x16xi32, #tpu.memory_space<vmem>>
      %dma_start3A_1356 = tpu.memref_squeeze %dma_start3A_1355 : memref<1x16xi32, #tpu.memory_space<vmem>> -> memref<16xi32, #tpu.memory_space<vmem>>
      %dma_start3A_1357 = arith.constant 0 : i32
      %dma_start3A_1358 = arith.constant 0 : i32
      %dma_start3A_1359 = tpu.memref_slice %arg10[%dma_start3A_1357, %dma_start3A_1358] : memref<2208x256xf32, #tpu.memory_space<hbm>> -> memref<2208x256xf32, #tpu.memory_space<hbm>>
      tpu.enqueue_indirect_dma source(%arg27 : memref<16x256xf32, #tpu.memory_space<vmem>>) target(%dma_start3A_1359 : memref<2208x256xf32, #tpu.memory_space<hbm>>) offsets(%dma_start3A_1356 : memref<16xi32, #tpu.memory_space<vmem>>) semaphore(%arg56 : memref<!tpu.dma_semaphore, #tpu.memory_space<semaphore_mem>>)
    } else {
    }
    %gt3A_1208 = arith.constant 0 : i32
    %gt3A_1209 = arith.cmpi sgt, %add3A_1026, %gt3A_1208 : i32
    %convert_element_type3A_1210 = arith.extui %gt3A_1209 : i1 to i32
    %cond3A_1211 = arith.constant 0 : i32
    %cond3A_1212 = arith.cmpi ne, %convert_element_type3A_1210, %cond3A_1211 : i32
    scf.if %cond3A_1212 {
      %dma_wait3A = arith.constant 3 : i32
      %dma_wait3A_1348 = arith.constant 0 : i32
      %dma_wait3A_1349 = tpu.memref_slice %arg14[%dma_wait3A, %dma_wait3A_1348] : memref<5x64xi32, #tpu.memory_space<vmem>> -> memref<1x16xi32, #tpu.memory_space<vmem>>
      %dma_wait3A_1350 = tpu.memref_squeeze %dma_wait3A_1349 : memref<1x16xi32, #tpu.memory_space<vmem>> -> memref<16xi32, #tpu.memory_space<vmem>>
      %dma_wait3A_1351 = arith.constant 0 : i32
      %dma_wait3A_1352 = arith.constant 0 : i32
      %dma_wait3A_1353 = tpu.memref_slice %arg5[%dma_wait3A_1351, %dma_wait3A_1352] : memref<512x256xf32, #tpu.memory_space<hbm>> -> memref<512x256xf32, #tpu.memory_space<hbm>>
      tpu.wait_indirect_dma semaphore(%arg48 : memref<!tpu.dma_semaphore, #tpu.memory_space<semaphore_mem>>) src(%dma_wait3A_1353 : memref<512x256xf32, #tpu.memory_space<hbm>>) dst(%arg28 : memref<16x256xf32, #tpu.memory_space<vmem>>)
      %dma_start3A = arith.constant 3 : i32
      %dma_start3A_1354 = arith.constant 0 : i32
      %dma_start3A_1355 = tpu.memref_slice %arg15[%dma_start3A, %dma_start3A_1354] : memref<5x64xi32, #tpu.memory_space<vmem>> -> memref<1x16xi32, #tpu.memory_space<vmem>>
      %dma_start3A_1356 = tpu.memref_squeeze %dma_start3A_1355 : memref<1x16xi32, #tpu.memory_space<vmem>> -> memref<16xi32, #tpu.memory_space<vmem>>
      %dma_start3A_1357 = arith.constant 0 : i32
      %dma_start3A_1358 = arith.constant 0 : i32
      %dma_start3A_1359 = tpu.memref_slice %arg10[%dma_start3A_1357, %dma_start3A_1358] : memref<2208x256xf32, #tpu.memory_space<hbm>> -> memref<2208x256xf32, #tpu.memory_space<hbm>>
      tpu.enqueue_indirect_dma source(%arg28 : memref<16x256xf32, #tpu.memory_space<vmem>>) target(%dma_start3A_1359 : memref<2208x256xf32, #tpu.memory_space<hbm>>) offsets(%dma_start3A_1356 : memref<16xi32, #tpu.memory_space<vmem>>) semaphore(%arg56 : memref<!tpu.dma_semaphore, #tpu.memory_space<semaphore_mem>>)
    } else {
    }
    %gt3A_1213 = arith.constant 16 : i32
    %gt3A_1214 = arith.cmpi sgt, %add3A_1026, %gt3A_1213 : i32
    %convert_element_type3A_1215 = arith.extui %gt3A_1214 : i1 to i32
    %cond3A_1216 = arith.constant 0 : i32
    %cond3A_1217 = arith.cmpi ne, %convert_element_type3A_1215, %cond3A_1216 : i32
    scf.if %cond3A_1217 {
      %dma_wait3A = arith.constant 3 : i32
      %dma_wait3A_1348 = arith.constant 16 : i32
      %dma_wait3A_1349 = tpu.memref_slice %arg14[%dma_wait3A, %dma_wait3A_1348] : memref<5x64xi32, #tpu.memory_space<vmem>> -> memref<1x16xi32, #tpu.memory_space<vmem>>
      %dma_wait3A_1350 = tpu.memref_squeeze %dma_wait3A_1349 : memref<1x16xi32, #tpu.memory_space<vmem>> -> memref<16xi32, #tpu.memory_space<vmem>>
      %dma_wait3A_1351 = arith.constant 0 : i32
      %dma_wait3A_1352 = arith.constant 0 : i32
      %dma_wait3A_1353 = tpu.memref_slice %arg5[%dma_wait3A_1351, %dma_wait3A_1352] : memref<512x256xf32, #tpu.memory_space<hbm>> -> memref<512x256xf32, #tpu.memory_space<hbm>>
      tpu.wait_indirect_dma semaphore(%arg49 : memref<!tpu.dma_semaphore, #tpu.memory_space<semaphore_mem>>) src(%dma_wait3A_1353 : memref<512x256xf32, #tpu.memory_space<hbm>>) dst(%arg29 : memref<16x256xf32, #tpu.memory_space<vmem>>)
      %dma_start3A = arith.constant 3 : i32
      %dma_start3A_1354 = arith.constant 16 : i32
      %dma_start3A_1355 = tpu.memref_slice %arg15[%dma_start3A, %dma_start3A_1354] : memref<5x64xi32, #tpu.memory_space<vmem>> -> memref<1x16xi32, #tpu.memory_space<vmem>>
      %dma_start3A_1356 = tpu.memref_squeeze %dma_start3A_1355 : memref<1x16xi32, #tpu.memory_space<vmem>> -> memref<16xi32, #tpu.memory_space<vmem>>
      %dma_start3A_1357 = arith.constant 0 : i32
      %dma_start3A_1358 = arith.constant 0 : i32
      %dma_start3A_1359 = tpu.memref_slice %arg10[%dma_start3A_1357, %dma_start3A_1358] : memref<2208x256xf32, #tpu.memory_space<hbm>> -> memref<2208x256xf32, #tpu.memory_space<hbm>>
      tpu.enqueue_indirect_dma source(%arg29 : memref<16x256xf32, #tpu.memory_space<vmem>>) target(%dma_start3A_1359 : memref<2208x256xf32, #tpu.memory_space<hbm>>) offsets(%dma_start3A_1356 : memref<16xi32, #tpu.memory_space<vmem>>) semaphore(%arg56 : memref<!tpu.dma_semaphore, #tpu.memory_space<semaphore_mem>>)
    } else {
    }
    %gt3A_1218 = arith.constant 32 : i32
    %gt3A_1219 = arith.cmpi sgt, %add3A_1026, %gt3A_1218 : i32
    %convert_element_type3A_1220 = arith.extui %gt3A_1219 : i1 to i32
    %cond3A_1221 = arith.constant 0 : i32
    %cond3A_1222 = arith.cmpi ne, %convert_element_type3A_1220, %cond3A_1221 : i32
    scf.if %cond3A_1222 {
      %dma_wait3A = arith.constant 3 : i32
      %dma_wait3A_1348 = arith.constant 32 : i32
      %dma_wait3A_1349 = tpu.memref_slice %arg14[%dma_wait3A, %dma_wait3A_1348] : memref<5x64xi32, #tpu.memory_space<vmem>> -> memref<1x16xi32, #tpu.memory_space<vmem>>
      %dma_wait3A_1350 = tpu.memref_squeeze %dma_wait3A_1349 : memref<1x16xi32, #tpu.memory_space<vmem>> -> memref<16xi32, #tpu.memory_space<vmem>>
      %dma_wait3A_1351 = arith.constant 0 : i32
      %dma_wait3A_1352 = arith.constant 0 : i32
      %dma_wait3A_1353 = tpu.memref_slice %arg5[%dma_wait3A_1351, %dma_wait3A_1352] : memref<512x256xf32, #tpu.memory_space<hbm>> -> memref<512x256xf32, #tpu.memory_space<hbm>>
      tpu.wait_indirect_dma semaphore(%arg50 : memref<!tpu.dma_semaphore, #tpu.memory_space<semaphore_mem>>) src(%dma_wait3A_1353 : memref<512x256xf32, #tpu.memory_space<hbm>>) dst(%arg30 : memref<16x256xf32, #tpu.memory_space<vmem>>)
      %dma_start3A = arith.constant 3 : i32
      %dma_start3A_1354 = arith.constant 32 : i32
      %dma_start3A_1355 = tpu.memref_slice %arg15[%dma_start3A, %dma_start3A_1354] : memref<5x64xi32, #tpu.memory_space<vmem>> -> memref<1x16xi32, #tpu.memory_space<vmem>>
      %dma_start3A_1356 = tpu.memref_squeeze %dma_start3A_1355 : memref<1x16xi32, #tpu.memory_space<vmem>> -> memref<16xi32, #tpu.memory_space<vmem>>
      %dma_start3A_1357 = arith.constant 0 : i32
      %dma_start3A_1358 = arith.constant 0 : i32
      %dma_start3A_1359 = tpu.memref_slice %arg10[%dma_start3A_1357, %dma_start3A_1358] : memref<2208x256xf32, #tpu.memory_space<hbm>> -> memref<2208x256xf32, #tpu.memory_space<hbm>>
      tpu.enqueue_indirect_dma source(%arg30 : memref<16x256xf32, #tpu.memory_space<vmem>>) target(%dma_start3A_1359 : memref<2208x256xf32, #tpu.memory_space<hbm>>) offsets(%dma_start3A_1356 : memref<16xi32, #tpu.memory_space<vmem>>) semaphore(%arg56 : memref<!tpu.dma_semaphore, #tpu.memory_space<semaphore_mem>>)
    } else {
    }
    %gt3A_1223 = arith.constant 48 : i32
    %gt3A_1224 = arith.cmpi sgt, %add3A_1026, %gt3A_1223 : i32
    %convert_element_type3A_1225 = arith.extui %gt3A_1224 : i1 to i32
    %cond3A_1226 = arith.constant 0 : i32
    %cond3A_1227 = arith.cmpi ne, %convert_element_type3A_1225, %cond3A_1226 : i32
    scf.if %cond3A_1227 {
      %dma_wait3A = arith.constant 3 : i32
      %dma_wait3A_1348 = arith.constant 48 : i32
      %dma_wait3A_1349 = tpu.memref_slice %arg14[%dma_wait3A, %dma_wait3A_1348] : memref<5x64xi32, #tpu.memory_space<vmem>> -> memref<1x16xi32, #tpu.memory_space<vmem>>
      %dma_wait3A_1350 = tpu.memref_squeeze %dma_wait3A_1349 : memref<1x16xi32, #tpu.memory_space<vmem>> -> memref<16xi32, #tpu.memory_space<vmem>>
      %dma_wait3A_1351 = arith.constant 0 : i32
      %dma_wait3A_1352 = arith.constant 0 : i32
      %dma_wait3A_1353 = tpu.memref_slice %arg5[%dma_wait3A_1351, %dma_wait3A_1352] : memref<512x256xf32, #tpu.memory_space<hbm>> -> memref<512x256xf32, #tpu.memory_space<hbm>>
      tpu.wait_indirect_dma semaphore(%arg51 : memref<!tpu.dma_semaphore, #tpu.memory_space<semaphore_mem>>) src(%dma_wait3A_1353 : memref<512x256xf32, #tpu.memory_space<hbm>>) dst(%arg31 : memref<16x256xf32, #tpu.memory_space<vmem>>)
      %dma_start3A = arith.constant 3 : i32
      %dma_start3A_1354 = arith.constant 48 : i32
      %dma_start3A_1355 = tpu.memref_slice %arg15[%dma_start3A, %dma_start3A_1354] : memref<5x64xi32, #tpu.memory_space<vmem>> -> memref<1x16xi32, #tpu.memory_space<vmem>>
      %dma_start3A_1356 = tpu.memref_squeeze %dma_start3A_1355 : memref<1x16xi32, #tpu.memory_space<vmem>> -> memref<16xi32, #tpu.memory_space<vmem>>
      %dma_start3A_1357 = arith.constant 0 : i32
      %dma_start3A_1358 = arith.constant 0 : i32
      %dma_start3A_1359 = tpu.memref_slice %arg10[%dma_start3A_1357, %dma_start3A_1358] : memref<2208x256xf32, #tpu.memory_space<hbm>> -> memref<2208x256xf32, #tpu.memory_space<hbm>>
      tpu.enqueue_indirect_dma source(%arg31 : memref<16x256xf32, #tpu.memory_space<vmem>>) target(%dma_start3A_1359 : memref<2208x256xf32, #tpu.memory_space<hbm>>) offsets(%dma_start3A_1356 : memref<16xi32, #tpu.memory_space<vmem>>) semaphore(%arg56 : memref<!tpu.dma_semaphore, #tpu.memory_space<semaphore_mem>>)
    } else {
    }
    %gt3A_1228 = arith.constant 0 : i32
    %gt3A_1229 = arith.cmpi sgt, %add3A_1049, %gt3A_1228 : i32
    %convert_element_type3A_1230 = arith.extui %gt3A_1229 : i1 to i32
    %cond3A_1231 = arith.constant 0 : i32
    %cond3A_1232 = arith.cmpi ne, %convert_element_type3A_1230, %cond3A_1231 : i32
    scf.if %cond3A_1232 {
      %dma_wait3A = arith.constant 4 : i32
      %dma_wait3A_1348 = arith.constant 0 : i32
      %dma_wait3A_1349 = tpu.memref_slice %arg14[%dma_wait3A, %dma_wait3A_1348] : memref<5x64xi32, #tpu.memory_space<vmem>> -> memref<1x16xi32, #tpu.memory_space<vmem>>
      %dma_wait3A_1350 = tpu.memref_squeeze %dma_wait3A_1349 : memref<1x16xi32, #tpu.memory_space<vmem>> -> memref<16xi32, #tpu.memory_space<vmem>>
      %dma_wait3A_1351 = arith.constant 0 : i32
      %dma_wait3A_1352 = arith.constant 0 : i32
      %dma_wait3A_1353 = tpu.memref_slice %arg6[%dma_wait3A_1351, %dma_wait3A_1352] : memref<128x256xf32, #tpu.memory_space<hbm>> -> memref<128x256xf32, #tpu.memory_space<hbm>>
      tpu.wait_indirect_dma semaphore(%arg52 : memref<!tpu.dma_semaphore, #tpu.memory_space<semaphore_mem>>) src(%dma_wait3A_1353 : memref<128x256xf32, #tpu.memory_space<hbm>>) dst(%arg32 : memref<16x256xf32, #tpu.memory_space<vmem>>)
      %dma_start3A = arith.constant 4 : i32
      %dma_start3A_1354 = arith.constant 0 : i32
      %dma_start3A_1355 = tpu.memref_slice %arg15[%dma_start3A, %dma_start3A_1354] : memref<5x64xi32, #tpu.memory_space<vmem>> -> memref<1x16xi32, #tpu.memory_space<vmem>>
      %dma_start3A_1356 = tpu.memref_squeeze %dma_start3A_1355 : memref<1x16xi32, #tpu.memory_space<vmem>> -> memref<16xi32, #tpu.memory_space<vmem>>
      %dma_start3A_1357 = arith.constant 0 : i32
      %dma_start3A_1358 = arith.constant 0 : i32
      %dma_start3A_1359 = tpu.memref_slice %arg10[%dma_start3A_1357, %dma_start3A_1358] : memref<2208x256xf32, #tpu.memory_space<hbm>> -> memref<2208x256xf32, #tpu.memory_space<hbm>>
      tpu.enqueue_indirect_dma source(%arg32 : memref<16x256xf32, #tpu.memory_space<vmem>>) target(%dma_start3A_1359 : memref<2208x256xf32, #tpu.memory_space<hbm>>) offsets(%dma_start3A_1356 : memref<16xi32, #tpu.memory_space<vmem>>) semaphore(%arg56 : memref<!tpu.dma_semaphore, #tpu.memory_space<semaphore_mem>>)
    } else {
    }
    %gt3A_1233 = arith.constant 16 : i32
    %gt3A_1234 = arith.cmpi sgt, %add3A_1049, %gt3A_1233 : i32
    %convert_element_type3A_1235 = arith.extui %gt3A_1234 : i1 to i32
    %cond3A_1236 = arith.constant 0 : i32
    %cond3A_1237 = arith.cmpi ne, %convert_element_type3A_1235, %cond3A_1236 : i32
    scf.if %cond3A_1237 {
      %dma_wait3A = arith.constant 4 : i32
      %dma_wait3A_1348 = arith.constant 16 : i32
      %dma_wait3A_1349 = tpu.memref_slice %arg14[%dma_wait3A, %dma_wait3A_1348] : memref<5x64xi32, #tpu.memory_space<vmem>> -> memref<1x16xi32, #tpu.memory_space<vmem>>
      %dma_wait3A_1350 = tpu.memref_squeeze %dma_wait3A_1349 : memref<1x16xi32, #tpu.memory_space<vmem>> -> memref<16xi32, #tpu.memory_space<vmem>>
      %dma_wait3A_1351 = arith.constant 0 : i32
      %dma_wait3A_1352 = arith.constant 0 : i32
      %dma_wait3A_1353 = tpu.memref_slice %arg6[%dma_wait3A_1351, %dma_wait3A_1352] : memref<128x256xf32, #tpu.memory_space<hbm>> -> memref<128x256xf32, #tpu.memory_space<hbm>>
      tpu.wait_indirect_dma semaphore(%arg53 : memref<!tpu.dma_semaphore, #tpu.memory_space<semaphore_mem>>) src(%dma_wait3A_1353 : memref<128x256xf32, #tpu.memory_space<hbm>>) dst(%arg33 : memref<16x256xf32, #tpu.memory_space<vmem>>)
      %dma_start3A = arith.constant 4 : i32
      %dma_start3A_1354 = arith.constant 16 : i32
      %dma_start3A_1355 = tpu.memref_slice %arg15[%dma_start3A, %dma_start3A_1354] : memref<5x64xi32, #tpu.memory_space<vmem>> -> memref<1x16xi32, #tpu.memory_space<vmem>>
      %dma_start3A_1356 = tpu.memref_squeeze %dma_start3A_1355 : memref<1x16xi32, #tpu.memory_space<vmem>> -> memref<16xi32, #tpu.memory_space<vmem>>
      %dma_start3A_1357 = arith.constant 0 : i32
      %dma_start3A_1358 = arith.constant 0 : i32
      %dma_start3A_1359 = tpu.memref_slice %arg10[%dma_start3A_1357, %dma_start3A_1358] : memref<2208x256xf32, #tpu.memory_space<hbm>> -> memref<2208x256xf32, #tpu.memory_space<hbm>>
      tpu.enqueue_indirect_dma source(%arg33 : memref<16x256xf32, #tpu.memory_space<vmem>>) target(%dma_start3A_1359 : memref<2208x256xf32, #tpu.memory_space<hbm>>) offsets(%dma_start3A_1356 : memref<16xi32, #tpu.memory_space<vmem>>) semaphore(%arg56 : memref<!tpu.dma_semaphore, #tpu.memory_space<semaphore_mem>>)
    } else {
    }
    %gt3A_1238 = arith.constant 32 : i32
    %gt3A_1239 = arith.cmpi sgt, %add3A_1049, %gt3A_1238 : i32
    %convert_element_type3A_1240 = arith.extui %gt3A_1239 : i1 to i32
    %cond3A_1241 = arith.constant 0 : i32
    %cond3A_1242 = arith.cmpi ne, %convert_element_type3A_1240, %cond3A_1241 : i32
    scf.if %cond3A_1242 {
      %dma_wait3A = arith.constant 4 : i32
      %dma_wait3A_1348 = arith.constant 32 : i32
      %dma_wait3A_1349 = tpu.memref_slice %arg14[%dma_wait3A, %dma_wait3A_1348] : memref<5x64xi32, #tpu.memory_space<vmem>> -> memref<1x16xi32, #tpu.memory_space<vmem>>
      %dma_wait3A_1350 = tpu.memref_squeeze %dma_wait3A_1349 : memref<1x16xi32, #tpu.memory_space<vmem>> -> memref<16xi32, #tpu.memory_space<vmem>>
      %dma_wait3A_1351 = arith.constant 0 : i32
      %dma_wait3A_1352 = arith.constant 0 : i32
      %dma_wait3A_1353 = tpu.memref_slice %arg6[%dma_wait3A_1351, %dma_wait3A_1352] : memref<128x256xf32, #tpu.memory_space<hbm>> -> memref<128x256xf32, #tpu.memory_space<hbm>>
      tpu.wait_indirect_dma semaphore(%arg54 : memref<!tpu.dma_semaphore, #tpu.memory_space<semaphore_mem>>) src(%dma_wait3A_1353 : memref<128x256xf32, #tpu.memory_space<hbm>>) dst(%arg34 : memref<16x256xf32, #tpu.memory_space<vmem>>)
      %dma_start3A = arith.constant 4 : i32
      %dma_start3A_1354 = arith.constant 32 : i32
      %dma_start3A_1355 = tpu.memref_slice %arg15[%dma_start3A, %dma_start3A_1354] : memref<5x64xi32, #tpu.memory_space<vmem>> -> memref<1x16xi32, #tpu.memory_space<vmem>>
      %dma_start3A_1356 = tpu.memref_squeeze %dma_start3A_1355 : memref<1x16xi32, #tpu.memory_space<vmem>> -> memref<16xi32, #tpu.memory_space<vmem>>
      %dma_start3A_1357 = arith.constant 0 : i32
      %dma_start3A_1358 = arith.constant 0 : i32
      %dma_start3A_1359 = tpu.memref_slice %arg10[%dma_start3A_1357, %dma_start3A_1358] : memref<2208x256xf32, #tpu.memory_space<hbm>> -> memref<2208x256xf32, #tpu.memory_space<hbm>>
      tpu.enqueue_indirect_dma source(%arg34 : memref<16x256xf32, #tpu.memory_space<vmem>>) target(%dma_start3A_1359 : memref<2208x256xf32, #tpu.memory_space<hbm>>) offsets(%dma_start3A_1356 : memref<16xi32, #tpu.memory_space<vmem>>) semaphore(%arg56 : memref<!tpu.dma_semaphore, #tpu.memory_space<semaphore_mem>>)
    } else {
    }
    %gt3A_1243 = arith.constant 48 : i32
    %gt3A_1244 = arith.cmpi sgt, %add3A_1049, %gt3A_1243 : i32
    %convert_element_type3A_1245 = arith.extui %gt3A_1244 : i1 to i32
    %cond3A_1246 = arith.constant 0 : i32
    %cond3A_1247 = arith.cmpi ne, %convert_element_type3A_1245, %cond3A_1246 : i32
    scf.if %cond3A_1247 {
      %dma_wait3A = arith.constant 4 : i32
      %dma_wait3A_1348 = arith.constant 48 : i32
      %dma_wait3A_1349 = tpu.memref_slice %arg14[%dma_wait3A, %dma_wait3A_1348] : memref<5x64xi32, #tpu.memory_space<vmem>> -> memref<1x16xi32, #tpu.memory_space<vmem>>
      %dma_wait3A_1350 = tpu.memref_squeeze %dma_wait3A_1349 : memref<1x16xi32, #tpu.memory_space<vmem>> -> memref<16xi32, #tpu.memory_space<vmem>>
      %dma_wait3A_1351 = arith.constant 0 : i32
      %dma_wait3A_1352 = arith.constant 0 : i32
      %dma_wait3A_1353 = tpu.memref_slice %arg6[%dma_wait3A_1351, %dma_wait3A_1352] : memref<128x256xf32, #tpu.memory_space<hbm>> -> memref<128x256xf32, #tpu.memory_space<hbm>>
      tpu.wait_indirect_dma semaphore(%arg55 : memref<!tpu.dma_semaphore, #tpu.memory_space<semaphore_mem>>) src(%dma_wait3A_1353 : memref<128x256xf32, #tpu.memory_space<hbm>>) dst(%arg35 : memref<16x256xf32, #tpu.memory_space<vmem>>)
      %dma_start3A = arith.constant 4 : i32
      %dma_start3A_1354 = arith.constant 48 : i32
      %dma_start3A_1355 = tpu.memref_slice %arg15[%dma_start3A, %dma_start3A_1354] : memref<5x64xi32, #tpu.memory_space<vmem>> -> memref<1x16xi32, #tpu.memory_space<vmem>>
      %dma_start3A_1356 = tpu.memref_squeeze %dma_start3A_1355 : memref<1x16xi32, #tpu.memory_space<vmem>> -> memref<16xi32, #tpu.memory_space<vmem>>
      %dma_start3A_1357 = arith.constant 0 : i32
      %dma_start3A_1358 = arith.constant 0 : i32
      %dma_start3A_1359 = tpu.memref_slice %arg10[%dma_start3A_1357, %dma_start3A_1358] : memref<2208x256xf32, #tpu.memory_space<hbm>> -> memref<2208x256xf32, #tpu.memory_space<hbm>>
      tpu.enqueue_indirect_dma source(%arg35 : memref<16x256xf32, #tpu.memory_space<vmem>>) target(%dma_start3A_1359 : memref<2208x256xf32, #tpu.memory_space<hbm>>) offsets(%dma_start3A_1356 : memref<16xi32, #tpu.memory_space<vmem>>) semaphore(%arg56 : memref<!tpu.dma_semaphore, #tpu.memory_space<semaphore_mem>>)
    } else {
    }
    %gt3A_1248 = arith.constant 0 : i32
    %gt3A_1249 = arith.cmpi sgt, %add3A_957, %gt3A_1248 : i32
    %convert_element_type3A_1250 = arith.extui %gt3A_1249 : i1 to i32
    %cond3A_1251 = arith.constant 0 : i32
    %cond3A_1252 = arith.cmpi ne, %convert_element_type3A_1250, %cond3A_1251 : i32
    scf.if %cond3A_1252 {
      %dma_wait3A = arith.constant 0 : i32
      %dma_wait3A_1348 = arith.constant 0 : i32
      %dma_wait3A_1349 = tpu.memref_slice %arg15[%dma_wait3A, %dma_wait3A_1348] : memref<5x64xi32, #tpu.memory_space<vmem>> -> memref<1x16xi32, #tpu.memory_space<vmem>>
      %dma_wait3A_1350 = tpu.memref_squeeze %dma_wait3A_1349 : memref<1x16xi32, #tpu.memory_space<vmem>> -> memref<16xi32, #tpu.memory_space<vmem>>
      %dma_wait3A_1351 = arith.constant 0 : i32
      %dma_wait3A_1352 = arith.constant 0 : i32
      %dma_wait3A_1353 = tpu.memref_slice %arg10[%dma_wait3A_1351, %dma_wait3A_1352] : memref<2208x256xf32, #tpu.memory_space<hbm>> -> memref<2208x256xf32, #tpu.memory_space<hbm>>
      tpu.wait_indirect_dma semaphore(%arg56 : memref<!tpu.dma_semaphore, #tpu.memory_space<semaphore_mem>>) src(%arg16 : memref<16x256xf32, #tpu.memory_space<vmem>>) dst(%dma_wait3A_1353 : memref<2208x256xf32, #tpu.memory_space<hbm>>)
    } else {
    }
    %gt3A_1253 = arith.constant 16 : i32
    %gt3A_1254 = arith.cmpi sgt, %add3A_957, %gt3A_1253 : i32
    %convert_element_type3A_1255 = arith.extui %gt3A_1254 : i1 to i32
    %cond3A_1256 = arith.constant 0 : i32
    %cond3A_1257 = arith.cmpi ne, %convert_element_type3A_1255, %cond3A_1256 : i32
    scf.if %cond3A_1257 {
      %dma_wait3A = arith.constant 0 : i32
      %dma_wait3A_1348 = arith.constant 16 : i32
      %dma_wait3A_1349 = tpu.memref_slice %arg15[%dma_wait3A, %dma_wait3A_1348] : memref<5x64xi32, #tpu.memory_space<vmem>> -> memref<1x16xi32, #tpu.memory_space<vmem>>
      %dma_wait3A_1350 = tpu.memref_squeeze %dma_wait3A_1349 : memref<1x16xi32, #tpu.memory_space<vmem>> -> memref<16xi32, #tpu.memory_space<vmem>>
      %dma_wait3A_1351 = arith.constant 0 : i32
      %dma_wait3A_1352 = arith.constant 0 : i32
      %dma_wait3A_1353 = tpu.memref_slice %arg10[%dma_wait3A_1351, %dma_wait3A_1352] : memref<2208x256xf32, #tpu.memory_space<hbm>> -> memref<2208x256xf32, #tpu.memory_space<hbm>>
      tpu.wait_indirect_dma semaphore(%arg56 : memref<!tpu.dma_semaphore, #tpu.memory_space<semaphore_mem>>) src(%arg17 : memref<16x256xf32, #tpu.memory_space<vmem>>) dst(%dma_wait3A_1353 : memref<2208x256xf32, #tpu.memory_space<hbm>>)
    } else {
    }
    %gt3A_1258 = arith.constant 32 : i32
    %gt3A_1259 = arith.cmpi sgt, %add3A_957, %gt3A_1258 : i32
    %convert_element_type3A_1260 = arith.extui %gt3A_1259 : i1 to i32
    %cond3A_1261 = arith.constant 0 : i32
    %cond3A_1262 = arith.cmpi ne, %convert_element_type3A_1260, %cond3A_1261 : i32
    scf.if %cond3A_1262 {
      %dma_wait3A = arith.constant 0 : i32
      %dma_wait3A_1348 = arith.constant 32 : i32
      %dma_wait3A_1349 = tpu.memref_slice %arg15[%dma_wait3A, %dma_wait3A_1348] : memref<5x64xi32, #tpu.memory_space<vmem>> -> memref<1x16xi32, #tpu.memory_space<vmem>>
      %dma_wait3A_1350 = tpu.memref_squeeze %dma_wait3A_1349 : memref<1x16xi32, #tpu.memory_space<vmem>> -> memref<16xi32, #tpu.memory_space<vmem>>
      %dma_wait3A_1351 = arith.constant 0 : i32
      %dma_wait3A_1352 = arith.constant 0 : i32
      %dma_wait3A_1353 = tpu.memref_slice %arg10[%dma_wait3A_1351, %dma_wait3A_1352] : memref<2208x256xf32, #tpu.memory_space<hbm>> -> memref<2208x256xf32, #tpu.memory_space<hbm>>
      tpu.wait_indirect_dma semaphore(%arg56 : memref<!tpu.dma_semaphore, #tpu.memory_space<semaphore_mem>>) src(%arg18 : memref<16x256xf32, #tpu.memory_space<vmem>>) dst(%dma_wait3A_1353 : memref<2208x256xf32, #tpu.memory_space<hbm>>)
    } else {
    }
    %gt3A_1263 = arith.constant 48 : i32
    %gt3A_1264 = arith.cmpi sgt, %add3A_957, %gt3A_1263 : i32
    %convert_element_type3A_1265 = arith.extui %gt3A_1264 : i1 to i32
    %cond3A_1266 = arith.constant 0 : i32
    %cond3A_1267 = arith.cmpi ne, %convert_element_type3A_1265, %cond3A_1266 : i32
    scf.if %cond3A_1267 {
      %dma_wait3A = arith.constant 0 : i32
      %dma_wait3A_1348 = arith.constant 48 : i32
      %dma_wait3A_1349 = tpu.memref_slice %arg15[%dma_wait3A, %dma_wait3A_1348] : memref<5x64xi32, #tpu.memory_space<vmem>> -> memref<1x16xi32, #tpu.memory_space<vmem>>
      %dma_wait3A_1350 = tpu.memref_squeeze %dma_wait3A_1349 : memref<1x16xi32, #tpu.memory_space<vmem>> -> memref<16xi32, #tpu.memory_space<vmem>>
      %dma_wait3A_1351 = arith.constant 0 : i32
      %dma_wait3A_1352 = arith.constant 0 : i32
      %dma_wait3A_1353 = tpu.memref_slice %arg10[%dma_wait3A_1351, %dma_wait3A_1352] : memref<2208x256xf32, #tpu.memory_space<hbm>> -> memref<2208x256xf32, #tpu.memory_space<hbm>>
      tpu.wait_indirect_dma semaphore(%arg56 : memref<!tpu.dma_semaphore, #tpu.memory_space<semaphore_mem>>) src(%arg19 : memref<16x256xf32, #tpu.memory_space<vmem>>) dst(%dma_wait3A_1353 : memref<2208x256xf32, #tpu.memory_space<hbm>>)
    } else {
    }
    %gt3A_1268 = arith.constant 0 : i32
    %gt3A_1269 = arith.cmpi sgt, %add3A_980, %gt3A_1268 : i32
    %convert_element_type3A_1270 = arith.extui %gt3A_1269 : i1 to i32
    %cond3A_1271 = arith.constant 0 : i32
    %cond3A_1272 = arith.cmpi ne, %convert_element_type3A_1270, %cond3A_1271 : i32
    scf.if %cond3A_1272 {
      %dma_wait3A = arith.constant 1 : i32
      %dma_wait3A_1348 = arith.constant 0 : i32
      %dma_wait3A_1349 = tpu.memref_slice %arg15[%dma_wait3A, %dma_wait3A_1348] : memref<5x64xi32, #tpu.memory_space<vmem>> -> memref<1x16xi32, #tpu.memory_space<vmem>>
      %dma_wait3A_1350 = tpu.memref_squeeze %dma_wait3A_1349 : memref<1x16xi32, #tpu.memory_space<vmem>> -> memref<16xi32, #tpu.memory_space<vmem>>
      %dma_wait3A_1351 = arith.constant 0 : i32
      %dma_wait3A_1352 = arith.constant 0 : i32
      %dma_wait3A_1353 = tpu.memref_slice %arg10[%dma_wait3A_1351, %dma_wait3A_1352] : memref<2208x256xf32, #tpu.memory_space<hbm>> -> memref<2208x256xf32, #tpu.memory_space<hbm>>
      tpu.wait_indirect_dma semaphore(%arg56 : memref<!tpu.dma_semaphore, #tpu.memory_space<semaphore_mem>>) src(%arg20 : memref<16x256xf32, #tpu.memory_space<vmem>>) dst(%dma_wait3A_1353 : memref<2208x256xf32, #tpu.memory_space<hbm>>)
    } else {
    }
    %gt3A_1273 = arith.constant 16 : i32
    %gt3A_1274 = arith.cmpi sgt, %add3A_980, %gt3A_1273 : i32
    %convert_element_type3A_1275 = arith.extui %gt3A_1274 : i1 to i32
    %cond3A_1276 = arith.constant 0 : i32
    %cond3A_1277 = arith.cmpi ne, %convert_element_type3A_1275, %cond3A_1276 : i32
    scf.if %cond3A_1277 {
      %dma_wait3A = arith.constant 1 : i32
      %dma_wait3A_1348 = arith.constant 16 : i32
      %dma_wait3A_1349 = tpu.memref_slice %arg15[%dma_wait3A, %dma_wait3A_1348] : memref<5x64xi32, #tpu.memory_space<vmem>> -> memref<1x16xi32, #tpu.memory_space<vmem>>
      %dma_wait3A_1350 = tpu.memref_squeeze %dma_wait3A_1349 : memref<1x16xi32, #tpu.memory_space<vmem>> -> memref<16xi32, #tpu.memory_space<vmem>>
      %dma_wait3A_1351 = arith.constant 0 : i32
      %dma_wait3A_1352 = arith.constant 0 : i32
      %dma_wait3A_1353 = tpu.memref_slice %arg10[%dma_wait3A_1351, %dma_wait3A_1352] : memref<2208x256xf32, #tpu.memory_space<hbm>> -> memref<2208x256xf32, #tpu.memory_space<hbm>>
      tpu.wait_indirect_dma semaphore(%arg56 : memref<!tpu.dma_semaphore, #tpu.memory_space<semaphore_mem>>) src(%arg21 : memref<16x256xf32, #tpu.memory_space<vmem>>) dst(%dma_wait3A_1353 : memref<2208x256xf32, #tpu.memory_space<hbm>>)
    } else {
    }
    %gt3A_1278 = arith.constant 32 : i32
    %gt3A_1279 = arith.cmpi sgt, %add3A_980, %gt3A_1278 : i32
    %convert_element_type3A_1280 = arith.extui %gt3A_1279 : i1 to i32
    %cond3A_1281 = arith.constant 0 : i32
    %cond3A_1282 = arith.cmpi ne, %convert_element_type3A_1280, %cond3A_1281 : i32
    scf.if %cond3A_1282 {
      %dma_wait3A = arith.constant 1 : i32
      %dma_wait3A_1348 = arith.constant 32 : i32
      %dma_wait3A_1349 = tpu.memref_slice %arg15[%dma_wait3A, %dma_wait3A_1348] : memref<5x64xi32, #tpu.memory_space<vmem>> -> memref<1x16xi32, #tpu.memory_space<vmem>>
      %dma_wait3A_1350 = tpu.memref_squeeze %dma_wait3A_1349 : memref<1x16xi32, #tpu.memory_space<vmem>> -> memref<16xi32, #tpu.memory_space<vmem>>
      %dma_wait3A_1351 = arith.constant 0 : i32
      %dma_wait3A_1352 = arith.constant 0 : i32
      %dma_wait3A_1353 = tpu.memref_slice %arg10[%dma_wait3A_1351, %dma_wait3A_1352] : memref<2208x256xf32, #tpu.memory_space<hbm>> -> memref<2208x256xf32, #tpu.memory_space<hbm>>
      tpu.wait_indirect_dma semaphore(%arg56 : memref<!tpu.dma_semaphore, #tpu.memory_space<semaphore_mem>>) src(%arg22 : memref<16x256xf32, #tpu.memory_space<vmem>>) dst(%dma_wait3A_1353 : memref<2208x256xf32, #tpu.memory_space<hbm>>)
    } else {
    }
    %gt3A_1283 = arith.constant 48 : i32
    %gt3A_1284 = arith.cmpi sgt, %add3A_980, %gt3A_1283 : i32
    %convert_element_type3A_1285 = arith.extui %gt3A_1284 : i1 to i32
    %cond3A_1286 = arith.constant 0 : i32
    %cond3A_1287 = arith.cmpi ne, %convert_element_type3A_1285, %cond3A_1286 : i32
    scf.if %cond3A_1287 {
      %dma_wait3A = arith.constant 1 : i32
      %dma_wait3A_1348 = arith.constant 48 : i32
      %dma_wait3A_1349 = tpu.memref_slice %arg15[%dma_wait3A, %dma_wait3A_1348] : memref<5x64xi32, #tpu.memory_space<vmem>> -> memref<1x16xi32, #tpu.memory_space<vmem>>
      %dma_wait3A_1350 = tpu.memref_squeeze %dma_wait3A_1349 : memref<1x16xi32, #tpu.memory_space<vmem>> -> memref<16xi32, #tpu.memory_space<vmem>>
      %dma_wait3A_1351 = arith.constant 0 : i32
      %dma_wait3A_1352 = arith.constant 0 : i32
      %dma_wait3A_1353 = tpu.memref_slice %arg10[%dma_wait3A_1351, %dma_wait3A_1352] : memref<2208x256xf32, #tpu.memory_space<hbm>> -> memref<2208x256xf32, #tpu.memory_space<hbm>>
      tpu.wait_indirect_dma semaphore(%arg56 : memref<!tpu.dma_semaphore, #tpu.memory_space<semaphore_mem>>) src(%arg23 : memref<16x256xf32, #tpu.memory_space<vmem>>) dst(%dma_wait3A_1353 : memref<2208x256xf32, #tpu.memory_space<hbm>>)
    } else {
    }
    %gt3A_1288 = arith.constant 0 : i32
    %gt3A_1289 = arith.cmpi sgt, %add3A_1003, %gt3A_1288 : i32
    %convert_element_type3A_1290 = arith.extui %gt3A_1289 : i1 to i32
    %cond3A_1291 = arith.constant 0 : i32
    %cond3A_1292 = arith.cmpi ne, %convert_element_type3A_1290, %cond3A_1291 : i32
    scf.if %cond3A_1292 {
      %dma_wait3A = arith.constant 2 : i32
      %dma_wait3A_1348 = arith.constant 0 : i32
      %dma_wait3A_1349 = tpu.memref_slice %arg15[%dma_wait3A, %dma_wait3A_1348] : memref<5x64xi32, #tpu.memory_space<vmem>> -> memref<1x16xi32, #tpu.memory_space<vmem>>
      %dma_wait3A_1350 = tpu.memref_squeeze %dma_wait3A_1349 : memref<1x16xi32, #tpu.memory_space<vmem>> -> memref<16xi32, #tpu.memory_space<vmem>>
      %dma_wait3A_1351 = arith.constant 0 : i32
      %dma_wait3A_1352 = arith.constant 0 : i32
      %dma_wait3A_1353 = tpu.memref_slice %arg10[%dma_wait3A_1351, %dma_wait3A_1352] : memref<2208x256xf32, #tpu.memory_space<hbm>> -> memref<2208x256xf32, #tpu.memory_space<hbm>>
      tpu.wait_indirect_dma semaphore(%arg56 : memref<!tpu.dma_semaphore, #tpu.memory_space<semaphore_mem>>) src(%arg24 : memref<16x256xf32, #tpu.memory_space<vmem>>) dst(%dma_wait3A_1353 : memref<2208x256xf32, #tpu.memory_space<hbm>>)
    } else {
    }
    %gt3A_1293 = arith.constant 16 : i32
    %gt3A_1294 = arith.cmpi sgt, %add3A_1003, %gt3A_1293 : i32
    %convert_element_type3A_1295 = arith.extui %gt3A_1294 : i1 to i32
    %cond3A_1296 = arith.constant 0 : i32
    %cond3A_1297 = arith.cmpi ne, %convert_element_type3A_1295, %cond3A_1296 : i32
    scf.if %cond3A_1297 {
      %dma_wait3A = arith.constant 2 : i32
      %dma_wait3A_1348 = arith.constant 16 : i32
      %dma_wait3A_1349 = tpu.memref_slice %arg15[%dma_wait3A, %dma_wait3A_1348] : memref<5x64xi32, #tpu.memory_space<vmem>> -> memref<1x16xi32, #tpu.memory_space<vmem>>
      %dma_wait3A_1350 = tpu.memref_squeeze %dma_wait3A_1349 : memref<1x16xi32, #tpu.memory_space<vmem>> -> memref<16xi32, #tpu.memory_space<vmem>>
      %dma_wait3A_1351 = arith.constant 0 : i32
      %dma_wait3A_1352 = arith.constant 0 : i32
      %dma_wait3A_1353 = tpu.memref_slice %arg10[%dma_wait3A_1351, %dma_wait3A_1352] : memref<2208x256xf32, #tpu.memory_space<hbm>> -> memref<2208x256xf32, #tpu.memory_space<hbm>>
      tpu.wait_indirect_dma semaphore(%arg56 : memref<!tpu.dma_semaphore, #tpu.memory_space<semaphore_mem>>) src(%arg25 : memref<16x256xf32, #tpu.memory_space<vmem>>) dst(%dma_wait3A_1353 : memref<2208x256xf32, #tpu.memory_space<hbm>>)
    } else {
    }
    %gt3A_1298 = arith.constant 32 : i32
    %gt3A_1299 = arith.cmpi sgt, %add3A_1003, %gt3A_1298 : i32
    %convert_element_type3A_1300 = arith.extui %gt3A_1299 : i1 to i32
    %cond3A_1301 = arith.constant 0 : i32
    %cond3A_1302 = arith.cmpi ne, %convert_element_type3A_1300, %cond3A_1301 : i32
    scf.if %cond3A_1302 {
      %dma_wait3A = arith.constant 2 : i32
      %dma_wait3A_1348 = arith.constant 32 : i32
      %dma_wait3A_1349 = tpu.memref_slice %arg15[%dma_wait3A, %dma_wait3A_1348] : memref<5x64xi32, #tpu.memory_space<vmem>> -> memref<1x16xi32, #tpu.memory_space<vmem>>
      %dma_wait3A_1350 = tpu.memref_squeeze %dma_wait3A_1349 : memref<1x16xi32, #tpu.memory_space<vmem>> -> memref<16xi32, #tpu.memory_space<vmem>>
      %dma_wait3A_1351 = arith.constant 0 : i32
      %dma_wait3A_1352 = arith.constant 0 : i32
      %dma_wait3A_1353 = tpu.memref_slice %arg10[%dma_wait3A_1351, %dma_wait3A_1352] : memref<2208x256xf32, #tpu.memory_space<hbm>> -> memref<2208x256xf32, #tpu.memory_space<hbm>>
      tpu.wait_indirect_dma semaphore(%arg56 : memref<!tpu.dma_semaphore, #tpu.memory_space<semaphore_mem>>) src(%arg26 : memref<16x256xf32, #tpu.memory_space<vmem>>) dst(%dma_wait3A_1353 : memref<2208x256xf32, #tpu.memory_space<hbm>>)
    } else {
    }
    %gt3A_1303 = arith.constant 48 : i32
    %gt3A_1304 = arith.cmpi sgt, %add3A_1003, %gt3A_1303 : i32
    %convert_element_type3A_1305 = arith.extui %gt3A_1304 : i1 to i32
    %cond3A_1306 = arith.constant 0 : i32
    %cond3A_1307 = arith.cmpi ne, %convert_element_type3A_1305, %cond3A_1306 : i32
    scf.if %cond3A_1307 {
      %dma_wait3A = arith.constant 2 : i32
      %dma_wait3A_1348 = arith.constant 48 : i32
      %dma_wait3A_1349 = tpu.memref_slice %arg15[%dma_wait3A, %dma_wait3A_1348] : memref<5x64xi32, #tpu.memory_space<vmem>> -> memref<1x16xi32, #tpu.memory_space<vmem>>
      %dma_wait3A_1350 = tpu.memref_squeeze %dma_wait3A_1349 : memref<1x16xi32, #tpu.memory_space<vmem>> -> memref<16xi32, #tpu.memory_space<vmem>>
      %dma_wait3A_1351 = arith.constant 0 : i32
      %dma_wait3A_1352 = arith.constant 0 : i32
      %dma_wait3A_1353 = tpu.memref_slice %arg10[%dma_wait3A_1351, %dma_wait3A_1352] : memref<2208x256xf32, #tpu.memory_space<hbm>> -> memref<2208x256xf32, #tpu.memory_space<hbm>>
      tpu.wait_indirect_dma semaphore(%arg56 : memref<!tpu.dma_semaphore, #tpu.memory_space<semaphore_mem>>) src(%arg27 : memref<16x256xf32, #tpu.memory_space<vmem>>) dst(%dma_wait3A_1353 : memref<2208x256xf32, #tpu.memory_space<hbm>>)
    } else {
    }
    %gt3A_1308 = arith.constant 0 : i32
    %gt3A_1309 = arith.cmpi sgt, %add3A_1026, %gt3A_1308 : i32
    %convert_element_type3A_1310 = arith.extui %gt3A_1309 : i1 to i32
    %cond3A_1311 = arith.constant 0 : i32
    %cond3A_1312 = arith.cmpi ne, %convert_element_type3A_1310, %cond3A_1311 : i32
    scf.if %cond3A_1312 {
      %dma_wait3A = arith.constant 3 : i32
      %dma_wait3A_1348 = arith.constant 0 : i32
      %dma_wait3A_1349 = tpu.memref_slice %arg15[%dma_wait3A, %dma_wait3A_1348] : memref<5x64xi32, #tpu.memory_space<vmem>> -> memref<1x16xi32, #tpu.memory_space<vmem>>
      %dma_wait3A_1350 = tpu.memref_squeeze %dma_wait3A_1349 : memref<1x16xi32, #tpu.memory_space<vmem>> -> memref<16xi32, #tpu.memory_space<vmem>>
      %dma_wait3A_1351 = arith.constant 0 : i32
      %dma_wait3A_1352 = arith.constant 0 : i32
      %dma_wait3A_1353 = tpu.memref_slice %arg10[%dma_wait3A_1351, %dma_wait3A_1352] : memref<2208x256xf32, #tpu.memory_space<hbm>> -> memref<2208x256xf32, #tpu.memory_space<hbm>>
      tpu.wait_indirect_dma semaphore(%arg56 : memref<!tpu.dma_semaphore, #tpu.memory_space<semaphore_mem>>) src(%arg28 : memref<16x256xf32, #tpu.memory_space<vmem>>) dst(%dma_wait3A_1353 : memref<2208x256xf32, #tpu.memory_space<hbm>>)
    } else {
    }
    %gt3A_1313 = arith.constant 16 : i32
    %gt3A_1314 = arith.cmpi sgt, %add3A_1026, %gt3A_1313 : i32
    %convert_element_type3A_1315 = arith.extui %gt3A_1314 : i1 to i32
    %cond3A_1316 = arith.constant 0 : i32
    %cond3A_1317 = arith.cmpi ne, %convert_element_type3A_1315, %cond3A_1316 : i32
    scf.if %cond3A_1317 {
      %dma_wait3A = arith.constant 3 : i32
      %dma_wait3A_1348 = arith.constant 16 : i32
      %dma_wait3A_1349 = tpu.memref_slice %arg15[%dma_wait3A, %dma_wait3A_1348] : memref<5x64xi32, #tpu.memory_space<vmem>> -> memref<1x16xi32, #tpu.memory_space<vmem>>
      %dma_wait3A_1350 = tpu.memref_squeeze %dma_wait3A_1349 : memref<1x16xi32, #tpu.memory_space<vmem>> -> memref<16xi32, #tpu.memory_space<vmem>>
      %dma_wait3A_1351 = arith.constant 0 : i32
      %dma_wait3A_1352 = arith.constant 0 : i32
      %dma_wait3A_1353 = tpu.memref_slice %arg10[%dma_wait3A_1351, %dma_wait3A_1352] : memref<2208x256xf32, #tpu.memory_space<hbm>> -> memref<2208x256xf32, #tpu.memory_space<hbm>>
      tpu.wait_indirect_dma semaphore(%arg56 : memref<!tpu.dma_semaphore, #tpu.memory_space<semaphore_mem>>) src(%arg29 : memref<16x256xf32, #tpu.memory_space<vmem>>) dst(%dma_wait3A_1353 : memref<2208x256xf32, #tpu.memory_space<hbm>>)
    } else {
    }
    %gt3A_1318 = arith.constant 32 : i32
    %gt3A_1319 = arith.cmpi sgt, %add3A_1026, %gt3A_1318 : i32
    %convert_element_type3A_1320 = arith.extui %gt3A_1319 : i1 to i32
    %cond3A_1321 = arith.constant 0 : i32
    %cond3A_1322 = arith.cmpi ne, %convert_element_type3A_1320, %cond3A_1321 : i32
    scf.if %cond3A_1322 {
      %dma_wait3A = arith.constant 3 : i32
      %dma_wait3A_1348 = arith.constant 32 : i32
      %dma_wait3A_1349 = tpu.memref_slice %arg15[%dma_wait3A, %dma_wait3A_1348] : memref<5x64xi32, #tpu.memory_space<vmem>> -> memref<1x16xi32, #tpu.memory_space<vmem>>
      %dma_wait3A_1350 = tpu.memref_squeeze %dma_wait3A_1349 : memref<1x16xi32, #tpu.memory_space<vmem>> -> memref<16xi32, #tpu.memory_space<vmem>>
      %dma_wait3A_1351 = arith.constant 0 : i32
      %dma_wait3A_1352 = arith.constant 0 : i32
      %dma_wait3A_1353 = tpu.memref_slice %arg10[%dma_wait3A_1351, %dma_wait3A_1352] : memref<2208x256xf32, #tpu.memory_space<hbm>> -> memref<2208x256xf32, #tpu.memory_space<hbm>>
      tpu.wait_indirect_dma semaphore(%arg56 : memref<!tpu.dma_semaphore, #tpu.memory_space<semaphore_mem>>) src(%arg30 : memref<16x256xf32, #tpu.memory_space<vmem>>) dst(%dma_wait3A_1353 : memref<2208x256xf32, #tpu.memory_space<hbm>>)
    } else {
    }
    %gt3A_1323 = arith.constant 48 : i32
    %gt3A_1324 = arith.cmpi sgt, %add3A_1026, %gt3A_1323 : i32
    %convert_element_type3A_1325 = arith.extui %gt3A_1324 : i1 to i32
    %cond3A_1326 = arith.constant 0 : i32
    %cond3A_1327 = arith.cmpi ne, %convert_element_type3A_1325, %cond3A_1326 : i32
    scf.if %cond3A_1327 {
      %dma_wait3A = arith.constant 3 : i32
      %dma_wait3A_1348 = arith.constant 48 : i32
      %dma_wait3A_1349 = tpu.memref_slice %arg15[%dma_wait3A, %dma_wait3A_1348] : memref<5x64xi32, #tpu.memory_space<vmem>> -> memref<1x16xi32, #tpu.memory_space<vmem>>
      %dma_wait3A_1350 = tpu.memref_squeeze %dma_wait3A_1349 : memref<1x16xi32, #tpu.memory_space<vmem>> -> memref<16xi32, #tpu.memory_space<vmem>>
      %dma_wait3A_1351 = arith.constant 0 : i32
      %dma_wait3A_1352 = arith.constant 0 : i32
      %dma_wait3A_1353 = tpu.memref_slice %arg10[%dma_wait3A_1351, %dma_wait3A_1352] : memref<2208x256xf32, #tpu.memory_space<hbm>> -> memref<2208x256xf32, #tpu.memory_space<hbm>>
      tpu.wait_indirect_dma semaphore(%arg56 : memref<!tpu.dma_semaphore, #tpu.memory_space<semaphore_mem>>) src(%arg31 : memref<16x256xf32, #tpu.memory_space<vmem>>) dst(%dma_wait3A_1353 : memref<2208x256xf32, #tpu.memory_space<hbm>>)
    } else {
    }
    %gt3A_1328 = arith.constant 0 : i32
    %gt3A_1329 = arith.cmpi sgt, %add3A_1049, %gt3A_1328 : i32
    %convert_element_type3A_1330 = arith.extui %gt3A_1329 : i1 to i32
    %cond3A_1331 = arith.constant 0 : i32
    %cond3A_1332 = arith.cmpi ne, %convert_element_type3A_1330, %cond3A_1331 : i32
    scf.if %cond3A_1332 {
      %dma_wait3A = arith.constant 4 : i32
      %dma_wait3A_1348 = arith.constant 0 : i32
      %dma_wait3A_1349 = tpu.memref_slice %arg15[%dma_wait3A, %dma_wait3A_1348] : memref<5x64xi32, #tpu.memory_space<vmem>> -> memref<1x16xi32, #tpu.memory_space<vmem>>
      %dma_wait3A_1350 = tpu.memref_squeeze %dma_wait3A_1349 : memref<1x16xi32, #tpu.memory_space<vmem>> -> memref<16xi32, #tpu.memory_space<vmem>>
      %dma_wait3A_1351 = arith.constant 0 : i32
      %dma_wait3A_1352 = arith.constant 0 : i32
      %dma_wait3A_1353 = tpu.memref_slice %arg10[%dma_wait3A_1351, %dma_wait3A_1352] : memref<2208x256xf32, #tpu.memory_space<hbm>> -> memref<2208x256xf32, #tpu.memory_space<hbm>>
      tpu.wait_indirect_dma semaphore(%arg56 : memref<!tpu.dma_semaphore, #tpu.memory_space<semaphore_mem>>) src(%arg32 : memref<16x256xf32, #tpu.memory_space<vmem>>) dst(%dma_wait3A_1353 : memref<2208x256xf32, #tpu.memory_space<hbm>>)
    } else {
    }
    %gt3A_1333 = arith.constant 16 : i32
    %gt3A_1334 = arith.cmpi sgt, %add3A_1049, %gt3A_1333 : i32
    %convert_element_type3A_1335 = arith.extui %gt3A_1334 : i1 to i32
    %cond3A_1336 = arith.constant 0 : i32
    %cond3A_1337 = arith.cmpi ne, %convert_element_type3A_1335, %cond3A_1336 : i32
    scf.if %cond3A_1337 {
      %dma_wait3A = arith.constant 4 : i32
      %dma_wait3A_1348 = arith.constant 16 : i32
      %dma_wait3A_1349 = tpu.memref_slice %arg15[%dma_wait3A, %dma_wait3A_1348] : memref<5x64xi32, #tpu.memory_space<vmem>> -> memref<1x16xi32, #tpu.memory_space<vmem>>
      %dma_wait3A_1350 = tpu.memref_squeeze %dma_wait3A_1349 : memref<1x16xi32, #tpu.memory_space<vmem>> -> memref<16xi32, #tpu.memory_space<vmem>>
      %dma_wait3A_1351 = arith.constant 0 : i32
      %dma_wait3A_1352 = arith.constant 0 : i32
      %dma_wait3A_1353 = tpu.memref_slice %arg10[%dma_wait3A_1351, %dma_wait3A_1352] : memref<2208x256xf32, #tpu.memory_space<hbm>> -> memref<2208x256xf32, #tpu.memory_space<hbm>>
      tpu.wait_indirect_dma semaphore(%arg56 : memref<!tpu.dma_semaphore, #tpu.memory_space<semaphore_mem>>) src(%arg33 : memref<16x256xf32, #tpu.memory_space<vmem>>) dst(%dma_wait3A_1353 : memref<2208x256xf32, #tpu.memory_space<hbm>>)
    } else {
    }
    %gt3A_1338 = arith.constant 32 : i32
    %gt3A_1339 = arith.cmpi sgt, %add3A_1049, %gt3A_1338 : i32
    %convert_element_type3A_1340 = arith.extui %gt3A_1339 : i1 to i32
    %cond3A_1341 = arith.constant 0 : i32
    %cond3A_1342 = arith.cmpi ne, %convert_element_type3A_1340, %cond3A_1341 : i32
    scf.if %cond3A_1342 {
      %dma_wait3A = arith.constant 4 : i32
      %dma_wait3A_1348 = arith.constant 32 : i32
      %dma_wait3A_1349 = tpu.memref_slice %arg15[%dma_wait3A, %dma_wait3A_1348] : memref<5x64xi32, #tpu.memory_space<vmem>> -> memref<1x16xi32, #tpu.memory_space<vmem>>
      %dma_wait3A_1350 = tpu.memref_squeeze %dma_wait3A_1349 : memref<1x16xi32, #tpu.memory_space<vmem>> -> memref<16xi32, #tpu.memory_space<vmem>>
      %dma_wait3A_1351 = arith.constant 0 : i32
      %dma_wait3A_1352 = arith.constant 0 : i32
      %dma_wait3A_1353 = tpu.memref_slice %arg10[%dma_wait3A_1351, %dma_wait3A_1352] : memref<2208x256xf32, #tpu.memory_space<hbm>> -> memref<2208x256xf32, #tpu.memory_space<hbm>>
      tpu.wait_indirect_dma semaphore(%arg56 : memref<!tpu.dma_semaphore, #tpu.memory_space<semaphore_mem>>) src(%arg34 : memref<16x256xf32, #tpu.memory_space<vmem>>) dst(%dma_wait3A_1353 : memref<2208x256xf32, #tpu.memory_space<hbm>>)
    } else {
    }
    %gt3A_1343 = arith.constant 48 : i32
    %gt3A_1344 = arith.cmpi sgt, %add3A_1049, %gt3A_1343 : i32
    %convert_element_type3A_1345 = arith.extui %gt3A_1344 : i1 to i32
    %cond3A_1346 = arith.constant 0 : i32
    %cond3A_1347 = arith.cmpi ne, %convert_element_type3A_1345, %cond3A_1346 : i32
    scf.if %cond3A_1347 {
      %dma_wait3A = arith.constant 4 : i32
      %dma_wait3A_1348 = arith.constant 48 : i32
      %dma_wait3A_1349 = tpu.memref_slice %arg15[%dma_wait3A, %dma_wait3A_1348] : memref<5x64xi32, #tpu.memory_space<vmem>> -> memref<1x16xi32, #tpu.memory_space<vmem>>
      %dma_wait3A_1350 = tpu.memref_squeeze %dma_wait3A_1349 : memref<1x16xi32, #tpu.memory_space<vmem>> -> memref<16xi32, #tpu.memory_space<vmem>>
      %dma_wait3A_1351 = arith.constant 0 : i32
      %dma_wait3A_1352 = arith.constant 0 : i32
      %dma_wait3A_1353 = tpu.memref_slice %arg10[%dma_wait3A_1351, %dma_wait3A_1352] : memref<2208x256xf32, #tpu.memory_space<hbm>> -> memref<2208x256xf32, #tpu.memory_space<hbm>>
      tpu.wait_indirect_dma semaphore(%arg56 : memref<!tpu.dma_semaphore, #tpu.memory_space<semaphore_mem>>) src(%arg35 : memref<16x256xf32, #tpu.memory_space<vmem>>) dst(%dma_wait3A_1353 : memref<2208x256xf32, #tpu.memory_space<hbm>>)
    } else {
    }
    return
  }
}

module attributes {stable_mosaic.version = 14 : i64} {
  func.func @_head_body(%arg0: i32, %arg1: memref<8x1024xi32, #tpu.memory_space<vmem>>, %arg2: memref<1024x256xf32, #tpu.memory_space<vmem>>, %arg3: memref<256x256xf32, #tpu.memory_space<vmem>>, %arg4: memref<256x8xf32, #tpu.memory_space<vmem>>, %arg5: memref<9x784x256xf32, #tpu.memory_space<vmem>>, %arg6: memref<9x784xf32, #tpu.memory_space<vmem>>, %arg7: memref<784x1024xf32, #tpu.memory_space<vmem>>) attributes {dimension_semantics = [#tpu.dimension_semantics<arbitrary>], iteration_bounds = array<i64: 2>, scalar_prefetch = 0 : i64, scratch_operands = 0 : i64, tpu.core_type = #tpu.core_type<tc>, window_params = [{transform_indices = @transform_0, window_bounds = array<i64: 8, 1024>}, {transform_indices = @transform_1, window_bounds = array<i64: 1024, 256>}, {pipeline_mode = #tpu.pipeline_mode<synchronous>, transform_indices = @transform_2, window_bounds = array<i64: 256, 256>}, {pipeline_mode = #tpu.pipeline_mode<synchronous>, transform_indices = @transform_3, window_bounds = array<i64: 256, 8>}, {pipeline_mode = #tpu.pipeline_mode<synchronous>, transform_indices = @transform_4, window_bounds = array<i64: 9, 784, 256>}, {pipeline_mode = #tpu.pipeline_mode<synchronous>, transform_indices = @transform_5, window_bounds = array<i64: 9, 784>}, {transform_indices = @transform_6, window_bounds = array<i64: 784, 1024>}]} {
    %get3A = arith.constant 0 : index
    %get3A_0 = arith.constant 0 : index
    %get3A_1 = vector.load %arg3[%get3A, %get3A_0] : memref<256x256xf32, #tpu.memory_space<vmem>>, vector<256x256xf32>
    %get3A_2 = arith.constant 0 : index
    %get3A_3 = arith.constant 0 : index
    %get3A_4 = vector.load %arg2[%get3A_2, %get3A_3] : memref<1024x256xf32, #tpu.memory_space<vmem>>, vector<1024x256xf32>
    %dot_general3A = arith.constant dense<0.000000e+00> : vector<256x1024xf32>
    %dot_general3A_5 = tpu.matmul %get3A_1, %get3A_4, %dot_general3A {dimension_numbers = #tpu.dot_dimension_numbers<[0], [1], [1], [0], [0, 1, 1, 0], [], []>, transpose_lhs_hint = false} : vector<256x256xf32>, vector<1024x256xf32>, vector<256x1024xf32> -> vector<256x1024xf32>
    %get3A_6 = arith.constant 0 : index
    %get3A_7 = arith.constant 0 : index
    %get3A_8 = vector.load %arg4[%get3A_6, %get3A_7] : memref<256x8xf32, #tpu.memory_space<vmem>>, vector<256x1xf32>
    %add3A = vector.broadcast %get3A_8 : vector<256x1xf32> to vector<256x1024xf32>
    %add3A_9 = arith.addf %dot_general3A_5, %add3A : vector<256x1024xf32>
    %max3A = arith.constant 0.000000e+00 : f32
    %max3A_10 = vector.broadcast %max3A : f32 to vector<256x1024xf32>
    %max3A_11 = arith.maximumf %add3A_9, %max3A_10 : vector<256x1024xf32>
    %get3A_12 = arith.constant 0 : index
    %get3A_13 = arith.constant 0 : index
    %get3A_14 = vector.load %arg1[%get3A_12, %get3A_13] : memref<8x1024xi32, #tpu.memory_space<vmem>>, vector<1x1024xi32>
    %iota3A = tpu.iota {dimensions = array<i32: 0>} : vector<9x1xi32>
    %eq3A = vector.broadcast %iota3A : vector<9x1xi32> to vector<9x1024xi32>
    %eq3A_15 = vector.broadcast %get3A_14 : vector<1x1024xi32> to vector<9x1024xi32>
    %eq3A_16 = arith.cmpi eq, %eq3A, %eq3A_15 : vector<9x1024xi32>
    %convert_element_type3A = arith.extui %eq3A_16 : vector<9x1024xi1> to vector<9x1024xi32>
    %convert_element_type3A_17 = arith.sitofp %convert_element_type3A : vector<9x1024xi32> to vector<9x1024xf32>
    %get3A_18 = arith.constant 0 : index
    %get3A_19 = arith.constant 0 : index
    %get3A_20 = vector.load %arg6[%get3A_18, %get3A_19] : memref<9x784xf32, #tpu.memory_space<vmem>>, vector<9x784xf32>
    %dot_general3A_21 = arith.constant dense<0.000000e+00> : vector<784x1024xf32>
    %dot_general3A_22 = tpu.matmul %get3A_20, %convert_element_type3A_17, %dot_general3A_21 {dimension_numbers = #tpu.dot_dimension_numbers<[0], [0], [1], [1], [0, 1, 1, 1], [], []>, transpose_lhs_hint = false} : vector<9x784xf32>, vector<9x1024xf32>, vector<784x1024xf32> -> vector<784x1024xf32>
    %eq3A_23 = arith.constant 0 : i32
    %eq3A_24 = vector.broadcast %eq3A_23 : i32 to vector<1x1024xi32>
    %eq3A_25 = arith.cmpi eq, %get3A_14, %eq3A_24 : vector<1x1024xi32>
    %jit3A = arith.constant 0.000000e+00 : f32
    %broadcast_in_dim3A = vector.shape_cast %eq3A_25 : vector<1x1024xi1> to vector<1x1024xi1>
    %broadcast_in_dim3A_26 = vector.broadcast %broadcast_in_dim3A : vector<1x1024xi1> to vector<256x1024xi1>
    %broadcast_in_dim3A_27 = vector.broadcast %jit3A : f32 to vector<256x1024xf32>
    %select_n3A = arith.select %broadcast_in_dim3A_26, %max3A_11, %broadcast_in_dim3A_27 : vector<256x1024xi1>, vector<256x1024xf32>
    %get3A_28 = arith.constant 0 : index
    %get3A_29 = arith.constant 0 : index
    %get3A_30 = arith.constant 0 : index
    %get3A_31 = vector.load %arg5[%get3A_28, %get3A_29, %get3A_30] : memref<9x784x256xf32, #tpu.memory_space<vmem>>, vector<1x784x256xf32>
    %get3A_32 = vector.shape_cast %get3A_31 : vector<1x784x256xf32> to vector<784x256xf32>
    %dot_general3A_33 = arith.constant dense<0.000000e+00> : vector<784x1024xf32>
    %dot_general3A_34 = tpu.matmul %get3A_32, %select_n3A, %dot_general3A_33 {dimension_numbers = #tpu.dot_dimension_numbers<[1], [0], [0], [1], [0, 0, 1, 1], [], []>, transpose_lhs_hint = false} : vector<784x256xf32>, vector<256x1024xf32>, vector<784x1024xf32> -> vector<784x1024xf32>
    %add3A_35 = arith.addf %dot_general3A_22, %dot_general3A_34 : vector<784x1024xf32>
    %eq3A_36 = arith.constant 1 : i32
    %eq3A_37 = vector.broadcast %eq3A_36 : i32 to vector<1x1024xi32>
    %eq3A_38 = arith.cmpi eq, %get3A_14, %eq3A_37 : vector<1x1024xi32>
    %jit3A_39 = arith.constant 0.000000e+00 : f32
    %broadcast_in_dim3A_40 = vector.shape_cast %eq3A_38 : vector<1x1024xi1> to vector<1x1024xi1>
    %broadcast_in_dim3A_41 = vector.broadcast %broadcast_in_dim3A_40 : vector<1x1024xi1> to vector<256x1024xi1>
    %broadcast_in_dim3A_42 = vector.broadcast %jit3A_39 : f32 to vector<256x1024xf32>
    %select_n3A_43 = arith.select %broadcast_in_dim3A_41, %max3A_11, %broadcast_in_dim3A_42 : vector<256x1024xi1>, vector<256x1024xf32>
    %get3A_44 = arith.constant 1 : index
    %get3A_45 = arith.constant 0 : index
    %get3A_46 = arith.constant 0 : index
    %get3A_47 = vector.load %arg5[%get3A_44, %get3A_45, %get3A_46] : memref<9x784x256xf32, #tpu.memory_space<vmem>>, vector<1x784x256xf32>
    %get3A_48 = vector.shape_cast %get3A_47 : vector<1x784x256xf32> to vector<784x256xf32>
    %dot_general3A_49 = arith.constant dense<0.000000e+00> : vector<784x1024xf32>
    %dot_general3A_50 = tpu.matmul %get3A_48, %select_n3A_43, %dot_general3A_49 {dimension_numbers = #tpu.dot_dimension_numbers<[1], [0], [0], [1], [0, 0, 1, 1], [], []>, transpose_lhs_hint = false} : vector<784x256xf32>, vector<256x1024xf32>, vector<784x1024xf32> -> vector<784x1024xf32>
    %add3A_51 = arith.addf %add3A_35, %dot_general3A_50 : vector<784x1024xf32>
    %eq3A_52 = arith.constant 2 : i32
    %eq3A_53 = vector.broadcast %eq3A_52 : i32 to vector<1x1024xi32>
    %eq3A_54 = arith.cmpi eq, %get3A_14, %eq3A_53 : vector<1x1024xi32>
    %jit3A_55 = arith.constant 0.000000e+00 : f32
    %broadcast_in_dim3A_56 = vector.shape_cast %eq3A_54 : vector<1x1024xi1> to vector<1x1024xi1>
    %broadcast_in_dim3A_57 = vector.broadcast %broadcast_in_dim3A_56 : vector<1x1024xi1> to vector<256x1024xi1>
    %broadcast_in_dim3A_58 = vector.broadcast %jit3A_55 : f32 to vector<256x1024xf32>
    %select_n3A_59 = arith.select %broadcast_in_dim3A_57, %max3A_11, %broadcast_in_dim3A_58 : vector<256x1024xi1>, vector<256x1024xf32>
    %get3A_60 = arith.constant 2 : index
    %get3A_61 = arith.constant 0 : index
    %get3A_62 = arith.constant 0 : index
    %get3A_63 = vector.load %arg5[%get3A_60, %get3A_61, %get3A_62] : memref<9x784x256xf32, #tpu.memory_space<vmem>>, vector<1x784x256xf32>
    %get3A_64 = vector.shape_cast %get3A_63 : vector<1x784x256xf32> to vector<784x256xf32>
    %dot_general3A_65 = arith.constant dense<0.000000e+00> : vector<784x1024xf32>
    %dot_general3A_66 = tpu.matmul %get3A_64, %select_n3A_59, %dot_general3A_65 {dimension_numbers = #tpu.dot_dimension_numbers<[1], [0], [0], [1], [0, 0, 1, 1], [], []>, transpose_lhs_hint = false} : vector<784x256xf32>, vector<256x1024xf32>, vector<784x1024xf32> -> vector<784x1024xf32>
    %add3A_67 = arith.addf %add3A_51, %dot_general3A_66 : vector<784x1024xf32>
    %eq3A_68 = arith.constant 3 : i32
    %eq3A_69 = vector.broadcast %eq3A_68 : i32 to vector<1x1024xi32>
    %eq3A_70 = arith.cmpi eq, %get3A_14, %eq3A_69 : vector<1x1024xi32>
    %jit3A_71 = arith.constant 0.000000e+00 : f32
    %broadcast_in_dim3A_72 = vector.shape_cast %eq3A_70 : vector<1x1024xi1> to vector<1x1024xi1>
    %broadcast_in_dim3A_73 = vector.broadcast %broadcast_in_dim3A_72 : vector<1x1024xi1> to vector<256x1024xi1>
    %broadcast_in_dim3A_74 = vector.broadcast %jit3A_71 : f32 to vector<256x1024xf32>
    %select_n3A_75 = arith.select %broadcast_in_dim3A_73, %max3A_11, %broadcast_in_dim3A_74 : vector<256x1024xi1>, vector<256x1024xf32>
    %get3A_76 = arith.constant 3 : index
    %get3A_77 = arith.constant 0 : index
    %get3A_78 = arith.constant 0 : index
    %get3A_79 = vector.load %arg5[%get3A_76, %get3A_77, %get3A_78] : memref<9x784x256xf32, #tpu.memory_space<vmem>>, vector<1x784x256xf32>
    %get3A_80 = vector.shape_cast %get3A_79 : vector<1x784x256xf32> to vector<784x256xf32>
    %dot_general3A_81 = arith.constant dense<0.000000e+00> : vector<784x1024xf32>
    %dot_general3A_82 = tpu.matmul %get3A_80, %select_n3A_75, %dot_general3A_81 {dimension_numbers = #tpu.dot_dimension_numbers<[1], [0], [0], [1], [0, 0, 1, 1], [], []>, transpose_lhs_hint = false} : vector<784x256xf32>, vector<256x1024xf32>, vector<784x1024xf32> -> vector<784x1024xf32>
    %add3A_83 = arith.addf %add3A_67, %dot_general3A_82 : vector<784x1024xf32>
    %eq3A_84 = arith.constant 4 : i32
    %eq3A_85 = vector.broadcast %eq3A_84 : i32 to vector<1x1024xi32>
    %eq3A_86 = arith.cmpi eq, %get3A_14, %eq3A_85 : vector<1x1024xi32>
    %jit3A_87 = arith.constant 0.000000e+00 : f32
    %broadcast_in_dim3A_88 = vector.shape_cast %eq3A_86 : vector<1x1024xi1> to vector<1x1024xi1>
    %broadcast_in_dim3A_89 = vector.broadcast %broadcast_in_dim3A_88 : vector<1x1024xi1> to vector<256x1024xi1>
    %broadcast_in_dim3A_90 = vector.broadcast %jit3A_87 : f32 to vector<256x1024xf32>
    %select_n3A_91 = arith.select %broadcast_in_dim3A_89, %max3A_11, %broadcast_in_dim3A_90 : vector<256x1024xi1>, vector<256x1024xf32>
    %get3A_92 = arith.constant 4 : index
    %get3A_93 = arith.constant 0 : index
    %get3A_94 = arith.constant 0 : index
    %get3A_95 = vector.load %arg5[%get3A_92, %get3A_93, %get3A_94] : memref<9x784x256xf32, #tpu.memory_space<vmem>>, vector<1x784x256xf32>
    %get3A_96 = vector.shape_cast %get3A_95 : vector<1x784x256xf32> to vector<784x256xf32>
    %dot_general3A_97 = arith.constant dense<0.000000e+00> : vector<784x1024xf32>
    %dot_general3A_98 = tpu.matmul %get3A_96, %select_n3A_91, %dot_general3A_97 {dimension_numbers = #tpu.dot_dimension_numbers<[1], [0], [0], [1], [0, 0, 1, 1], [], []>, transpose_lhs_hint = false} : vector<784x256xf32>, vector<256x1024xf32>, vector<784x1024xf32> -> vector<784x1024xf32>
    %add3A_99 = arith.addf %add3A_83, %dot_general3A_98 : vector<784x1024xf32>
    %eq3A_100 = arith.constant 5 : i32
    %eq3A_101 = vector.broadcast %eq3A_100 : i32 to vector<1x1024xi32>
    %eq3A_102 = arith.cmpi eq, %get3A_14, %eq3A_101 : vector<1x1024xi32>
    %jit3A_103 = arith.constant 0.000000e+00 : f32
    %broadcast_in_dim3A_104 = vector.shape_cast %eq3A_102 : vector<1x1024xi1> to vector<1x1024xi1>
    %broadcast_in_dim3A_105 = vector.broadcast %broadcast_in_dim3A_104 : vector<1x1024xi1> to vector<256x1024xi1>
    %broadcast_in_dim3A_106 = vector.broadcast %jit3A_103 : f32 to vector<256x1024xf32>
    %select_n3A_107 = arith.select %broadcast_in_dim3A_105, %max3A_11, %broadcast_in_dim3A_106 : vector<256x1024xi1>, vector<256x1024xf32>
    %get3A_108 = arith.constant 5 : index
    %get3A_109 = arith.constant 0 : index
    %get3A_110 = arith.constant 0 : index
    %get3A_111 = vector.load %arg5[%get3A_108, %get3A_109, %get3A_110] : memref<9x784x256xf32, #tpu.memory_space<vmem>>, vector<1x784x256xf32>
    %get3A_112 = vector.shape_cast %get3A_111 : vector<1x784x256xf32> to vector<784x256xf32>
    %dot_general3A_113 = arith.constant dense<0.000000e+00> : vector<784x1024xf32>
    %dot_general3A_114 = tpu.matmul %get3A_112, %select_n3A_107, %dot_general3A_113 {dimension_numbers = #tpu.dot_dimension_numbers<[1], [0], [0], [1], [0, 0, 1, 1], [], []>, transpose_lhs_hint = false} : vector<784x256xf32>, vector<256x1024xf32>, vector<784x1024xf32> -> vector<784x1024xf32>
    %add3A_115 = arith.addf %add3A_99, %dot_general3A_114 : vector<784x1024xf32>
    %eq3A_116 = arith.constant 6 : i32
    %eq3A_117 = vector.broadcast %eq3A_116 : i32 to vector<1x1024xi32>
    %eq3A_118 = arith.cmpi eq, %get3A_14, %eq3A_117 : vector<1x1024xi32>
    %jit3A_119 = arith.constant 0.000000e+00 : f32
    %broadcast_in_dim3A_120 = vector.shape_cast %eq3A_118 : vector<1x1024xi1> to vector<1x1024xi1>
    %broadcast_in_dim3A_121 = vector.broadcast %broadcast_in_dim3A_120 : vector<1x1024xi1> to vector<256x1024xi1>
    %broadcast_in_dim3A_122 = vector.broadcast %jit3A_119 : f32 to vector<256x1024xf32>
    %select_n3A_123 = arith.select %broadcast_in_dim3A_121, %max3A_11, %broadcast_in_dim3A_122 : vector<256x1024xi1>, vector<256x1024xf32>
    %get3A_124 = arith.constant 6 : index
    %get3A_125 = arith.constant 0 : index
    %get3A_126 = arith.constant 0 : index
    %get3A_127 = vector.load %arg5[%get3A_124, %get3A_125, %get3A_126] : memref<9x784x256xf32, #tpu.memory_space<vmem>>, vector<1x784x256xf32>
    %get3A_128 = vector.shape_cast %get3A_127 : vector<1x784x256xf32> to vector<784x256xf32>
    %dot_general3A_129 = arith.constant dense<0.000000e+00> : vector<784x1024xf32>
    %dot_general3A_130 = tpu.matmul %get3A_128, %select_n3A_123, %dot_general3A_129 {dimension_numbers = #tpu.dot_dimension_numbers<[1], [0], [0], [1], [0, 0, 1, 1], [], []>, transpose_lhs_hint = false} : vector<784x256xf32>, vector<256x1024xf32>, vector<784x1024xf32> -> vector<784x1024xf32>
    %add3A_131 = arith.addf %add3A_115, %dot_general3A_130 : vector<784x1024xf32>
    %eq3A_132 = arith.constant 7 : i32
    %eq3A_133 = vector.broadcast %eq3A_132 : i32 to vector<1x1024xi32>
    %eq3A_134 = arith.cmpi eq, %get3A_14, %eq3A_133 : vector<1x1024xi32>
    %jit3A_135 = arith.constant 0.000000e+00 : f32
    %broadcast_in_dim3A_136 = vector.shape_cast %eq3A_134 : vector<1x1024xi1> to vector<1x1024xi1>
    %broadcast_in_dim3A_137 = vector.broadcast %broadcast_in_dim3A_136 : vector<1x1024xi1> to vector<256x1024xi1>
    %broadcast_in_dim3A_138 = vector.broadcast %jit3A_135 : f32 to vector<256x1024xf32>
    %select_n3A_139 = arith.select %broadcast_in_dim3A_137, %max3A_11, %broadcast_in_dim3A_138 : vector<256x1024xi1>, vector<256x1024xf32>
    %get3A_140 = arith.constant 7 : index
    %get3A_141 = arith.constant 0 : index
    %get3A_142 = arith.constant 0 : index
    %get3A_143 = vector.load %arg5[%get3A_140, %get3A_141, %get3A_142] : memref<9x784x256xf32, #tpu.memory_space<vmem>>, vector<1x784x256xf32>
    %get3A_144 = vector.shape_cast %get3A_143 : vector<1x784x256xf32> to vector<784x256xf32>
    %dot_general3A_145 = arith.constant dense<0.000000e+00> : vector<784x1024xf32>
    %dot_general3A_146 = tpu.matmul %get3A_144, %select_n3A_139, %dot_general3A_145 {dimension_numbers = #tpu.dot_dimension_numbers<[1], [0], [0], [1], [0, 0, 1, 1], [], []>, transpose_lhs_hint = false} : vector<784x256xf32>, vector<256x1024xf32>, vector<784x1024xf32> -> vector<784x1024xf32>
    %add3A_147 = arith.addf %add3A_131, %dot_general3A_146 : vector<784x1024xf32>
    %eq3A_148 = arith.constant 8 : i32
    %eq3A_149 = vector.broadcast %eq3A_148 : i32 to vector<1x1024xi32>
    %eq3A_150 = arith.cmpi eq, %get3A_14, %eq3A_149 : vector<1x1024xi32>
    %jit3A_151 = arith.constant 0.000000e+00 : f32
    %broadcast_in_dim3A_152 = vector.shape_cast %eq3A_150 : vector<1x1024xi1> to vector<1x1024xi1>
    %broadcast_in_dim3A_153 = vector.broadcast %broadcast_in_dim3A_152 : vector<1x1024xi1> to vector<256x1024xi1>
    %broadcast_in_dim3A_154 = vector.broadcast %jit3A_151 : f32 to vector<256x1024xf32>
    %select_n3A_155 = arith.select %broadcast_in_dim3A_153, %max3A_11, %broadcast_in_dim3A_154 : vector<256x1024xi1>, vector<256x1024xf32>
    %get3A_156 = arith.constant 8 : index
    %get3A_157 = arith.constant 0 : index
    %get3A_158 = arith.constant 0 : index
    %get3A_159 = vector.load %arg5[%get3A_156, %get3A_157, %get3A_158] : memref<9x784x256xf32, #tpu.memory_space<vmem>>, vector<1x784x256xf32>
    %get3A_160 = vector.shape_cast %get3A_159 : vector<1x784x256xf32> to vector<784x256xf32>
    %dot_general3A_161 = arith.constant dense<0.000000e+00> : vector<784x1024xf32>
    %dot_general3A_162 = tpu.matmul %get3A_160, %select_n3A_155, %dot_general3A_161 {dimension_numbers = #tpu.dot_dimension_numbers<[1], [0], [0], [1], [0, 0, 1, 1], [], []>, transpose_lhs_hint = false} : vector<784x256xf32>, vector<256x1024xf32>, vector<784x1024xf32> -> vector<784x1024xf32>
    %add3A_163 = arith.addf %add3A_147, %dot_general3A_162 : vector<784x1024xf32>
    %swap3A = arith.constant 0 : index
    %swap3A_164 = arith.constant 0 : index
    %swap3A_165 = vector.load %arg7[%swap3A, %swap3A_164] : memref<784x1024xf32, #tpu.memory_space<vmem>>, vector<784x1024xf32>
    tpu.vector_store %arg7[%swap3A, %swap3A_164], %add3A_163 {strides = array<i32>} : memref<784x1024xf32, #tpu.memory_space<vmem>>, vector<784x1024xf32>,
    return
  }
  func.func @transform_0(%arg0: i32) -> (i32, i32) {
    %c0_i32 = arith.constant 0 : i32
    %c0_i32_0 = arith.constant 0 : i32
    return %c0_i32, %arg0 : i32, i32
  }
  func.func @transform_1(%arg0: i32) -> (i32, i32) {
    %c0_i32 = arith.constant 0 : i32
    %c0_i32_0 = arith.constant 0 : i32
    return %arg0, %c0_i32 : i32, i32
  }
  func.func @transform_2(%arg0: i32) -> (i32, i32) {
    %c0_i32 = arith.constant 0 : i32
    %c0_i32_0 = arith.constant 0 : i32
    %c0_i32_1 = arith.constant 0 : i32
    return %c0_i32, %c0_i32_0 : i32, i32
  }
  func.func @transform_3(%arg0: i32) -> (i32, i32) {
    %c0_i32 = arith.constant 0 : i32
    %c0_i32_0 = arith.constant 0 : i32
    %c0_i32_1 = arith.constant 0 : i32
    return %c0_i32, %c0_i32_0 : i32, i32
  }
  func.func @transform_4(%arg0: i32) -> (i32, i32, i32) {
    %c0_i32 = arith.constant 0 : i32
    %c0_i32_0 = arith.constant 0 : i32
    %c0_i32_1 = arith.constant 0 : i32
    %c0_i32_2 = arith.constant 0 : i32
    return %c0_i32, %c0_i32_0, %c0_i32_1 : i32, i32, i32
  }
  func.func @transform_5(%arg0: i32) -> (i32, i32) {
    %c0_i32 = arith.constant 0 : i32
    %c0_i32_0 = arith.constant 0 : i32
    %c0_i32_1 = arith.constant 0 : i32
    return %c0_i32, %c0_i32_0 : i32, i32
  }
  func.func @transform_6(%arg0: i32) -> (i32, i32) {
    %c0_i32 = arith.constant 0 : i32
    %c0_i32_0 = arith.constant 0 : i32
    return %c0_i32, %arg0 : i32, i32
  }
}

</mosaic_0001>

<sc_bundles>
// kernel: kernel.4.cloned.1.call-start
scs
__scs_entry_jumppad:
0x0: {  	(pc) =	sbr.rel $0x88, $3  }
0x1: {  	(tag) =	ssettag $0x0;
	lr =	simm.s32 $0x1  }
0x2: {  	[smem:$0x3F94] =	sst lr;
	_ =	strace $0xD0000000  }
0x3: {  	_ = 	snop  }
0x4: {  	_ = 	snop  }
0x5: {  	_ = 	snop  }
0x6: {  	_ = 	snop  }
0x7: {  	_ = 	snop  }
__scs_overlays_trampoline_lowered:
0x8: {  	[smem:$0x3FA3] =	sst s0  }
0x9: {  	[smem:$0x3FA4] =	sst s1  }
0xa: {  	[smem:$0x3FA5] =	sst s2  }
0xb: {  	[smem:$0x3FA6] =	sst s3  }
0xc: {  	[smem:$0x3FA7] =	sst s4  }
0xd: {  	[smem:$0x3FA8] =	sst s5  }
0xe: {  	[smem:$0x3FA9] =	sst s6  }
0xf: {  	[smem:$0x3FAA] =	sst s7  }
0x10: {  	[smem:$0x3FAB] =	sst s8  }
0x11: {  	[smem:$0x3FAC] =	sst s9;
	s0 =	simm.s32 @!p0 $0x0  }
0x12: {  	s1 =	sld [smem:$0x3F92];
	s0 =	simm.s32 @p0 $0x1  }
0x13: {  	[smem:$0x3FAD] =	sst s0;
	s0 =	simm.s32 @!p1 $0x0  }
0x14: {  	s2 =	sld [smem:$0x3F91];
	s0 =	simm.s32 @p1 $0x1  }
0x15: {  	[smem:$0x3FAE] =	sst s0;
	s0 =	simm.s32 @!p2 $0x0  }
0x16: {  	s3 =	sld [smem:$0x3FDB];
	s0 =	simm.s32 @p2 $0x1  }
0x17: {  	s4 =	simm.s32 $0x1BF5;
	[smem:$0x3FB0] =	sst s0  }
0x18: {  	s0 =	sld [smem:$0x3F93];
	_ =	swait.ge [sflag:s4], $0x0  }
0x19: {  	s7 =	sld [smem:$0x3F94]  }
0x1a: {  	s8 =	sadd.s32 $0xFFFFE003, lr  }
0x1b: {  	s9 =	sadd.s32 $0xFFFFFEF7, lr;
	s5 =	simm.s32 $0xFFFFFFFF;
	p2 =	slt.u32 s8, $0xFFFFF086  }
0x1c: {  	p1 =	slt.u32 s9, $0xF7A;
	s5 =	simm.s32 @!p2 $0x0  }
0x1d: {  	s5 =	simm.s32 @p1 $0x1;
	p0 =	seq.s32 s7, s2  }
0x1e: {  	s7 =	smul.u32 @!p0 $0xF7A, s2;
	p2 =	seq.s32 @!p0 s5, $0x0  }
0x1f: {  	s9 =	smul.u32 $0xF7A, s1;
	s8 =	simm.s32 @!p0 $0x1BF5;
	p2 =	por !p2, p0  }
0x20: {  	[sflag:s8] =	ssyncset.s32 @!p0 $0xFFFFF086;
	s6 =	sadd.s32 @!p0 s3, s7;
	s7 =	simm.s32 @!p0 $0x108  }
0x21: {  	s3 =	sadd.s32 s3, s9;
	s6 =	sadd.s32 @!p0 $0x88, s6;
	s7 =	simm.s32 @p2 $0x1082  }
0x22: {  	[simem:s7], [sflag:s8] =	dma.local @!p0 [hbm:s6], $0xF7A  }
0x23: {  	s9 =	sor.u32 $0xD0000000, s2;
	s6 =	simm.s32 $0x108;
	_ =	swait.ge @!p0 [sflag:s8], $0x0  }
0x24: {  	s3 =	sadd.s32 $0x88, s3;
	s6 =	simm.s32 @!p1 $0x1082;
	[sflag:s4] =	ssyncset.s32 $0xFFFFF086  }
0x25: {  	[simem:s6], [sflag:s4] =	dma.local [hbm:s3], $0xF7A  }
0x26: {  	[smem:$0x3F94] =	sst s1;
	(tag) =	ssettag s2;
	_ =	strace s9  }
0x27: {  	s1 =	sld [smem:$0x3FA4]  }
0x28: {  	s2 =	sld [smem:$0x3FA5]  }
0x29: {  	s4 =	sld [smem:$0x3FA7]  }
0x2a: {  	p0 =	seq.s32 s5, $0x0;
	s5 =	sld [smem:$0x3FA8]  }
0x2b: {  	s6 =	sld [smem:$0x3FA9]  }
0x2c: {  	s7 =	sld [smem:$0x3FAA]  }
0x2d: {  	s3 =	simm.s32 $0x108;
	s8 =	sld [smem:$0x3FAB]  }
0x2e: {  	s3 =	simm.s32 @!p0 $0x1082;
	s9 =	sld [smem:$0x3FAC]  }
0x2f: {  	lr =	sadd.s32 s0, s3;
	s0 =	sld [smem:$0x3FA3]  }
0x30: {  	s3 =	sld [smem:$0x3FA6]  }
0x31: {  	[smem:$0x3FAF] =	sst s10  }
0x32: {  	s10 =	sld [smem:$0x3FAD];
	_ =	sdelay $0x3  }
0x33: {  	p0 =	seq.s32 s10, $0x1;
	s10 =	sld [smem:$0x3FAF];
	_ =	sdelay $0x3  }
0x34: {  	[smem:$0x3FAF] =	sst s10  }
0x35: {  	s10 =	sld [smem:$0x3FAE];
	_ =	sdelay $0x3  }
0x36: {  	p1 =	seq.s32 s10, $0x1;
	s10 =	sld [smem:$0x3FAF];
	_ =	sdelay $0x3  }
0x37: {  	[smem:$0x3FAF] =	sst s10  }
0x38: {  	s10 =	sld [smem:$0x3FB0]  }
0x39: {  	_ = 	snop;
	(pc) =	sbr.ind lr, $3  }
0x3a: {  	_ = 	snop  }
0x3b: {  	_ = 	snop  }
0x3c: {  	p2 =	seq.s32 s10, $0x1;
	s10 =	sld [smem:$0x3FAF]  }
0x3d: {  	_ =	shalt  }
0x3e: {  	_ =	shalt  }
0x3f: {  	_ =	shalt  }
0x40: {  	_ =	shalt  }
0x41: {  	_ =	shalt  }
0x42: {  	_ =	shalt  }
0x43: {  	_ =	shalt  }
0x44: {  	_ =	shalt  }
0x45: {  	_ =	shalt  }
0x46: {  	_ =	shalt  }
0x47: {  	_ =	shalt  }
0x48: {  	_ =	shalt  }
0x49: {  	_ =	shalt  }
0x4a: {  	_ =	shalt  }
0x4b: {  	_ =	shalt  }
0x4c: {  	_ =	shalt  }
0x4d: {  	_ =	shalt  }
0x4e: {  	_ =	shalt  }
0x4f: {  	_ =	shalt  }
0x50: {  	_ =	shalt  }
0x51: {  	_ =	shalt  }
0x52: {  	_ =	shalt  }
0x53: {  	_ =	shalt  }
0x54: {  	_ =	shalt  }
0x55: {  	_ =	shalt  }
0x56: {  	_ =	shalt  }
0x57: {  	_ =	shalt  }
0x58: {  	_ =	shalt  }
0x59: {  	_ =	shalt  }
0x5a: {  	_ =	shalt  }
0x5b: {  	_ =	shalt  }
0x5c: {  	_ =	shalt  }
0x5d: {  	_ =	shalt  }
0x5e: {  	_ =	shalt  }
0x5f: {  	_ =	shalt  }
0x60: {  	_ =	shalt  }
0x61: {  	_ =	shalt  }
0x62: {  	_ =	shalt  }
0x63: {  	_ =	shalt  }
0x64: {  	_ =	shalt  }
0x65: {  	_ =	shalt  }
0x66: {  	_ =	shalt  }
0x67: {  	_ =	shalt  }
0x68: {  	_ =	shalt  }
0x69: {  	_ =	shalt  }
0x6a: {  	_ =	shalt  }
0x6b: {  	_ =	shalt  }
0x6c: {  	_ =	shalt  }
0x6d: {  	_ =	shalt  }
0x6e: {  	_ =	shalt  }
0x6f: {  	_ =	shalt  }
0x70: {  	_ =	shalt  }
0x71: {  	_ =	shalt  }
0x72: {  	_ =	shalt  }
0x73: {  	_ =	shalt  }
0x74: {  	_ =	shalt  }
0x75: {  	_ =	shalt  }
0x76: {  	_ =	shalt  }
0x77: {  	_ =	shalt  }
0x78: {  	_ =	shalt  }
0x79: {  	_ =	shalt  }
0x7a: {  	_ =	shalt  }
0x7b: {  	_ =	shalt  }
0x7c: {  	_ =	shalt  }
0x7d: {  	_ =	shalt  }
0x7e: {  	_ =	shalt  }
0x7f: {  	_ =	shalt  }
0x80: {  	_ =	shalt  }
0x81: {  	_ =	shalt  }
0x82: {  	_ =	shalt  }
0x83: {  	_ =	shalt  }
0x84: {  	_ =	shalt  }
0x85: {  	_ =	shalt  }
0x86: {  	_ =	shalt  }
0x87: {  	_ =	shalt  }
.Lfunc_end0:
.L_simem_size_0:
called_computation_lowered:
.L_overlay_start_0:
0x88: {  	s2 =	sld [smem:$0x3FD9]  }
0x89: {  	s3 =	sld [smem:$0x3FFE];
	_ =	sdelay $0x1  }
0x8a: {  	s1 =	srdreg.scid  }
0x8b: {  	s0 =	sand.u32 $0x1, s1  }
0x8c: {  	s17 =	sshll.u32 s0, $0xA;
	s2 =	sadd.s32 s3, s2  }
0x8d: {  	s2 =	sadd.s32 s2, s17  }
0x8e: {  	[smem:$0x3FBB] =	sst s2  }
0x8f: {  	_ = 	snop  }
0x90: {  	s2 =	sld [smem:$0x3FC9]  }
0x91: {  	s18 =	sld [smem:$0x3FC8]  }
0x92: {  	s4 =	sld [smem:$0x3FC7]  }
0x93: {  	s5 =	sld [smem:$0x3FC6]  }
0x94: {  	s6 =	sld [smem:$0x3FC4]  }
0x95: {  	s7 =	sld [smem:$0x3FC3]  }
0x96: {  	s8 =	sld [smem:$0x3FC2]  }
0x97: {  	s9 =	sld [smem:$0x3FD0];
	(tm) =	ssettm $0x1  }
0x98: {  	s10 =	sld [smem:$0x3FFB];
	_ =	sdelay $0x3  }
0x99: {  	_ =	strace s10  }
0x9a: {  	s10 =	sld [smem:$0x3FFC];
	_ =	sdelay $0x3  }
0x9b: {  	_ =	strace s10  }
0x9c: {  	s10 =	sld [smem:$0x3FFD];
	_ =	sdelay $0x3  }
0x9d: {  	_ =	strace s10  }
0x9e: {  	_ =	strace $0x8FFFFFFF  }
0x9f: {  	s19 =	sld [smem:$0x3FDB];
	_ =	sdelay $0x1  }
0xa0: {  	s11 =	simm.s32 $_scs_section_size  }
0xa1: {  	s12 =	simm.s32 $_size__tile_overlayer_lowered;
	s13 =	simm.s32 $_tile_overlayer_lowered  }
0xa2: {  	s22 =	simm.s32 $0x1BFF;
	s21 =	sshll.u32 s13, $0x1;
	s10 =	sadd.s32 s11, s19  }
0xa3: {  	s14 =	simm.s32 $0x0;
	s20 =	sshll.u32 s12, $0x1;
	s12 =	sadd.s32 s21, s10  }
0xa4: {  	[timem:s14], [sflag:s22] =	dma.local [hbm:s12], s20  }
0xa5: {  	_ =	swait.ge [sflag:s22], s20  }
0xa6: {  	s11 =	ssub.s32 $0x0, s20;
	[sflag:s22] =	ssyncset.done $0x0  }
0xa7: {  	[sflag:s22] =	ssyncadd.s32 s11;
	_ =	sdelay $0x1  }
0xa8: {  	s23 =	simm.s32 $0x1B8B  }
0xa9: {  	_ =	swait.ge [sflag:s23], $0x1  }
0xaa: {  	[sflag:s23] =	ssyncset.done $0x0  }
0xab: {  	s25 =	simm.s32 $0x1B8E;
	s24 =	sld [smem:$0x3FFE];
	[sflag:s23] =	ssyncadd.s32 $0xFFFFFFFF  }
0xac: {  	s26 =	simm.s32 $execute0_lowered;
	[smem:$0x3FD2] =	sst s25  }
0xad: {  	s12 =	sshll.u32 s26, $0x1;
	_ =	strace $0x80000046;
	[dreg:$0x1] =	wrdreg $0xFFFFFFFF  }
0xae: {  	s28 =	simm.s32 $_size_execute0_lowered;
	s10 =	sadd.s32 s10, s12;
	[dreg:$0x0] =	wrdreg $0x0  }
0xaf: {  	s12 =	sshll.u32 s28, $0x1;
	[dreg:$0x2] =	wrdreg s10  }
0xb0: {  	[dreg:$0x3] =	wrdreg s12  }
0xb1: {  	[dreg:$0x4] =	wrdreg $0xC0  }
0xb2: {  	_ =	task [dreg:s14], $0x5FFFF  }
0xb3: {  	[dreg:$0x1] =	wrdreg $0xFFFFFFFF  }
0xb4: {  	[dreg:$0x0] =	wrdreg $0x60  }
0xb5: {  	[dreg:$0x2] =	wrdreg s2  }
0xb6: {  	[dreg:$0x3] =	wrdreg s18  }
0xb7: {  	[dreg:$0x4] =	wrdreg s4  }
0xb8: {  	[dreg:$0x5] =	wrdreg s5  }
0xb9: {  	[dreg:$0x6] =	wrdreg s24  }
0xba: {  	[dreg:$0x7] =	wrdreg s6  }
0xbb: {  	[dreg:$0x8] =	wrdreg s7  }
0xbc: {  	[dreg:$0x9] =	wrdreg s8  }
0xbd: {  	[dreg:$0xa] =	wrdreg s9  }
0xbe: {  	[dreg:$0xb] =	wrdreg $0x9  }
0xbf: {  	_ =	task.clear_ibuf [dreg:s14], $0xCFFFF;
	_ =	strace $0x90000046  }
0xc0: {  	s29 =	simm.s32 $0x9;
	_ =	strace $0x80000048  }
0xc1: {  	_ =	swait.ge [sflag:s29], $0x1  }
0xc2: {  	[sflag:s29] =	ssyncadd.s32 $0xFFFFFFFF  }
0xc3: {  	_ =	strace $0x90000048  }
0xc4: {  	_ =	sfence  }
0xc5: {  	s30 =	sld [smem:$0x0];
	_ =	sdelay $0x2  }
0xc6: {  	s31 =	sshll.u32 s1, $0xD;
	s1 =	sshrl.u32 s1, $0x2  }
0xc7: {  	s3 =	sand.u32 $0x4000, s31;
	s1 =	sadd.s32 s1, s30  }
0xc8: {  	s0 =	sor.u32 s3, s0;
	s1 =	sshll.u32 s1, $0x11  }
0xc9: {  	s0 =	sor.u32 s1, s0  }
0xca: {  	s0 =	sadd.s32 $0x8F2B, s0  }
0xcb: {  	[sflag:s0] =	ssyncadd.remote.s32 $0x1  }
0xcc: {  	_ =	sfence.sel $0xFFFF  }
0xcd: {  	[dreg:$0x0] =	wrdreg $0xFFFFFFFF;
	(pc) =	sbr.abs _section_cstart, $3  }
0xce: {  	[dreg:$0x1] =	wrdreg $0xFFFFFFFF  }
0xcf: {  	_ =	task.clear_ibuf [dreg:s14], $0x2FFFF;
	_ =	strace $0x9FFFFFFF  }
0xd0: {  	(tm) =	ssettm $0x7FFFFFFF  }
0xd1: {  	_ =	shalt  }
tec
execute0_lowered:
.L_overlay_start_1:
0x0: {  	(tag) =	ssettag $0x1  }
0x1: {  	s0 =	rddreg [dreg:$0x0]  }
0x2: {  	s1 =	rddreg [dreg:$0x1]  }
0x3: {  	s2 =	rddreg [dreg:$0x2]  }
0x4: {  	s4 =	rddreg [dreg:$0x3]  }
0x5: {  	s3 =	rddreg [dreg:$0x4]  }
0x6: {  	s5 =	rddreg [dreg:$0x5]  }
0x7: {  	s10 =	rddreg [dreg:$0x6]  }
0x8: {  	s11 =	rddreg [dreg:$0x7]  }
0x9: {  	s6 =	rddreg [dreg:$0x8]  }
0xa: {  	s8 =	srdreg.scid;
	s9 =	stileid.u32  }
0xb: {  	s7 =	simm.s32 $0x0;
	s8 =	sand.u32 $0x1, s8;
	s9 =	sshll.u32 s9, $0x1  }
0xc: {  	s15 =	simm.s32 $0x100;
	s16 =	simm.s32 $0x180;
	s9 =	sor.u32 s8, s9  }
0xd: {  	s17 =	simm.s32 $0x580;
	s24 =	simm.s32 $0xD980;
	s13 =	smul.u32 $0x5, s9  }
0xe: {  	s25 =	simm.s32 $0xE180;
	s26 =	simm.s32 $0x11980;
	[smem:$0x7FF] =	sst s7  }
0xf: {  	s28 =	simm.s32 $0x12180;
	_ =	strace $0x80000047;
	s12 =	ssub.s32 $0x2, s8;
	v0 =	vmov s13  }
.Ltmp0:
0x10: {  	v3 =	vlaneseq.u32;
	s8 =	sadd.s32 $0x1000, s3;
	s18 =	sshll.u32 s9, $0x6;
	v0 =	vor.u32 $0x800, v0;
	(pc) =	sbr.rel .LBB2_1-.Ltmp0, $4  }
0x11: {  	v10 =	vimm.s32 $0x4;
	v11 =	vimm.s32 $0xF;
	s30 =	sshrl.u32 s12, $0x1;
	s14 =	sshll.u32 s9, $0x3;
	s31 =	sor.u32 $0x10, s18;
	v0 =	vbroadcast v0, $0x0  }
0x12: {  	v12 =	vimm.s32 $0x0;
	s3 =	ssub.s32 s12, s30;
	s19 =	sor.u32 $0x20, s18;
	s20 =	sor.u32 $0x30, s18;
	v6 =	vor.u32 s18, v3;
	v7 =	vor.u32 s31, v3  }
0x13: {  	s9 =	sadd.s32 s5, s14;
	s10 =	sadd.s32 s10, s14;
	s11 =	sadd.s32 s11, s14;
	v8 =	vor.u32 s19, v3;
	v9 =	vor.u32 s20, v3;
	v1 =	vadd.s32 $0x1, v0  }
0x14: {  	s14 =	simm.s32 $0x80;
	s12 =	smax.u32 s3, $0x1;
	s13 =	simm.s32 $0x16;
	v2 =	vadd.s32 $0x2, v0;
	v4 =	vadd.s32 $0x3, v0;
	v5 =	vadd.s32 $0x4, v0  }
.LBB2_15:
0x15: {  	v16 =	vld [tilespmem:$0x390];
	_ =	sdelay $0x4  }
0x16: {  	v17 =	vshll.u32 v16, $0x1  }
0x17: {  	v16 =	vand.u32 $0x7, v16;
	v17 =	vand.u32 $0xFFFFFFF0, v17  }
0x18: {  	v18 =	vshrl.u32 v3, $0x3;
	v16 =	vor.u32 v16, v17;
	v17 =	vand.u32 $0x7, v3  }
0x19: {  	v18 =	vmul.u32 $0x8, v18;
	v17 =	vperm.xlane v16, v17  }
0x1a: {  	v19 =	vor.u32 $0x8, v3  }
0x1b: {  	v16 =	vperm.xlane v16, v19;
	v17 =	vadd.s32 v18, v17;
	_ =	sdelay $0x1  }
0x1c: {  	v16 =	vadd.s32 v18, v16;
	_ =	sdelay $0x1  }
0x1d: {  	vm5 =	vmmov $0xffff  }
0x1e: {  	[tilespmem:s26], [sflag:$0x12] =	stream.indirect_vreg.gather [hbm4b:s8+s7], $0x80, v17, vm5, $0xb8;
	[tilespmem:$0x14980] =	vst v63  }
0x1f: {  	p5 =	slt.u32 s3, $0x21  }
0x20: {  	[tilespmem:s28], [sflag:$0x12] =	stream.indirect_vreg.gather [hbm4b:s8+s7], $0x80, v16, vm5, $0xb8;
	[tilespmem:$0x14980] =	vst v63  }
0x21: {  	v16 =	vld @!p5 [tilespmem:$0x3A0];
	_ =	sdelay $0x4  }
0x22: {  	v17 =	vshll.u32 @!p5 v16, $0x1  }
0x23: {  	v18 =	vlaneseq.u32 @!p5;
	v16 =	vand.u32 @!p5 $0x7, v16;
	v17 =	vand.u32 @!p5 $0xFFFFFFF0, v17  }
0x24: {  	v19 =	vshrl.u32 @!p5 v18, $0x3;
	v16 =	vor.u32 @!p5 v16, v17;
	v17 =	vand.u32 @!p5 $0x7, v18  }
0x25: {  	v19 =	vmul.u32 @!p5 $0x8, v19;
	v17 =	vperm.xlane @!p5 v16, v17  }
0x26: {  	v18 =	vor.u32 @!p5 $0x8, v18  }
0x27: {  	v16 =	vperm.xlane @!p5 v16, v18;
	v17 =	vadd.s32 @!p5 v19, v17;
	_ =	sdelay $0x1  }
0x28: {  	v16 =	vadd.s32 @!p5 v19, v16;
	_ =	sdelay $0x1  }
0x29: {  	s5 =	simm.s32 @!p5 $0x0;
	s18 =	simm.s32 @!p5 $0x12980;
	p0 =	slt.u32 @!p5 s3, $0x31;
	vm5 =	vmmov @!p5 $0xffff  }
0x2a: {  	[tilespmem:s18], [sflag:$0x13] =	stream.indirect_vreg.gather @!p5 [hbm4b:s8+s5], $0x80, v17, vm5, $0xb8;
	[tilespmem:$0x14980] =	vst v63  }
0x2b: {  	p4 =	por p0, p5;
	s18 =	simm.s32 @!p5 $0x13180  }
0x2c: {  	[tilespmem:s18], [sflag:$0x13] =	stream.indirect_vreg.gather @!p5 [hbm4b:s8+s5], $0x80, v16, vm5, $0xb8;
	[tilespmem:$0x14980] =	vst v63  }
0x2d: {  	v16 =	vld @!p4 [tilespmem:$0x3B0];
	_ =	sdelay $0x4  }
0x2e: {  	v17 =	vshll.u32 @!p4 v16, $0x1  }
0x2f: {  	v18 =	vlaneseq.u32 @!p4;
	v16 =	vand.u32 @!p4 $0x7, v16;
	v17 =	vand.u32 @!p4 $0xFFFFFFF0, v17  }
0x30: {  	v19 =	vshrl.u32 @!p4 v18, $0x3;
	v16 =	vor.u32 @!p4 v16, v17;
	v17 =	vand.u32 @!p4 $0x7, v18  }
0x31: {  	v19 =	vmul.u32 @!p4 $0x8, v19;
	v17 =	vperm.xlane @!p4 v16, v17  }
0x32: {  	v18 =	vor.u32 @!p4 $0x8, v18  }
0x33: {  	v16 =	vperm.xlane @!p4 v16, v18;
	v17 =	vadd.s32 @!p4 v19, v17;
	_ =	sdelay $0x1  }
0x34: {  	v16 =	vadd.s32 @!p4 v19, v16;
	_ =	sdelay $0x1  }
0x35: {  	s3 =	simm.s32 @!p4 $0x0;
	vm5 =	vmmov @!p4 $0xffff;
	s5 =	simm.s32 @!p4 $0x13980  }
0x36: {  	[tilespmem:s5], [sflag:$0x14] =	stream.indirect_vreg.gather @!p4 [hbm4b:s8+s3], $0x80, v17, vm5, $0xb8;
	[tilespmem:$0x14980] =	vst v63  }
0x37: {  	p1 =	por @!p4 $0x1, $0x1;
	s5 =	simm.s32 @!p4 $0x14180  }
0x38: {  	[tilespmem:s5], [sflag:$0x14] =	stream.indirect_vreg.gather @!p4 [hbm4b:s8+s3], $0x80, v16, vm5, $0xb8;
	[tilespmem:$0x14980] =	vst v63  }
0x39: {  	p3 =	por !p0, p5;
	p0 =	por p1, p1;
	p4 =	por @!p5 $0x0, $0x0  }
0x3a: {  	p0 =	por @!p3 p4, p4;
	p4 =	por @!p5 $0x1, $0x1  }
0x3b: {  	p1 =	por @!p3 p4, p4;
	p3 =	por $0x0, $0x0  }
0x3c: {  	p3 =	por @!p5 p0, p0  }
0x3d: {  	s3 =	simm.s32 @!p3 $0x0  }
0x3e: {  	s3 =	simm.s32 @p3 $0x1;
	p3 =	por $0x1, $0x1  }
0x3f: {  	p3 =	por @!p5 p1, p1  }
0x40: {  	[smem:$0x7ED] =	sst s3;
	s3 =	simm.s32 @!p3 $0x0  }
0x41: {  	p0 =	por $0x0, $0x0;
	s3 =	simm.s32 @p3 $0x1  }
0x42: {  	p0 =	por @!p5 p1, p1;
	p1 =	por p2, p2;
	[smem:$0x7EE] =	sst s3  }
.LBB2_16:
0x43: {  	s3 =	simm.s32 @!p0 $0x0;
	s20 =	sld [smem:$0x7FA]  }
0x44: {  	s3 =	simm.s32 @p0 $0x1  }
0x45: {  	[smem:$0x7EC] =	sst s3;
	s3 =	simm.s32 @!p1 $0x0  }
0x46: {  	s3 =	simm.s32 @p1 $0x1;
	p2 =	seq.s32 s20, $0x1  }
0x47: {  	[smem:$0x7EB] =	sst s3;
	s3 =	simm.s32 @!p2 $0x1  }
0x48: {  	_ =	swait.ge @!p2 [sflag:s3], $0x1000  }
0x49: {  	[sflag:s3] =	ssyncset.done @!p2 $0x0  }
0x4a: {  	[sflag:s3] =	ssyncadd.s32 @!p2 $0xFFFFF000  }
0x4b: {  	v16 =	vld @!p2 [tilespmem:$0x580];
	_ =	sdelay $0x4  }
0x4c: {  	v17 =	vshll.u32 @!p2 v16, $0x1  }
0x4d: {  	v18 =	vlaneseq.u32 @!p2;
	v16 =	vand.u32 @!p2 $0x7, v16;
	v17 =	vand.u32 @!p2 $0xFFFFFFF0, v17  }
0x4e: {  	v19 =	vshrl.u32 @!p2 v18, $0x3;
	v16 =	vor.u32 @!p2 v16, v17;
	v17 =	vand.u32 @!p2 $0x7, v18  }
0x4f: {  	v19 =	vmul.u32 @!p2 $0x8, v19;
	v17 =	vperm.xlane @!p2 v16, v17  }
0x50: {  	v18 =	vor.u32 @!p2 $0x8, v18  }
0x51: {  	v16 =	vperm.xlane @!p2 v16, v18;
	v17 =	vadd.s32 @!p2 v19, v17;
	_ =	sdelay $0x1  }
0x52: {  	v16 =	vadd.s32 @!p2 v19, v16;
	_ =	sdelay $0x1  }
0x53: {  	s5 =	simm.s32 @!p2 $0x980;
	s21 =	sld [smem:$0x7FC];
	s3 =	simm.s32 @!p2 $0x0  }
0x54: {  	[hbm4b:s6+s3] =	stream.indirect_vreg.scatter @!p2 [tilespmem:s5], [sflag:$0x15], $0x80, v17, vm0, $0xb8;
	[tilespmem:$0x14980] =	vst v63  }
0x55: {  	s5 =	simm.s32 @!p2 $0x1180  }
0x56: {  	[hbm4b:s6+s3] =	stream.indirect_vreg.scatter @!p2 [tilespmem:s5], [sflag:$0x15], $0x80, v16, vm0, $0xb8;
	[tilespmem:$0x14980] =	vst v63  }
0x57: {  	p2 =	seq.s32 s21, $0x1  }
0x58: {  	s3 =	simm.s32 @!p2 $0x0  }
0x59: {  	s3 =	simm.s32 @p2 $0x1  }
0x5a: {  	[smem:$0x7FC] =	sst s3;
	s3 =	simm.s32 @p2 $0x2  }
0x5b: {  	_ =	swait.ge @p2 [sflag:s3], $0x1000  }
0x5c: {  	[sflag:s3] =	ssyncset.done @p2 $0x0  }
0x5d: {  	[sflag:s3] =	ssyncadd.s32 @p2 $0xFFFFF000  }
0x5e: {  	v16 =	vld @p2 [tilespmem:$0x590];
	_ =	sdelay $0x4  }
0x5f: {  	v17 =	vshll.u32 @p2 v16, $0x1  }
0x60: {  	v18 =	vlaneseq.u32 @p2;
	v16 =	vand.u32 @p2 $0x7, v16;
	v17 =	vand.u32 @p2 $0xFFFFFFF0, v17  }
0x61: {  	v19 =	vshrl.u32 @p2 v18, $0x3;
	v16 =	vor.u32 @p2 v16, v17;
	v17 =	vand.u32 @p2 $0x7, v18  }
0x62: {  	v19 =	vmul.u32 @p2 $0x8, v19;
	v17 =	vperm.xlane @p2 v16, v17  }
0x63: {  	v18 =	vor.u32 @p2 $0x8, v18  }
0x64: {  	v16 =	vperm.xlane @p2 v16, v18;
	v17 =	vadd.s32 @p2 v19, v17;
	_ =	sdelay $0x1  }
0x65: {  	v16 =	vadd.s32 @p2 v19, v16;
	_ =	sdelay $0x1  }
0x66: {  	vm0 =	vmmov @p2 $0xffff;
	s5 =	simm.s32 @p2 $0x1980;
	s22 =	sld [smem:$0x7FD];
	s3 =	simm.s32 @p2 $0x0  }
0x67: {  	[hbm4b:s6+s3] =	stream.indirect_vreg.scatter @p2 [tilespmem:s5], [sflag:$0x15], $0x80, v17, vm0, $0xb8;
	[tilespmem:$0x14980] =	vst v63  }
0x68: {  	s5 =	simm.s32 @p2 $0x2180  }
0x69: {  	[hbm4b:s6+s3] =	stream.indirect_vreg.scatter @p2 [tilespmem:s5], [sflag:$0x15], $0x80, v16, vm0, $0xb8;
	[tilespmem:$0x14980] =	vst v63  }
0x6a: {  	p2 =	seq.s32 s22, $0x1  }
0x6b: {  	s3 =	simm.s32 @!p2 $0x0  }
0x6c: {  	s3 =	simm.s32 @p2 $0x1  }
0x6d: {  	[smem:$0x7FD] =	sst s3;
	s3 =	simm.s32 @p2 $0x3  }
0x6e: {  	_ =	swait.ge @p2 [sflag:s3], $0x1000  }
0x6f: {  	[sflag:s3] =	ssyncset.done @p2 $0x0  }
0x70: {  	[sflag:s3] =	ssyncadd.s32 @p2 $0xFFFFF000  }
0x71: {  	v16 =	vld @p2 [tilespmem:$0x5A0];
	_ =	sdelay $0x4  }
0x72: {  	v17 =	vshll.u32 @p2 v16, $0x1  }
0x73: {  	v18 =	vlaneseq.u32 @p2;
	v16 =	vand.u32 @p2 $0x7, v16;
	v17 =	vand.u32 @p2 $0xFFFFFFF0, v17  }
0x74: {  	v19 =	vshrl.u32 @p2 v18, $0x3;
	v16 =	vor.u32 @p2 v16, v17;
	v17 =	vand.u32 @p2 $0x7, v18  }
0x75: {  	v19 =	vmul.u32 @p2 $0x8, v19;
	v17 =	vperm.xlane @p2 v16, v17  }
0x76: {  	v18 =	vor.u32 @p2 $0x8, v18  }
0x77: {  	v16 =	vperm.xlane @p2 v16, v18;
	v17 =	vadd.s32 @p2 v19, v17;
	_ =	sdelay $0x1  }
0x78: {  	v16 =	vadd.s32 @p2 v19, v16;
	_ =	sdelay $0x1  }
0x79: {  	vm0 =	vmmov @p2 $0xffff;
	s5 =	simm.s32 @p2 $0x2980;
	s23 =	sld [smem:$0x7FB];
	s3 =	simm.s32 @p2 $0x0  }
0x7a: {  	[hbm4b:s6+s3] =	stream.indirect_vreg.scatter @p2 [tilespmem:s5], [sflag:$0x15], $0x80, v17, vm0, $0xb8;
	[tilespmem:$0x14980] =	vst v63  }
0x7b: {  	s5 =	simm.s32 @p2 $0x3180  }
0x7c: {  	[hbm4b:s6+s3] =	stream.indirect_vreg.scatter @p2 [tilespmem:s5], [sflag:$0x15], $0x80, v16, vm0, $0xb8;
	[tilespmem:$0x14980] =	vst v63  }
0x7d: {  	p2 =	seq.s32 s23, $0x1  }
0x7e: {  	s3 =	simm.s32 @!p2 $0x0  }
0x7f: {  	s3 =	simm.s32 @p2 $0x1  }
0x80: {  	[smem:$0x7FB] =	sst s3;
	s3 =	simm.s32 @p2 $0x4  }
0x81: {  	_ =	swait.ge @p2 [sflag:s3], $0x1000  }
0x82: {  	[sflag:s3] =	ssyncset.done @p2 $0x0  }
0x83: {  	[sflag:s3] =	ssyncadd.s32 @p2 $0xFFFFF000  }
0x84: {  	v16 =	vld @p2 [tilespmem:$0x5B0];
	_ =	sdelay $0x4  }
0x85: {  	v17 =	vshll.u32 @p2 v16, $0x1  }
0x86: {  	v18 =	vlaneseq.u32 @p2;
	v16 =	vand.u32 @p2 $0x7, v16;
	v17 =	vand.u32 @p2 $0xFFFFFFF0, v17  }
0x87: {  	v19 =	vshrl.u32 @p2 v18, $0x3;
	v16 =	vor.u32 @p2 v16, v17;
	v17 =	vand.u32 @p2 $0x7, v18  }
0x88: {  	v19 =	vmul.u32 @p2 $0x8, v19;
	v17 =	vperm.xlane @p2 v16, v17  }
0x89: {  	v18 =	vor.u32 @p2 $0x8, v18  }
0x8a: {  	v16 =	vperm.xlane @p2 v16, v18;
	v17 =	vadd.s32 @p2 v19, v17;
	_ =	sdelay $0x1  }
0x8b: {  	v16 =	vadd.s32 @p2 v19, v16;
	_ =	sdelay $0x1  }
0x8c: {  	vm0 =	vmmov @p2 $0xffff;
	s5 =	simm.s32 @p2 $0x3980;
	s3 =	simm.s32 @p2 $0x0  }
0x8d: {  	[hbm4b:s6+s3] =	stream.indirect_vreg.scatter @p2 [tilespmem:s5], [sflag:$0x15], $0x80, v17, vm0, $0xb8;
	[tilespmem:$0x14980] =	vst v63  }
0x8e: {  	s5 =	simm.s32 @p2 $0x4180  }
0x8f: {  	[hbm4b:s6+s3] =	stream.indirect_vreg.scatter @p2 [tilespmem:s5], [sflag:$0x15], $0x80, v16, vm0, $0xb8;
	[tilespmem:$0x14980] =	vst v63  }
0x90: {  	s5 =	sld [smem:$0x7F6];
	_ =	sdelay $0x2  }
0x91: {  	p2 =	seq.s32 s5, $0x1  }
0x92: {  	s3 =	simm.s32 @!p2 $0x5  }
0x93: {  	_ =	swait.ge @!p2 [sflag:s3], $0x1000  }
0x94: {  	[sflag:s3] =	ssyncset.done @!p2 $0x0  }
0x95: {  	[sflag:s3] =	ssyncadd.s32 @!p2 $0xFFFFF000  }
0x96: {  	v16 =	vld @!p2 [tilespmem:$0x600];
	_ =	sdelay $0x4  }
0x97: {  	v17 =	vshll.u32 @!p2 v16, $0x1  }
0x98: {  	v18 =	vlaneseq.u32 @!p2;
	v16 =	vand.u32 @!p2 $0x7, v16;
	v17 =	vand.u32 @!p2 $0xFFFFFFF0, v17  }
0x99: {  	v19 =	vshrl.u32 @!p2 v18, $0x3;
	v16 =	vor.u32 @!p2 v16, v17;
	v17 =	vand.u32 @!p2 $0x7, v18  }
0x9a: {  	v19 =	vmul.u32 @!p2 $0x8, v19;
	v17 =	vperm.xlane @!p2 v16, v17  }
0x9b: {  	v18 =	vor.u32 @!p2 $0x8, v18  }
0x9c: {  	v16 =	vperm.xlane @!p2 v16, v18;
	v17 =	vadd.s32 @!p2 v19, v17;
	_ =	sdelay $0x1  }
0x9d: {  	v16 =	vadd.s32 @!p2 v19, v16;
	_ =	sdelay $0x1  }
0x9e: {  	s5 =	simm.s32 @!p2 $0x4980;
	s18 =	sld [smem:$0x7F8];
	s3 =	simm.s32 @!p2 $0x0  }
0x9f: {  	[hbm4b:s6+s3] =	stream.indirect_vreg.scatter @!p2 [tilespmem:s5], [sflag:$0x15], $0x80, v17, vm1, $0xb8;
	[tilespmem:$0x14980] =	vst v63  }
0xa0: {  	s5 =	simm.s32 @!p2 $0x5180  }
0xa1: {  	[hbm4b:s6+s3] =	stream.indirect_vreg.scatter @!p2 [tilespmem:s5], [sflag:$0x15], $0x80, v16, vm1, $0xb8;
	[tilespmem:$0x14980] =	vst v63  }
0xa2: {  	p2 =	seq.s32 s18, $0x1  }
0xa3: {  	s3 =	simm.s32 @!p2 $0x0  }
0xa4: {  	s3 =	simm.s32 @p2 $0x1  }
0xa5: {  	[smem:$0x7F8] =	sst s3;
	s3 =	simm.s32 @p2 $0x6  }
0xa6: {  	_ =	swait.ge @p2 [sflag:s3], $0x1000  }
0xa7: {  	[sflag:s3] =	ssyncset.done @p2 $0x0  }
0xa8: {  	[sflag:s3] =	ssyncadd.s32 @p2 $0xFFFFF000  }
0xa9: {  	v16 =	vld @p2 [tilespmem:$0x610];
	_ =	sdelay $0x4  }
0xaa: {  	v17 =	vshll.u32 @p2 v16, $0x1  }
0xab: {  	v18 =	vlaneseq.u32 @p2;
	v16 =	vand.u32 @p2 $0x7, v16;
	v17 =	vand.u32 @p2 $0xFFFFFFF0, v17  }
0xac: {  	v19 =	vshrl.u32 @p2 v18, $0x3;
	v16 =	vor.u32 @p2 v16, v17;
	v17 =	vand.u32 @p2 $0x7, v18  }
0xad: {  	v19 =	vmul.u32 @p2 $0x8, v19;
	v17 =	vperm.xlane @p2 v16, v17  }
0xae: {  	v18 =	vor.u32 @p2 $0x8, v18  }
0xaf: {  	v16 =	vperm.xlane @p2 v16, v18;
	v17 =	vadd.s32 @p2 v19, v17;
	_ =	sdelay $0x1  }
0xb0: {  	v16 =	vadd.s32 @p2 v19, v16;
	_ =	sdelay $0x1  }
0xb1: {  	vm0 =	vmmov @p2 $0xffff;
	s5 =	simm.s32 @p2 $0x5980;
	s19 =	sld [smem:$0x7F9];
	s3 =	simm.s32 @p2 $0x0  }
0xb2: {  	[hbm4b:s6+s3] =	stream.indirect_vreg.scatter @p2 [tilespmem:s5], [sflag:$0x15], $0x80, v17, vm0, $0xb8;
	[tilespmem:$0x14980] =	vst v63  }
0xb3: {  	s5 =	simm.s32 @p2 $0x6180  }
0xb4: {  	[hbm4b:s6+s3] =	stream.indirect_vreg.scatter @p2 [tilespmem:s5], [sflag:$0x15], $0x80, v16, vm0, $0xb8;
	[tilespmem:$0x14980] =	vst v63  }
0xb5: {  	p2 =	seq.s32 s19, $0x1  }
0xb6: {  	s3 =	simm.s32 @!p2 $0x0  }
0xb7: {  	s3 =	simm.s32 @p2 $0x1  }
0xb8: {  	[smem:$0x7F9] =	sst s3;
	s3 =	simm.s32 @p2 $0x7  }
0xb9: {  	_ =	swait.ge @p2 [sflag:s3], $0x1000  }
0xba: {  	[sflag:s3] =	ssyncset.done @p2 $0x0  }
0xbb: {  	[sflag:s3] =	ssyncadd.s32 @p2 $0xFFFFF000  }
0xbc: {  	v16 =	vld @p2 [tilespmem:$0x620];
	_ =	sdelay $0x4  }
0xbd: {  	v17 =	vshll.u32 @p2 v16, $0x1  }
0xbe: {  	v18 =	vlaneseq.u32 @p2;
	v16 =	vand.u32 @p2 $0x7, v16;
	v17 =	vand.u32 @p2 $0xFFFFFFF0, v17  }
0xbf: {  	v19 =	vshrl.u32 @p2 v18, $0x3;
	v16 =	vor.u32 @p2 v16, v17;
	v17 =	vand.u32 @p2 $0x7, v18  }
0xc0: {  	v19 =	vmul.u32 @p2 $0x8, v19;
	v17 =	vperm.xlane @p2 v16, v17  }
0xc1: {  	v18 =	vor.u32 @p2 $0x8, v18  }
0xc2: {  	v16 =	vperm.xlane @p2 v16, v18;
	v17 =	vadd.s32 @p2 v19, v17;
	_ =	sdelay $0x1  }
0xc3: {  	v16 =	vadd.s32 @p2 v19, v16;
	_ =	sdelay $0x1  }
0xc4: {  	vm0 =	vmmov @p2 $0xffff;
	s5 =	simm.s32 @p2 $0x6980;
	s20 =	sld [smem:$0x7F7];
	s3 =	simm.s32 @p2 $0x0  }
0xc5: {  	[hbm4b:s6+s3] =	stream.indirect_vreg.scatter @p2 [tilespmem:s5], [sflag:$0x15], $0x80, v17, vm0, $0xb8;
	[tilespmem:$0x14980] =	vst v63  }
0xc6: {  	s5 =	simm.s32 @p2 $0x7180  }
0xc7: {  	[hbm4b:s6+s3] =	stream.indirect_vreg.scatter @p2 [tilespmem:s5], [sflag:$0x15], $0x80, v16, vm0, $0xb8;
	[tilespmem:$0x14980] =	vst v63  }
0xc8: {  	p2 =	seq.s32 s20, $0x1  }
0xc9: {  	s3 =	simm.s32 @!p2 $0x0  }
0xca: {  	s3 =	simm.s32 @p2 $0x1  }
0xcb: {  	[smem:$0x7F7] =	sst s3;
	s3 =	simm.s32 @p2 $0x8  }
0xcc: {  	_ =	swait.ge @p2 [sflag:s3], $0x1000  }
0xcd: {  	[sflag:s3] =	ssyncset.done @p2 $0x0  }
0xce: {  	[sflag:s3] =	ssyncadd.s32 @p2 $0xFFFFF000  }
0xcf: {  	v16 =	vld @p2 [tilespmem:$0x630];
	_ =	sdelay $0x4  }
0xd0: {  	v17 =	vshll.u32 @p2 v16, $0x1  }
0xd1: {  	v18 =	vlaneseq.u32 @p2;
	v16 =	vand.u32 @p2 $0x7, v16;
	v17 =	vand.u32 @p2 $0xFFFFFFF0, v17  }
0xd2: {  	v19 =	vshrl.u32 @p2 v18, $0x3;
	v16 =	vor.u32 @p2 v16, v17;
	v17 =	vand.u32 @p2 $0x7, v18  }
0xd3: {  	v19 =	vmul.u32 @p2 $0x8, v19;
	v17 =	vperm.xlane @p2 v16, v17  }
0xd4: {  	v18 =	vor.u32 @p2 $0x8, v18  }
0xd5: {  	v16 =	vperm.xlane @p2 v16, v18;
	v17 =	vadd.s32 @p2 v19, v17;
	_ =	sdelay $0x1  }
0xd6: {  	v16 =	vadd.s32 @p2 v19, v16;
	_ =	sdelay $0x1  }
0xd7: {  	vm0 =	vmmov @p2 $0xffff;
	s5 =	simm.s32 @p2 $0x7980;
	s21 =	sld [smem:$0x7F2];
	s3 =	simm.s32 @p2 $0x0  }
0xd8: {  	[hbm4b:s6+s3] =	stream.indirect_vreg.scatter @p2 [tilespmem:s5], [sflag:$0x15], $0x80, v17, vm0, $0xb8;
	[tilespmem:$0x14980] =	vst v63  }
0xd9: {  	s5 =	simm.s32 @p2 $0x8180  }
0xda: {  	[hbm4b:s6+s3] =	stream.indirect_vreg.scatter @p2 [tilespmem:s5], [sflag:$0x15], $0x80, v16, vm0, $0xb8;
	[tilespmem:$0x14980] =	vst v63  }
0xdb: {  	p2 =	seq.s32 s21, $0x1  }
0xdc: {  	s3 =	simm.s32 @!p2 $0x9  }
0xdd: {  	_ =	swait.ge @!p2 [sflag:s3], $0x1000  }
0xde: {  	[sflag:s3] =	ssyncset.done @!p2 $0x0  }
0xdf: {  	[sflag:s3] =	ssyncadd.s32 @!p2 $0xFFFFF000  }
0xe0: {  	v16 =	vld @!p2 [tilespmem:$0x680];
	_ =	sdelay $0x4  }
0xe1: {  	v17 =	vshll.u32 @!p2 v16, $0x1  }
0xe2: {  	v18 =	vlaneseq.u32 @!p2;
	v16 =	vand.u32 @!p2 $0x7, v16;
	v17 =	vand.u32 @!p2 $0xFFFFFFF0, v17  }
0xe3: {  	v19 =	vshrl.u32 @!p2 v18, $0x3;
	v16 =	vor.u32 @!p2 v16, v17;
	v17 =	vand.u32 @!p2 $0x7, v18  }
0xe4: {  	v19 =	vmul.u32 @!p2 $0x8, v19;
	v17 =	vperm.xlane @!p2 v16, v17  }
0xe5: {  	v18 =	vor.u32 @!p2 $0x8, v18  }
0xe6: {  	v16 =	vperm.xlane @!p2 v16, v18;
	v17 =	vadd.s32 @!p2 v19, v17;
	_ =	sdelay $0x1  }
0xe7: {  	v16 =	vadd.s32 @!p2 v19, v16;
	_ =	sdelay $0x1  }
0xe8: {  	s5 =	simm.s32 @!p2 $0x8980;
	s22 =	sld [smem:$0x7F5];
	s3 =	simm.s32 @!p2 $0x0  }
0xe9: {  	[hbm4b:s6+s3] =	stream.indirect_vreg.scatter @!p2 [tilespmem:s5], [sflag:$0x15], $0x80, v17, vm2, $0xb8;
	[tilespmem:$0x14980] =	vst v63  }
0xea: {  	s5 =	simm.s32 @!p2 $0x9180  }
0xeb: {  	[hbm4b:s6+s3] =	stream.indirect_vreg.scatter @!p2 [tilespmem:s5], [sflag:$0x15], $0x80, v16, vm2, $0xb8;
	[tilespmem:$0x14980] =	vst v63  }
0xec: {  	p2 =	seq.s32 s22, $0x1  }
0xed: {  	s3 =	simm.s32 @!p2 $0x0  }
0xee: {  	s3 =	simm.s32 @p2 $0x1  }
0xef: {  	[smem:$0x7F5] =	sst s3;
	s3 =	simm.s32 @p2 $0xA  }
0xf0: {  	_ =	swait.ge @p2 [sflag:s3], $0x1000  }
0xf1: {  	[sflag:s3] =	ssyncset.done @p2 $0x0  }
0xf2: {  	[sflag:s3] =	ssyncadd.s32 @p2 $0xFFFFF000  }
0xf3: {  	v16 =	vld @p2 [tilespmem:$0x690];
	_ =	sdelay $0x4  }
0xf4: {  	v17 =	vshll.u32 @p2 v16, $0x1  }
0xf5: {  	v18 =	vlaneseq.u32 @p2;
	v16 =	vand.u32 @p2 $0x7, v16;
	v17 =	vand.u32 @p2 $0xFFFFFFF0, v17  }
0xf6: {  	v19 =	vshrl.u32 @p2 v18, $0x3;
	v16 =	vor.u32 @p2 v16, v17;
	v17 =	vand.u32 @p2 $0x7, v18  }
0xf7: {  	v19 =	vmul.u32 @p2 $0x8, v19;
	v17 =	vperm.xlane @p2 v16, v17  }
0xf8: {  	v18 =	vor.u32 @p2 $0x8, v18  }
0xf9: {  	v16 =	vperm.xlane @p2 v16, v18;
	v17 =	vadd.s32 @p2 v19, v17;
	_ =	sdelay $0x1  }
0xfa: {  	v16 =	vadd.s32 @p2 v19, v16;
	_ =	sdelay $0x1  }
0xfb: {  	vm0 =	vmmov @p2 $0xffff;
	s5 =	simm.s32 @p2 $0x9980;
	s3 =	simm.s32 @p2 $0x0  }
0xfc: {  	[hbm4b:s6+s3] =	stream.indirect_vreg.scatter @p2 [tilespmem:s5], [sflag:$0x15], $0x80, v17, vm0, $0xb8;
	[tilespmem:$0x14980] =	vst v63  }
0xfd: {  	s5 =	simm.s32 @p2 $0xA180  }
0xfe: {  	[hbm4b:s6+s3] =	stream.indirect_vreg.scatter @p2 [tilespmem:s5], [sflag:$0x15], $0x80, v16, vm0, $0xb8;
	[tilespmem:$0x14980] =	vst v63  }
0xff: {  	s3 =	simm.s32 @p6 $0xB  }
0x100: {  	_ =	swait.ge @p6 [sflag:s3], $0x1000  }
0x101: {  	[sflag:s3] =	ssyncset.done @p6 $0x0  }
0x102: {  	[sflag:s3] =	ssyncadd.s32 @p6 $0xFFFFF000  }
0x103: {  	v16 =	vld @p6 [tilespmem:$0x6A0];
	_ =	sdelay $0x4  }
0x104: {  	v17 =	vshll.u32 @p6 v16, $0x1  }
0x105: {  	v18 =	vlaneseq.u32 @p6;
	v16 =	vand.u32 @p6 $0x7, v16;
	v17 =	vand.u32 @p6 $0xFFFFFFF0, v17  }
0x106: {  	v19 =	vshrl.u32 @p6 v18, $0x3;
	v16 =	vor.u32 @p6 v16, v17;
	v17 =	vand.u32 @p6 $0x7, v18  }
0x107: {  	v19 =	vmul.u32 @p6 $0x8, v19;
	v17 =	vperm.xlane @p6 v16, v17  }
0x108: {  	v18 =	vor.u32 @p6 $0x8, v18  }
0x109: {  	v16 =	vperm.xlane @p6 v16, v18;
	v17 =	vadd.s32 @p6 v19, v17;
	_ =	sdelay $0x1  }
0x10a: {  	v16 =	vadd.s32 @p6 v19, v16;
	_ =	sdelay $0x1  }
0x10b: {  	vm0 =	vmmov @p6 $0xffff;
	s5 =	simm.s32 @p6 $0xA980;
	s3 =	simm.s32 @p6 $0x0  }
0x10c: {  	[hbm4b:s6+s3] =	stream.indirect_vreg.scatter @p6 [tilespmem:s5], [sflag:$0x15], $0x80, v17, vm0, $0xb8;
	[tilespmem:$0x14980] =	vst v63  }
0x10d: {  	s23 =	sld [smem:$0x7F4];
	s5 =	simm.s32 @p6 $0xB180  }
0x10e: {  	[hbm4b:s6+s3] =	stream.indirect_vreg.scatter @p6 [tilespmem:s5], [sflag:$0x15], $0x80, v16, vm0, $0xb8;
	[tilespmem:$0x14980] =	vst v63  }
0x10f: {  	s3 =	simm.s32 @!p6 $0x0  }
0x110: {  	p2 =	seq.s32 s23, $0x1;
	s3 =	simm.s32 @p6 $0x1  }
0x111: {  	[smem:$0x7EA] =	sst s3;
	s3 =	simm.s32 @!p2 $0x0  }
0x112: {  	s3 =	simm.s32 @p2 $0x1  }
0x113: {  	[smem:$0x7F4] =	sst s3;
	s3 =	simm.s32 @p2 $0xC  }
0x114: {  	_ =	swait.ge @p2 [sflag:s3], $0x1000  }
0x115: {  	[sflag:s3] =	ssyncset.done @p2 $0x0  }
0x116: {  	[sflag:s3] =	ssyncadd.s32 @p2 $0xFFFFF000  }
0x117: {  	v16 =	vld @p2 [tilespmem:$0x6B0];
	_ =	sdelay $0x4  }
0x118: {  	v17 =	vshll.u32 @p2 v16, $0x1  }
0x119: {  	v18 =	vlaneseq.u32 @p2;
	v16 =	vand.u32 @p2 $0x7, v16;
	v17 =	vand.u32 @p2 $0xFFFFFFF0, v17  }
0x11a: {  	v19 =	vshrl.u32 @p2 v18, $0x3;
	v16 =	vor.u32 @p2 v16, v17;
	v17 =	vand.u32 @p2 $0x7, v18  }
0x11b: {  	v19 =	vmul.u32 @p2 $0x8, v19;
	v17 =	vperm.xlane @p2 v16, v17  }
0x11c: {  	v18 =	vor.u32 @p2 $0x8, v18  }
0x11d: {  	v16 =	vperm.xlane @p2 v16, v18;
	v17 =	vadd.s32 @p2 v19, v17;
	_ =	sdelay $0x1  }
0x11e: {  	v16 =	vadd.s32 @p2 v19, v16;
	_ =	sdelay $0x1  }
0x11f: {  	vm0 =	vmmov @p2 $0xffff;
	s5 =	simm.s32 @p2 $0xB980;
	s3 =	simm.s32 @p2 $0x0  }
0x120: {  	[hbm4b:s6+s3] =	stream.indirect_vreg.scatter @p2 [tilespmem:s5], [sflag:$0x15], $0x80, v17, vm0, $0xb8;
	[tilespmem:$0x14980] =	vst v63  }
0x121: {  	s5 =	simm.s32 @p2 $0xC180  }
0x122: {  	[hbm4b:s6+s3] =	stream.indirect_vreg.scatter @p2 [tilespmem:s5], [sflag:$0x15], $0x80, v16, vm0, $0xb8;
	[tilespmem:$0x14980] =	vst v63  }
0x123: {  	s5 =	sld [smem:$0x7F3];
	_ =	sdelay $0x2  }
0x124: {  	p6 =	seq.s32 s5, $0x1  }
0x125: {  	s3 =	simm.s32 @!p6 $0xD  }
0x126: {  	_ =	swait.ge @!p6 [sflag:s3], $0x1000  }
0x127: {  	[sflag:s3] =	ssyncset.done @!p6 $0x0  }
0x128: {  	[sflag:s3] =	ssyncadd.s32 @!p6 $0xFFFFF000  }
0x129: {  	v16 =	vld @!p6 [tilespmem:$0x700];
	_ =	sdelay $0x4  }
0x12a: {  	v17 =	vshll.u32 @!p6 v16, $0x1  }
0x12b: {  	v18 =	vlaneseq.u32 @!p6;
	v16 =	vand.u32 @!p6 $0x7, v16;
	v17 =	vand.u32 @!p6 $0xFFFFFFF0, v17  }
0x12c: {  	v19 =	vshrl.u32 @!p6 v18, $0x3;
	v16 =	vor.u32 @!p6 v16, v17;
	v17 =	vand.u32 @!p6 $0x7, v18  }
0x12d: {  	v19 =	vmul.u32 @!p6 $0x8, v19;
	v17 =	vperm.xlane @!p6 v16, v17  }
0x12e: {  	v18 =	vor.u32 @!p6 $0x8, v18  }
0x12f: {  	v16 =	vperm.xlane @!p6 v16, v18;
	v17 =	vadd.s32 @!p6 v19, v17;
	_ =	sdelay $0x1  }
0x130: {  	v16 =	vadd.s32 @!p6 v19, v16  }
0x131: {  	s18 =	sld [smem:$0x7F0]  }
0x132: {  	s5 =	simm.s32 @!p6 $0xC980;
	s3 =	simm.s32 @!p6 $0x0  }
0x133: {  	[hbm4b:s6+s3] =	stream.indirect_vreg.scatter @!p6 [tilespmem:s5], [sflag:$0x15], $0x80, v17, vm3, $0xb8;
	[tilespmem:$0x14980] =	vst v63  }
0x134: {  	p5 =	seq.s32 s18, $0x1;
	s5 =	simm.s32 @!p6 $0xD180  }
0x135: {  	[hbm4b:s6+s3] =	stream.indirect_vreg.scatter @!p6 [tilespmem:s5], [sflag:$0x15], $0x80, v16, vm3, $0xb8;
	[tilespmem:$0x14980] =	vst v63  }
0x136: {  	s3 =	simm.s32 @p5 $0xE  }
0x137: {  	_ =	swait.ge @p5 [sflag:s3], $0x1000  }
0x138: {  	[sflag:s3] =	ssyncset.done @p5 $0x0  }
0x139: {  	[sflag:s3] =	ssyncadd.s32 @p5 $0xFFFFF000  }
0x13a: {  	v16 =	vld @p5 [tilespmem:$0x710];
	_ =	sdelay $0x4  }
0x13b: {  	v17 =	vshll.u32 @p5 v16, $0x1  }
0x13c: {  	v18 =	vlaneseq.u32 @p5;
	v16 =	vand.u32 @p5 $0x7, v16;
	v17 =	vand.u32 @p5 $0xFFFFFFF0, v17  }
0x13d: {  	v19 =	vshrl.u32 @p5 v18, $0x3;
	v16 =	vor.u32 @p5 v16, v17;
	v17 =	vand.u32 @p5 $0x7, v18  }
0x13e: {  	v19 =	vmul.u32 @p5 $0x8, v19;
	v17 =	vperm.xlane @p5 v16, v17  }
0x13f: {  	v18 =	vor.u32 @p5 $0x8, v18  }
0x140: {  	v16 =	vperm.xlane @p5 v16, v18;
	v17 =	vadd.s32 @p5 v19, v17;
	_ =	sdelay $0x1  }
0x141: {  	v16 =	vadd.s32 @p5 v19, v16  }
0x142: {  	s19 =	sld [smem:$0x7F1]  }
0x143: {  	vm0 =	vmmov @p5 $0xffff;
	s5 =	simm.s32 @p5 $0xD980;
	s3 =	simm.s32 @p5 $0x0  }
0x144: {  	[hbm4b:s6+s3] =	stream.indirect_vreg.scatter @p5 [tilespmem:s5], [sflag:$0x15], $0x80, v17, vm0, $0xb8;
	[tilespmem:$0x14980] =	vst v63  }
0x145: {  	p4 =	seq.s32 s19, $0x1;
	s5 =	simm.s32 @p5 $0xE180  }
0x146: {  	[hbm4b:s6+s3] =	stream.indirect_vreg.scatter @p5 [tilespmem:s5], [sflag:$0x15], $0x80, v16, vm0, $0xb8;
	[tilespmem:$0x14980] =	vst v63  }
0x147: {  	s3 =	simm.s32 @p4 $0xF  }
0x148: {  	_ =	swait.ge @p4 [sflag:s3], $0x1000  }
0x149: {  	[sflag:s3] =	ssyncset.done @p4 $0x0  }
0x14a: {  	[sflag:s3] =	ssyncadd.s32 @p4 $0xFFFFF000  }
0x14b: {  	v16 =	vld @p4 [tilespmem:$0x720];
	_ =	sdelay $0x4  }
0x14c: {  	v17 =	vshll.u32 @p4 v16, $0x1  }
0x14d: {  	v18 =	vlaneseq.u32 @p4;
	v16 =	vand.u32 @p4 $0x7, v16;
	v17 =	vand.u32 @p4 $0xFFFFFFF0, v17  }
0x14e: {  	v19 =	vshrl.u32 @p4 v18, $0x3;
	v16 =	vor.u32 @p4 v16, v17;
	v17 =	vand.u32 @p4 $0x7, v18  }
0x14f: {  	v19 =	vmul.u32 @p4 $0x8, v19;
	v17 =	vperm.xlane @p4 v16, v17  }
0x150: {  	v18 =	vor.u32 @p4 $0x8, v18  }
0x151: {  	v16 =	vperm.xlane @p4 v16, v18;
	v17 =	vadd.s32 @p4 v19, v17;
	_ =	sdelay $0x1  }
0x152: {  	v16 =	vadd.s32 @p4 v19, v16  }
0x153: {  	s20 =	sld [smem:$0x7EF]  }
0x154: {  	vm0 =	vmmov @p4 $0xffff;
	s5 =	simm.s32 @p4 $0xE980;
	s3 =	simm.s32 @p4 $0x0  }
0x155: {  	[hbm4b:s6+s3] =	stream.indirect_vreg.scatter @p4 [tilespmem:s5], [sflag:$0x15], $0x80, v17, vm0, $0xb8;
	[tilespmem:$0x14980] =	vst v63  }
0x156: {  	p3 =	seq.s32 s20, $0x1;
	s5 =	simm.s32 @p4 $0xF180  }
0x157: {  	[hbm4b:s6+s3] =	stream.indirect_vreg.scatter @p4 [tilespmem:s5], [sflag:$0x15], $0x80, v16, vm0, $0xb8;
	[tilespmem:$0x14980] =	vst v63  }
0x158: {  	s3 =	simm.s32 @p3 $0x10  }
0x159: {  	_ =	swait.ge @p3 [sflag:s3], $0x1000  }
0x15a: {  	[sflag:s3] =	ssyncset.done @p3 $0x0  }
0x15b: {  	[sflag:s3] =	ssyncadd.s32 @p3 $0xFFFFF000  }
0x15c: {  	v16 =	vld @p3 [tilespmem:$0x730];
	_ =	sdelay $0x4  }
0x15d: {  	v17 =	vshll.u32 @p3 v16, $0x1  }
0x15e: {  	v18 =	vlaneseq.u32 @p3;
	v16 =	vand.u32 @p3 $0x7, v16;
	v17 =	vand.u32 @p3 $0xFFFFFFF0, v17  }
0x15f: {  	v19 =	vshrl.u32 @p3 v18, $0x3;
	v16 =	vor.u32 @p3 v16, v17;
	v17 =	vand.u32 @p3 $0x7, v18  }
0x160: {  	v19 =	vmul.u32 @p3 $0x8, v19;
	v17 =	vperm.xlane @p3 v16, v17  }
0x161: {  	v18 =	vor.u32 @p3 $0x8, v18  }
0x162: {  	v16 =	vperm.xlane @p3 v16, v18;
	v17 =	vadd.s32 @p3 v19, v17;
	_ =	sdelay $0x1  }
0x163: {  	v16 =	vadd.s32 @p3 v19, v16;
	_ =	sdelay $0x1  }
0x164: {  	vm0 =	vmmov @p3 $0xffff;
	s5 =	simm.s32 @p3 $0xF980;
	s3 =	simm.s32 @p3 $0x0  }
0x165: {  	[hbm4b:s6+s3] =	stream.indirect_vreg.scatter @p3 [tilespmem:s5], [sflag:$0x15], $0x80, v17, vm0, $0xb8;
	[tilespmem:$0x14980] =	vst v63  }
0x166: {  	s5 =	simm.s32 @p3 $0x10180  }
0x167: {  	[hbm4b:s6+s3] =	stream.indirect_vreg.scatter @p3 [tilespmem:s5], [sflag:$0x15], $0x80, v16, vm0, $0xb8;
	[tilespmem:$0x14980] =	vst v63  }
0x168: {  	s3 =	simm.s32 @!p1 $0x11  }
0x169: {  	_ =	swait.ge @!p1 [sflag:s3], $0x1000  }
0x16a: {  	[sflag:s3] =	ssyncset.done @!p1 $0x0  }
0x16b: {  	[sflag:s3] =	ssyncadd.s32 @!p1 $0xFFFFF000  }
0x16c: {  	v16 =	vld @!p1 [tilespmem:$0x780];
	_ =	sdelay $0x4  }
0x16d: {  	v17 =	vshll.u32 @!p1 v16, $0x1  }
0x16e: {  	v16 =	vand.u32 @!p1 $0x7, v16;
	v17 =	vand.u32 @!p1 $0xFFFFFFF0, v17  }
0x16f: {  	v16 =	vor.u32 @!p1 v16, v17  }
0x170: {  	v13 =	vperm.xlane @!p1 v16, v13;
	_ =	sdelay $0x1  }
0x171: {  	v15 =	vperm.xlane @!p1 v16, v15;
	v13 =	vadd.s32 @!p1 v14, v13  }
0x172: {  	s21 =	sld [smem:$0x7EE]  }
0x173: {  	v14 =	vadd.s32 @!p1 v14, v15;
	_ =	sdelay $0x1  }
0x174: {  	p2 =	seq.s32 s21, $0x1  }
0x175: {  	[hbm4b:s6+s29] =	stream.indirect_vreg.scatter @!p1 [tilespmem:s30], [sflag:$0x15], $0x80, v13, vm4, $0xb8;
	[tilespmem:$0x14980] =	vst v63  }
0x176: {  	s3 =	simm.s32 @p2 $0x12  }
0x177: {  	[hbm4b:s6+s29] =	stream.indirect_vreg.scatter @!p1 [tilespmem:s31], [sflag:$0x15], $0x80, v14, vm4, $0xb8;
	[tilespmem:$0x14980] =	vst v63  }
0x178: {  	_ =	swait.ge @p2 [sflag:s3], $0x1000  }
0x179: {  	[sflag:s3] =	ssyncset.done @p2 $0x0  }
0x17a: {  	[sflag:s3] =	ssyncadd.s32 @p2 $0xFFFFF000  }
0x17b: {  	v13 =	vld @p2 [tilespmem:$0x790];
	_ =	sdelay $0x4  }
0x17c: {  	v14 =	vshll.u32 @p2 v13, $0x1  }
0x17d: {  	v15 =	vlaneseq.u32 @p2;
	v13 =	vand.u32 @p2 $0x7, v13;
	v14 =	vand.u32 @p2 $0xFFFFFFF0, v14  }
0x17e: {  	v16 =	vshrl.u32 @p2 v15, $0x3;
	v13 =	vor.u32 @p2 v13, v14;
	v14 =	vand.u32 @p2 $0x7, v15  }
0x17f: {  	v16 =	vmul.u32 @p2 $0x8, v16;
	v14 =	vperm.xlane @p2 v13, v14  }
0x180: {  	v15 =	vor.u32 @p2 $0x8, v15  }
0x181: {  	v13 =	vperm.xlane @p2 v13, v15;
	v14 =	vadd.s32 @p2 v16, v14;
	_ =	sdelay $0x1  }
0x182: {  	v13 =	vadd.s32 @p2 v16, v13;
	_ =	sdelay $0x1  }
0x183: {  	vm0 =	vmmov @p2 $0xffff;
	s5 =	simm.s32 @p2 $0x11980;
	s3 =	simm.s32 @p2 $0x0  }
0x184: {  	[hbm4b:s6+s3] =	stream.indirect_vreg.scatter @p2 [tilespmem:s5], [sflag:$0x15], $0x80, v14, vm0, $0xb8;
	[tilespmem:$0x14980] =	vst v63  }
0x185: {  	s5 =	simm.s32 @p2 $0x12180  }
0x186: {  	[hbm4b:s6+s3] =	stream.indirect_vreg.scatter @p2 [tilespmem:s5], [sflag:$0x15], $0x80, v13, vm0, $0xb8;
	[tilespmem:$0x14980] =	vst v63  }
0x187: {  	s3 =	simm.s32 @p0 $0x13  }
0x188: {  	_ =	swait.ge @p0 [sflag:s3], $0x1000  }
0x189: {  	[sflag:s3] =	ssyncset.done @p0 $0x0  }
0x18a: {  	[sflag:s3] =	ssyncadd.s32 @p0 $0xFFFFF000  }
0x18b: {  	v13 =	vld @p0 [tilespmem:$0x7A0];
	_ =	sdelay $0x4  }
0x18c: {  	v14 =	vshll.u32 @p0 v13, $0x1  }
0x18d: {  	v15 =	vlaneseq.u32 @p0;
	v13 =	vand.u32 @p0 $0x7, v13;
	v14 =	vand.u32 @p0 $0xFFFFFFF0, v14  }
0x18e: {  	v16 =	vshrl.u32 @p0 v15, $0x3;
	v13 =	vor.u32 @p0 v13, v14;
	v14 =	vand.u32 @p0 $0x7, v15  }
0x18f: {  	v16 =	vmul.u32 @p0 $0x8, v16;
	v14 =	vperm.xlane @p0 v13, v14  }
0x190: {  	v15 =	vor.u32 @p0 $0x8, v15  }
0x191: {  	v13 =	vperm.xlane @p0 v13, v15;
	v14 =	vadd.s32 @p0 v16, v14;
	_ =	sdelay $0x1  }
0x192: {  	v13 =	vadd.s32 @p0 v16, v13;
	_ =	sdelay $0x1  }
0x193: {  	vm0 =	vmmov @p0 $0xffff;
	s5 =	simm.s32 @p0 $0x12980;
	s22 =	sld [smem:$0x7ED];
	s3 =	simm.s32 @p0 $0x0  }
0x194: {  	[hbm4b:s6+s3] =	stream.indirect_vreg.scatter @p0 [tilespmem:s5], [sflag:$0x15], $0x80, v14, vm0, $0xb8;
	[tilespmem:$0x14980] =	vst v63  }
0x195: {  	s5 =	simm.s32 @p0 $0x13180  }
0x196: {  	[hbm4b:s6+s3] =	stream.indirect_vreg.scatter @p0 [tilespmem:s5], [sflag:$0x15], $0x80, v13, vm0, $0xb8;
	[tilespmem:$0x14980] =	vst v63  }
0x197: {  	p0 =	seq.s32 s22, $0x1  }
0x198: {  	s3 =	simm.s32 @p0 $0x14  }
0x199: {  	_ =	swait.ge @p0 [sflag:s3], $0x1000  }
0x19a: {  	[sflag:s3] =	ssyncset.done @p0 $0x0  }
0x19b: {  	[sflag:s3] =	ssyncadd.s32 @p0 $0xFFFFF000  }
0x19c: {  	v13 =	vld @p0 [tilespmem:$0x7B0];
	_ =	sdelay $0x4  }
0x19d: {  	v14 =	vshll.u32 @p0 v13, $0x1  }
0x19e: {  	v15 =	vlaneseq.u32 @p0;
	v13 =	vand.u32 @p0 $0x7, v13;
	v14 =	vand.u32 @p0 $0xFFFFFFF0, v14  }
0x19f: {  	v16 =	vshrl.u32 @p0 v15, $0x3;
	v13 =	vor.u32 @p0 v13, v14;
	v14 =	vand.u32 @p0 $0x7, v15  }
0x1a0: {  	v16 =	vmul.u32 @p0 $0x8, v16;
	v14 =	vperm.xlane @p0 v13, v14  }
0x1a1: {  	v15 =	vor.u32 @p0 $0x8, v15  }
0x1a2: {  	v13 =	vperm.xlane @p0 v13, v15;
	v14 =	vadd.s32 @p0 v16, v14;
	_ =	sdelay $0x1  }
0x1a3: {  	v13 =	vadd.s32 @p0 v16, v13  }
0x1a4: {  	s23 =	sld [smem:$0x7FA]  }
0x1a5: {  	vm0 =	vmmov @p0 $0xffff;
	s5 =	simm.s32 @p0 $0x13980;
	s3 =	simm.s32 @p0 $0x0  }
0x1a6: {  	[hbm4b:s6+s3] =	stream.indirect_vreg.scatter @p0 [tilespmem:s5], [sflag:$0x15], $0x80, v14, vm0, $0xb8;
	[tilespmem:$0x14980] =	vst v63  }
0x1a7: {  	p1 =	seq.s32 s23, $0x1;
	s5 =	simm.s32 @p0 $0x14180  }
0x1a8: {  	[hbm4b:s6+s3] =	stream.indirect_vreg.scatter @p0 [tilespmem:s5], [sflag:$0x15], $0x80, v13, vm0, $0xb8;
	[tilespmem:$0x14980] =	vst v63  }
0x1a9: {  	s3 =	simm.s32 @!p1 $0x15  }
0x1aa: {  	_ =	swait.ge @!p1 [sflag:s3], $0x1000  }
0x1ab: {  	s29 =	sld [smem:$0x7FC];
	_ =	sdelay $0x1  }
0x1ac: {  	[sflag:s3] =	ssyncset.done @!p1 $0x0  }
0x1ad: {  	[sflag:s3] =	ssyncadd.s32 @!p1 $0xFFFFF000;
	p1 =	seq.s32 s29, $0x1  }
0x1ae: {  	s3 =	simm.s32 @p1 $0x15  }
0x1af: {  	_ =	swait.ge @p1 [sflag:s3], $0x1000  }
0x1b0: {  	s30 =	sld [smem:$0x7FD];
	_ =	sdelay $0x1  }
0x1b1: {  	[sflag:s3] =	ssyncset.done @p1 $0x0  }
0x1b2: {  	[sflag:s3] =	ssyncadd.s32 @p1 $0xFFFFF000;
	p1 =	seq.s32 s30, $0x1  }
0x1b3: {  	s3 =	simm.s32 @p1 $0x15  }
0x1b4: {  	_ =	swait.ge @p1 [sflag:s3], $0x1000  }
0x1b5: {  	s31 =	sld [smem:$0x7FB];
	_ =	sdelay $0x1  }
0x1b6: {  	[sflag:s3] =	ssyncset.done @p1 $0x0  }
0x1b7: {  	[sflag:s3] =	ssyncadd.s32 @p1 $0xFFFFF000;
	p1 =	seq.s32 s31, $0x1  }
0x1b8: {  	s3 =	simm.s32 @p1 $0x15  }
0x1b9: {  	_ =	swait.ge @p1 [sflag:s3], $0x1000  }
0x1ba: {  	s5 =	sld [smem:$0x7F6];
	_ =	sdelay $0x1  }
0x1bb: {  	[sflag:s3] =	ssyncset.done @p1 $0x0  }
0x1bc: {  	[sflag:s3] =	ssyncadd.s32 @p1 $0xFFFFF000;
	p1 =	seq.s32 s5, $0x1  }
0x1bd: {  	s3 =	simm.s32 @!p1 $0x15  }
0x1be: {  	_ =	swait.ge @!p1 [sflag:s3], $0x1000  }
0x1bf: {  	s18 =	sld [smem:$0x7F8];
	_ =	sdelay $0x1  }
0x1c0: {  	[sflag:s3] =	ssyncset.done @!p1 $0x0  }
0x1c1: {  	[sflag:s3] =	ssyncadd.s32 @!p1 $0xFFFFF000;
	p1 =	seq.s32 s18, $0x1  }
0x1c2: {  	s3 =	simm.s32 @p1 $0x15  }
0x1c3: {  	_ =	swait.ge @p1 [sflag:s3], $0x1000  }
0x1c4: {  	s19 =	sld [smem:$0x7F9];
	_ =	sdelay $0x1  }
0x1c5: {  	[sflag:s3] =	ssyncset.done @p1 $0x0  }
0x1c6: {  	[sflag:s3] =	ssyncadd.s32 @p1 $0xFFFFF000;
	p1 =	seq.s32 s19, $0x1  }
0x1c7: {  	s3 =	simm.s32 @p1 $0x15  }
0x1c8: {  	_ =	swait.ge @p1 [sflag:s3], $0x1000  }
0x1c9: {  	s20 =	sld [smem:$0x7F7];
	_ =	sdelay $0x1  }
0x1ca: {  	[sflag:s3] =	ssyncset.done @p1 $0x0  }
0x1cb: {  	[sflag:s3] =	ssyncadd.s32 @p1 $0xFFFFF000;
	p1 =	seq.s32 s20, $0x1  }
0x1cc: {  	s3 =	simm.s32 @p1 $0x15  }
0x1cd: {  	_ =	swait.ge @p1 [sflag:s3], $0x1000  }
0x1ce: {  	s21 =	sld [smem:$0x7F2];
	_ =	sdelay $0x1  }
0x1cf: {  	[sflag:s3] =	ssyncset.done @p1 $0x0  }
0x1d0: {  	[sflag:s3] =	ssyncadd.s32 @p1 $0xFFFFF000;
	p1 =	seq.s32 s21, $0x1  }
0x1d1: {  	s3 =	simm.s32 @!p1 $0x15  }
0x1d2: {  	_ =	swait.ge @!p1 [sflag:s3], $0x1000  }
0x1d3: {  	s22 =	sld [smem:$0x7F5];
	_ =	sdelay $0x1  }
0x1d4: {  	[sflag:s3] =	ssyncset.done @!p1 $0x0  }
0x1d5: {  	[sflag:s3] =	ssyncadd.s32 @!p1 $0xFFFFF000;
	p1 =	seq.s32 s22, $0x1  }
0x1d6: {  	s3 =	simm.s32 @p1 $0x15  }
0x1d7: {  	_ =	swait.ge @p1 [sflag:s3], $0x1000  }
0x1d8: {  	s23 =	sld [smem:$0x7EA];
	_ =	sdelay $0x1  }
0x1d9: {  	[sflag:s3] =	ssyncset.done @p1 $0x0  }
0x1da: {  	[sflag:s3] =	ssyncadd.s32 @p1 $0xFFFFF000;
	p1 =	seq.s32 s23, $0x1  }
0x1db: {  	s3 =	simm.s32 @p1 $0x15  }
0x1dc: {  	_ =	swait.ge @p1 [sflag:s3], $0x1000  }
0x1dd: {  	s29 =	sld [smem:$0x7F4];
	_ =	sdelay $0x1  }
0x1de: {  	[sflag:s3] =	ssyncset.done @p1 $0x0  }
0x1df: {  	[sflag:s3] =	ssyncadd.s32 @p1 $0xFFFFF000;
	p1 =	seq.s32 s29, $0x1  }
0x1e0: {  	s3 =	simm.s32 @p1 $0x15  }
0x1e1: {  	_ =	swait.ge @p1 [sflag:s3], $0x1000  }
0x1e2: {  	[sflag:s3] =	ssyncset.done @p1 $0x0  }
0x1e3: {  	[sflag:s3] =	ssyncadd.s32 @p1 $0xFFFFF000;
	s3 =	simm.s32 @!p6 $0x15  }
0x1e4: {  	_ =	swait.ge @!p6 [sflag:s3], $0x1000  }
0x1e5: {  	[sflag:s3] =	ssyncset.done @!p6 $0x0  }
0x1e6: {  	[sflag:s3] =	ssyncadd.s32 @!p6 $0xFFFFF000;
	s3 =	simm.s32 @p5 $0x15  }
0x1e7: {  	_ =	swait.ge @p5 [sflag:s3], $0x1000  }
0x1e8: {  	[sflag:s3] =	ssyncset.done @p5 $0x0  }
0x1e9: {  	[sflag:s3] =	ssyncadd.s32 @p5 $0xFFFFF000;
	s3 =	simm.s32 @p4 $0x15  }
0x1ea: {  	_ =	swait.ge @p4 [sflag:s3], $0x1000  }
0x1eb: {  	[sflag:s3] =	ssyncset.done @p4 $0x0  }
0x1ec: {  	[sflag:s3] =	ssyncadd.s32 @p4 $0xFFFFF000;
	s3 =	simm.s32 @p3 $0x15  }
0x1ed: {  	_ =	swait.ge @p3 [sflag:s3], $0x1000  }
0x1ee: {  	s30 =	sld [smem:$0x7EB];
	_ =	sdelay $0x2  }
0x1ef: {  	[sflag:s3] =	ssyncset.done @p3 $0x0;
	p1 =	seq.s32 s30, $0x1  }
0x1f0: {  	[sflag:s3] =	ssyncadd.s32 @p3 $0xFFFFF000;
	s3 =	simm.s32 @!p1 $0x15  }
0x1f1: {  	_ =	swait.ge @!p1 [sflag:s3], $0x1000  }
0x1f2: {  	[sflag:s3] =	ssyncset.done @!p1 $0x0  }
0x1f3: {  	[sflag:s3] =	ssyncadd.s32 @!p1 $0xFFFFF000;
	s3 =	simm.s32 @p2 $0x15  }
0x1f4: {  	_ =	swait.ge @p2 [sflag:s3], $0x1000  }
0x1f5: {  	s31 =	sld [smem:$0x7EC];
	_ =	sdelay $0x2  }
0x1f6: {  	[sflag:s3] =	ssyncset.done @p2 $0x0;
	p1 =	seq.s32 s31, $0x1  }
0x1f7: {  	[sflag:s3] =	ssyncadd.s32 @p2 $0xFFFFF000;
	s3 =	simm.s32 @p1 $0x15  }
0x1f8: {  	_ =	swait.ge @p1 [sflag:s3], $0x1000  }
0x1f9: {  	s12 =	sadd.s32 $0xFFFFFFFF, s12;
	[sflag:s3] =	ssyncset.done @p1 $0x0  }
0x1fa: {  	[sflag:s3] =	ssyncadd.s32 @p1 $0xFFFFF000;
	p1 =	sne.s32 s12, $0x0  }
.Ltmp1:
0x1fb: {  	_ = 	snop;
	(pc) =	sbr.rel @!p1 .LBB2_17-.Ltmp1, $4  }
0x1fc: {  	s3 =	simm.s32 @p0 $0x15  }
0x1fd: {  	_ =	swait.ge @p0 [sflag:s3], $0x1000  }
0x1fe: {  	[sflag:s3] =	ssyncset.done @p0 $0x0  }
0x1ff: {  	[sflag:s3] =	ssyncadd.s32 @p0 $0xFFFFF000  }
.LBB2_1:
0x200: {  	[tilespmem:s7], [sflag:$0x16] =	stream.linear.gather [hbm4b:s9+s7], $0x40, $0x38;
	[tilespmem:$0x14980] =	vst v63  }
0x201: {  	_ =	swait.ge [sflag:s13], $0x40  }
0x202: {  	[sflag:s13] =	ssyncset.done $0x0  }
0x203: {  	[sflag:s13] =	ssyncadd.s32 $0xFFFFFFC0  }
0x204: {  	[tilespmem:s14], [sflag:$0x16] =	stream.linear.gather [hbm4b:s10+s7], $0x40, $0x38;
	[tilespmem:$0x14980] =	vst v63  }
0x205: {  	_ =	swait.ge [sflag:s13], $0x40  }
0x206: {  	[sflag:s13] =	ssyncset.done $0x0  }
0x207: {  	[sflag:s13] =	ssyncadd.s32 $0xFFFFFFC0  }
0x208: {  	[tilespmem:s15], [sflag:$0x16] =	stream.linear.gather [hbm4b:s11+s7], $0x40, $0x38;
	[tilespmem:$0x14980] =	vst v63  }
0x209: {  	_ =	swait.ge [sflag:s13], $0x40  }
0x20a: {  	[sflag:s13] =	ssyncset.done $0x0  }
0x20b: {  	[sflag:s13] =	ssyncadd.s32 $0xFFFFFFC0  }
0x20c: {  	[tilespmem:$0x180] =	vst v3  }
0x20d: {  	[tilespmem:$0x580] =	vst v0  }
0x20e: {  	[tilespmem:$0x190] =	vst v3  }
0x20f: {  	[tilespmem:$0x590] =	vst v0  }
0x210: {  	[tilespmem:$0x1A0] =	vst v3  }
0x211: {  	[tilespmem:$0x5A0] =	vst v0  }
0x212: {  	[tilespmem:$0x1B0] =	vst v3  }
0x213: {  	[tilespmem:$0x5B0] =	vst v0  }
0x214: {  	[tilespmem:$0x200] =	vst v3  }
0x215: {  	[tilespmem:$0x600] =	vst v1  }
0x216: {  	[tilespmem:$0x210] =	vst v3  }
0x217: {  	[tilespmem:$0x610] =	vst v1  }
0x218: {  	[tilespmem:$0x220] =	vst v3  }
0x219: {  	[tilespmem:$0x620] =	vst v1  }
0x21a: {  	[tilespmem:$0x230] =	vst v3  }
0x21b: {  	[tilespmem:$0x630] =	vst v1  }
0x21c: {  	[tilespmem:$0x280] =	vst v3  }
0x21d: {  	[tilespmem:$0x680] =	vst v2  }
0x21e: {  	[tilespmem:$0x290] =	vst v3  }
0x21f: {  	[tilespmem:$0x690] =	vst v2  }
0x220: {  	[tilespmem:$0x2A0] =	vst v3  }
0x221: {  	[tilespmem:$0x6A0] =	vst v2  }
0x222: {  	[tilespmem:$0x2B0] =	vst v3;
	v13 =	vld [tilespmem:$0x80]  }
0x223: {  	[tilespmem:$0x6B0] =	vst v2  }
0x224: {  	[tilespmem:$0x300] =	vst v3  }
0x225: {  	[tilespmem:$0x700] =	vst v4  }
0x226: {  	[tilespmem:$0x310] =	vst v3  }
0x227: {  	[tilespmem:$0x710] =	vst v4;
	vm0 =	veq.s32 v13, $0x0  }
0x228: {  	[tilespmem:$0x320] =	vst v3;
	v14 =	vsel vm0, $0x1, v12  }
0x229: {  	[tilespmem:$0x720] =	vst v4;
	vm1 =	veq.s32 v13, $0x1;
	(xrf0) =	vadd.scan.msk.s32 $0xffff, v14  }
0x22a: {  	[tilespmem:$0x330] =	vst v3;
	v14 =	vsel vm1, $0x1, v12  }
0x22b: {  	[tilespmem:$0x730] =	vst v4;
	vm2 =	veq.s32 v13, $0x2;
	(xrf0) =	vadd.scan.msk.s32 $0xffff, v14  }
0x22c: {  	[tilespmem:$0x380] =	vst v3;
	v14 =	vsel vm2, $0x1, v12  }
0x22d: {  	[tilespmem:$0x780] =	vst v5;
	v15 =	vld [tilespmem:$0x0];
	vm3 =	veq.s32 v13, $0x3;
	(xrf0) =	vadd.scan.msk.s32 $0xffff, v14  }
0x22e: {  	[tilespmem:$0x390] =	vst v3;
	vm4 =	veq.s32 v13, $0x4;
	v17 =	vsel vm3, $0x1, v12;
	v14 =	vld [tilespmem:$0x100]  }
0x22f: {  	v16 =	vsel vm3, $0x6, v10;
	v18 =	vsel vm3, $0x3F, v11;
	v43 =	vsel vm4, $0x1, v12;
	v19, _, _ =	vpop (xrf0);
	(xrf0) =	vadd.scan.msk.s32 $0xffff, v17  }
0x230: {  	[tilespmem:$0x790] =	vst v5;
	v16 =	vsel vm2, $0x8, v16;
	v13 =	vsel vm2, $0xFF, v18;
	v42 =	vadd.s32 $0xFFFFFFFF, v19  }
0x231: {  	[tilespmem:$0x3A0] =	vst v3;
	v16 =	vsel vm1, $0xA, v16;
	v13 =	vsel vm1, $0x3FF, v13;
	v20, _, _ =	vpop (xrf0);
	(xrf0) =	vadd.scan.msk.s32 $0xffff, v43  }
0x232: {  	[tilespmem:$0x7A0] =	vst v5;
	v16 =	vsel vm0, $0xC, v16;
	v13 =	vsel vm0, $0xFFF, v13;
	v44 =	vadd.s32 $0x7F, v20  }
0x233: {  	[tilespmem:$0x3B0] =	vst v3;
	v15 =	vshll.u32 v15, v16;
	v13 =	vand.u32 v14, v13;
	v14, _, _ =	vpop (xrf0)  }
0x234: {  	[tilespmem:$0x7B0] =	vst v5;
	v13 =	vadd.s32 v13, v15;
	v15 =	vadd.s32 $0xFF, v14  }
0x235: {  	[tilespmem:v42+s16+$0x0] =	vst.idx.msk vm0, v13;
	v45, _, _ =	vpop (xrf0)  }
0x236: {  	[tilespmem:v42+s17+$0x0] =	vst.idx.msk vm0, v6;
	v21 =	vadd.s32 $0x17F, v45  }
0x237: {  	v22, _, _ =	vpop (xrf0);
	[tilespmem:v44+s16+$0x0] =	vst.idx.msk vm1, v13  }
0x238: {  	v46 =	vadd.s32 $0x1FF, v22;
	[tilespmem:v44+s17+$0x0] =	vst.idx.msk vm1, v6  }
0x239: {  	[tilespmem:v15+s16+$0x0] =	vst.idx.msk vm2, v13  }
0x23a: {  	[tilespmem:v15+s17+$0x0] =	vst.idx.msk vm2, v6  }
0x23b: {  	[tilespmem:v21+s16+$0x0] =	vst.idx.msk vm3, v13  }
0x23c: {  	[tilespmem:v21+s17+$0x0] =	vst.idx.msk vm3, v6  }
0x23d: {  	[tilespmem:v46+s16+$0x0] =	vst.idx.msk vm4, v13  }
0x23e: {  	[tilespmem:v46+s17+$0x0] =	vst.idx.msk vm4, v6  }
0x23f: {  	v13 =	vld [tilespmem:$0x90];
	_ =	sdelay $0x4  }
0x240: {  	vm3 =	veq.s32 v13, $0x0  }
0x241: {  	(v2sf) =	vpush v19, $0xF;
	vm2 =	veq.s32 v13, $0x1;
	v47 =	vsel vm3, $0x1, v12  }
0x242: {  	(v2sf) =	vpush v20, $0xF;
	v20 =	vadd.s32 $0xFFFFFFFF, v20;
	v49 =	vsel vm2, $0x1, v12;
	(xrf0) =	vadd.scan.msk.s32 $0xffff, v47  }
0x243: {  	v17 =	vbroadcast v42, $0xF;
	v20 =	vbroadcast v20, $0xF;
	vm1 =	veq.s32 v13, $0x2;
	(xrf0) =	vadd.scan.msk.s32 $0xffff, v49  }
0x244: {  	v24 =	vadd.s32 $0xFFFFFFFF, v14;
	(v2sf) =	vpush v14, $0xF;
	v51 =	vsel vm1, $0x1, v12  }
0x245: {  	v56 =	vbroadcast v24, $0xF;
	v25 =	vadd.s32 $0xFFFFFFFF, v45;
	vm0 =	veq.s32 v13, $0x3;
	(xrf0) =	vadd.scan.msk.s32 $0xffff, v51  }
0x246: {  	(v2sf) =	vpush v45, $0xF;
	v59 =	vbroadcast v25, $0xF;
	v15 =	vld [tilespmem:$0x10];
	v52 =	vsel vm0, $0x1, v12  }
0x247: {  	v61 =	vadd.s32 $0xFFFFFFFF, v22;
	(v2sf) =	vpush v22, $0xF;
	v53 =	vld [tilespmem:$0x110];
	vm13 =	veq.s32 v13, $0x4;
	(xrf0) =	vadd.scan.msk.s32 $0xffff, v52  }
0x248: {  	v48 =	vsel vm0, $0x6, v10;
	v13 =	vsel vm0, $0x3F, v11;
	v55 =	vsel vm13, $0x1, v12;
	v54, _, _ =	vpop (xrf0)  }
0x249: {  	v21 =	vsel vm1, $0x8, v48;
	v13 =	vsel vm1, $0xFF, v13;
	v17 =	vadd.s32 v17, v54;
	v23, _, _ =	vpop (xrf0);
	(xrf0) =	vadd.scan.msk.s32 $0xffff, v55  }
0x24a: {  	v50 =	vsel vm2, $0xA, v21;
	v13 =	vsel vm2, $0x3FF, v13;
	v20 =	vadd.s32 v20, v23  }
0x24b: {  	v18 =	vsel vm3, $0xC, v50;
	v13 =	vsel vm3, $0xFFF, v13;
	v57, _, _ =	vpop (xrf0);
	v20 =	vadd.s32 $0x80, v20  }
0x24c: {  	v15 =	vshll.u32 v15, v18;
	v13 =	vand.u32 v53, v13;
	v58 =	vadd.s32 v56, v57  }
0x24d: {  	v13 =	vadd.s32 v13, v15;
	(v2sf) =	vpush v54, $0xF;
	v60, _, _ =	vpop (xrf0);
	v15 =	vadd.s32 $0x100, v58  }
0x24e: {  	v62 =	vbroadcast v61, $0xF;
	(v2sf) =	vpush v23, $0xF;
	v14 =	vadd.s32 v59, v60;
	[tilespmem:v17+s16+$0x0] =	vst.idx.msk vm3, v13  }
0x24f: {  	v14 =	vadd.s32 $0x180, v14;
	[tilespmem:v17+s17+$0x0] =	vst.idx.msk vm3, v7;
	v63, _, _ =	vpop (xrf0)  }
0x250: {  	(v2sf) =	vpush v57, $0xF;
	[tilespmem:v20+s16+$0x0] =	vst.idx.msk vm2, v13;
	v22 =	vadd.s32 v62, v63  }
0x251: {  	[tilespmem:v20+s17+$0x0] =	vst.idx.msk vm2, v7;
	v17 =	vadd.s32 $0x200, v22  }
0x252: {  	(v2sf) =	vpush v60, $0xF;
	[tilespmem:v15+s16+$0x0] =	vst.idx.msk vm1, v13  }
0x253: {  	[tilespmem:v15+s17+$0x0] =	vst.idx.msk vm1, v7  }
0x254: {  	[tilespmem:v14+s16+$0x0] =	vst.idx.msk vm0, v13  }
0x255: {  	[tilespmem:v14+s17+$0x0] =	vst.idx.msk vm0, v7  }
0x256: {  	[tilespmem:v17+s16+$0x0] =	vst.idx.msk vm13, v13  }
0x257: {  	s3 =	spop (v2sf);
	[tilespmem:v17+s17+$0x0] =	vst.idx.msk vm13, v7  }
0x258: {  	s5 =	spop (v2sf);
	(v2sf) =	vpush v63, $0xF;
	v13 =	vld [tilespmem:$0xA0]  }
0x259: {  	s18 =	spop (v2sf)  }
0x25a: {  	s20 =	spop (v2sf)  }
0x25b: {  	s21 =	spop (v2sf)  }
0x25c: {  	s19 =	spop (v2sf)  }
0x25d: {  	s19 =	sadd.s32 s3, s19;
	s22 =	spop (v2sf);
	vm3 =	veq.s32 v13, $0x0  }
0x25e: {  	s5 =	sadd.s32 s5, s22;
	v29 =	vmov s19;
	vm2 =	veq.s32 v13, $0x1;
	v24 =	vsel vm3, $0x1, v12  }
0x25f: {  	s23 =	spop (v2sf);
	v16 =	vadd.s32 $0xFFFFFFFF, v29;
	v31 =	vmov s5;
	v25 =	vsel vm2, $0x1, v12;
	(xrf0) =	vadd.scan.msk.s32 $0xffff, v24  }
0x260: {  	s3 =	sadd.s32 s18, s23;
	v16 =	vbroadcast v16, $0x0;
	v18 =	vadd.s32 $0xFFFFFFFF, v31;
	vm1 =	veq.s32 v13, $0x2;
	(xrf0) =	vadd.scan.msk.s32 $0xffff, v25  }
0x261: {  	s22 =	spop (v2sf);
	v33 =	vmov s3;
	vm0 =	veq.s32 v13, $0x3;
	v28 =	vsel vm1, $0x1, v12  }
0x262: {  	v14 =	vld [tilespmem:$0x20];
	s20 =	sadd.s32 s20, s22;
	vm14 =	veq.s32 v13, $0x4;
	v18 =	vbroadcast v18, $0x0;
	v19 =	vadd.s32 $0xFFFFFFFF, v33;
	(xrf0) =	vadd.scan.msk.s32 $0xffff, v28  }
0x263: {  	v36 =	vmov s20;
	v15 =	vsel vm0, $0x6, v10;
	v32 =	vsel vm0, $0x1, v12  }
0x264: {  	v30 =	vld [tilespmem:$0x120];
	v26 =	vsel vm0, $0x3F, v11;
	v34 =	vsel vm14, $0x1, v12;
	v15 =	vsel vm1, $0x8, v15;
	(xrf0) =	vadd.scan.msk.s32 $0xffff, v32  }
0x265: {  	v19 =	vbroadcast v19, $0x0;
	v20 =	vadd.s32 $0xFFFFFFFF, v36;
	v15 =	vsel vm2, $0xA, v15;
	v13, _, _ =	vpop (xrf0)  }
0x266: {  	v27 =	vsel vm1, $0xFF, v26;
	v15 =	vsel vm3, $0xC, v15;
	v16 =	vadd.s32 v16, v13;
	v35, _, _ =	vpop (xrf0);
	(xrf0) =	vadd.scan.msk.s32 $0xffff, v34  }
0x267: {  	s23 =	spop (v2sf);
	v14 =	vshll.u32 v14, v15;
	v15 =	vsel vm2, $0x3FF, v27;
	v18 =	vadd.s32 v18, v35  }
0x268: {  	v20 =	vbroadcast v20, $0x0;
	s18 =	sadd.s32 s21, s23;
	v15 =	vsel vm3, $0xFFF, v15;
	v38, _, _ =	vpop (xrf0);
	v37 =	vadd.s32 $0x80, v18  }
0x269: {  	v39 =	vmov s18;
	v15 =	vand.u32 v30, v15;
	v19 =	vadd.s32 v19, v38  }
0x26a: {  	v22 =	vadd.s32 $0xFFFFFFFF, v39;
	v14 =	vadd.s32 v15, v14;
	v40, _, _ =	vpop (xrf0);
	v15 =	vadd.s32 $0x100, v19  }
0x26b: {  	v22 =	vbroadcast v22, $0x0;
	v20 =	vadd.s32 v20, v40;
	[tilespmem:v16+s16+$0x0] =	vst.idx.msk vm3, v14  }
0x26c: {  	(v2sf) =	vpush v13, $0xF;
	v41 =	vadd.s32 $0x180, v20;
	[tilespmem:v16+s17+$0x0] =	vst.idx.msk vm3, v8;
	v42, _, _ =	vpop (xrf0)  }
0x26d: {  	[tilespmem:v37+s16+$0x0] =	vst.idx.msk vm2, v14;
	v22 =	vadd.s32 v22, v42  }
0x26e: {  	(v2sf) =	vpush v35, $0xF;
	[tilespmem:v37+s17+$0x0] =	vst.idx.msk vm2, v8;
	v43 =	vadd.s32 $0x200, v22  }
0x26f: {  	(v2sf) =	vpush v38, $0xF;
	[tilespmem:v15+s16+$0x0] =	vst.idx.msk vm1, v14  }
0x270: {  	[tilespmem:v15+s17+$0x0] =	vst.idx.msk vm1, v8  }
0x271: {  	(v2sf) =	vpush v40, $0xF;
	[tilespmem:v41+s16+$0x0] =	vst.idx.msk vm0, v14  }
0x272: {  	[tilespmem:v41+s17+$0x0] =	vst.idx.msk vm0, v8  }
0x273: {  	[tilespmem:v43+s16+$0x0] =	vst.idx.msk vm14, v14  }
0x274: {  	[tilespmem:v43+s17+$0x0] =	vst.idx.msk vm14, v8  }
0x275: {  	v13 =	vld [tilespmem:$0xB0];
	_ =	sdelay $0x2  }
0x276: {  	(v2sf) =	vpush v42, $0xF;
	_ =	sdelay $0x1  }
0x277: {  	vm2 =	veq.s32 v13, $0x0  }
0x278: {  	s22 =	spop (v2sf);
	v14 =	vsel vm2, $0x1, v12  }
0x279: {  	s21 =	sadd.s32 s19, s22;
	(xrf0) =	vadd.scan.msk.s32 $0xffff, v14  }
0x27a: {  	s23 =	spop (v2sf);
	v47 =	vmov s21  }
0x27b: {  	s19 =	sadd.s32 s5, s23;
	s22 =	spop (v2sf);
	v17 =	vadd.s32 $0xFFFFFFFF, v47;
	vm3 =	veq.s32 v13, $0x1  }
0x27c: {  	v51 =	vmov s19;
	s5 =	sadd.s32 s3, s22;
	v17 =	vbroadcast v17, $0x0;
	v44 =	vsel vm3, $0x1, v12  }
0x27d: {  	s23 =	spop (v2sf);
	v19 =	vadd.s32 $0xFFFFFFFF, v51;
	v53 =	vmov s5;
	vm1 =	veq.s32 v13, $0x2;
	(xrf0) =	vadd.scan.msk.s32 $0xffff, v44  }
0x27e: {  	s31 =	sadd.s32 s20, s23;
	vm0 =	veq.s32 v13, $0x3;
	vm15 =	veq.s32 v13, $0x4;
	v48 =	vsel vm1, $0x1, v12  }
0x27f: {  	v13 =	vbroadcast v19, $0x0;
	v19 =	vadd.s32 $0xFFFFFFFF, v53;
	v56 =	vmov s31;
	v14 =	vld [tilespmem:$0x30];
	(xrf0) =	vadd.scan.msk.s32 $0xffff, v48;
	v49, _, _ =	vpop (xrf0)  }
0x280: {  	v15 =	vsel vm0, $0x6, v10;
	v52 =	vsel vm0, $0x1, v12;
	(v2sf) =	vpush v49, $0xF  }
0x281: {  	v50 =	vld [tilespmem:$0x130];
	v45 =	vsel vm0, $0x3F, v11;
	v54 =	vsel vm15, $0x1, v12;
	v15 =	vsel vm1, $0x8, v15;
	(xrf0) =	vadd.scan.msk.s32 $0xffff, v52  }
0x282: {  	v19 =	vbroadcast v19, $0x0;
	v58 =	vadd.s32 $0xFFFFFFFF, v56;
	v15 =	vsel vm3, $0xA, v15  }
0x283: {  	v46 =	vsel vm1, $0xFF, v45;
	v15 =	vsel vm2, $0xC, v15;
	v16 =	vadd.s32 v17, v49;
	v55, _, _ =	vpop (xrf0);
	(xrf0) =	vadd.scan.msk.s32 $0xffff, v54  }
0x284: {  	s22 =	spop (v2sf);
	v14 =	vshll.u32 v14, v15;
	v15 =	vsel vm3, $0x3FF, v46;
	v13 =	vadd.s32 v13, v55  }
0x285: {  	v18 =	vbroadcast v58, $0x0;
	s29 =	sadd.s32 s18, s22;
	v15 =	vsel vm2, $0xFFF, v15;
	v57, _, _ =	vpop (xrf0);
	v13 =	vadd.s32 $0x80, v13  }
0x286: {  	v59 =	vmov s29;
	v15 =	vand.u32 v50, v15;
	v19 =	vadd.s32 v19, v57  }
0x287: {  	v61 =	vadd.s32 $0xFFFFFFFF, v59;
	v14 =	vadd.s32 v15, v14;
	v15 =	vadd.s32 $0x100, v19;
	v60, _, _ =	vpop (xrf0)  }
0x288: {  	v19 =	vbroadcast v61, $0x0;
	[tilespmem:v16+s16+$0x0] =	vst.idx.msk vm2, v14;
	v18 =	vadd.s32 v18, v60  }
0x289: {  	[tilespmem:v16+s17+$0x0] =	vst.idx.msk vm2, v9;
	v63, _, _ =	vpop (xrf0);
	v62 =	vadd.s32 $0x180, v18  }
0x28a: {  	[tilespmem:v13+s16+$0x0] =	vst.idx.msk vm3, v14;
	v19 =	vadd.s32 v19, v63  }
0x28b: {  	[tilespmem:v13+s17+$0x0] =	vst.idx.msk vm3, v9;
	v13 =	vadd.s32 $0x200, v19  }
0x28c: {  	[tilespmem:v15+s16+$0x0] =	vst.idx.msk vm1, v14  }
0x28d: {  	[tilespmem:v15+s17+$0x0] =	vst.idx.msk vm1, v9  }
0x28e: {  	[tilespmem:v62+s16+$0x0] =	vst.idx.msk vm0, v14  }
0x28f: {  	[tilespmem:v62+s17+$0x0] =	vst.idx.msk vm0, v9;
	s23 =	spop (v2sf)  }
0x290: {  	[tilespmem:v13+s16+$0x0] =	vst.idx.msk vm15, v14;
	s21 =	sadd.s32 s21, s23  }
0x291: {  	[tilespmem:v13+s17+$0x0] =	vst.idx.msk vm15, v9;
	p6 =	slt.s32 s21, $0x1  }
0x292: {  	v13 =	vld @!p6 [tilespmem:$0x180]  }
0x293: {  	(v2sf) =	vpush v55, $0xF;
	_ =	sdelay $0x1  }
0x294: {  	(v2sf) =	vpush v57, $0xF  }
0x295: {  	(v2sf) =	vpush v60, $0xF  }
0x296: {  	(v2sf) =	vpush v63, $0xF;
	v14 =	vshll.u32 @!p6 v13, $0x1  }
0x297: {  	v15 =	vlaneseq.u32 @!p6;
	v13 =	vand.u32 @!p6 $0x7, v13;
	v14 =	vand.u32 @!p6 $0xFFFFFFF0, v14  }
0x298: {  	v16 =	vshrl.u32 @!p6 v15, $0x3;
	v13 =	vor.u32 @!p6 v13, v14;
	v14 =	vand.u32 @!p6 $0x7, v15  }
0x299: {  	v16 =	vmul.u32 @!p6 $0x8, v16;
	v14 =	vperm.xlane @!p6 v13, v14  }
0x29a: {  	v15 =	vor.u32 @!p6 $0x8, v15  }
0x29b: {  	v13 =	vperm.xlane @!p6 v13, v15;
	v14 =	vadd.s32 @!p6 v16, v14;
	_ =	sdelay $0x1  }
0x29c: {  	v13 =	vadd.s32 @!p6 v16, v13  }
0x29d: {  	p0 =	slt.u32 @!p6 s21, $0x11  }
0x29e: {  	vm0 =	vmmov @!p6 $0xffff;
	s3 =	simm.s32 @!p6 $0x0;
	s18 =	simm.s32 @!p6 $0x980;
	p0 =	por p6, p0  }
0x29f: {  	[tilespmem:s18], [sflag:$0x1] =	stream.indirect_vreg.gather @!p6 [hbm4b:s0+s3], $0x80, v14, vm0, $0xb8;
	[tilespmem:$0x14980] =	vst v63  }
.Ltmp2:
0x2a0: {  	s20 =	spop (v2sf);
	s18 =	simm.s32 @!p6 $0x1180;
	(pc) =	sbr.rel @p0 .LBB2_2-.Ltmp2, $4  }
0x2a1: {  	[tilespmem:s18], [sflag:$0x1] =	stream.indirect_vreg.gather @!p6 [hbm4b:s0+s3], $0x80, v13, vm0, $0xb8;
	[tilespmem:$0x14980] =	vst v63  }
0x2a2: {  	s18 =	spop (v2sf)  }
0x2a3: {  	s3 =	spop (v2sf)  }
0x2a4: {  	s30 =	spop (v2sf)  }
0x2a5: {  	v13 =	vld [tilespmem:$0x190];
	_ =	sdelay $0x4  }
0x2a6: {  	v14 =	vshll.u32 v13, $0x1  }
0x2a7: {  	v13 =	vand.u32 $0x7, v13;
	v14 =	vand.u32 $0xFFFFFFF0, v14  }
0x2a8: {  	v15 =	vshrl.u32 v3, $0x3;
	v13 =	vor.u32 v13, v14;
	v14 =	vand.u32 $0x7, v3  }
0x2a9: {  	v15 =	vmul.u32 $0x8, v15;
	v14 =	vperm.xlane v13, v14  }
0x2aa: {  	v16 =	vor.u32 $0x8, v3  }
0x2ab: {  	v13 =	vperm.xlane v13, v16;
	v14 =	vadd.s32 v15, v14;
	_ =	sdelay $0x1  }
0x2ac: {  	v13 =	vadd.s32 v15, v13;
	_ =	sdelay $0x1  }
0x2ad: {  	vm1 =	vmmov $0xffff;
	s22 =	simm.s32 $0x1980  }
0x2ae: {  	[tilespmem:s22], [sflag:$0x2] =	stream.indirect_vreg.gather [hbm4b:s0+s7], $0x80, v14, vm1, $0xb8;
	[tilespmem:$0x14980] =	vst v63  }
0x2af: {  	s23 =	simm.s32 $0x2180;
	p0 =	slt.u32 s21, $0x21  }
0x2b0: {  	[tilespmem:s23], [sflag:$0x2] =	stream.indirect_vreg.gather [hbm4b:s0+s7], $0x80, v13, vm1, $0xb8;
	[tilespmem:$0x14980] =	vst v63  }
0x2b1: {  	v13 =	vld @!p0 [tilespmem:$0x1A0];
	_ =	sdelay $0x4  }
0x2b2: {  	v14 =	vshll.u32 @!p0 v13, $0x1  }
0x2b3: {  	v15 =	vlaneseq.u32 @!p0;
	v13 =	vand.u32 @!p0 $0x7, v13;
	v14 =	vand.u32 @!p0 $0xFFFFFFF0, v14  }
0x2b4: {  	v16 =	vshrl.u32 @!p0 v15, $0x3;
	v13 =	vor.u32 @!p0 v13, v14;
	v14 =	vand.u32 @!p0 $0x7, v15  }
0x2b5: {  	v16 =	vmul.u32 @!p0 $0x8, v16;
	v14 =	vperm.xlane @!p0 v13, v14  }
0x2b6: {  	v15 =	vor.u32 @!p0 $0x8, v15  }
0x2b7: {  	v13 =	vperm.xlane @!p0 v13, v15;
	v14 =	vadd.s32 @!p0 v16, v14;
	_ =	sdelay $0x1  }
0x2b8: {  	v13 =	vadd.s32 @!p0 v16, v13;
	_ =	sdelay $0x1  }
0x2b9: {  	p1 =	slt.u32 @!p0 s21, $0x31;
	s22 =	simm.s32 @!p0 $0x0;
	vm1 =	vmmov @!p0 $0xffff;
	s23 =	simm.s32 @!p0 $0x2980  }
0x2ba: {  	[tilespmem:s23], [sflag:$0x3] =	stream.indirect_vreg.gather @!p0 [hbm4b:s0+s22], $0x80, v14, vm1, $0xb8;
	[tilespmem:$0x14980] =	vst v63  }
0x2bb: {  	p2 =	por p1, p0;
	s23 =	simm.s32 @!p0 $0x3180  }
0x2bc: {  	[tilespmem:s23], [sflag:$0x3] =	stream.indirect_vreg.gather @!p0 [hbm4b:s0+s22], $0x80, v13, vm1, $0xb8;
	[tilespmem:$0x14980] =	vst v63  }
0x2bd: {  	v13 =	vld @!p2 [tilespmem:$0x1B0];
	_ =	sdelay $0x4  }
0x2be: {  	v14 =	vshll.u32 @!p2 v13, $0x1  }
0x2bf: {  	v15 =	vlaneseq.u32 @!p2;
	v13 =	vand.u32 @!p2 $0x7, v13;
	v14 =	vand.u32 @!p2 $0xFFFFFFF0, v14  }
0x2c0: {  	v16 =	vshrl.u32 @!p2 v15, $0x3;
	v13 =	vor.u32 @!p2 v13, v14;
	v14 =	vand.u32 @!p2 $0x7, v15  }
0x2c1: {  	v16 =	vmul.u32 @!p2 $0x8, v16;
	v14 =	vperm.xlane @!p2 v13, v14  }
0x2c2: {  	v15 =	vor.u32 @!p2 $0x8, v15  }
0x2c3: {  	v13 =	vperm.xlane @!p2 v13, v15;
	v14 =	vadd.s32 @!p2 v16, v14;
	_ =	sdelay $0x1  }
0x2c4: {  	v13 =	vadd.s32 @!p2 v16, v13;
	_ =	sdelay $0x1  }
0x2c5: {  	s21 =	simm.s32 @!p2 $0x0;
	vm1 =	vmmov @!p2 $0xffff;
	s22 =	simm.s32 @!p2 $0x3980  }
0x2c6: {  	[tilespmem:s22], [sflag:$0x4] =	stream.indirect_vreg.gather @!p2 [hbm4b:s0+s21], $0x80, v14, vm1, $0xb8;
	[tilespmem:$0x14980] =	vst v63  }
0x2c7: {  	s22 =	simm.s32 @!p2 $0x4180  }
0x2c8: {  	[tilespmem:s22], [sflag:$0x4] =	stream.indirect_vreg.gather @!p2 [hbm4b:s0+s21], $0x80, v13, vm1, $0xb8;
	[tilespmem:$0x14980] =	vst v63  }
0x2c9: {  	p3 =	por @!p0 $0x1, $0x1;
	p2 =	por @!p2 $0x1, $0x1  }
0x2ca: {  	p4 =	por @!p0 $0x0, $0x0;
	p1 =	por !p1, p0;
	p5 =	por p2, p2  }
0x2cb: {  	p2 =	por @!p1 p3, p3;
	p5 =	por @!p1 p4, p4;
	p1 =	por $0x0, $0x0  }
0x2cc: {  	p1 =	por @!p0 p5, p5  }
0x2cd: {  	p3 =	por $0x1, $0x1;
	s21 =	simm.s32 @!p1 $0x0  }
0x2ce: {  	p3 =	por @!p0 p2, p2;
	s21 =	simm.s32 @p1 $0x1;
	p1 =	por $0x0, $0x0  }
.Ltmp3:
0x2cf: {  	[smem:$0x7FB] =	sst s21;
	s21 =	simm.s32 @!p3 $0x0;
	(pc) =	sbr.rel .LBB2_4-.Ltmp3, $4  }
0x2d0: {  	p1 =	por @!p0 p2, p2;
	s21 =	simm.s32 @p3 $0x1  }
0x2d1: {  	[smem:$0x7FC] =	sst s21;
	s21 =	simm.s32 @!p1 $0x0  }
0x2d2: {  	s21 =	simm.s32 @p1 $0x1  }
0x2d3: {  	[smem:$0x7FD] =	sst s21  }
.LBB2_2:
0x2d4: {  	p0 =	por @!p6 $0x0, $0x0;
	p1 =	por $0x0, $0x0  }
0x2d5: {  	p1 =	por @!p6 p0, p0  }
0x2d6: {  	p2 =	por $0x0, $0x0;
	s21 =	simm.s32 @!p1 $0x0  }
0x2d7: {  	p2 =	por @!p6 p0, p0;
	s21 =	simm.s32 @p1 $0x1  }
0x2d8: {  	p1 =	por $0x0, $0x0;
	[smem:$0x7FB] =	sst s21;
	s21 =	simm.s32 @!p2 $0x0  }
0x2d9: {  	p1 =	por @!p6 p0, p0;
	s21 =	simm.s32 @p2 $0x1  }
0x2da: {  	[smem:$0x7FC] =	sst s21;
	s21 =	simm.s32 @!p1 $0x0  }
0x2db: {  	s21 =	simm.s32 @p1 $0x1  }
0x2dc: {  	[smem:$0x7FD] =	sst s21  }
.LBB2_4:
0x2dd: {  	s19 =	sadd.s32 s19, s20  }
0x2de: {  	p3 =	slt.s32 s19, $0x1  }
0x2df: {  	v13 =	vld @!p3 [tilespmem:$0x200];
	_ =	sdelay $0x4  }
0x2e0: {  	v14 =	vshll.u32 @!p3 v13, $0x1  }
0x2e1: {  	v15 =	vlaneseq.u32 @!p3;
	v13 =	vand.u32 @!p3 $0x7, v13;
	v14 =	vand.u32 @!p3 $0xFFFFFFF0, v14  }
0x2e2: {  	v16 =	vshrl.u32 @!p3 v15, $0x3;
	v13 =	vor.u32 @!p3 v13, v14;
	v14 =	vand.u32 @!p3 $0x7, v15  }
0x2e3: {  	v16 =	vmul.u32 @!p3 $0x8, v16;
	v14 =	vperm.xlane @!p3 v13, v14  }
0x2e4: {  	v15 =	vor.u32 @!p3 $0x8, v15  }
0x2e5: {  	v13 =	vperm.xlane @!p3 v13, v15;
	v14 =	vadd.s32 @!p3 v16, v14;
	_ =	sdelay $0x1  }
0x2e6: {  	v13 =	vadd.s32 @!p3 v16, v13  }
0x2e7: {  	p0 =	slt.u32 @!p3 s19, $0x11  }
0x2e8: {  	vm1 =	vmmov @!p3 $0xffff;
	s20 =	simm.s32 @!p3 $0x0;
	s21 =	simm.s32 @!p3 $0x4980;
	p0 =	por p3, p0  }
0x2e9: {  	[tilespmem:s21], [sflag:$0x5] =	stream.indirect_vreg.gather @!p3 [hbm4b:s1+s20], $0x80, v14, vm1, $0xb8;
	[tilespmem:$0x14980] =	vst v63  }
.Ltmp4:
0x2ea: {  	s21 =	simm.s32 @!p3 $0x5180;
	(pc) =	sbr.rel @p0 .LBB2_5-.Ltmp4, $4  }
0x2eb: {  	[tilespmem:s21], [sflag:$0x5] =	stream.indirect_vreg.gather @!p3 [hbm4b:s1+s20], $0x80, v13, vm1, $0xb8;
	[tilespmem:$0x14980] =	vst v63  }
0x2ec: {  	s20 =	simm.s32 @!p6 $0x0  }
0x2ed: {  	s20 =	simm.s32 @p6 $0x1  }
0x2ee: {  	[smem:$0x7FA] =	sst s20  }
0x2ef: {  	v13 =	vld [tilespmem:$0x210];
	_ =	sdelay $0x4  }
0x2f0: {  	v14 =	vshll.u32 v13, $0x1  }
0x2f1: {  	v13 =	vand.u32 $0x7, v13;
	v14 =	vand.u32 $0xFFFFFFF0, v14  }
0x2f2: {  	v15 =	vshrl.u32 v3, $0x3;
	v13 =	vor.u32 v13, v14;
	v14 =	vand.u32 $0x7, v3  }
0x2f3: {  	v15 =	vmul.u32 $0x8, v15;
	v14 =	vperm.xlane v13, v14  }
0x2f4: {  	v16 =	vor.u32 $0x8, v3  }
0x2f5: {  	v13 =	vperm.xlane v13, v16;
	v14 =	vadd.s32 v15, v14;
	_ =	sdelay $0x1  }
0x2f6: {  	v13 =	vadd.s32 v15, v13;
	_ =	sdelay $0x1  }
0x2f7: {  	vm2 =	vmmov $0xffff;
	s20 =	simm.s32 $0x5980  }
0x2f8: {  	[tilespmem:s20], [sflag:$0x6] =	stream.indirect_vreg.gather [hbm4b:s1+s7], $0x80, v14, vm2, $0xb8;
	[tilespmem:$0x14980] =	vst v63  }
0x2f9: {  	s23 =	simm.s32 $0x6180;
	p0 =	slt.u32 s19, $0x21  }
0x2fa: {  	[tilespmem:s23], [sflag:$0x6] =	stream.indirect_vreg.gather [hbm4b:s1+s7], $0x80, v13, vm2, $0xb8;
	[tilespmem:$0x14980] =	vst v63  }
0x2fb: {  	v13 =	vld @!p0 [tilespmem:$0x220];
	_ =	sdelay $0x4  }
0x2fc: {  	v14 =	vshll.u32 @!p0 v13, $0x1  }
0x2fd: {  	v15 =	vlaneseq.u32 @!p0;
	v13 =	vand.u32 @!p0 $0x7, v13;
	v14 =	vand.u32 @!p0 $0xFFFFFFF0, v14  }
0x2fe: {  	v16 =	vshrl.u32 @!p0 v15, $0x3;
	v13 =	vor.u32 @!p0 v13, v14;
	v14 =	vand.u32 @!p0 $0x7, v15  }
0x2ff: {  	v16 =	vmul.u32 @!p0 $0x8, v16;
	v14 =	vperm.xlane @!p0 v13, v14  }
0x300: {  	v15 =	vor.u32 @!p0 $0x8, v15  }
0x301: {  	v13 =	vperm.xlane @!p0 v13, v15;
	v14 =	vadd.s32 @!p0 v16, v14;
	_ =	sdelay $0x1  }
0x302: {  	v13 =	vadd.s32 @!p0 v16, v13;
	_ =	sdelay $0x1  }
0x303: {  	s21 =	simm.s32 @!p0 $0x6980;
	p1 =	slt.u32 @!p0 s19, $0x31;
	s20 =	simm.s32 @!p0 $0x0;
	vm2 =	vmmov @!p0 $0xffff  }
0x304: {  	[tilespmem:s21], [sflag:$0x7] =	stream.indirect_vreg.gather @!p0 [hbm4b:s1+s20], $0x80, v14, vm2, $0xb8;
	[tilespmem:$0x14980] =	vst v63  }
0x305: {  	p2 =	por p1, p0;
	s21 =	simm.s32 @!p0 $0x7180  }
0x306: {  	[tilespmem:s21], [sflag:$0x7] =	stream.indirect_vreg.gather @!p0 [hbm4b:s1+s20], $0x80, v13, vm2, $0xb8;
	[tilespmem:$0x14980] =	vst v63  }
0x307: {  	v13 =	vld @!p2 [tilespmem:$0x230];
	_ =	sdelay $0x4  }
0x308: {  	v14 =	vshll.u32 @!p2 v13, $0x1  }
0x309: {  	v15 =	vlaneseq.u32 @!p2;
	v13 =	vand.u32 @!p2 $0x7, v13;
	v14 =	vand.u32 @!p2 $0xFFFFFFF0, v14  }
0x30a: {  	v16 =	vshrl.u32 @!p2 v15, $0x3;
	v13 =	vor.u32 @!p2 v13, v14;
	v14 =	vand.u32 @!p2 $0x7, v15  }
0x30b: {  	v16 =	vmul.u32 @!p2 $0x8, v16;
	v14 =	vperm.xlane @!p2 v13, v14  }
0x30c: {  	v15 =	vor.u32 @!p2 $0x8, v15  }
0x30d: {  	v13 =	vperm.xlane @!p2 v13, v15;
	v14 =	vadd.s32 @!p2 v16, v14;
	_ =	sdelay $0x1  }
0x30e: {  	v13 =	vadd.s32 @!p2 v16, v13;
	_ =	sdelay $0x1  }
0x30f: {  	s19 =	simm.s32 @!p2 $0x0;
	vm2 =	vmmov @!p2 $0xffff;
	s20 =	simm.s32 @!p2 $0x7980  }
0x310: {  	[tilespmem:s20], [sflag:$0x8] =	stream.indirect_vreg.gather @!p2 [hbm4b:s1+s19], $0x80, v14, vm2, $0xb8;
	[tilespmem:$0x14980] =	vst v63  }
0x311: {  	s20 =	simm.s32 @!p2 $0x8180  }
0x312: {  	[tilespmem:s20], [sflag:$0x8] =	stream.indirect_vreg.gather @!p2 [hbm4b:s1+s19], $0x80, v13, vm2, $0xb8;
	[tilespmem:$0x14980] =	vst v63  }
0x313: {  	p4 =	por @!p0 $0x1, $0x1;
	p2 =	por @!p2 $0x1, $0x1  }
0x314: {  	p5 =	por @!p0 $0x0, $0x0;
	p1 =	por !p1, p0;
	p6 =	por p2, p2  }
0x315: {  	p2 =	por @!p1 p4, p4;
	p6 =	por @!p1 p5, p5;
	p1 =	por $0x0, $0x0  }
0x316: {  	p1 =	por @!p0 p6, p6  }
0x317: {  	p4 =	por $0x1, $0x1;
	s19 =	simm.s32 @!p1 $0x0  }
0x318: {  	p4 =	por @!p0 p2, p2;
	s19 =	simm.s32 @p1 $0x1;
	p1 =	por $0x0, $0x0  }
.Ltmp5:
0x319: {  	[smem:$0x7F7] =	sst s19;
	s19 =	simm.s32 @!p4 $0x0;
	(pc) =	sbr.rel .LBB2_7-.Ltmp5, $4  }
0x31a: {  	p1 =	por @!p0 p2, p2;
	s19 =	simm.s32 @p4 $0x1  }
0x31b: {  	[smem:$0x7F8] =	sst s19;
	s19 =	simm.s32 @!p1 $0x0  }
0x31c: {  	s19 =	simm.s32 @p1 $0x1  }
0x31d: {  	[smem:$0x7F9] =	sst s19  }
.LBB2_5:
0x31e: {  	p0 =	por @!p3 $0x0, $0x0;
	p1 =	por $0x0, $0x0  }
0x31f: {  	p1 =	por @!p3 p0, p0  }
0x320: {  	p2 =	por $0x0, $0x0;
	s19 =	simm.s32 @!p1 $0x0  }
0x321: {  	p2 =	por @!p3 p0, p0;
	s19 =	simm.s32 @p1 $0x1  }
0x322: {  	p1 =	por $0x0, $0x0;
	[smem:$0x7F7] =	sst s19;
	s19 =	simm.s32 @!p2 $0x0  }
0x323: {  	p1 =	por @!p3 p0, p0;
	s19 =	simm.s32 @p2 $0x1  }
0x324: {  	[smem:$0x7F8] =	sst s19;
	s19 =	simm.s32 @!p1 $0x0  }
0x325: {  	s19 =	simm.s32 @p1 $0x1  }
0x326: {  	[smem:$0x7F9] =	sst s19  }
.LBB2_7:
0x327: {  	s5 =	sadd.s32 s5, s18  }
0x328: {  	p1 =	slt.s32 s5, $0x1  }
0x329: {  	v13 =	vld @!p1 [tilespmem:$0x280];
	_ =	sdelay $0x4  }
0x32a: {  	v14 =	vshll.u32 @!p1 v13, $0x1  }
0x32b: {  	v15 =	vlaneseq.u32 @!p1;
	v13 =	vand.u32 @!p1 $0x7, v13;
	v14 =	vand.u32 @!p1 $0xFFFFFFF0, v14  }
0x32c: {  	v16 =	vshrl.u32 @!p1 v15, $0x3;
	v13 =	vor.u32 @!p1 v13, v14;
	v14 =	vand.u32 @!p1 $0x7, v15  }
0x32d: {  	v16 =	vmul.u32 @!p1 $0x8, v16;
	v14 =	vperm.xlane @!p1 v13, v14  }
0x32e: {  	v15 =	vor.u32 @!p1 $0x8, v15  }
0x32f: {  	v13 =	vperm.xlane @!p1 v13, v15;
	v14 =	vadd.s32 @!p1 v16, v14;
	_ =	sdelay $0x1  }
0x330: {  	v13 =	vadd.s32 @!p1 v16, v13  }
0x331: {  	p0 =	slt.u32 @!p1 s5, $0x11  }
0x332: {  	vm2 =	vmmov @!p1 $0xffff;
	s18 =	simm.s32 @!p1 $0x0;
	s19 =	simm.s32 @!p1 $0x8980;
	p0 =	por p1, p0  }
0x333: {  	[tilespmem:s19], [sflag:$0x9] =	stream.indirect_vreg.gather @!p1 [hbm4b:s2+s18], $0x80, v14, vm2, $0xb8;
	[tilespmem:$0x14980] =	vst v63  }
.Ltmp6:
0x334: {  	s19 =	simm.s32 @!p1 $0x9180;
	(pc) =	sbr.rel @p0 .LBB2_8-.Ltmp6, $4  }
0x335: {  	[tilespmem:s19], [sflag:$0x9] =	stream.indirect_vreg.gather @!p1 [hbm4b:s2+s18], $0x80, v13, vm2, $0xb8;
	[tilespmem:$0x14980] =	vst v63  }
0x336: {  	s18 =	simm.s32 @!p3 $0x0  }
0x337: {  	s18 =	simm.s32 @p3 $0x1  }
0x338: {  	[smem:$0x7F6] =	sst s18  }
0x339: {  	v13 =	vld [tilespmem:$0x290];
	_ =	sdelay $0x4  }
0x33a: {  	v14 =	vshll.u32 v13, $0x1  }
0x33b: {  	v13 =	vand.u32 $0x7, v13;
	v14 =	vand.u32 $0xFFFFFFF0, v14  }
0x33c: {  	v15 =	vshrl.u32 v3, $0x3;
	v13 =	vor.u32 v13, v14;
	v14 =	vand.u32 $0x7, v3  }
0x33d: {  	v15 =	vmul.u32 $0x8, v15;
	v14 =	vperm.xlane v13, v14  }
0x33e: {  	v16 =	vor.u32 $0x8, v3  }
0x33f: {  	v13 =	vperm.xlane v13, v16;
	v14 =	vadd.s32 v15, v14;
	_ =	sdelay $0x1  }
0x340: {  	v13 =	vadd.s32 v15, v13;
	_ =	sdelay $0x1  }
0x341: {  	vm3 =	vmmov $0xffff;
	s18 =	simm.s32 $0x9980  }
0x342: {  	[tilespmem:s18], [sflag:$0xA] =	stream.indirect_vreg.gather [hbm4b:s2+s7], $0x80, v14, vm3, $0xb8;
	[tilespmem:$0x14980] =	vst v63  }
0x343: {  	s23 =	simm.s32 $0xA180;
	p0 =	slt.u32 s5, $0x21  }
0x344: {  	[tilespmem:s23], [sflag:$0xA] =	stream.indirect_vreg.gather [hbm4b:s2+s7], $0x80, v13, vm3, $0xb8;
	[tilespmem:$0x14980] =	vst v63  }
0x345: {  	v13 =	vld @!p0 [tilespmem:$0x2A0];
	_ =	sdelay $0x4  }
0x346: {  	v14 =	vshll.u32 @!p0 v13, $0x1  }
0x347: {  	v15 =	vlaneseq.u32 @!p0;
	v13 =	vand.u32 @!p0 $0x7, v13;
	v14 =	vand.u32 @!p0 $0xFFFFFFF0, v14  }
0x348: {  	v16 =	vshrl.u32 @!p0 v15, $0x3;
	v13 =	vor.u32 @!p0 v13, v14;
	v14 =	vand.u32 @!p0 $0x7, v15  }
0x349: {  	v16 =	vmul.u32 @!p0 $0x8, v16;
	v14 =	vperm.xlane @!p0 v13, v14  }
0x34a: {  	v15 =	vor.u32 @!p0 $0x8, v15  }
0x34b: {  	v13 =	vperm.xlane @!p0 v13, v15;
	v14 =	vadd.s32 @!p0 v16, v14;
	_ =	sdelay $0x1  }
0x34c: {  	v13 =	vadd.s32 @!p0 v16, v13;
	_ =	sdelay $0x1  }
0x34d: {  	s19 =	simm.s32 @!p0 $0xA980;
	p2 =	slt.u32 @!p0 s5, $0x31;
	s18 =	simm.s32 @!p0 $0x0;
	vm3 =	vmmov @!p0 $0xffff  }
0x34e: {  	[tilespmem:s19], [sflag:$0xB] =	stream.indirect_vreg.gather @!p0 [hbm4b:s2+s18], $0x80, v14, vm3, $0xb8;
	[tilespmem:$0x14980] =	vst v63  }
0x34f: {  	p4 =	por p2, p0;
	s19 =	simm.s32 @!p0 $0xB180  }
0x350: {  	[tilespmem:s19], [sflag:$0xB] =	stream.indirect_vreg.gather @!p0 [hbm4b:s2+s18], $0x80, v13, vm3, $0xb8;
	[tilespmem:$0x14980] =	vst v63  }
0x351: {  	v13 =	vld @!p4 [tilespmem:$0x2B0];
	_ =	sdelay $0x4  }
0x352: {  	v14 =	vshll.u32 @!p4 v13, $0x1  }
0x353: {  	v15 =	vlaneseq.u32 @!p4;
	v13 =	vand.u32 @!p4 $0x7, v13;
	v14 =	vand.u32 @!p4 $0xFFFFFFF0, v14  }
0x354: {  	v16 =	vshrl.u32 @!p4 v15, $0x3;
	v13 =	vor.u32 @!p4 v13, v14;
	v14 =	vand.u32 @!p4 $0x7, v15  }
0x355: {  	v16 =	vmul.u32 @!p4 $0x8, v16;
	v14 =	vperm.xlane @!p4 v13, v14  }
0x356: {  	v15 =	vor.u32 @!p4 $0x8, v15  }
0x357: {  	v13 =	vperm.xlane @!p4 v13, v15;
	v14 =	vadd.s32 @!p4 v16, v14;
	_ =	sdelay $0x1  }
0x358: {  	v13 =	vadd.s32 @!p4 v16, v13;
	_ =	sdelay $0x1  }
0x359: {  	s5 =	simm.s32 @!p4 $0x0;
	vm3 =	vmmov @!p4 $0xffff;
	s18 =	simm.s32 @!p4 $0xB980  }
0x35a: {  	[tilespmem:s18], [sflag:$0xC] =	stream.indirect_vreg.gather @!p4 [hbm4b:s2+s5], $0x80, v14, vm3, $0xb8;
	[tilespmem:$0x14980] =	vst v63  }
0x35b: {  	s18 =	simm.s32 @!p4 $0xC180  }
0x35c: {  	[tilespmem:s18], [sflag:$0xC] =	stream.indirect_vreg.gather @!p4 [hbm4b:s2+s5], $0x80, v13, vm3, $0xb8;
	[tilespmem:$0x14980] =	vst v63  }
0x35d: {  	p5 =	por @!p0 $0x1, $0x1;
	p4 =	por @!p4 $0x1, $0x1  }
0x35e: {  	p6 =	por @!p0 $0x0, $0x0;
	p2 =	por !p2, p0;
	p3 =	por p4, p4  }
0x35f: {  	p4 =	por @!p2 p5, p5;
	p3 =	por @!p2 p6, p6;
	p2 =	por $0x0, $0x0  }
0x360: {  	p2 =	por @!p0 p3, p3  }
0x361: {  	s5 =	simm.s32 @!p2 $0x0  }
.Ltmp7:
0x362: {  	s5 =	simm.s32 @p2 $0x1;
	p2 =	por $0x1, $0x1;
	(pc) =	sbr.rel .LBB2_10-.Ltmp7, $4  }
0x363: {  	p2 =	por @!p0 p4, p4  }
0x364: {  	[smem:$0x7F4] =	sst s5;
	s5 =	simm.s32 @!p2 $0x0  }
0x365: {  	p6 =	por $0x0, $0x0;
	s5 =	simm.s32 @p2 $0x1  }
0x366: {  	p6 =	por @!p0 p4, p4;
	[smem:$0x7F5] =	sst s5  }
.LBB2_8:
0x367: {  	p0 =	por @!p1 $0x0, $0x0;
	p2 =	por $0x0, $0x0  }
0x368: {  	p2 =	por @!p1 p0, p0  }
0x369: {  	s5 =	simm.s32 @!p2 $0x0  }
0x36a: {  	s5 =	simm.s32 @p2 $0x1;
	p2 =	por $0x0, $0x0  }
0x36b: {  	p2 =	por @!p1 p0, p0  }
0x36c: {  	[smem:$0x7F4] =	sst s5;
	s5 =	simm.s32 @!p2 $0x0  }
0x36d: {  	p6 =	por $0x0, $0x0;
	s5 =	simm.s32 @p2 $0x1  }
0x36e: {  	p6 =	por @!p1 p0, p0;
	[smem:$0x7F5] =	sst s5  }
.LBB2_10:
0x36f: {  	s3 =	sadd.s32 s31, s3  }
0x370: {  	p2 =	slt.s32 s3, $0x1  }
0x371: {  	v13 =	vld @!p2 [tilespmem:$0x300];
	_ =	sdelay $0x4  }
0x372: {  	v14 =	vshll.u32 @!p2 v13, $0x1  }
0x373: {  	v15 =	vlaneseq.u32 @!p2;
	v13 =	vand.u32 @!p2 $0x7, v13;
	v14 =	vand.u32 @!p2 $0xFFFFFFF0, v14  }
0x374: {  	v16 =	vshrl.u32 @!p2 v15, $0x3;
	v13 =	vor.u32 @!p2 v13, v14;
	v14 =	vand.u32 @!p2 $0x7, v15  }
0x375: {  	v16 =	vmul.u32 @!p2 $0x8, v16;
	v14 =	vperm.xlane @!p2 v13, v14  }
0x376: {  	v15 =	vor.u32 @!p2 $0x8, v15  }
0x377: {  	v13 =	vperm.xlane @!p2 v13, v15;
	v14 =	vadd.s32 @!p2 v16, v14;
	_ =	sdelay $0x1  }
0x378: {  	v13 =	vadd.s32 @!p2 v16, v13;
	_ =	sdelay $0x1  }
0x379: {  	vm3 =	vmmov @!p2 $0xffff;
	s5 =	simm.s32 @!p2 $0x0;
	s18 =	simm.s32 @!p2 $0xC980;
	p0 =	slt.u32 @!p2 s3, $0x11  }
0x37a: {  	[tilespmem:s18], [sflag:$0xD] =	stream.indirect_vreg.gather @!p2 [hbm4b:s4+s5], $0x80, v14, vm3, $0xb8;
	[tilespmem:$0x14980] =	vst v63  }
0x37b: {  	p0 =	por p2, p0;
	s18 =	simm.s32 @!p2 $0xD180  }
0x37c: {  	[tilespmem:s18], [sflag:$0xD] =	stream.indirect_vreg.gather @!p2 [hbm4b:s4+s5], $0x80, v13, vm3, $0xb8;
	[tilespmem:$0x14980] =	vst v63  }
.Ltmp8:
0x37d: {  	s5 =	simm.s32 @!p1 $0x0;
	(pc) =	sbr.rel @p0 .LBB2_11-.Ltmp8, $4  }
0x37e: {  	s5 =	simm.s32 @p1 $0x1  }
0x37f: {  	[smem:$0x7F2] =	sst s5;
	s5 =	simm.s32 @!p2 $0x0  }
0x380: {  	s5 =	simm.s32 @p2 $0x1  }
0x381: {  	[smem:$0x7F3] =	sst s5  }
0x382: {  	v13 =	vld [tilespmem:$0x310];
	_ =	sdelay $0x4  }
0x383: {  	v14 =	vshll.u32 v13, $0x1  }
0x384: {  	v13 =	vand.u32 $0x7, v13;
	v14 =	vand.u32 $0xFFFFFFF0, v14  }
0x385: {  	v15 =	vshrl.u32 v3, $0x3;
	v13 =	vor.u32 v13, v14;
	v14 =	vand.u32 $0x7, v3  }
0x386: {  	v15 =	vmul.u32 $0x8, v15;
	v14 =	vperm.xlane v13, v14  }
0x387: {  	v16 =	vor.u32 $0x8, v3  }
0x388: {  	v13 =	vperm.xlane v13, v16;
	v14 =	vadd.s32 v15, v14;
	_ =	sdelay $0x1  }
0x389: {  	v13 =	vadd.s32 v15, v13;
	_ =	sdelay $0x1  }
0x38a: {  	vm4 =	vmmov $0xffff  }
0x38b: {  	[tilespmem:s24], [sflag:$0xE] =	stream.indirect_vreg.gather [hbm4b:s4+s7], $0x80, v14, vm4, $0xb8;
	[tilespmem:$0x14980] =	vst v63  }
0x38c: {  	p0 =	slt.u32 s3, $0x21  }
0x38d: {  	[tilespmem:s25], [sflag:$0xE] =	stream.indirect_vreg.gather [hbm4b:s4+s7], $0x80, v13, vm4, $0xb8;
	[tilespmem:$0x14980] =	vst v63  }
0x38e: {  	v13 =	vld @!p0 [tilespmem:$0x320];
	_ =	sdelay $0x4  }
0x38f: {  	v14 =	vshll.u32 @!p0 v13, $0x1  }
0x390: {  	v15 =	vlaneseq.u32 @!p0;
	v13 =	vand.u32 @!p0 $0x7, v13;
	v14 =	vand.u32 @!p0 $0xFFFFFFF0, v14  }
0x391: {  	v16 =	vshrl.u32 @!p0 v15, $0x3;
	v13 =	vor.u32 @!p0 v13, v14;
	v14 =	vand.u32 @!p0 $0x7, v15  }
0x392: {  	v16 =	vmul.u32 @!p0 $0x8, v16;
	v14 =	vperm.xlane @!p0 v13, v14  }
0x393: {  	v15 =	vor.u32 @!p0 $0x8, v15  }
0x394: {  	v13 =	vperm.xlane @!p0 v13, v15;
	v14 =	vadd.s32 @!p0 v16, v14;
	_ =	sdelay $0x1  }
0x395: {  	v13 =	vadd.s32 @!p0 v16, v13;
	_ =	sdelay $0x1  }
0x396: {  	s5 =	simm.s32 @!p0 $0x0;
	s18 =	simm.s32 @!p0 $0xE980;
	p2 =	slt.u32 @!p0 s3, $0x31;
	vm4 =	vmmov @!p0 $0xffff  }
0x397: {  	[tilespmem:s18], [sflag:$0xF] =	stream.indirect_vreg.gather @!p0 [hbm4b:s4+s5], $0x80, v14, vm4, $0xb8;
	[tilespmem:$0x14980] =	vst v63  }
0x398: {  	p4 =	por p2, p0;
	s18 =	simm.s32 @!p0 $0xF180  }
0x399: {  	[tilespmem:s18], [sflag:$0xF] =	stream.indirect_vreg.gather @!p0 [hbm4b:s4+s5], $0x80, v13, vm4, $0xb8;
	[tilespmem:$0x14980] =	vst v63  }
0x39a: {  	v13 =	vld @!p4 [tilespmem:$0x330];
	_ =	sdelay $0x4  }
0x39b: {  	v14 =	vshll.u32 @!p4 v13, $0x1  }
0x39c: {  	v15 =	vlaneseq.u32 @!p4;
	v13 =	vand.u32 @!p4 $0x7, v13;
	v14 =	vand.u32 @!p4 $0xFFFFFFF0, v14  }
0x39d: {  	v16 =	vshrl.u32 @!p4 v15, $0x3;
	v13 =	vor.u32 @!p4 v13, v14;
	v14 =	vand.u32 @!p4 $0x7, v15  }
0x39e: {  	v16 =	vmul.u32 @!p4 $0x8, v16;
	v14 =	vperm.xlane @!p4 v13, v14  }
0x39f: {  	v15 =	vor.u32 @!p4 $0x8, v15  }
0x3a0: {  	v13 =	vperm.xlane @!p4 v13, v15;
	v14 =	vadd.s32 @!p4 v16, v14;
	_ =	sdelay $0x1  }
0x3a1: {  	v13 =	vadd.s32 @!p4 v16, v13;
	_ =	sdelay $0x1  }
0x3a2: {  	s3 =	simm.s32 @!p4 $0x0;
	vm4 =	vmmov @!p4 $0xffff;
	s5 =	simm.s32 @!p4 $0xF980  }
0x3a3: {  	[tilespmem:s5], [sflag:$0x10] =	stream.indirect_vreg.gather @!p4 [hbm4b:s4+s3], $0x80, v14, vm4, $0xb8;
	[tilespmem:$0x14980] =	vst v63  }
0x3a4: {  	p5 =	por @!p0 $0x0, $0x0;
	p3 =	por @!p4 $0x1, $0x1;
	s5 =	simm.s32 @!p4 $0x10180  }
0x3a5: {  	[tilespmem:s5], [sflag:$0x10] =	stream.indirect_vreg.gather @!p4 [hbm4b:s4+s3], $0x80, v13, vm4, $0xb8;
	[tilespmem:$0x14980] =	vst v63  }
0x3a6: {  	p2 =	por !p2, p0;
	p1 =	por p3, p3;
	p4 =	por @!p0 $0x1, $0x1  }
0x3a7: {  	p1 =	por @!p2 p5, p5;
	p3 =	por @!p2 p4, p4;
	p2 =	por $0x0, $0x0  }
0x3a8: {  	p2 =	por @!p0 p1, p1  }
0x3a9: {  	s3 =	simm.s32 @!p2 $0x0  }
0x3aa: {  	s3 =	simm.s32 @p2 $0x1;
	p2 =	por $0x1, $0x1  }
0x3ab: {  	p1 =	por $0x0, $0x0;
	p2 =	por @!p0 p3, p3  }
.Ltmp9:
0x3ac: {  	[smem:$0x7EF] =	sst s3;
	s3 =	simm.s32 @!p2 $0x0;
	(pc) =	sbr.rel .LBB2_13-.Ltmp9, $4  }
0x3ad: {  	p1 =	por @!p0 p3, p3;
	s3 =	simm.s32 @p2 $0x1  }
0x3ae: {  	[smem:$0x7F0] =	sst s3;
	s3 =	simm.s32 @!p1 $0x0  }
0x3af: {  	s3 =	simm.s32 @p1 $0x1  }
0x3b0: {  	[smem:$0x7F1] =	sst s3  }
.LBB2_11:
0x3b1: {  	p0 =	por @!p2 $0x0, $0x0;
	p1 =	por $0x0, $0x0  }
0x3b2: {  	p1 =	por @!p2 p0, p0  }
0x3b3: {  	p3 =	por $0x0, $0x0;
	s3 =	simm.s32 @!p1 $0x0  }
0x3b4: {  	p3 =	por @!p2 p0, p0;
	s3 =	simm.s32 @p1 $0x1  }
0x3b5: {  	p1 =	por $0x0, $0x0;
	[smem:$0x7EF] =	sst s3;
	s3 =	simm.s32 @!p3 $0x0  }
0x3b6: {  	p1 =	por @!p2 p0, p0;
	s3 =	simm.s32 @p3 $0x1  }
0x3b7: {  	[smem:$0x7F0] =	sst s3;
	s3 =	simm.s32 @!p1 $0x0  }
0x3b8: {  	s3 =	simm.s32 @p1 $0x1  }
0x3b9: {  	[smem:$0x7F1] =	sst s3  }
.LBB2_13:
0x3ba: {  	s3 =	sadd.s32 s29, s30  }
0x3bb: {  	p2 =	slt.s32 s3, $0x1  }
0x3bc: {  	v13 =	vld @!p2 [tilespmem:$0x380];
	_ =	sdelay $0x4  }
0x3bd: {  	v14 =	vshll.u32 @!p2 v13, $0x1  }
0x3be: {  	v15 =	vlaneseq.u32 @!p2;
	v13 =	vand.u32 @!p2 $0x7, v13;
	v14 =	vand.u32 @!p2 $0xFFFFFFF0, v14  }
0x3bf: {  	v16 =	vor.u32 @!p2 v13, v14;
	v13 =	vand.u32 @!p2 $0x7, v15;
	v14 =	vshrl.u32 @!p2 v15, $0x3  }
0x3c0: {  	v17 =	vperm.xlane @!p2 v16, v13;
	v14 =	vmul.u32 @!p2 $0x8, v14  }
0x3c1: {  	v15 =	vor.u32 @!p2 $0x8, v15  }
0x3c2: {  	v16 =	vperm.xlane @!p2 v16, v15;
	v17 =	vadd.s32 @!p2 v14, v17  }
0x3c3: {  	p0 =	slt.u32 @!p2 s3, $0x11  }
0x3c4: {  	p0 =	por p2, p0;
	v16 =	vadd.s32 @!p2 v14, v16  }
.Ltmp10:
0x3c5: {  	_ = 	snop;
	(pc) =	sbr.rel @!p0 .LBB2_15-.Ltmp10, $4  }
0x3c6: {  	vm4 =	vmmov @!p2 $0xffff;
	s29 =	simm.s32 @!p2 $0x0;
	s30 =	simm.s32 @!p2 $0x10980  }
0x3c7: {  	[tilespmem:s30], [sflag:$0x11] =	stream.indirect_vreg.gather @!p2 [hbm4b:s8+s29], $0x80, v17, vm4, $0xb8;
	[tilespmem:$0x14980] =	vst v63  }
0x3c8: {  	s31 =	simm.s32 @!p2 $0x11180  }
0x3c9: {  	[tilespmem:s31], [sflag:$0x11] =	stream.indirect_vreg.gather @!p2 [hbm4b:s8+s29], $0x80, v16, vm4, $0xb8;
	[tilespmem:$0x14980] =	vst v63  }
0x3ca: {  	p1 =	por @!p2 $0x0, $0x0;
	p0 =	por $0x0, $0x0  }
0x3cb: {  	p0 =	por @!p2 p1, p1  }
.Ltmp11:
0x3cc: {  	p3 =	por $0x0, $0x0;
	s3 =	simm.s32 @!p0 $0x0;
	(pc) =	sbr.rel .LBB2_16-.Ltmp11, $4  }
0x3cd: {  	p3 =	por @!p2 p1, p1;
	s3 =	simm.s32 @p0 $0x1  }
0x3ce: {  	[smem:$0x7ED] =	sst s3;
	s3 =	simm.s32 @!p3 $0x0  }
0x3cf: {  	p0 =	por $0x0, $0x0;
	s3 =	simm.s32 @p3 $0x1  }
0x3d0: {  	p0 =	por @!p2 p1, p1;
	p1 =	por p2, p2;
	[smem:$0x7EE] =	sst s3  }
.LBB2_17:
0x3d1: {  	_ =	sfence.sel $0x180000  }
0x3d2: {  	[bflag:$0x0] =	sbarrier.arrive $0xFFFF  }
0x3d3: {  	_ =	strace $0x90000047  }
0x3d4: {  	s0 =	stileid.u32;
	[bflag:$0x2] =	sbarrier.arrive $0xFFFF  }
0x3d5: {  	p0 =	sne.s32 s0, $0x0;
	s0 =	rddreg [dreg:$0x9]  }
0x3d6: {  	s0 =	sadd.s32 @!p0 $0x100000, s0  }
0x3d7: {  	[sflag:s0] =	ssyncadd.tile.s32 @!p0 $0x1;
	_ =	shalt  }
.Lfunc_end2:
_tile_overlayer_lowered:
.L_overlay_start_2:
0x3d8: {  	(tag) =	ssettag $0x2  }
0x3d9: {  	s0 =	rddreg [dreg:$0x0];
	s2 =	stileid.u32  }
0x3da: {  	s1 =	rddreg [dreg:$0x1];
	p0 =	sne.s32 s2, $0x0  }
0x3db: {  	s3 =	rddreg [dreg:$0x2];
	[bflag:$0x3] =	sbarrier.arrive $0xFFFF;
	s2 =	simm.s32 @!p0 $0x1C16  }
0x3dc: {  	[timem:s3], [sflag:s2] =	dma.local @!p0 [hbm:s0], s1  }
0x3dd: {  	s0 =	simm.s32 @!p0 $0x16  }
0x3de: {  	_ =	swait.ge @!p0 [sflag:s0], s1  }
0x3df: {  	s1 =	ssub.s32 @!p0 $0x0, s1;
	[sflag:s0] =	ssyncset.done @!p0 $0x0  }
0x3e0: {  	[sflag:s0] =	ssyncadd.s32 @!p0 s1  }
0x3e1: {  	[bflag:$0x3] =	sbarrier.arrive $0xFFFF  }
0x3e2: {  	_ =	shalt  }

</sc_bundles>
